<compile_context>
chip_gen: v7x
topology: tpu7x:2x2x1
jax: 0.10.2.dev20260603
libtpu: 0.0.44.dev20260713+nightly
codegen_flags: <defaults>
</compile_context>

<pallas_src>
import functools

import jax
import jax.numpy as jnp
from jax import lax
from jax.experimental import pallas as pl
from jax.experimental.pallas import tpu as pltpu
from jax.experimental.pallas import tpu_sc as plsc

NC = 2
NS = 16
NW = NC * NS

PACK_W = 4096


def _tc_pack(embT):
    E, V = embT.shape
    W = PACK_W
    G = (V + 4 * W - 1) // (4 * W)
    tmax = (V + W - 1) // W - 1
    H = E // 2

    def body(i_ref, o_ref):
        x = i_ref[...]
        p = pltpu.pack_elementwise([x[:H, :], x[H:, :]], packed_dtype=jnp.bfloat16)
        pt = p.T
        for j in range(4):
            o_ref[:, 32 * j:32 * (j + 1)] = pt[j * W:(j + 1) * W, :]

    return pl.pallas_call(
        body,
        grid=(G,),
        in_specs=[pl.BlockSpec((E, 4 * W), lambda i: (0, i))],
        out_specs=pl.BlockSpec((W, 128), lambda i: (i, 0)),
        out_shape=jax.ShapeDtypeStruct((G * W, 128), jnp.int32),
    )(embT)


def _sc_pooled_sum(xt, emb):
    seq, B = xt.shape
    E = 64
    ch = 2 * seq
    bpc = 2
    bpw = B // NW
    nchunk = bpw // bpc
    mesh = plsc.VectorSubcoreMesh(
        core_axis_name="c", subcore_axis_name="s", num_cores=NC, num_subcores=NS
    )

    @functools.partial(
        pl.kernel,
        mesh=mesh,
        out_type=jax.ShapeDtypeStruct((B, E), jnp.float32),
        compiler_params=pltpu.CompilerParams(
            use_tc_tiling_on_sc=False, needs_layout_passes=False
        ),
        scratch_types=[
            pltpu.VMEM((seq, 512), jnp.int32),
            pltpu.VMEM((nchunk, ch), jnp.int32),
            pltpu.VMEM((ch, 32), jnp.int32),
            pltpu.VMEM((ch, 32), jnp.int32),
            pltpu.VMEM((ch, 32), jnp.int32),
            pltpu.VMEM((ch, 32), jnp.int32),
            pltpu.VMEM((bpw, E), jnp.float32),
            pltpu.SemaphoreType.DMA,
            pltpu.SemaphoreType.DMA,
            pltpu.SemaphoreType.DMA,
            pltpu.SemaphoreType.DMA,
        ],
    )
    def body(xt_hbm, emb_hbm, out_hbm, x50_v, idx_v, rows_a, rows_b, rows_c,
             rows_d, out_v, sem_a, sem_b, sem_c, sem_d):
        wid = lax.axis_index("s") * NC + lax.axis_index("c")
        pltpu.sync_copy(xt_hbm.at[:, pl.ds(wid * bpw, bpw)], x50_v)

        lanes = lax.iota(jnp.int32, 16)

        def transform(v):
            t = v >> 12
            w = v & (PACK_W - 1)
            return ((t >> 2) << 14) + (w << 2) + (t & 3)

        def prep(j):
            for half in range(2):
                b = 2 * j + half
                for c in (0, 16, 32, 34):
                    v = plsc.load_gather(
                        x50_v, [lanes + c, jnp.full((16,), b, jnp.int32)]
                    )
                    idx_v[j, pl.ds(half * seq + c, 16)] = transform(v)

        def issue(j, rows, sem):
            pltpu.async_copy(emb_hbm.at[idx_v.at[j]], rows, sem)

        def wait(j, rows, sem):
            pltpu.make_async_copy(emb_hbm.at[idx_v.at[j]], rows, sem).wait()

        def reduce_chunk(rows, out_row0):
            zb = jnp.zeros((32,), jnp.bfloat16)
            for half in range(bpc):
                def rbody(k, acc):
                    a0, a1, a2, a3 = acc
                    b0 = zb
                    b1 = zb
                    for dr in range(5):
                        r = half * seq + k * 5 + dr
                        b0 = b0 + plsc.bitcast(rows[r, pl.ds(0, 16)], jnp.bfloat16)
                        b1 = b1 + plsc.bitcast(rows[r, pl.ds(16, 16)], jnp.bfloat16)
                    lo0, hi0 = plsc.unpack(b0, format=plsc.PackFormat.INTERLEAVED)
                    lo1, hi1 = plsc.unpack(b1, format=plsc.PackFormat.INTERLEAVED)
                    return a0 + lo0, a1 + lo1, a2 + hi0, a3 + hi1
                zero = jnp.zeros((16,), jnp.float32)
                acc = lax.fori_loop(0, seq // 5, rbody, (zero,) * 4)
                for c in range(4):
                    out_v[out_row0 + half, pl.ds(c * 16, 16)] = acc[c]

        bufs = (rows_a, rows_b, rows_c, rows_d)
        sems = (sem_a, sem_b, sem_c, sem_d)
        nbuf = 4
        for q in range(nbuf - 1):
            prep(q)
            issue(q, bufs[q], sems[q])

        def gbody(g, carry):
            j = nbuf * g
            for q in range(nbuf):
                jq = j + q
                jn = jq + nbuf - 1

                @pl.when(jn < nchunk)
                def _(jn=jn, q=q):
                    prep(jn)
                    issue(jn, bufs[(q + nbuf - 1) % nbuf], sems[(q + nbuf - 1) % nbuf])

                wait(jq, bufs[q], sems[q])
                reduce_chunk(bufs[q], jq * bpc)
            return carry

        lax.fori_loop(0, nchunk // nbuf, gbody, 0)
        pltpu.sync_copy(out_v, out_hbm.at[pl.ds(wid * bpw, bpw)])

    return body(xt, emb)


def _tc_mlp(xt, pooled_sum, w1t, b1r, w2tp, b2p):
    S, B = xt.shape
    E = pooled_sum.shape[1]
    H = w1t.shape[1]
    NP = w2tp.shape[1]
    BB = 2048

    def body(x_ref, ps_ref, w1_ref, b1_ref, w2_ref, b2_ref, o_ref):
        cnt = jnp.sum((x_ref[...] != 0).astype(jnp.float32), axis=0)[:, None]
        pooled = ps_ref[...] / jnp.maximum(cnt, 1.0)
        h = jnp.dot(pooled, w1_ref[...], preferred_element_type=jnp.float32)
        h = h + b1_ref[...]
        h = jnp.where(h > 0.0, h, jnp.exp(h) - 1.0)
        lg = jnp.dot(h, w2_ref[...], preferred_element_type=jnp.float32)
        lg = lg + b2_ref[...]
        m = jnp.max(lg, axis=1, keepdims=True)
        e = jnp.exp(lg - m)
        o_ref[...] = e / jnp.sum(e, axis=1, keepdims=True)

    return pl.pallas_call(
        body,
        grid=(B // BB,),
        in_specs=[
            pl.BlockSpec((S, BB), lambda i: (0, i)),
            pl.BlockSpec((BB, E), lambda i: (i, 0)),
            pl.BlockSpec((E, H), lambda i: (0, 0)),
            pl.BlockSpec((1, H), lambda i: (0, 0)),
            pl.BlockSpec((H, NP), lambda i: (0, 0)),
            pl.BlockSpec((1, NP), lambda i: (0, 0)),
        ],
        out_specs=pl.BlockSpec((BB, NP), lambda i: (i, 0)),
        out_shape=jax.ShapeDtypeStruct((B, NP), jnp.float32),
    )(xt, pooled_sum, w1t, b1r, w2tp, b2p)


def kernel(x, emb, W1, b1, W2, b2):
    B, S = x.shape
    V = emb.shape[0]
    nclass = W2.shape[0]

    xt = x.T
    packed2d = _tc_pack(emb.T)
    packed = packed2d.reshape(4 * packed2d.shape[0], 32)
    pooled_sum = _sc_pooled_sum(xt, packed)

    npad = 16
    w1t = W1.T
    b1r = b1.reshape(1, -1)
    w2tp = jnp.zeros((W2.shape[1], npad), jnp.float32).at[:, :nclass].set(W2.T)
    b2p = jnp.full((1, npad), -1e30, jnp.float32).at[0, :nclass].set(b2)
    out = _tc_mlp(xt, pooled_sum, w1t, b1r, w2tp, b2p)
    return out[:, :nclass]

# --- scband reference (transcript-rebuilt; emitter-appended) ---
"""Pipeline reference for scband-fast-text-71090298683491 (READ-ONLY COPY).

The authoritative reference and input builder live on the scoring server;
editing this copy changes nothing except your own understanding.
"""

import jax, jax.numpy as jnp
import numpy as np

VOCAB = 1000000
EMBED = 64
HIDDEN = 128
NCLASS = 10
PAD = 0
BATCH = 16384
SEQ = 50


def setup_inputs(seed: int = 0) -> dict:
    key = jax.random.key(seed)
    k1, k2, k3, k4, k5, k6 = jax.random.split(key, 6)
    x = jax.random.randint(k1, (BATCH, SEQ), 0, VOCAB, dtype=jnp.int32)
    emb = jax.random.normal(k2, (VOCAB, EMBED), dtype=jnp.float32)
    emb = emb.at[PAD].set(0.0)  # padding_idx row is zero in torch EmbeddingBag
    W1 = jax.random.normal(k3, (HIDDEN, EMBED), dtype=jnp.float32) * (1.0 / np.sqrt(EMBED))
    b1 = jax.random.normal(k4, (HIDDEN,), dtype=jnp.float32) * 0.01
    W2 = jax.random.normal(k5, (NCLASS, HIDDEN), dtype=jnp.float32) * (1.0 / np.sqrt(HIDDEN))
    b2 = jax.random.normal(k6, (NCLASS,), dtype=jnp.float32) * 0.01
    return {"x": x, "emb": emb, "W1": W1, "b1": b1, "W2": W2, "b2": b2}


def reference(x, emb, W1, b1, W2, b2):
    # nn.EmbeddingBag(mode='mean', padding_idx=PAD): gather + masked mean over seq,
    # padding entries excluded from both sum and count.
    mask = (x != PAD)
    e = jnp.take(emb, x, axis=0)              # [B, L, E] gather
    e = e * mask[..., None].astype(e.dtype)
    cnt = jnp.maximum(mask.sum(axis=1, keepdims=True).astype(e.dtype), 1.0)
    pooled = e.sum(axis=1) / cnt              # [B, E]
    # Dropout is identity in eval mode.
    h = pooled @ W1.T + b1
    h = jnp.where(h > 0, h, jnp.expm1(h))     # ELU(alpha=1)
    logits = h @ W2.T + b2
    return jax.nn.softmax(logits, axis=-1)

if __name__ == "__main__":
    import jax
    _d = setup_inputs()
    print(jax.jit(kernel)(*tuple(_d.values())))

</pallas_src>

<mosaic_0001>
#map = affine_map<(d0, d1) -> (0, 0)>
module attributes {stable_mosaic.version = 14 : i64} {
  func.func @body(%arg0: i32, %arg1: i32, %arg2: memref<50x16384xi32, #tpu.memory_space<hbm>>, %arg3: memref<1015808x32xi32, #tpu.memory_space<hbm>>, %arg4: memref<16384x64xf32, #tpu.memory_space<hbm>>, %arg5: memref<50x512xi32, #tpu.memory_space<vmem>>, %arg6: memref<256x100xi32, #tpu.memory_space<vmem>>, %arg7: memref<100x32xi32, #tpu.memory_space<vmem>>, %arg8: memref<100x32xi32, #tpu.memory_space<vmem>>, %arg9: memref<100x32xi32, #tpu.memory_space<vmem>>, %arg10: memref<100x32xi32, #tpu.memory_space<vmem>>, %arg11: memref<512x64xf32, #tpu.memory_space<vmem>>, %arg12: memref<!tpu.dma_semaphore, #tpu.memory_space<semaphore_mem>>, %arg13: memref<!tpu.dma_semaphore, #tpu.memory_space<semaphore_mem>>, %arg14: memref<!tpu.dma_semaphore, #tpu.memory_space<semaphore_mem>>, %arg15: memref<!tpu.dma_semaphore, #tpu.memory_space<semaphore_mem>>) attributes {dimension_semantics = [#tpu.dimension_semantics<core_parallel>, #tpu.dimension_semantics<subcore_parallel>], iteration_bounds = array<i64: 2, 16>, scalar_prefetch = 0 : i64, scratch_operands = 11 : i64, tpu.core_type = #tpu.core_type<sc_vector_subcore>, window_params = [{transform_indices = #map}, {transform_indices = #map}, {transform_indices = #map}]} {
    %mul3A = arith.constant 2 : i32
    %mul3A_0 = arith.muli %arg1, %mul3A : i32
    %add3A = arith.addi %mul3A_0, %arg0 : i32
    %mul3A_1 = arith.constant 512 : i32
    %mul3A_2 = arith.muli %add3A, %mul3A_1 : i32
    "tpu.region"() ({
      %run_scoped3A = tpu.sem_alloc : memref<!tpu.dma_semaphore, #tpu.memory_space<semaphore_mem>>
      %dma_start3A_744 = arith.constant 0 : i32
      %dma_start3A_745 = tpu.memref_slice %arg2[%dma_start3A_744, %mul3A_2] : memref<50x16384xi32, #tpu.memory_space<hbm>> -> memref<50x512xi32, #tpu.memory_space<hbm>>
      %dma_start3A_746 = arith.constant 0 : i32
      %dma_start3A_747 = tpu.memref_slice %arg2[%dma_start3A_746, %mul3A_2] : memref<50x16384xi32, #tpu.memory_space<hbm>> -> memref<50x512xi32, #tpu.memory_space<hbm>>
      tpu.enqueue_dma source(%dma_start3A_747 : memref<50x512xi32, #tpu.memory_space<hbm>>) target(%arg5 : memref<50x512xi32, #tpu.memory_space<vmem>>) target_semaphore(%run_scoped3A : memref<!tpu.dma_semaphore, #tpu.memory_space<semaphore_mem>>)
      %dma_wait3A = arith.constant 0 : i32
      %dma_wait3A_748 = tpu.memref_slice %arg2[%dma_wait3A, %mul3A_2] : memref<50x16384xi32, #tpu.memory_space<hbm>> -> memref<50x512xi32, #tpu.memory_space<hbm>>
      %dma_wait3A_749 = arith.constant 0 : i32
      %dma_wait3A_750 = tpu.memref_slice %arg2[%dma_wait3A_749, %mul3A_2] : memref<50x16384xi32, #tpu.memory_space<hbm>> -> memref<50x512xi32, #tpu.memory_space<hbm>>
      tpu.wait_dma2 semaphore(%run_scoped3A : memref<!tpu.dma_semaphore, #tpu.memory_space<semaphore_mem>>) src(%dma_wait3A_750 : memref<50x512xi32, #tpu.memory_space<hbm>>) dst(%arg5 : memref<50x512xi32, #tpu.memory_space<vmem>>)
      tpu.yield
    }) : () -> ()
    %iota3A = tpu.iota {dimensions = array<i32: 0>} : vector<16xi32>
    %add3A_3 = arith.constant 0 : i32
    %add3A_4 = vector.broadcast %add3A_3 : i32 to vector<16xi32>
    %add3A_5 = arith.addi %iota3A, %add3A_4 : vector<16xi32>
    %broadcast_in_dim3A = arith.constant 0 : i32
    %broadcast_in_dim3A_6 = vector.broadcast %broadcast_in_dim3A : i32 to vector<16xi32>
    %gather3A = tpu.vector_load_idx %arg5[%add3A_5, %broadcast_in_dim3A_6] : memref<50x512xi32, #tpu.memory_space<vmem>>[vector<16xi32>, vector<16xi32>], vector<16xi32>,
    %shift_right_arithmetic3A = arith.constant 12 : i32
    %shift_right_arithmetic3A_7 = vector.broadcast %shift_right_arithmetic3A : i32 to vector<16xi32>
    %shift_right_arithmetic3A_8 = arith.shrsi %gather3A, %shift_right_arithmetic3A_7 : vector<16xi32>
    %and3A = arith.constant 4095 : i32
    %and3A_9 = vector.broadcast %and3A : i32 to vector<16xi32>
    %and3A_10 = arith.andi %gather3A, %and3A_9 : vector<16xi32>
    %shift_right_arithmetic3A_11 = arith.constant 2 : i32
    %shift_right_arithmetic3A_12 = vector.broadcast %shift_right_arithmetic3A_11 : i32 to vector<16xi32>
    %shift_right_arithmetic3A_13 = arith.shrsi %shift_right_arithmetic3A_8, %shift_right_arithmetic3A_12 : vector<16xi32>
    %shift_left3A = arith.constant 14 : i32
    %shift_left3A_14 = vector.broadcast %shift_left3A : i32 to vector<16xi32>
    %shift_left3A_15 = arith.shli %shift_right_arithmetic3A_13, %shift_left3A_14 : vector<16xi32>
    %shift_left3A_16 = arith.constant 2 : i32
    %shift_left3A_17 = vector.broadcast %shift_left3A_16 : i32 to vector<16xi32>
    %shift_left3A_18 = arith.shli %and3A_10, %shift_left3A_17 : vector<16xi32>
    %add3A_19 = arith.addi %shift_left3A_15, %shift_left3A_18 : vector<16xi32>
    %and3A_20 = arith.constant 3 : i32
    %and3A_21 = vector.broadcast %and3A_20 : i32 to vector<16xi32>
    %and3A_22 = arith.andi %shift_right_arithmetic3A_8, %and3A_21 : vector<16xi32>
    %add3A_23 = arith.addi %add3A_19, %and3A_22 : vector<16xi32>
    %swap3A = arith.constant 0 : i32
    %swap3A_24 = arith.index_cast %swap3A : i32 to index
    %swap3A_25 = arith.constant 0 : index
    %swap3A_26 = tpu.vector_load %arg6[%swap3A_24, %swap3A_25] {strides = array<i32>} : memref<256x100xi32, #tpu.memory_space<vmem>>, vector<16xi32>,
    tpu.vector_store %arg6[%swap3A_24, %swap3A_25], %add3A_23 {strides = array<i32>} : memref<256x100xi32, #tpu.memory_space<vmem>>, vector<16xi32>,
    %add3A_27 = arith.constant 16 : i32
    %add3A_28 = vector.broadcast %add3A_27 : i32 to vector<16xi32>
    %add3A_29 = arith.addi %iota3A, %add3A_28 : vector<16xi32>
    %broadcast_in_dim3A_30 = arith.constant 0 : i32
    %broadcast_in_dim3A_31 = vector.broadcast %broadcast_in_dim3A_30 : i32 to vector<16xi32>
    %gather3A_32 = tpu.vector_load_idx %arg5[%add3A_29, %broadcast_in_dim3A_31] : memref<50x512xi32, #tpu.memory_space<vmem>>[vector<16xi32>, vector<16xi32>], vector<16xi32>,
    %shift_right_arithmetic3A_33 = arith.constant 12 : i32
    %shift_right_arithmetic3A_34 = vector.broadcast %shift_right_arithmetic3A_33 : i32 to vector<16xi32>
    %shift_right_arithmetic3A_35 = arith.shrsi %gather3A_32, %shift_right_arithmetic3A_34 : vector<16xi32>
    %and3A_36 = arith.constant 4095 : i32
    %and3A_37 = vector.broadcast %and3A_36 : i32 to vector<16xi32>
    %and3A_38 = arith.andi %gather3A_32, %and3A_37 : vector<16xi32>
    %shift_right_arithmetic3A_39 = arith.constant 2 : i32
    %shift_right_arithmetic3A_40 = vector.broadcast %shift_right_arithmetic3A_39 : i32 to vector<16xi32>
    %shift_right_arithmetic3A_41 = arith.shrsi %shift_right_arithmetic3A_35, %shift_right_arithmetic3A_40 : vector<16xi32>
    %shift_left3A_42 = arith.constant 14 : i32
    %shift_left3A_43 = vector.broadcast %shift_left3A_42 : i32 to vector<16xi32>
    %shift_left3A_44 = arith.shli %shift_right_arithmetic3A_41, %shift_left3A_43 : vector<16xi32>
    %shift_left3A_45 = arith.constant 2 : i32
    %shift_left3A_46 = vector.broadcast %shift_left3A_45 : i32 to vector<16xi32>
    %shift_left3A_47 = arith.shli %and3A_38, %shift_left3A_46 : vector<16xi32>
    %add3A_48 = arith.addi %shift_left3A_44, %shift_left3A_47 : vector<16xi32>
    %and3A_49 = arith.constant 3 : i32
    %and3A_50 = vector.broadcast %and3A_49 : i32 to vector<16xi32>
    %and3A_51 = arith.andi %shift_right_arithmetic3A_35, %and3A_50 : vector<16xi32>
    %add3A_52 = arith.addi %add3A_48, %and3A_51 : vector<16xi32>
    %swap3A_53 = arith.constant 0 : i32
    %swap3A_54 = arith.index_cast %swap3A_53 : i32 to index
    %swap3A_55 = arith.constant 16 : index
    %swap3A_56 = tpu.vector_load %arg6[%swap3A_54, %swap3A_55] {strides = array<i32>} : memref<256x100xi32, #tpu.memory_space<vmem>>, vector<16xi32>,
    tpu.vector_store %arg6[%swap3A_54, %swap3A_55], %add3A_52 {strides = array<i32>} : memref<256x100xi32, #tpu.memory_space<vmem>>, vector<16xi32>,
    %add3A_57 = arith.constant 32 : i32
    %add3A_58 = vector.broadcast %add3A_57 : i32 to vector<16xi32>
    %add3A_59 = arith.addi %iota3A, %add3A_58 : vector<16xi32>
    %broadcast_in_dim3A_60 = arith.constant 0 : i32
    %broadcast_in_dim3A_61 = vector.broadcast %broadcast_in_dim3A_60 : i32 to vector<16xi32>
    %gather3A_62 = tpu.vector_load_idx %arg5[%add3A_59, %broadcast_in_dim3A_61] : memref<50x512xi32, #tpu.memory_space<vmem>>[vector<16xi32>, vector<16xi32>], vector<16xi32>,
    %shift_right_arithmetic3A_63 = arith.constant 12 : i32
    %shift_right_arithmetic3A_64 = vector.broadcast %shift_right_arithmetic3A_63 : i32 to vector<16xi32>
    %shift_right_arithmetic3A_65 = arith.shrsi %gather3A_62, %shift_right_arithmetic3A_64 : vector<16xi32>
    %and3A_66 = arith.constant 4095 : i32
    %and3A_67 = vector.broadcast %and3A_66 : i32 to vector<16xi32>
    %and3A_68 = arith.andi %gather3A_62, %and3A_67 : vector<16xi32>
    %shift_right_arithmetic3A_69 = arith.constant 2 : i32
    %shift_right_arithmetic3A_70 = vector.broadcast %shift_right_arithmetic3A_69 : i32 to vector<16xi32>
    %shift_right_arithmetic3A_71 = arith.shrsi %shift_right_arithmetic3A_65, %shift_right_arithmetic3A_70 : vector<16xi32>
    %shift_left3A_72 = arith.constant 14 : i32
    %shift_left3A_73 = vector.broadcast %shift_left3A_72 : i32 to vector<16xi32>
    %shift_left3A_74 = arith.shli %shift_right_arithmetic3A_71, %shift_left3A_73 : vector<16xi32>
    %shift_left3A_75 = arith.constant 2 : i32
    %shift_left3A_76 = vector.broadcast %shift_left3A_75 : i32 to vector<16xi32>
    %shift_left3A_77 = arith.shli %and3A_68, %shift_left3A_76 : vector<16xi32>
    %add3A_78 = arith.addi %shift_left3A_74, %shift_left3A_77 : vector<16xi32>
    %and3A_79 = arith.constant 3 : i32
    %and3A_80 = vector.broadcast %and3A_79 : i32 to vector<16xi32>
    %and3A_81 = arith.andi %shift_right_arithmetic3A_65, %and3A_80 : vector<16xi32>
    %add3A_82 = arith.addi %add3A_78, %and3A_81 : vector<16xi32>
    %swap3A_83 = arith.constant 0 : i32
    %swap3A_84 = arith.index_cast %swap3A_83 : i32 to index
    %swap3A_85 = arith.constant 32 : index
    %swap3A_86 = tpu.vector_load %arg6[%swap3A_84, %swap3A_85] {strides = array<i32>} : memref<256x100xi32, #tpu.memory_space<vmem>>, vector<16xi32>,
    tpu.vector_store %arg6[%swap3A_84, %swap3A_85], %add3A_82 {strides = array<i32>} : memref<256x100xi32, #tpu.memory_space<vmem>>, vector<16xi32>,
    %add3A_87 = arith.constant 34 : i32
    %add3A_88 = vector.broadcast %add3A_87 : i32 to vector<16xi32>
    %add3A_89 = arith.addi %iota3A, %add3A_88 : vector<16xi32>
    %broadcast_in_dim3A_90 = arith.constant 0 : i32
    %broadcast_in_dim3A_91 = vector.broadcast %broadcast_in_dim3A_90 : i32 to vector<16xi32>
    %gather3A_92 = tpu.vector_load_idx %arg5[%add3A_89, %broadcast_in_dim3A_91] : memref<50x512xi32, #tpu.memory_space<vmem>>[vector<16xi32>, vector<16xi32>], vector<16xi32>,
    %shift_right_arithmetic3A_93 = arith.constant 12 : i32
    %shift_right_arithmetic3A_94 = vector.broadcast %shift_right_arithmetic3A_93 : i32 to vector<16xi32>
    %shift_right_arithmetic3A_95 = arith.shrsi %gather3A_92, %shift_right_arithmetic3A_94 : vector<16xi32>
    %and3A_96 = arith.constant 4095 : i32
    %and3A_97 = vector.broadcast %and3A_96 : i32 to vector<16xi32>
    %and3A_98 = arith.andi %gather3A_92, %and3A_97 : vector<16xi32>
    %shift_right_arithmetic3A_99 = arith.constant 2 : i32
    %shift_right_arithmetic3A_100 = vector.broadcast %shift_right_arithmetic3A_99 : i32 to vector<16xi32>
    %shift_right_arithmetic3A_101 = arith.shrsi %shift_right_arithmetic3A_95, %shift_right_arithmetic3A_100 : vector<16xi32>
    %shift_left3A_102 = arith.constant 14 : i32
    %shift_left3A_103 = vector.broadcast %shift_left3A_102 : i32 to vector<16xi32>
    %shift_left3A_104 = arith.shli %shift_right_arithmetic3A_101, %shift_left3A_103 : vector<16xi32>
    %shift_left3A_105 = arith.constant 2 : i32
    %shift_left3A_106 = vector.broadcast %shift_left3A_105 : i32 to vector<16xi32>
    %shift_left3A_107 = arith.shli %and3A_98, %shift_left3A_106 : vector<16xi32>
    %add3A_108 = arith.addi %shift_left3A_104, %shift_left3A_107 : vector<16xi32>
    %and3A_109 = arith.constant 3 : i32
    %and3A_110 = vector.broadcast %and3A_109 : i32 to vector<16xi32>
    %and3A_111 = arith.andi %shift_right_arithmetic3A_95, %and3A_110 : vector<16xi32>
    %add3A_112 = arith.addi %add3A_108, %and3A_111 : vector<16xi32>
    %swap3A_113 = arith.constant 0 : i32
    %swap3A_114 = arith.index_cast %swap3A_113 : i32 to index
    %swap3A_115 = arith.constant 34 : index
    %swap3A_116 = tpu.vector_load %arg6[%swap3A_114, %swap3A_115] {strides = array<i32>} : memref<256x100xi32, #tpu.memory_space<vmem>>, vector<16xi32>,
    tpu.vector_store %arg6[%swap3A_114, %swap3A_115], %add3A_112 {strides = array<i32>} : memref<256x100xi32, #tpu.memory_space<vmem>>, vector<16xi32>,
    %add3A_117 = arith.constant 0 : i32
    %add3A_118 = vector.broadcast %add3A_117 : i32 to vector<16xi32>
    %add3A_119 = arith.addi %iota3A, %add3A_118 : vector<16xi32>
    %broadcast_in_dim3A_120 = arith.constant 1 : i32
    %broadcast_in_dim3A_121 = vector.broadcast %broadcast_in_dim3A_120 : i32 to vector<16xi32>
    %gather3A_122 = tpu.vector_load_idx %arg5[%add3A_119, %broadcast_in_dim3A_121] : memref<50x512xi32, #tpu.memory_space<vmem>>[vector<16xi32>, vector<16xi32>], vector<16xi32>,
    %shift_right_arithmetic3A_123 = arith.constant 12 : i32
    %shift_right_arithmetic3A_124 = vector.broadcast %shift_right_arithmetic3A_123 : i32 to vector<16xi32>
    %shift_right_arithmetic3A_125 = arith.shrsi %gather3A_122, %shift_right_arithmetic3A_124 : vector<16xi32>
    %and3A_126 = arith.constant 4095 : i32
    %and3A_127 = vector.broadcast %and3A_126 : i32 to vector<16xi32>
    %and3A_128 = arith.andi %gather3A_122, %and3A_127 : vector<16xi32>
    %shift_right_arithmetic3A_129 = arith.constant 2 : i32
    %shift_right_arithmetic3A_130 = vector.broadcast %shift_right_arithmetic3A_129 : i32 to vector<16xi32>
    %shift_right_arithmetic3A_131 = arith.shrsi %shift_right_arithmetic3A_125, %shift_right_arithmetic3A_130 : vector<16xi32>
    %shift_left3A_132 = arith.constant 14 : i32
    %shift_left3A_133 = vector.broadcast %shift_left3A_132 : i32 to vector<16xi32>
    %shift_left3A_134 = arith.shli %shift_right_arithmetic3A_131, %shift_left3A_133 : vector<16xi32>
    %shift_left3A_135 = arith.constant 2 : i32
    %shift_left3A_136 = vector.broadcast %shift_left3A_135 : i32 to vector<16xi32>
    %shift_left3A_137 = arith.shli %and3A_128, %shift_left3A_136 : vector<16xi32>
    %add3A_138 = arith.addi %shift_left3A_134, %shift_left3A_137 : vector<16xi32>
    %and3A_139 = arith.constant 3 : i32
    %and3A_140 = vector.broadcast %and3A_139 : i32 to vector<16xi32>
    %and3A_141 = arith.andi %shift_right_arithmetic3A_125, %and3A_140 : vector<16xi32>
    %add3A_142 = arith.addi %add3A_138, %and3A_141 : vector<16xi32>
    %swap3A_143 = arith.constant 0 : i32
    %swap3A_144 = arith.index_cast %swap3A_143 : i32 to index
    %swap3A_145 = arith.constant 50 : index
    %swap3A_146 = tpu.vector_load %arg6[%swap3A_144, %swap3A_145] {strides = array<i32>} : memref<256x100xi32, #tpu.memory_space<vmem>>, vector<16xi32>,
    tpu.vector_store %arg6[%swap3A_144, %swap3A_145], %add3A_142 {strides = array<i32>} : memref<256x100xi32, #tpu.memory_space<vmem>>, vector<16xi32>,
    %add3A_147 = arith.constant 16 : i32
    %add3A_148 = vector.broadcast %add3A_147 : i32 to vector<16xi32>
    %add3A_149 = arith.addi %iota3A, %add3A_148 : vector<16xi32>
    %broadcast_in_dim3A_150 = arith.constant 1 : i32
    %broadcast_in_dim3A_151 = vector.broadcast %broadcast_in_dim3A_150 : i32 to vector<16xi32>
    %gather3A_152 = tpu.vector_load_idx %arg5[%add3A_149, %broadcast_in_dim3A_151] : memref<50x512xi32, #tpu.memory_space<vmem>>[vector<16xi32>, vector<16xi32>], vector<16xi32>,
    %shift_right_arithmetic3A_153 = arith.constant 12 : i32
    %shift_right_arithmetic3A_154 = vector.broadcast %shift_right_arithmetic3A_153 : i32 to vector<16xi32>
    %shift_right_arithmetic3A_155 = arith.shrsi %gather3A_152, %shift_right_arithmetic3A_154 : vector<16xi32>
    %and3A_156 = arith.constant 4095 : i32
    %and3A_157 = vector.broadcast %and3A_156 : i32 to vector<16xi32>
    %and3A_158 = arith.andi %gather3A_152, %and3A_157 : vector<16xi32>
    %shift_right_arithmetic3A_159 = arith.constant 2 : i32
    %shift_right_arithmetic3A_160 = vector.broadcast %shift_right_arithmetic3A_159 : i32 to vector<16xi32>
    %shift_right_arithmetic3A_161 = arith.shrsi %shift_right_arithmetic3A_155, %shift_right_arithmetic3A_160 : vector<16xi32>
    %shift_left3A_162 = arith.constant 14 : i32
    %shift_left3A_163 = vector.broadcast %shift_left3A_162 : i32 to vector<16xi32>
    %shift_left3A_164 = arith.shli %shift_right_arithmetic3A_161, %shift_left3A_163 : vector<16xi32>
    %shift_left3A_165 = arith.constant 2 : i32
    %shift_left3A_166 = vector.broadcast %shift_left3A_165 : i32 to vector<16xi32>
    %shift_left3A_167 = arith.shli %and3A_158, %shift_left3A_166 : vector<16xi32>
    %add3A_168 = arith.addi %shift_left3A_164, %shift_left3A_167 : vector<16xi32>
    %and3A_169 = arith.constant 3 : i32
    %and3A_170 = vector.broadcast %and3A_169 : i32 to vector<16xi32>
    %and3A_171 = arith.andi %shift_right_arithmetic3A_155, %and3A_170 : vector<16xi32>
    %add3A_172 = arith.addi %add3A_168, %and3A_171 : vector<16xi32>
    %swap3A_173 = arith.constant 0 : i32
    %swap3A_174 = arith.index_cast %swap3A_173 : i32 to index
    %swap3A_175 = arith.constant 66 : index
    %swap3A_176 = tpu.vector_load %arg6[%swap3A_174, %swap3A_175] {strides = array<i32>} : memref<256x100xi32, #tpu.memory_space<vmem>>, vector<16xi32>,
    tpu.vector_store %arg6[%swap3A_174, %swap3A_175], %add3A_172 {strides = array<i32>} : memref<256x100xi32, #tpu.memory_space<vmem>>, vector<16xi32>,
    %add3A_177 = arith.constant 32 : i32
    %add3A_178 = vector.broadcast %add3A_177 : i32 to vector<16xi32>
    %add3A_179 = arith.addi %iota3A, %add3A_178 : vector<16xi32>
    %broadcast_in_dim3A_180 = arith.constant 1 : i32
    %broadcast_in_dim3A_181 = vector.broadcast %broadcast_in_dim3A_180 : i32 to vector<16xi32>
    %gather3A_182 = tpu.vector_load_idx %arg5[%add3A_179, %broadcast_in_dim3A_181] : memref<50x512xi32, #tpu.memory_space<vmem>>[vector<16xi32>, vector<16xi32>], vector<16xi32>,
    %shift_right_arithmetic3A_183 = arith.constant 12 : i32
    %shift_right_arithmetic3A_184 = vector.broadcast %shift_right_arithmetic3A_183 : i32 to vector<16xi32>
    %shift_right_arithmetic3A_185 = arith.shrsi %gather3A_182, %shift_right_arithmetic3A_184 : vector<16xi32>
    %and3A_186 = arith.constant 4095 : i32
    %and3A_187 = vector.broadcast %and3A_186 : i32 to vector<16xi32>
    %and3A_188 = arith.andi %gather3A_182, %and3A_187 : vector<16xi32>
    %shift_right_arithmetic3A_189 = arith.constant 2 : i32
    %shift_right_arithmetic3A_190 = vector.broadcast %shift_right_arithmetic3A_189 : i32 to vector<16xi32>
    %shift_right_arithmetic3A_191 = arith.shrsi %shift_right_arithmetic3A_185, %shift_right_arithmetic3A_190 : vector<16xi32>
    %shift_left3A_192 = arith.constant 14 : i32
    %shift_left3A_193 = vector.broadcast %shift_left3A_192 : i32 to vector<16xi32>
    %shift_left3A_194 = arith.shli %shift_right_arithmetic3A_191, %shift_left3A_193 : vector<16xi32>
    %shift_left3A_195 = arith.constant 2 : i32
    %shift_left3A_196 = vector.broadcast %shift_left3A_195 : i32 to vector<16xi32>
    %shift_left3A_197 = arith.shli %and3A_188, %shift_left3A_196 : vector<16xi32>
    %add3A_198 = arith.addi %shift_left3A_194, %shift_left3A_197 : vector<16xi32>
    %and3A_199 = arith.constant 3 : i32
    %and3A_200 = vector.broadcast %and3A_199 : i32 to vector<16xi32>
    %and3A_201 = arith.andi %shift_right_arithmetic3A_185, %and3A_200 : vector<16xi32>
    %add3A_202 = arith.addi %add3A_198, %and3A_201 : vector<16xi32>
    %swap3A_203 = arith.constant 0 : i32
    %swap3A_204 = arith.index_cast %swap3A_203 : i32 to index
    %swap3A_205 = arith.constant 82 : index
    %swap3A_206 = tpu.vector_load %arg6[%swap3A_204, %swap3A_205] {strides = array<i32>} : memref<256x100xi32, #tpu.memory_space<vmem>>, vector<16xi32>,
    tpu.vector_store %arg6[%swap3A_204, %swap3A_205], %add3A_202 {strides = array<i32>} : memref<256x100xi32, #tpu.memory_space<vmem>>, vector<16xi32>,
    %add3A_207 = arith.constant 34 : i32
    %add3A_208 = vector.broadcast %add3A_207 : i32 to vector<16xi32>
    %add3A_209 = arith.addi %iota3A, %add3A_208 : vector<16xi32>
    %broadcast_in_dim3A_210 = arith.constant 1 : i32
    %broadcast_in_dim3A_211 = vector.broadcast %broadcast_in_dim3A_210 : i32 to vector<16xi32>
    %gather3A_212 = tpu.vector_load_idx %arg5[%add3A_209, %broadcast_in_dim3A_211] : memref<50x512xi32, #tpu.memory_space<vmem>>[vector<16xi32>, vector<16xi32>], vector<16xi32>,
    %shift_right_arithmetic3A_213 = arith.constant 12 : i32
    %shift_right_arithmetic3A_214 = vector.broadcast %shift_right_arithmetic3A_213 : i32 to vector<16xi32>
    %shift_right_arithmetic3A_215 = arith.shrsi %gather3A_212, %shift_right_arithmetic3A_214 : vector<16xi32>
    %and3A_216 = arith.constant 4095 : i32
    %and3A_217 = vector.broadcast %and3A_216 : i32 to vector<16xi32>
    %and3A_218 = arith.andi %gather3A_212, %and3A_217 : vector<16xi32>
    %shift_right_arithmetic3A_219 = arith.constant 2 : i32
    %shift_right_arithmetic3A_220 = vector.broadcast %shift_right_arithmetic3A_219 : i32 to vector<16xi32>
    %shift_right_arithmetic3A_221 = arith.shrsi %shift_right_arithmetic3A_215, %shift_right_arithmetic3A_220 : vector<16xi32>
    %shift_left3A_222 = arith.constant 14 : i32
    %shift_left3A_223 = vector.broadcast %shift_left3A_222 : i32 to vector<16xi32>
    %shift_left3A_224 = arith.shli %shift_right_arithmetic3A_221, %shift_left3A_223 : vector<16xi32>
    %shift_left3A_225 = arith.constant 2 : i32
    %shift_left3A_226 = vector.broadcast %shift_left3A_225 : i32 to vector<16xi32>
    %shift_left3A_227 = arith.shli %and3A_218, %shift_left3A_226 : vector<16xi32>
    %add3A_228 = arith.addi %shift_left3A_224, %shift_left3A_227 : vector<16xi32>
    %and3A_229 = arith.constant 3 : i32
    %and3A_230 = vector.broadcast %and3A_229 : i32 to vector<16xi32>
    %and3A_231 = arith.andi %shift_right_arithmetic3A_215, %and3A_230 : vector<16xi32>
    %add3A_232 = arith.addi %add3A_228, %and3A_231 : vector<16xi32>
    %swap3A_233 = arith.constant 0 : i32
    %swap3A_234 = arith.index_cast %swap3A_233 : i32 to index
    %swap3A_235 = arith.constant 84 : index
    %swap3A_236 = tpu.vector_load %arg6[%swap3A_234, %swap3A_235] {strides = array<i32>} : memref<256x100xi32, #tpu.memory_space<vmem>>, vector<16xi32>,
    tpu.vector_store %arg6[%swap3A_234, %swap3A_235], %add3A_232 {strides = array<i32>} : memref<256x100xi32, #tpu.memory_space<vmem>>, vector<16xi32>,
    %dma_start3A = arith.constant 0 : i32
    %dma_start3A_237 = arith.constant 0 : i32
    %dma_start3A_238 = tpu.memref_slice %arg6[%dma_start3A, %dma_start3A_237] : memref<256x100xi32, #tpu.memory_space<vmem>> -> memref<1x100xi32, #tpu.memory_space<vmem>>
    %dma_start3A_239 = tpu.memref_squeeze %dma_start3A_238 : memref<1x100xi32, #tpu.memory_space<vmem>> -> memref<100xi32, #tpu.memory_space<vmem>>
    %dma_start3A_240 = arith.constant 0 : i32
    %dma_start3A_241 = arith.constant 0 : i32
    %dma_start3A_242 = tpu.memref_slice %arg3[%dma_start3A_240, %dma_start3A_241] : memref<1015808x32xi32, #tpu.memory_space<hbm>> -> memref<1015808x32xi32, #tpu.memory_space<hbm>>
    tpu.enqueue_indirect_dma source(%dma_start3A_242 : memref<1015808x32xi32, #tpu.memory_space<hbm>>) target(%arg7 : memref<100x32xi32, #tpu.memory_space<vmem>>) offsets(%dma_start3A_239 : memref<100xi32, #tpu.memory_space<vmem>>) semaphore(%arg12 : memref<!tpu.dma_semaphore, #tpu.memory_space<semaphore_mem>>)
    %add3A_243 = arith.constant 0 : i32
    %add3A_244 = vector.broadcast %add3A_243 : i32 to vector<16xi32>
    %add3A_245 = arith.addi %iota3A, %add3A_244 : vector<16xi32>
    %broadcast_in_dim3A_246 = arith.constant 2 : i32
    %broadcast_in_dim3A_247 = vector.broadcast %broadcast_in_dim3A_246 : i32 to vector<16xi32>
    %gather3A_248 = tpu.vector_load_idx %arg5[%add3A_245, %broadcast_in_dim3A_247] : memref<50x512xi32, #tpu.memory_space<vmem>>[vector<16xi32>, vector<16xi32>], vector<16xi32>,
    %shift_right_arithmetic3A_249 = arith.constant 12 : i32
    %shift_right_arithmetic3A_250 = vector.broadcast %shift_right_arithmetic3A_249 : i32 to vector<16xi32>
    %shift_right_arithmetic3A_251 = arith.shrsi %gather3A_248, %shift_right_arithmetic3A_250 : vector<16xi32>
    %and3A_252 = arith.constant 4095 : i32
    %and3A_253 = vector.broadcast %and3A_252 : i32 to vector<16xi32>
    %and3A_254 = arith.andi %gather3A_248, %and3A_253 : vector<16xi32>
    %shift_right_arithmetic3A_255 = arith.constant 2 : i32
    %shift_right_arithmetic3A_256 = vector.broadcast %shift_right_arithmetic3A_255 : i32 to vector<16xi32>
    %shift_right_arithmetic3A_257 = arith.shrsi %shift_right_arithmetic3A_251, %shift_right_arithmetic3A_256 : vector<16xi32>
    %shift_left3A_258 = arith.constant 14 : i32
    %shift_left3A_259 = vector.broadcast %shift_left3A_258 : i32 to vector<16xi32>
    %shift_left3A_260 = arith.shli %shift_right_arithmetic3A_257, %shift_left3A_259 : vector<16xi32>
    %shift_left3A_261 = arith.constant 2 : i32
    %shift_left3A_262 = vector.broadcast %shift_left3A_261 : i32 to vector<16xi32>
    %shift_left3A_263 = arith.shli %and3A_254, %shift_left3A_262 : vector<16xi32>
    %add3A_264 = arith.addi %shift_left3A_260, %shift_left3A_263 : vector<16xi32>
    %and3A_265 = arith.constant 3 : i32
    %and3A_266 = vector.broadcast %and3A_265 : i32 to vector<16xi32>
    %and3A_267 = arith.andi %shift_right_arithmetic3A_251, %and3A_266 : vector<16xi32>
    %add3A_268 = arith.addi %add3A_264, %and3A_267 : vector<16xi32>
    %swap3A_269 = arith.constant 1 : i32
    %swap3A_270 = arith.index_cast %swap3A_269 : i32 to index
    %swap3A_271 = arith.constant 0 : index
    %swap3A_272 = tpu.vector_load %arg6[%swap3A_270, %swap3A_271] {strides = array<i32>} : memref<256x100xi32, #tpu.memory_space<vmem>>, vector<16xi32>,
    tpu.vector_store %arg6[%swap3A_270, %swap3A_271], %add3A_268 {strides = array<i32>} : memref<256x100xi32, #tpu.memory_space<vmem>>, vector<16xi32>,
    %add3A_273 = arith.constant 16 : i32
    %add3A_274 = vector.broadcast %add3A_273 : i32 to vector<16xi32>
    %add3A_275 = arith.addi %iota3A, %add3A_274 : vector<16xi32>
    %broadcast_in_dim3A_276 = arith.constant 2 : i32
    %broadcast_in_dim3A_277 = vector.broadcast %broadcast_in_dim3A_276 : i32 to vector<16xi32>
    %gather3A_278 = tpu.vector_load_idx %arg5[%add3A_275, %broadcast_in_dim3A_277] : memref<50x512xi32, #tpu.memory_space<vmem>>[vector<16xi32>, vector<16xi32>], vector<16xi32>,
    %shift_right_arithmetic3A_279 = arith.constant 12 : i32
    %shift_right_arithmetic3A_280 = vector.broadcast %shift_right_arithmetic3A_279 : i32 to vector<16xi32>
    %shift_right_arithmetic3A_281 = arith.shrsi %gather3A_278, %shift_right_arithmetic3A_280 : vector<16xi32>
    %and3A_282 = arith.constant 4095 : i32
    %and3A_283 = vector.broadcast %and3A_282 : i32 to vector<16xi32>
    %and3A_284 = arith.andi %gather3A_278, %and3A_283 : vector<16xi32>
    %shift_right_arithmetic3A_285 = arith.constant 2 : i32
    %shift_right_arithmetic3A_286 = vector.broadcast %shift_right_arithmetic3A_285 : i32 to vector<16xi32>
    %shift_right_arithmetic3A_287 = arith.shrsi %shift_right_arithmetic3A_281, %shift_right_arithmetic3A_286 : vector<16xi32>
    %shift_left3A_288 = arith.constant 14 : i32
    %shift_left3A_289 = vector.broadcast %shift_left3A_288 : i32 to vector<16xi32>
    %shift_left3A_290 = arith.shli %shift_right_arithmetic3A_287, %shift_left3A_289 : vector<16xi32>
    %shift_left3A_291 = arith.constant 2 : i32
    %shift_left3A_292 = vector.broadcast %shift_left3A_291 : i32 to vector<16xi32>
    %shift_left3A_293 = arith.shli %and3A_284, %shift_left3A_292 : vector<16xi32>
    %add3A_294 = arith.addi %shift_left3A_290, %shift_left3A_293 : vector<16xi32>
    %and3A_295 = arith.constant 3 : i32
    %and3A_296 = vector.broadcast %and3A_295 : i32 to vector<16xi32>
    %and3A_297 = arith.andi %shift_right_arithmetic3A_281, %and3A_296 : vector<16xi32>
    %add3A_298 = arith.addi %add3A_294, %and3A_297 : vector<16xi32>
    %swap3A_299 = arith.constant 1 : i32
    %swap3A_300 = arith.index_cast %swap3A_299 : i32 to index
    %swap3A_301 = arith.constant 16 : index
    %swap3A_302 = tpu.vector_load %arg6[%swap3A_300, %swap3A_301] {strides = array<i32>} : memref<256x100xi32, #tpu.memory_space<vmem>>, vector<16xi32>,
    tpu.vector_store %arg6[%swap3A_300, %swap3A_301], %add3A_298 {strides = array<i32>} : memref<256x100xi32, #tpu.memory_space<vmem>>, vector<16xi32>,
    %add3A_303 = arith.constant 32 : i32
    %add3A_304 = vector.broadcast %add3A_303 : i32 to vector<16xi32>
    %add3A_305 = arith.addi %iota3A, %add3A_304 : vector<16xi32>
    %broadcast_in_dim3A_306 = arith.constant 2 : i32
    %broadcast_in_dim3A_307 = vector.broadcast %broadcast_in_dim3A_306 : i32 to vector<16xi32>
    %gather3A_308 = tpu.vector_load_idx %arg5[%add3A_305, %broadcast_in_dim3A_307] : memref<50x512xi32, #tpu.memory_space<vmem>>[vector<16xi32>, vector<16xi32>], vector<16xi32>,
    %shift_right_arithmetic3A_309 = arith.constant 12 : i32
    %shift_right_arithmetic3A_310 = vector.broadcast %shift_right_arithmetic3A_309 : i32 to vector<16xi32>
    %shift_right_arithmetic3A_311 = arith.shrsi %gather3A_308, %shift_right_arithmetic3A_310 : vector<16xi32>
    %and3A_312 = arith.constant 4095 : i32
    %and3A_313 = vector.broadcast %and3A_312 : i32 to vector<16xi32>
    %and3A_314 = arith.andi %gather3A_308, %and3A_313 : vector<16xi32>
    %shift_right_arithmetic3A_315 = arith.constant 2 : i32
    %shift_right_arithmetic3A_316 = vector.broadcast %shift_right_arithmetic3A_315 : i32 to vector<16xi32>
    %shift_right_arithmetic3A_317 = arith.shrsi %shift_right_arithmetic3A_311, %shift_right_arithmetic3A_316 : vector<16xi32>
    %shift_left3A_318 = arith.constant 14 : i32
    %shift_left3A_319 = vector.broadcast %shift_left3A_318 : i32 to vector<16xi32>
    %shift_left3A_320 = arith.shli %shift_right_arithmetic3A_317, %shift_left3A_319 : vector<16xi32>
    %shift_left3A_321 = arith.constant 2 : i32
    %shift_left3A_322 = vector.broadcast %shift_left3A_321 : i32 to vector<16xi32>
    %shift_left3A_323 = arith.shli %and3A_314, %shift_left3A_322 : vector<16xi32>
    %add3A_324 = arith.addi %shift_left3A_320, %shift_left3A_323 : vector<16xi32>
    %and3A_325 = arith.constant 3 : i32
    %and3A_326 = vector.broadcast %and3A_325 : i32 to vector<16xi32>
    %and3A_327 = arith.andi %shift_right_arithmetic3A_311, %and3A_326 : vector<16xi32>
    %add3A_328 = arith.addi %add3A_324, %and3A_327 : vector<16xi32>
    %swap3A_329 = arith.constant 1 : i32
    %swap3A_330 = arith.index_cast %swap3A_329 : i32 to index
    %swap3A_331 = arith.constant 32 : index
    %swap3A_332 = tpu.vector_load %arg6[%swap3A_330, %swap3A_331] {strides = array<i32>} : memref<256x100xi32, #tpu.memory_space<vmem>>, vector<16xi32>,
    tpu.vector_store %arg6[%swap3A_330, %swap3A_331], %add3A_328 {strides = array<i32>} : memref<256x100xi32, #tpu.memory_space<vmem>>, vector<16xi32>,
    %add3A_333 = arith.constant 34 : i32
    %add3A_334 = vector.broadcast %add3A_333 : i32 to vector<16xi32>
    %add3A_335 = arith.addi %iota3A, %add3A_334 : vector<16xi32>
    %broadcast_in_dim3A_336 = arith.constant 2 : i32
    %broadcast_in_dim3A_337 = vector.broadcast %broadcast_in_dim3A_336 : i32 to vector<16xi32>
    %gather3A_338 = tpu.vector_load_idx %arg5[%add3A_335, %broadcast_in_dim3A_337] : memref<50x512xi32, #tpu.memory_space<vmem>>[vector<16xi32>, vector<16xi32>], vector<16xi32>,
    %shift_right_arithmetic3A_339 = arith.constant 12 : i32
    %shift_right_arithmetic3A_340 = vector.broadcast %shift_right_arithmetic3A_339 : i32 to vector<16xi32>
    %shift_right_arithmetic3A_341 = arith.shrsi %gather3A_338, %shift_right_arithmetic3A_340 : vector<16xi32>
    %and3A_342 = arith.constant 4095 : i32
    %and3A_343 = vector.broadcast %and3A_342 : i32 to vector<16xi32>
    %and3A_344 = arith.andi %gather3A_338, %and3A_343 : vector<16xi32>
    %shift_right_arithmetic3A_345 = arith.constant 2 : i32
    %shift_right_arithmetic3A_346 = vector.broadcast %shift_right_arithmetic3A_345 : i32 to vector<16xi32>
    %shift_right_arithmetic3A_347 = arith.shrsi %shift_right_arithmetic3A_341, %shift_right_arithmetic3A_346 : vector<16xi32>
    %shift_left3A_348 = arith.constant 14 : i32
    %shift_left3A_349 = vector.broadcast %shift_left3A_348 : i32 to vector<16xi32>
    %shift_left3A_350 = arith.shli %shift_right_arithmetic3A_347, %shift_left3A_349 : vector<16xi32>
    %shift_left3A_351 = arith.constant 2 : i32
    %shift_left3A_352 = vector.broadcast %shift_left3A_351 : i32 to vector<16xi32>
    %shift_left3A_353 = arith.shli %and3A_344, %shift_left3A_352 : vector<16xi32>
    %add3A_354 = arith.addi %shift_left3A_350, %shift_left3A_353 : vector<16xi32>
    %and3A_355 = arith.constant 3 : i32
    %and3A_356 = vector.broadcast %and3A_355 : i32 to vector<16xi32>
    %and3A_357 = arith.andi %shift_right_arithmetic3A_341, %and3A_356 : vector<16xi32>
    %add3A_358 = arith.addi %add3A_354, %and3A_357 : vector<16xi32>
    %swap3A_359 = arith.constant 1 : i32
    %swap3A_360 = arith.index_cast %swap3A_359 : i32 to index
    %swap3A_361 = arith.constant 34 : index
    %swap3A_362 = tpu.vector_load %arg6[%swap3A_360, %swap3A_361] {strides = array<i32>} : memref<256x100xi32, #tpu.memory_space<vmem>>, vector<16xi32>,
    tpu.vector_store %arg6[%swap3A_360, %swap3A_361], %add3A_358 {strides = array<i32>} : memref<256x100xi32, #tpu.memory_space<vmem>>, vector<16xi32>,
    %add3A_363 = arith.constant 0 : i32
    %add3A_364 = vector.broadcast %add3A_363 : i32 to vector<16xi32>
    %add3A_365 = arith.addi %iota3A, %add3A_364 : vector<16xi32>
    %broadcast_in_dim3A_366 = arith.constant 3 : i32
    %broadcast_in_dim3A_367 = vector.broadcast %broadcast_in_dim3A_366 : i32 to vector<16xi32>
    %gather3A_368 = tpu.vector_load_idx %arg5[%add3A_365, %broadcast_in_dim3A_367] : memref<50x512xi32, #tpu.memory_space<vmem>>[vector<16xi32>, vector<16xi32>], vector<16xi32>,
    %shift_right_arithmetic3A_369 = arith.constant 12 : i32
    %shift_right_arithmetic3A_370 = vector.broadcast %shift_right_arithmetic3A_369 : i32 to vector<16xi32>
    %shift_right_arithmetic3A_371 = arith.shrsi %gather3A_368, %shift_right_arithmetic3A_370 : vector<16xi32>
    %and3A_372 = arith.constant 4095 : i32
    %and3A_373 = vector.broadcast %and3A_372 : i32 to vector<16xi32>
    %and3A_374 = arith.andi %gather3A_368, %and3A_373 : vector<16xi32>
    %shift_right_arithmetic3A_375 = arith.constant 2 : i32
    %shift_right_arithmetic3A_376 = vector.broadcast %shift_right_arithmetic3A_375 : i32 to vector<16xi32>
    %shift_right_arithmetic3A_377 = arith.shrsi %shift_right_arithmetic3A_371, %shift_right_arithmetic3A_376 : vector<16xi32>
    %shift_left3A_378 = arith.constant 14 : i32
    %shift_left3A_379 = vector.broadcast %shift_left3A_378 : i32 to vector<16xi32>
    %shift_left3A_380 = arith.shli %shift_right_arithmetic3A_377, %shift_left3A_379 : vector<16xi32>
    %shift_left3A_381 = arith.constant 2 : i32
    %shift_left3A_382 = vector.broadcast %shift_left3A_381 : i32 to vector<16xi32>
    %shift_left3A_383 = arith.shli %and3A_374, %shift_left3A_382 : vector<16xi32>
    %add3A_384 = arith.addi %shift_left3A_380, %shift_left3A_383 : vector<16xi32>
    %and3A_385 = arith.constant 3 : i32
    %and3A_386 = vector.broadcast %and3A_385 : i32 to vector<16xi32>
    %and3A_387 = arith.andi %shift_right_arithmetic3A_371, %and3A_386 : vector<16xi32>
    %add3A_388 = arith.addi %add3A_384, %and3A_387 : vector<16xi32>
    %swap3A_389 = arith.constant 1 : i32
    %swap3A_390 = arith.index_cast %swap3A_389 : i32 to index
    %swap3A_391 = arith.constant 50 : index
    %swap3A_392 = tpu.vector_load %arg6[%swap3A_390, %swap3A_391] {strides = array<i32>} : memref<256x100xi32, #tpu.memory_space<vmem>>, vector<16xi32>,
    tpu.vector_store %arg6[%swap3A_390, %swap3A_391], %add3A_388 {strides = array<i32>} : memref<256x100xi32, #tpu.memory_space<vmem>>, vector<16xi32>,
    %add3A_393 = arith.constant 16 : i32
    %add3A_394 = vector.broadcast %add3A_393 : i32 to vector<16xi32>
    %add3A_395 = arith.addi %iota3A, %add3A_394 : vector<16xi32>
    %broadcast_in_dim3A_396 = arith.constant 3 : i32
    %broadcast_in_dim3A_397 = vector.broadcast %broadcast_in_dim3A_396 : i32 to vector<16xi32>
    %gather3A_398 = tpu.vector_load_idx %arg5[%add3A_395, %broadcast_in_dim3A_397] : memref<50x512xi32, #tpu.memory_space<vmem>>[vector<16xi32>, vector<16xi32>], vector<16xi32>,
    %shift_right_arithmetic3A_399 = arith.constant 12 : i32
    %shift_right_arithmetic3A_400 = vector.broadcast %shift_right_arithmetic3A_399 : i32 to vector<16xi32>
    %shift_right_arithmetic3A_401 = arith.shrsi %gather3A_398, %shift_right_arithmetic3A_400 : vector<16xi32>
    %and3A_402 = arith.constant 4095 : i32
    %and3A_403 = vector.broadcast %and3A_402 : i32 to vector<16xi32>
    %and3A_404 = arith.andi %gather3A_398, %and3A_403 : vector<16xi32>
    %shift_right_arithmetic3A_405 = arith.constant 2 : i32
    %shift_right_arithmetic3A_406 = vector.broadcast %shift_right_arithmetic3A_405 : i32 to vector<16xi32>
    %shift_right_arithmetic3A_407 = arith.shrsi %shift_right_arithmetic3A_401, %shift_right_arithmetic3A_406 : vector<16xi32>
    %shift_left3A_408 = arith.constant 14 : i32
    %shift_left3A_409 = vector.broadcast %shift_left3A_408 : i32 to vector<16xi32>
    %shift_left3A_410 = arith.shli %shift_right_arithmetic3A_407, %shift_left3A_409 : vector<16xi32>
    %shift_left3A_411 = arith.constant 2 : i32
    %shift_left3A_412 = vector.broadcast %shift_left3A_411 : i32 to vector<16xi32>
    %shift_left3A_413 = arith.shli %and3A_404, %shift_left3A_412 : vector<16xi32>
    %add3A_414 = arith.addi %shift_left3A_410, %shift_left3A_413 : vector<16xi32>
    %and3A_415 = arith.constant 3 : i32
    %and3A_416 = vector.broadcast %and3A_415 : i32 to vector<16xi32>
    %and3A_417 = arith.andi %shift_right_arithmetic3A_401, %and3A_416 : vector<16xi32>
    %add3A_418 = arith.addi %add3A_414, %and3A_417 : vector<16xi32>
    %swap3A_419 = arith.constant 1 : i32
    %swap3A_420 = arith.index_cast %swap3A_419 : i32 to index
    %swap3A_421 = arith.constant 66 : index
    %swap3A_422 = tpu.vector_load %arg6[%swap3A_420, %swap3A_421] {strides = array<i32>} : memref<256x100xi32, #tpu.memory_space<vmem>>, vector<16xi32>,
    tpu.vector_store %arg6[%swap3A_420, %swap3A_421], %add3A_418 {strides = array<i32>} : memref<256x100xi32, #tpu.memory_space<vmem>>, vector<16xi32>,
    %add3A_423 = arith.constant 32 : i32
    %add3A_424 = vector.broadcast %add3A_423 : i32 to vector<16xi32>
    %add3A_425 = arith.addi %iota3A, %add3A_424 : vector<16xi32>
    %broadcast_in_dim3A_426 = arith.constant 3 : i32
    %broadcast_in_dim3A_427 = vector.broadcast %broadcast_in_dim3A_426 : i32 to vector<16xi32>
    %gather3A_428 = tpu.vector_load_idx %arg5[%add3A_425, %broadcast_in_dim3A_427] : memref<50x512xi32, #tpu.memory_space<vmem>>[vector<16xi32>, vector<16xi32>], vector<16xi32>,
    %shift_right_arithmetic3A_429 = arith.constant 12 : i32
    %shift_right_arithmetic3A_430 = vector.broadcast %shift_right_arithmetic3A_429 : i32 to vector<16xi32>
    %shift_right_arithmetic3A_431 = arith.shrsi %gather3A_428, %shift_right_arithmetic3A_430 : vector<16xi32>
    %and3A_432 = arith.constant 4095 : i32
    %and3A_433 = vector.broadcast %and3A_432 : i32 to vector<16xi32>
    %and3A_434 = arith.andi %gather3A_428, %and3A_433 : vector<16xi32>
    %shift_right_arithmetic3A_435 = arith.constant 2 : i32
    %shift_right_arithmetic3A_436 = vector.broadcast %shift_right_arithmetic3A_435 : i32 to vector<16xi32>
    %shift_right_arithmetic3A_437 = arith.shrsi %shift_right_arithmetic3A_431, %shift_right_arithmetic3A_436 : vector<16xi32>
    %shift_left3A_438 = arith.constant 14 : i32
    %shift_left3A_439 = vector.broadcast %shift_left3A_438 : i32 to vector<16xi32>
    %shift_left3A_440 = arith.shli %shift_right_arithmetic3A_437, %shift_left3A_439 : vector<16xi32>
    %shift_left3A_441 = arith.constant 2 : i32
    %shift_left3A_442 = vector.broadcast %shift_left3A_441 : i32 to vector<16xi32>
    %shift_left3A_443 = arith.shli %and3A_434, %shift_left3A_442 : vector<16xi32>
    %add3A_444 = arith.addi %shift_left3A_440, %shift_left3A_443 : vector<16xi32>
    %and3A_445 = arith.constant 3 : i32
    %and3A_446 = vector.broadcast %and3A_445 : i32 to vector<16xi32>
    %and3A_447 = arith.andi %shift_right_arithmetic3A_431, %and3A_446 : vector<16xi32>
    %add3A_448 = arith.addi %add3A_444, %and3A_447 : vector<16xi32>
    %swap3A_449 = arith.constant 1 : i32
    %swap3A_450 = arith.index_cast %swap3A_449 : i32 to index
    %swap3A_451 = arith.constant 82 : index
    %swap3A_452 = tpu.vector_load %arg6[%swap3A_450, %swap3A_451] {strides = array<i32>} : memref<256x100xi32, #tpu.memory_space<vmem>>, vector<16xi32>,
    tpu.vector_store %arg6[%swap3A_450, %swap3A_451], %add3A_448 {strides = array<i32>} : memref<256x100xi32, #tpu.memory_space<vmem>>, vector<16xi32>,
    %add3A_453 = arith.constant 34 : i32
    %add3A_454 = vector.broadcast %add3A_453 : i32 to vector<16xi32>
    %add3A_455 = arith.addi %iota3A, %add3A_454 : vector<16xi32>
    %broadcast_in_dim3A_456 = arith.constant 3 : i32
    %broadcast_in_dim3A_457 = vector.broadcast %broadcast_in_dim3A_456 : i32 to vector<16xi32>
    %gather3A_458 = tpu.vector_load_idx %arg5[%add3A_455, %broadcast_in_dim3A_457] : memref<50x512xi32, #tpu.memory_space<vmem>>[vector<16xi32>, vector<16xi32>], vector<16xi32>,
    %shift_right_arithmetic3A_459 = arith.constant 12 : i32
    %shift_right_arithmetic3A_460 = vector.broadcast %shift_right_arithmetic3A_459 : i32 to vector<16xi32>
    %shift_right_arithmetic3A_461 = arith.shrsi %gather3A_458, %shift_right_arithmetic3A_460 : vector<16xi32>
    %and3A_462 = arith.constant 4095 : i32
    %and3A_463 = vector.broadcast %and3A_462 : i32 to vector<16xi32>
    %and3A_464 = arith.andi %gather3A_458, %and3A_463 : vector<16xi32>
    %shift_right_arithmetic3A_465 = arith.constant 2 : i32
    %shift_right_arithmetic3A_466 = vector.broadcast %shift_right_arithmetic3A_465 : i32 to vector<16xi32>
    %shift_right_arithmetic3A_467 = arith.shrsi %shift_right_arithmetic3A_461, %shift_right_arithmetic3A_466 : vector<16xi32>
    %shift_left3A_468 = arith.constant 14 : i32
    %shift_left3A_469 = vector.broadcast %shift_left3A_468 : i32 to vector<16xi32>
    %shift_left3A_470 = arith.shli %shift_right_arithmetic3A_467, %shift_left3A_469 : vector<16xi32>
    %shift_left3A_471 = arith.constant 2 : i32
    %shift_left3A_472 = vector.broadcast %shift_left3A_471 : i32 to vector<16xi32>
    %shift_left3A_473 = arith.shli %and3A_464, %shift_left3A_472 : vector<16xi32>
    %add3A_474 = arith.addi %shift_left3A_470, %shift_left3A_473 : vector<16xi32>
    %and3A_475 = arith.constant 3 : i32
    %and3A_476 = vector.broadcast %and3A_475 : i32 to vector<16xi32>
    %and3A_477 = arith.andi %shift_right_arithmetic3A_461, %and3A_476 : vector<16xi32>
    %add3A_478 = arith.addi %add3A_474, %and3A_477 : vector<16xi32>
    %swap3A_479 = arith.constant 1 : i32
    %swap3A_480 = arith.index_cast %swap3A_479 : i32 to index
    %swap3A_481 = arith.constant 84 : index
    %swap3A_482 = tpu.vector_load %arg6[%swap3A_480, %swap3A_481] {strides = array<i32>} : memref<256x100xi32, #tpu.memory_space<vmem>>, vector<16xi32>,
    tpu.vector_store %arg6[%swap3A_480, %swap3A_481], %add3A_478 {strides = array<i32>} : memref<256x100xi32, #tpu.memory_space<vmem>>, vector<16xi32>,
    %dma_start3A_483 = arith.constant 1 : i32
    %dma_start3A_484 = arith.constant 0 : i32
    %dma_start3A_485 = tpu.memref_slice %arg6[%dma_start3A_483, %dma_start3A_484] : memref<256x100xi32, #tpu.memory_space<vmem>> -> memref<1x100xi32, #tpu.memory_space<vmem>>
    %dma_start3A_486 = tpu.memref_squeeze %dma_start3A_485 : memref<1x100xi32, #tpu.memory_space<vmem>> -> memref<100xi32, #tpu.memory_space<vmem>>
    %dma_start3A_487 = arith.constant 0 : i32
    %dma_start3A_488 = arith.constant 0 : i32
    %dma_start3A_489 = tpu.memref_slice %arg3[%dma_start3A_487, %dma_start3A_488] : memref<1015808x32xi32, #tpu.memory_space<hbm>> -> memref<1015808x32xi32, #tpu.memory_space<hbm>>
    tpu.enqueue_indirect_dma source(%dma_start3A_489 : memref<1015808x32xi32, #tpu.memory_space<hbm>>) target(%arg8 : memref<100x32xi32, #tpu.memory_space<vmem>>) offsets(%dma_start3A_486 : memref<100xi32, #tpu.memory_space<vmem>>) semaphore(%arg13 : memref<!tpu.dma_semaphore, #tpu.memory_space<semaphore_mem>>)
    %add3A_490 = arith.constant 0 : i32
    %add3A_491 = vector.broadcast %add3A_490 : i32 to vector<16xi32>
    %add3A_492 = arith.addi %iota3A, %add3A_491 : vector<16xi32>
    %broadcast_in_dim3A_493 = arith.constant 4 : i32
    %broadcast_in_dim3A_494 = vector.broadcast %broadcast_in_dim3A_493 : i32 to vector<16xi32>
    %gather3A_495 = tpu.vector_load_idx %arg5[%add3A_492, %broadcast_in_dim3A_494] : memref<50x512xi32, #tpu.memory_space<vmem>>[vector<16xi32>, vector<16xi32>], vector<16xi32>,
    %shift_right_arithmetic3A_496 = arith.constant 12 : i32
    %shift_right_arithmetic3A_497 = vector.broadcast %shift_right_arithmetic3A_496 : i32 to vector<16xi32>
    %shift_right_arithmetic3A_498 = arith.shrsi %gather3A_495, %shift_right_arithmetic3A_497 : vector<16xi32>
    %and3A_499 = arith.constant 4095 : i32
    %and3A_500 = vector.broadcast %and3A_499 : i32 to vector<16xi32>
    %and3A_501 = arith.andi %gather3A_495, %and3A_500 : vector<16xi32>
    %shift_right_arithmetic3A_502 = arith.constant 2 : i32
    %shift_right_arithmetic3A_503 = vector.broadcast %shift_right_arithmetic3A_502 : i32 to vector<16xi32>
    %shift_right_arithmetic3A_504 = arith.shrsi %shift_right_arithmetic3A_498, %shift_right_arithmetic3A_503 : vector<16xi32>
    %shift_left3A_505 = arith.constant 14 : i32
    %shift_left3A_506 = vector.broadcast %shift_left3A_505 : i32 to vector<16xi32>
    %shift_left3A_507 = arith.shli %shift_right_arithmetic3A_504, %shift_left3A_506 : vector<16xi32>
    %shift_left3A_508 = arith.constant 2 : i32
    %shift_left3A_509 = vector.broadcast %shift_left3A_508 : i32 to vector<16xi32>
    %shift_left3A_510 = arith.shli %and3A_501, %shift_left3A_509 : vector<16xi32>
    %add3A_511 = arith.addi %shift_left3A_507, %shift_left3A_510 : vector<16xi32>
    %and3A_512 = arith.constant 3 : i32
    %and3A_513 = vector.broadcast %and3A_512 : i32 to vector<16xi32>
    %and3A_514 = arith.andi %shift_right_arithmetic3A_498, %and3A_513 : vector<16xi32>
    %add3A_515 = arith.addi %add3A_511, %and3A_514 : vector<16xi32>
    %swap3A_516 = arith.constant 2 : i32
    %swap3A_517 = arith.index_cast %swap3A_516 : i32 to index
    %swap3A_518 = arith.constant 0 : index
    %swap3A_519 = tpu.vector_load %arg6[%swap3A_517, %swap3A_518] {strides = array<i32>} : memref<256x100xi32, #tpu.memory_space<vmem>>, vector<16xi32>,
    tpu.vector_store %arg6[%swap3A_517, %swap3A_518], %add3A_515 {strides = array<i32>} : memref<256x100xi32, #tpu.memory_space<vmem>>, vector<16xi32>,
    %add3A_520 = arith.constant 16 : i32
    %add3A_521 = vector.broadcast %add3A_520 : i32 to vector<16xi32>
    %add3A_522 = arith.addi %iota3A, %add3A_521 : vector<16xi32>
    %broadcast_in_dim3A_523 = arith.constant 4 : i32
    %broadcast_in_dim3A_524 = vector.broadcast %broadcast_in_dim3A_523 : i32 to vector<16xi32>
    %gather3A_525 = tpu.vector_load_idx %arg5[%add3A_522, %broadcast_in_dim3A_524] : memref<50x512xi32, #tpu.memory_space<vmem>>[vector<16xi32>, vector<16xi32>], vector<16xi32>,
    %shift_right_arithmetic3A_526 = arith.constant 12 : i32
    %shift_right_arithmetic3A_527 = vector.broadcast %shift_right_arithmetic3A_526 : i32 to vector<16xi32>
    %shift_right_arithmetic3A_528 = arith.shrsi %gather3A_525, %shift_right_arithmetic3A_527 : vector<16xi32>
    %and3A_529 = arith.constant 4095 : i32
    %and3A_530 = vector.broadcast %and3A_529 : i32 to vector<16xi32>
    %and3A_531 = arith.andi %gather3A_525, %and3A_530 : vector<16xi32>
    %shift_right_arithmetic3A_532 = arith.constant 2 : i32
    %shift_right_arithmetic3A_533 = vector.broadcast %shift_right_arithmetic3A_532 : i32 to vector<16xi32>
    %shift_right_arithmetic3A_534 = arith.shrsi %shift_right_arithmetic3A_528, %shift_right_arithmetic3A_533 : vector<16xi32>
    %shift_left3A_535 = arith.constant 14 : i32
    %shift_left3A_536 = vector.broadcast %shift_left3A_535 : i32 to vector<16xi32>
    %shift_left3A_537 = arith.shli %shift_right_arithmetic3A_534, %shift_left3A_536 : vector<16xi32>
    %shift_left3A_538 = arith.constant 2 : i32
    %shift_left3A_539 = vector.broadcast %shift_left3A_538 : i32 to vector<16xi32>
    %shift_left3A_540 = arith.shli %and3A_531, %shift_left3A_539 : vector<16xi32>
    %add3A_541 = arith.addi %shift_left3A_537, %shift_left3A_540 : vector<16xi32>
    %and3A_542 = arith.constant 3 : i32
    %and3A_543 = vector.broadcast %and3A_542 : i32 to vector<16xi32>
    %and3A_544 = arith.andi %shift_right_arithmetic3A_528, %and3A_543 : vector<16xi32>
    %add3A_545 = arith.addi %add3A_541, %and3A_544 : vector<16xi32>
    %swap3A_546 = arith.constant 2 : i32
    %swap3A_547 = arith.index_cast %swap3A_546 : i32 to index
    %swap3A_548 = arith.constant 16 : index
    %swap3A_549 = tpu.vector_load %arg6[%swap3A_547, %swap3A_548] {strides = array<i32>} : memref<256x100xi32, #tpu.memory_space<vmem>>, vector<16xi32>,
    tpu.vector_store %arg6[%swap3A_547, %swap3A_548], %add3A_545 {strides = array<i32>} : memref<256x100xi32, #tpu.memory_space<vmem>>, vector<16xi32>,
    %add3A_550 = arith.constant 32 : i32
    %add3A_551 = vector.broadcast %add3A_550 : i32 to vector<16xi32>
    %add3A_552 = arith.addi %iota3A, %add3A_551 : vector<16xi32>
    %broadcast_in_dim3A_553 = arith.constant 4 : i32
    %broadcast_in_dim3A_554 = vector.broadcast %broadcast_in_dim3A_553 : i32 to vector<16xi32>
    %gather3A_555 = tpu.vector_load_idx %arg5[%add3A_552, %broadcast_in_dim3A_554] : memref<50x512xi32, #tpu.memory_space<vmem>>[vector<16xi32>, vector<16xi32>], vector<16xi32>,
    %shift_right_arithmetic3A_556 = arith.constant 12 : i32
    %shift_right_arithmetic3A_557 = vector.broadcast %shift_right_arithmetic3A_556 : i32 to vector<16xi32>
    %shift_right_arithmetic3A_558 = arith.shrsi %gather3A_555, %shift_right_arithmetic3A_557 : vector<16xi32>
    %and3A_559 = arith.constant 4095 : i32
    %and3A_560 = vector.broadcast %and3A_559 : i32 to vector<16xi32>
    %and3A_561 = arith.andi %gather3A_555, %and3A_560 : vector<16xi32>
    %shift_right_arithmetic3A_562 = arith.constant 2 : i32
    %shift_right_arithmetic3A_563 = vector.broadcast %shift_right_arithmetic3A_562 : i32 to vector<16xi32>
    %shift_right_arithmetic3A_564 = arith.shrsi %shift_right_arithmetic3A_558, %shift_right_arithmetic3A_563 : vector<16xi32>
    %shift_left3A_565 = arith.constant 14 : i32
    %shift_left3A_566 = vector.broadcast %shift_left3A_565 : i32 to vector<16xi32>
    %shift_left3A_567 = arith.shli %shift_right_arithmetic3A_564, %shift_left3A_566 : vector<16xi32>
    %shift_left3A_568 = arith.constant 2 : i32
    %shift_left3A_569 = vector.broadcast %shift_left3A_568 : i32 to vector<16xi32>
    %shift_left3A_570 = arith.shli %and3A_561, %shift_left3A_569 : vector<16xi32>
    %add3A_571 = arith.addi %shift_left3A_567, %shift_left3A_570 : vector<16xi32>
    %and3A_572 = arith.constant 3 : i32
    %and3A_573 = vector.broadcast %and3A_572 : i32 to vector<16xi32>
    %and3A_574 = arith.andi %shift_right_arithmetic3A_558, %and3A_573 : vector<16xi32>
    %add3A_575 = arith.addi %add3A_571, %and3A_574 : vector<16xi32>
    %swap3A_576 = arith.constant 2 : i32
    %swap3A_577 = arith.index_cast %swap3A_576 : i32 to index
    %swap3A_578 = arith.constant 32 : index
    %swap3A_579 = tpu.vector_load %arg6[%swap3A_577, %swap3A_578] {strides = array<i32>} : memref<256x100xi32, #tpu.memory_space<vmem>>, vector<16xi32>,
    tpu.vector_store %arg6[%swap3A_577, %swap3A_578], %add3A_575 {strides = array<i32>} : memref<256x100xi32, #tpu.memory_space<vmem>>, vector<16xi32>,
    %add3A_580 = arith.constant 34 : i32
    %add3A_581 = vector.broadcast %add3A_580 : i32 to vector<16xi32>
    %add3A_582 = arith.addi %iota3A, %add3A_581 : vector<16xi32>
    %broadcast_in_dim3A_583 = arith.constant 4 : i32
    %broadcast_in_dim3A_584 = vector.broadcast %broadcast_in_dim3A_583 : i32 to vector<16xi32>
    %gather3A_585 = tpu.vector_load_idx %arg5[%add3A_582, %broadcast_in_dim3A_584] : memref<50x512xi32, #tpu.memory_space<vmem>>[vector<16xi32>, vector<16xi32>], vector<16xi32>,
    %shift_right_arithmetic3A_586 = arith.constant 12 : i32
    %shift_right_arithmetic3A_587 = vector.broadcast %shift_right_arithmetic3A_586 : i32 to vector<16xi32>
    %shift_right_arithmetic3A_588 = arith.shrsi %gather3A_585, %shift_right_arithmetic3A_587 : vector<16xi32>
    %and3A_589 = arith.constant 4095 : i32
    %and3A_590 = vector.broadcast %and3A_589 : i32 to vector<16xi32>
    %and3A_591 = arith.andi %gather3A_585, %and3A_590 : vector<16xi32>
    %shift_right_arithmetic3A_592 = arith.constant 2 : i32
    %shift_right_arithmetic3A_593 = vector.broadcast %shift_right_arithmetic3A_592 : i32 to vector<16xi32>
    %shift_right_arithmetic3A_594 = arith.shrsi %shift_right_arithmetic3A_588, %shift_right_arithmetic3A_593 : vector<16xi32>
    %shift_left3A_595 = arith.constant 14 : i32
    %shift_left3A_596 = vector.broadcast %shift_left3A_595 : i32 to vector<16xi32>
    %shift_left3A_597 = arith.shli %shift_right_arithmetic3A_594, %shift_left3A_596 : vector<16xi32>
    %shift_left3A_598 = arith.constant 2 : i32
    %shift_left3A_599 = vector.broadcast %shift_left3A_598 : i32 to vector<16xi32>
    %shift_left3A_600 = arith.shli %and3A_591, %shift_left3A_599 : vector<16xi32>
    %add3A_601 = arith.addi %shift_left3A_597, %shift_left3A_600 : vector<16xi32>
    %and3A_602 = arith.constant 3 : i32
    %and3A_603 = vector.broadcast %and3A_602 : i32 to vector<16xi32>
    %and3A_604 = arith.andi %shift_right_arithmetic3A_588, %and3A_603 : vector<16xi32>
    %add3A_605 = arith.addi %add3A_601, %and3A_604 : vector<16xi32>
    %swap3A_606 = arith.constant 2 : i32
    %swap3A_607 = arith.index_cast %swap3A_606 : i32 to index
    %swap3A_608 = arith.constant 34 : index
    %swap3A_609 = tpu.vector_load %arg6[%swap3A_607, %swap3A_608] {strides = array<i32>} : memref<256x100xi32, #tpu.memory_space<vmem>>, vector<16xi32>,
    tpu.vector_store %arg6[%swap3A_607, %swap3A_608], %add3A_605 {strides = array<i32>} : memref<256x100xi32, #tpu.memory_space<vmem>>, vector<16xi32>,
    %add3A_610 = arith.constant 0 : i32
    %add3A_611 = vector.broadcast %add3A_610 : i32 to vector<16xi32>
    %add3A_612 = arith.addi %iota3A, %add3A_611 : vector<16xi32>
    %broadcast_in_dim3A_613 = arith.constant 5 : i32
    %broadcast_in_dim3A_614 = vector.broadcast %broadcast_in_dim3A_613 : i32 to vector<16xi32>
    %gather3A_615 = tpu.vector_load_idx %arg5[%add3A_612, %broadcast_in_dim3A_614] : memref<50x512xi32, #tpu.memory_space<vmem>>[vector<16xi32>, vector<16xi32>], vector<16xi32>,
    %shift_right_arithmetic3A_616 = arith.constant 12 : i32
    %shift_right_arithmetic3A_617 = vector.broadcast %shift_right_arithmetic3A_616 : i32 to vector<16xi32>
    %shift_right_arithmetic3A_618 = arith.shrsi %gather3A_615, %shift_right_arithmetic3A_617 : vector<16xi32>
    %and3A_619 = arith.constant 4095 : i32
    %and3A_620 = vector.broadcast %and3A_619 : i32 to vector<16xi32>
    %and3A_621 = arith.andi %gather3A_615, %and3A_620 : vector<16xi32>
    %shift_right_arithmetic3A_622 = arith.constant 2 : i32
    %shift_right_arithmetic3A_623 = vector.broadcast %shift_right_arithmetic3A_622 : i32 to vector<16xi32>
    %shift_right_arithmetic3A_624 = arith.shrsi %shift_right_arithmetic3A_618, %shift_right_arithmetic3A_623 : vector<16xi32>
    %shift_left3A_625 = arith.constant 14 : i32
    %shift_left3A_626 = vector.broadcast %shift_left3A_625 : i32 to vector<16xi32>
    %shift_left3A_627 = arith.shli %shift_right_arithmetic3A_624, %shift_left3A_626 : vector<16xi32>
    %shift_left3A_628 = arith.constant 2 : i32
    %shift_left3A_629 = vector.broadcast %shift_left3A_628 : i32 to vector<16xi32>
    %shift_left3A_630 = arith.shli %and3A_621, %shift_left3A_629 : vector<16xi32>
    %add3A_631 = arith.addi %shift_left3A_627, %shift_left3A_630 : vector<16xi32>
    %and3A_632 = arith.constant 3 : i32
    %and3A_633 = vector.broadcast %and3A_632 : i32 to vector<16xi32>
    %and3A_634 = arith.andi %shift_right_arithmetic3A_618, %and3A_633 : vector<16xi32>
    %add3A_635 = arith.addi %add3A_631, %and3A_634 : vector<16xi32>
    %swap3A_636 = arith.constant 2 : i32
    %swap3A_637 = arith.index_cast %swap3A_636 : i32 to index
    %swap3A_638 = arith.constant 50 : index
    %swap3A_639 = tpu.vector_load %arg6[%swap3A_637, %swap3A_638] {strides = array<i32>} : memref<256x100xi32, #tpu.memory_space<vmem>>, vector<16xi32>,
    tpu.vector_store %arg6[%swap3A_637, %swap3A_638], %add3A_635 {strides = array<i32>} : memref<256x100xi32, #tpu.memory_space<vmem>>, vector<16xi32>,
    %add3A_640 = arith.constant 16 : i32
    %add3A_641 = vector.broadcast %add3A_640 : i32 to vector<16xi32>
    %add3A_642 = arith.addi %iota3A, %add3A_641 : vector<16xi32>
    %broadcast_in_dim3A_643 = arith.constant 5 : i32
    %broadcast_in_dim3A_644 = vector.broadcast %broadcast_in_dim3A_643 : i32 to vector<16xi32>
    %gather3A_645 = tpu.vector_load_idx %arg5[%add3A_642, %broadcast_in_dim3A_644] : memref<50x512xi32, #tpu.memory_space<vmem>>[vector<16xi32>, vector<16xi32>], vector<16xi32>,
    %shift_right_arithmetic3A_646 = arith.constant 12 : i32
    %shift_right_arithmetic3A_647 = vector.broadcast %shift_right_arithmetic3A_646 : i32 to vector<16xi32>
    %shift_right_arithmetic3A_648 = arith.shrsi %gather3A_645, %shift_right_arithmetic3A_647 : vector<16xi32>
    %and3A_649 = arith.constant 4095 : i32
    %and3A_650 = vector.broadcast %and3A_649 : i32 to vector<16xi32>
    %and3A_651 = arith.andi %gather3A_645, %and3A_650 : vector<16xi32>
    %shift_right_arithmetic3A_652 = arith.constant 2 : i32
    %shift_right_arithmetic3A_653 = vector.broadcast %shift_right_arithmetic3A_652 : i32 to vector<16xi32>
    %shift_right_arithmetic3A_654 = arith.shrsi %shift_right_arithmetic3A_648, %shift_right_arithmetic3A_653 : vector<16xi32>
    %shift_left3A_655 = arith.constant 14 : i32
    %shift_left3A_656 = vector.broadcast %shift_left3A_655 : i32 to vector<16xi32>
    %shift_left3A_657 = arith.shli %shift_right_arithmetic3A_654, %shift_left3A_656 : vector<16xi32>
    %shift_left3A_658 = arith.constant 2 : i32
    %shift_left3A_659 = vector.broadcast %shift_left3A_658 : i32 to vector<16xi32>
    %shift_left3A_660 = arith.shli %and3A_651, %shift_left3A_659 : vector<16xi32>
    %add3A_661 = arith.addi %shift_left3A_657, %shift_left3A_660 : vector<16xi32>
    %and3A_662 = arith.constant 3 : i32
    %and3A_663 = vector.broadcast %and3A_662 : i32 to vector<16xi32>
    %and3A_664 = arith.andi %shift_right_arithmetic3A_648, %and3A_663 : vector<16xi32>
    %add3A_665 = arith.addi %add3A_661, %and3A_664 : vector<16xi32>
    %swap3A_666 = arith.constant 2 : i32
    %swap3A_667 = arith.index_cast %swap3A_666 : i32 to index
    %swap3A_668 = arith.constant 66 : index
    %swap3A_669 = tpu.vector_load %arg6[%swap3A_667, %swap3A_668] {strides = array<i32>} : memref<256x100xi32, #tpu.memory_space<vmem>>, vector<16xi32>,
    tpu.vector_store %arg6[%swap3A_667, %swap3A_668], %add3A_665 {strides = array<i32>} : memref<256x100xi32, #tpu.memory_space<vmem>>, vector<16xi32>,
    %add3A_670 = arith.constant 32 : i32
    %add3A_671 = vector.broadcast %add3A_670 : i32 to vector<16xi32>
    %add3A_672 = arith.addi %iota3A, %add3A_671 : vector<16xi32>
    %broadcast_in_dim3A_673 = arith.constant 5 : i32
    %broadcast_in_dim3A_674 = vector.broadcast %broadcast_in_dim3A_673 : i32 to vector<16xi32>
    %gather3A_675 = tpu.vector_load_idx %arg5[%add3A_672, %broadcast_in_dim3A_674] : memref<50x512xi32, #tpu.memory_space<vmem>>[vector<16xi32>, vector<16xi32>], vector<16xi32>,
    %shift_right_arithmetic3A_676 = arith.constant 12 : i32
    %shift_right_arithmetic3A_677 = vector.broadcast %shift_right_arithmetic3A_676 : i32 to vector<16xi32>
    %shift_right_arithmetic3A_678 = arith.shrsi %gather3A_675, %shift_right_arithmetic3A_677 : vector<16xi32>
    %and3A_679 = arith.constant 4095 : i32
    %and3A_680 = vector.broadcast %and3A_679 : i32 to vector<16xi32>
    %and3A_681 = arith.andi %gather3A_675, %and3A_680 : vector<16xi32>
    %shift_right_arithmetic3A_682 = arith.constant 2 : i32
    %shift_right_arithmetic3A_683 = vector.broadcast %shift_right_arithmetic3A_682 : i32 to vector<16xi32>
    %shift_right_arithmetic3A_684 = arith.shrsi %shift_right_arithmetic3A_678, %shift_right_arithmetic3A_683 : vector<16xi32>
    %shift_left3A_685 = arith.constant 14 : i32
    %shift_left3A_686 = vector.broadcast %shift_left3A_685 : i32 to vector<16xi32>
    %shift_left3A_687 = arith.shli %shift_right_arithmetic3A_684, %shift_left3A_686 : vector<16xi32>
    %shift_left3A_688 = arith.constant 2 : i32
    %shift_left3A_689 = vector.broadcast %shift_left3A_688 : i32 to vector<16xi32>
    %shift_left3A_690 = arith.shli %and3A_681, %shift_left3A_689 : vector<16xi32>
    %add3A_691 = arith.addi %shift_left3A_687, %shift_left3A_690 : vector<16xi32>
    %and3A_692 = arith.constant 3 : i32
    %and3A_693 = vector.broadcast %and3A_692 : i32 to vector<16xi32>
    %and3A_694 = arith.andi %shift_right_arithmetic3A_678, %and3A_693 : vector<16xi32>
    %add3A_695 = arith.addi %add3A_691, %and3A_694 : vector<16xi32>
    %swap3A_696 = arith.constant 2 : i32
    %swap3A_697 = arith.index_cast %swap3A_696 : i32 to index
    %swap3A_698 = arith.constant 82 : index
    %swap3A_699 = tpu.vector_load %arg6[%swap3A_697, %swap3A_698] {strides = array<i32>} : memref<256x100xi32, #tpu.memory_space<vmem>>, vector<16xi32>,
    tpu.vector_store %arg6[%swap3A_697, %swap3A_698], %add3A_695 {strides = array<i32>} : memref<256x100xi32, #tpu.memory_space<vmem>>, vector<16xi32>,
    %add3A_700 = arith.constant 34 : i32
    %add3A_701 = vector.broadcast %add3A_700 : i32 to vector<16xi32>
    %add3A_702 = arith.addi %iota3A, %add3A_701 : vector<16xi32>
    %broadcast_in_dim3A_703 = arith.constant 5 : i32
    %broadcast_in_dim3A_704 = vector.broadcast %broadcast_in_dim3A_703 : i32 to vector<16xi32>
    %gather3A_705 = tpu.vector_load_idx %arg5[%add3A_702, %broadcast_in_dim3A_704] : memref<50x512xi32, #tpu.memory_space<vmem>>[vector<16xi32>, vector<16xi32>], vector<16xi32>,
    %shift_right_arithmetic3A_706 = arith.constant 12 : i32
    %shift_right_arithmetic3A_707 = vector.broadcast %shift_right_arithmetic3A_706 : i32 to vector<16xi32>
    %shift_right_arithmetic3A_708 = arith.shrsi %gather3A_705, %shift_right_arithmetic3A_707 : vector<16xi32>
    %and3A_709 = arith.constant 4095 : i32
    %and3A_710 = vector.broadcast %and3A_709 : i32 to vector<16xi32>
    %and3A_711 = arith.andi %gather3A_705, %and3A_710 : vector<16xi32>
    %shift_right_arithmetic3A_712 = arith.constant 2 : i32
    %shift_right_arithmetic3A_713 = vector.broadcast %shift_right_arithmetic3A_712 : i32 to vector<16xi32>
    %shift_right_arithmetic3A_714 = arith.shrsi %shift_right_arithmetic3A_708, %shift_right_arithmetic3A_713 : vector<16xi32>
    %shift_left3A_715 = arith.constant 14 : i32
    %shift_left3A_716 = vector.broadcast %shift_left3A_715 : i32 to vector<16xi32>
    %shift_left3A_717 = arith.shli %shift_right_arithmetic3A_714, %shift_left3A_716 : vector<16xi32>
    %shift_left3A_718 = arith.constant 2 : i32
    %shift_left3A_719 = vector.broadcast %shift_left3A_718 : i32 to vector<16xi32>
    %shift_left3A_720 = arith.shli %and3A_711, %shift_left3A_719 : vector<16xi32>
    %add3A_721 = arith.addi %shift_left3A_717, %shift_left3A_720 : vector<16xi32>
    %and3A_722 = arith.constant 3 : i32
    %and3A_723 = vector.broadcast %and3A_722 : i32 to vector<16xi32>
    %and3A_724 = arith.andi %shift_right_arithmetic3A_708, %and3A_723 : vector<16xi32>
    %add3A_725 = arith.addi %add3A_721, %and3A_724 : vector<16xi32>
    %swap3A_726 = arith.constant 2 : i32
    %swap3A_727 = arith.index_cast %swap3A_726 : i32 to index
    %swap3A_728 = arith.constant 84 : index
    %swap3A_729 = tpu.vector_load %arg6[%swap3A_727, %swap3A_728] {strides = array<i32>} : memref<256x100xi32, #tpu.memory_space<vmem>>, vector<16xi32>,
    tpu.vector_store %arg6[%swap3A_727, %swap3A_728], %add3A_725 {strides = array<i32>} : memref<256x100xi32, #tpu.memory_space<vmem>>, vector<16xi32>,
    %dma_start3A_730 = arith.constant 2 : i32
    %dma_start3A_731 = arith.constant 0 : i32
    %dma_start3A_732 = tpu.memref_slice %arg6[%dma_start3A_730, %dma_start3A_731] : memref<256x100xi32, #tpu.memory_space<vmem>> -> memref<1x100xi32, #tpu.memory_space<vmem>>
    %dma_start3A_733 = tpu.memref_squeeze %dma_start3A_732 : memref<1x100xi32, #tpu.memory_space<vmem>> -> memref<100xi32, #tpu.memory_space<vmem>>
    %dma_start3A_734 = arith.constant 0 : i32
    %dma_start3A_735 = arith.constant 0 : i32
    %dma_start3A_736 = tpu.memref_slice %arg3[%dma_start3A_734, %dma_start3A_735] : memref<1015808x32xi32, #tpu.memory_space<hbm>> -> memref<1015808x32xi32, #tpu.memory_space<hbm>>
    tpu.enqueue_indirect_dma source(%dma_start3A_736 : memref<1015808x32xi32, #tpu.memory_space<hbm>>) target(%arg9 : memref<100x32xi32, #tpu.memory_space<vmem>>) offsets(%dma_start3A_733 : memref<100xi32, #tpu.memory_space<vmem>>) semaphore(%arg14 : memref<!tpu.dma_semaphore, #tpu.memory_space<semaphore_mem>>)
    %scan3A = arith.constant 0 : i32
    %scan3A_737 = arith.constant 0 : i32
    %scan3A_738 = arith.constant 64 : i32
    %scan3A_739 = arith.addi %scan3A_737, %scan3A_738 : i32
    %scan3A_740 = arith.constant 1 : i32
    scf.for %scan3A_744 = %scan3A_737 to %scan3A_739 step %scan3A_740  : i32 {
      %mul3A_745 = arith.constant 4 : i32
      %mul3A_746 = arith.muli %mul3A_745, %scan3A_744 : i32
      %add3A_747 = arith.constant 0 : i32
      %add3A_748 = arith.addi %mul3A_746, %add3A_747 : i32
      %add3A_749 = arith.constant 4 : i32
      %add3A_750 = arith.addi %add3A_748, %add3A_749 : i32
      %sub3A = arith.constant 1 : i32
      %sub3A_751 = arith.subi %add3A_750, %sub3A : i32
      %lt3A = arith.constant 256 : i32
      %lt3A_752 = arith.cmpi slt, %sub3A_751, %lt3A : i32
      %convert_element_type3A = arith.extui %lt3A_752 : i1 to i32
      %cond3A = arith.constant 0 : i32
      %cond3A_753 = arith.cmpi ne, %convert_element_type3A, %cond3A : i32
      scf.if %cond3A_753 {
        %mul3A_1050 = arith.constant 2 : i32
        %mul3A_1051 = arith.muli %mul3A_1050, %sub3A_751 : i32
        %add3A_1052 = arith.constant 0 : i32
        %add3A_1053 = arith.addi %mul3A_1051, %add3A_1052 : i32
        %add3A_1054 = arith.constant 0 : i32
        %add3A_1055 = vector.broadcast %add3A_1054 : i32 to vector<16xi32>
        %add3A_1056 = arith.addi %iota3A, %add3A_1055 : vector<16xi32>
        %broadcast_in_dim3A_1057 = vector.broadcast %add3A_1053 : i32 to vector<16xi32>
        %gather3A_1058 = tpu.vector_load_idx %arg5[%add3A_1056, %broadcast_in_dim3A_1057] : memref<50x512xi32, #tpu.memory_space<vmem>>[vector<16xi32>, vector<16xi32>], vector<16xi32>,
        %shift_right_arithmetic3A_1059 = arith.constant 12 : i32
        %shift_right_arithmetic3A_1060 = vector.broadcast %shift_right_arithmetic3A_1059 : i32 to vector<16xi32>
        %shift_right_arithmetic3A_1061 = arith.shrsi %gather3A_1058, %shift_right_arithmetic3A_1060 : vector<16xi32>
        %and3A_1062 = arith.constant 4095 : i32
        %and3A_1063 = vector.broadcast %and3A_1062 : i32 to vector<16xi32>
        %and3A_1064 = arith.andi %gather3A_1058, %and3A_1063 : vector<16xi32>
        %shift_right_arithmetic3A_1065 = arith.constant 2 : i32
        %shift_right_arithmetic3A_1066 = vector.broadcast %shift_right_arithmetic3A_1065 : i32 to vector<16xi32>
        %shift_right_arithmetic3A_1067 = arith.shrsi %shift_right_arithmetic3A_1061, %shift_right_arithmetic3A_1066 : vector<16xi32>
        %shift_left3A_1068 = arith.constant 14 : i32
        %shift_left3A_1069 = vector.broadcast %shift_left3A_1068 : i32 to vector<16xi32>
        %shift_left3A_1070 = arith.shli %shift_right_arithmetic3A_1067, %shift_left3A_1069 : vector<16xi32>
        %shift_left3A_1071 = arith.constant 2 : i32
        %shift_left3A_1072 = vector.broadcast %shift_left3A_1071 : i32 to vector<16xi32>
        %shift_left3A_1073 = arith.shli %and3A_1064, %shift_left3A_1072 : vector<16xi32>
        %add3A_1074 = arith.addi %shift_left3A_1070, %shift_left3A_1073 : vector<16xi32>
        %and3A_1075 = arith.constant 3 : i32
        %and3A_1076 = vector.broadcast %and3A_1075 : i32 to vector<16xi32>
        %and3A_1077 = arith.andi %shift_right_arithmetic3A_1061, %and3A_1076 : vector<16xi32>
        %add3A_1078 = arith.addi %add3A_1074, %and3A_1077 : vector<16xi32>
        %swap3A_1079 = arith.index_cast %sub3A_751 : i32 to index
        %swap3A_1080 = arith.constant 0 : index
        %swap3A_1081 = tpu.vector_load %arg6[%swap3A_1079, %swap3A_1080] {strides = array<i32>} : memref<256x100xi32, #tpu.memory_space<vmem>>, vector<16xi32>,
        tpu.vector_store %arg6[%swap3A_1079, %swap3A_1080], %add3A_1078 {strides = array<i32>} : memref<256x100xi32, #tpu.memory_space<vmem>>, vector<16xi32>,
        %add3A_1082 = arith.constant 16 : i32
        %add3A_1083 = vector.broadcast %add3A_1082 : i32 to vector<16xi32>
        %add3A_1084 = arith.addi %iota3A, %add3A_1083 : vector<16xi32>
        %broadcast_in_dim3A_1085 = vector.broadcast %add3A_1053 : i32 to vector<16xi32>
        %gather3A_1086 = tpu.vector_load_idx %arg5[%add3A_1084, %broadcast_in_dim3A_1085] : memref<50x512xi32, #tpu.memory_space<vmem>>[vector<16xi32>, vector<16xi32>], vector<16xi32>,
        %shift_right_arithmetic3A_1087 = arith.constant 12 : i32
        %shift_right_arithmetic3A_1088 = vector.broadcast %shift_right_arithmetic3A_1087 : i32 to vector<16xi32>
        %shift_right_arithmetic3A_1089 = arith.shrsi %gather3A_1086, %shift_right_arithmetic3A_1088 : vector<16xi32>
        %and3A_1090 = arith.constant 4095 : i32
        %and3A_1091 = vector.broadcast %and3A_1090 : i32 to vector<16xi32>
        %and3A_1092 = arith.andi %gather3A_1086, %and3A_1091 : vector<16xi32>
        %shift_right_arithmetic3A_1093 = arith.constant 2 : i32
        %shift_right_arithmetic3A_1094 = vector.broadcast %shift_right_arithmetic3A_1093 : i32 to vector<16xi32>
        %shift_right_arithmetic3A_1095 = arith.shrsi %shift_right_arithmetic3A_1089, %shift_right_arithmetic3A_1094 : vector<16xi32>
        %shift_left3A_1096 = arith.constant 14 : i32
        %shift_left3A_1097 = vector.broadcast %shift_left3A_1096 : i32 to vector<16xi32>
        %shift_left3A_1098 = arith.shli %shift_right_arithmetic3A_1095, %shift_left3A_1097 : vector<16xi32>
        %shift_left3A_1099 = arith.constant 2 : i32
        %shift_left3A_1100 = vector.broadcast %shift_left3A_1099 : i32 to vector<16xi32>
        %shift_left3A_1101 = arith.shli %and3A_1092, %shift_left3A_1100 : vector<16xi32>
        %add3A_1102 = arith.addi %shift_left3A_1098, %shift_left3A_1101 : vector<16xi32>
        %and3A_1103 = arith.constant 3 : i32
        %and3A_1104 = vector.broadcast %and3A_1103 : i32 to vector<16xi32>
        %and3A_1105 = arith.andi %shift_right_arithmetic3A_1089, %and3A_1104 : vector<16xi32>
        %add3A_1106 = arith.addi %add3A_1102, %and3A_1105 : vector<16xi32>
        %swap3A_1107 = arith.index_cast %sub3A_751 : i32 to index
        %swap3A_1108 = arith.constant 16 : index
        %swap3A_1109 = tpu.vector_load %arg6[%swap3A_1107, %swap3A_1108] {strides = array<i32>} : memref<256x100xi32, #tpu.memory_space<vmem>>, vector<16xi32>,
        tpu.vector_store %arg6[%swap3A_1107, %swap3A_1108], %add3A_1106 {strides = array<i32>} : memref<256x100xi32, #tpu.memory_space<vmem>>, vector<16xi32>,
        %add3A_1110 = arith.constant 32 : i32
        %add3A_1111 = vector.broadcast %add3A_1110 : i32 to vector<16xi32>
        %add3A_1112 = arith.addi %iota3A, %add3A_1111 : vector<16xi32>
        %broadcast_in_dim3A_1113 = vector.broadcast %add3A_1053 : i32 to vector<16xi32>
        %gather3A_1114 = tpu.vector_load_idx %arg5[%add3A_1112, %broadcast_in_dim3A_1113] : memref<50x512xi32, #tpu.memory_space<vmem>>[vector<16xi32>, vector<16xi32>], vector<16xi32>,
        %shift_right_arithmetic3A_1115 = arith.constant 12 : i32
        %shift_right_arithmetic3A_1116 = vector.broadcast %shift_right_arithmetic3A_1115 : i32 to vector<16xi32>
        %shift_right_arithmetic3A_1117 = arith.shrsi %gather3A_1114, %shift_right_arithmetic3A_1116 : vector<16xi32>
        %and3A_1118 = arith.constant 4095 : i32
        %and3A_1119 = vector.broadcast %and3A_1118 : i32 to vector<16xi32>
        %and3A_1120 = arith.andi %gather3A_1114, %and3A_1119 : vector<16xi32>
        %shift_right_arithmetic3A_1121 = arith.constant 2 : i32
        %shift_right_arithmetic3A_1122 = vector.broadcast %shift_right_arithmetic3A_1121 : i32 to vector<16xi32>
        %shift_right_arithmetic3A_1123 = arith.shrsi %shift_right_arithmetic3A_1117, %shift_right_arithmetic3A_1122 : vector<16xi32>
        %shift_left3A_1124 = arith.constant 14 : i32
        %shift_left3A_1125 = vector.broadcast %shift_left3A_1124 : i32 to vector<16xi32>
        %shift_left3A_1126 = arith.shli %shift_right_arithmetic3A_1123, %shift_left3A_1125 : vector<16xi32>
        %shift_left3A_1127 = arith.constant 2 : i32
        %shift_left3A_1128 = vector.broadcast %shift_left3A_1127 : i32 to vector<16xi32>
        %shift_left3A_1129 = arith.shli %and3A_1120, %shift_left3A_1128 : vector<16xi32>
        %add3A_1130 = arith.addi %shift_left3A_1126, %shift_left3A_1129 : vector<16xi32>
        %and3A_1131 = arith.constant 3 : i32
        %and3A_1132 = vector.broadcast %and3A_1131 : i32 to vector<16xi32>
        %and3A_1133 = arith.andi %shift_right_arithmetic3A_1117, %and3A_1132 : vector<16xi32>
        %add3A_1134 = arith.addi %add3A_1130, %and3A_1133 : vector<16xi32>
        %swap3A_1135 = arith.index_cast %sub3A_751 : i32 to index
        %swap3A_1136 = arith.constant 32 : index
        %swap3A_1137 = tpu.vector_load %arg6[%swap3A_1135, %swap3A_1136] {strides = array<i32>} : memref<256x100xi32, #tpu.memory_space<vmem>>, vector<16xi32>,
        tpu.vector_store %arg6[%swap3A_1135, %swap3A_1136], %add3A_1134 {strides = array<i32>} : memref<256x100xi32, #tpu.memory_space<vmem>>, vector<16xi32>,
        %add3A_1138 = arith.constant 34 : i32
        %add3A_1139 = vector.broadcast %add3A_1138 : i32 to vector<16xi32>
        %add3A_1140 = arith.addi %iota3A, %add3A_1139 : vector<16xi32>
        %broadcast_in_dim3A_1141 = vector.broadcast %add3A_1053 : i32 to vector<16xi32>
        %gather3A_1142 = tpu.vector_load_idx %arg5[%add3A_1140, %broadcast_in_dim3A_1141] : memref<50x512xi32, #tpu.memory_space<vmem>>[vector<16xi32>, vector<16xi32>], vector<16xi32>,
        %shift_right_arithmetic3A_1143 = arith.constant 12 : i32
        %shift_right_arithmetic3A_1144 = vector.broadcast %shift_right_arithmetic3A_1143 : i32 to vector<16xi32>
        %shift_right_arithmetic3A_1145 = arith.shrsi %gather3A_1142, %shift_right_arithmetic3A_1144 : vector<16xi32>
        %and3A_1146 = arith.constant 4095 : i32
        %and3A_1147 = vector.broadcast %and3A_1146 : i32 to vector<16xi32>
        %and3A_1148 = arith.andi %gather3A_1142, %and3A_1147 : vector<16xi32>
        %shift_right_arithmetic3A_1149 = arith.constant 2 : i32
        %shift_right_arithmetic3A_1150 = vector.broadcast %shift_right_arithmetic3A_1149 : i32 to vector<16xi32>
        %shift_right_arithmetic3A_1151 = arith.shrsi %shift_right_arithmetic3A_1145, %shift_right_arithmetic3A_1150 : vector<16xi32>
        %shift_left3A_1152 = arith.constant 14 : i32
        %shift_left3A_1153 = vector.broadcast %shift_left3A_1152 : i32 to vector<16xi32>
        %shift_left3A_1154 = arith.shli %shift_right_arithmetic3A_1151, %shift_left3A_1153 : vector<16xi32>
        %shift_left3A_1155 = arith.constant 2 : i32
        %shift_left3A_1156 = vector.broadcast %shift_left3A_1155 : i32 to vector<16xi32>
        %shift_left3A_1157 = arith.shli %and3A_1148, %shift_left3A_1156 : vector<16xi32>
        %add3A_1158 = arith.addi %shift_left3A_1154, %shift_left3A_1157 : vector<16xi32>
        %and3A_1159 = arith.constant 3 : i32
        %and3A_1160 = vector.broadcast %and3A_1159 : i32 to vector<16xi32>
        %and3A_1161 = arith.andi %shift_right_arithmetic3A_1145, %and3A_1160 : vector<16xi32>
        %add3A_1162 = arith.addi %add3A_1158, %and3A_1161 : vector<16xi32>
        %swap3A_1163 = arith.index_cast %sub3A_751 : i32 to index
        %swap3A_1164 = arith.constant 34 : index
        %swap3A_1165 = tpu.vector_load %arg6[%swap3A_1163, %swap3A_1164] {strides = array<i32>} : memref<256x100xi32, #tpu.memory_space<vmem>>, vector<16xi32>,
        tpu.vector_store %arg6[%swap3A_1163, %swap3A_1164], %add3A_1162 {strides = array<i32>} : memref<256x100xi32, #tpu.memory_space<vmem>>, vector<16xi32>,
        %mul3A_1166 = arith.constant 2 : i32
        %mul3A_1167 = arith.muli %mul3A_1166, %sub3A_751 : i32
        %add3A_1168 = arith.constant 1 : i32
        %add3A_1169 = arith.addi %mul3A_1167, %add3A_1168 : i32
        %add3A_1170 = arith.constant 0 : i32
        %add3A_1171 = vector.broadcast %add3A_1170 : i32 to vector<16xi32>
        %add3A_1172 = arith.addi %iota3A, %add3A_1171 : vector<16xi32>
        %broadcast_in_dim3A_1173 = vector.broadcast %add3A_1169 : i32 to vector<16xi32>
        %gather3A_1174 = tpu.vector_load_idx %arg5[%add3A_1172, %broadcast_in_dim3A_1173] : memref<50x512xi32, #tpu.memory_space<vmem>>[vector<16xi32>, vector<16xi32>], vector<16xi32>,
        %shift_right_arithmetic3A_1175 = arith.constant 12 : i32
        %shift_right_arithmetic3A_1176 = vector.broadcast %shift_right_arithmetic3A_1175 : i32 to vector<16xi32>
        %shift_right_arithmetic3A_1177 = arith.shrsi %gather3A_1174, %shift_right_arithmetic3A_1176 : vector<16xi32>
        %and3A_1178 = arith.constant 4095 : i32
        %and3A_1179 = vector.broadcast %and3A_1178 : i32 to vector<16xi32>
        %and3A_1180 = arith.andi %gather3A_1174, %and3A_1179 : vector<16xi32>
        %shift_right_arithmetic3A_1181 = arith.constant 2 : i32
        %shift_right_arithmetic3A_1182 = vector.broadcast %shift_right_arithmetic3A_1181 : i32 to vector<16xi32>
        %shift_right_arithmetic3A_1183 = arith.shrsi %shift_right_arithmetic3A_1177, %shift_right_arithmetic3A_1182 : vector<16xi32>
        %shift_left3A_1184 = arith.constant 14 : i32
        %shift_left3A_1185 = vector.broadcast %shift_left3A_1184 : i32 to vector<16xi32>
        %shift_left3A_1186 = arith.shli %shift_right_arithmetic3A_1183, %shift_left3A_1185 : vector<16xi32>
        %shift_left3A_1187 = arith.constant 2 : i32
        %shift_left3A_1188 = vector.broadcast %shift_left3A_1187 : i32 to vector<16xi32>
        %shift_left3A_1189 = arith.shli %and3A_1180, %shift_left3A_1188 : vector<16xi32>
        %add3A_1190 = arith.addi %shift_left3A_1186, %shift_left3A_1189 : vector<16xi32>
        %and3A_1191 = arith.constant 3 : i32
        %and3A_1192 = vector.broadcast %and3A_1191 : i32 to vector<16xi32>
        %and3A_1193 = arith.andi %shift_right_arithmetic3A_1177, %and3A_1192 : vector<16xi32>
        %add3A_1194 = arith.addi %add3A_1190, %and3A_1193 : vector<16xi32>
        %swap3A_1195 = arith.index_cast %sub3A_751 : i32 to index
        %swap3A_1196 = arith.constant 50 : index
        %swap3A_1197 = tpu.vector_load %arg6[%swap3A_1195, %swap3A_1196] {strides = array<i32>} : memref<256x100xi32, #tpu.memory_space<vmem>>, vector<16xi32>,
        tpu.vector_store %arg6[%swap3A_1195, %swap3A_1196], %add3A_1194 {strides = array<i32>} : memref<256x100xi32, #tpu.memory_space<vmem>>, vector<16xi32>,
        %add3A_1198 = arith.constant 16 : i32
        %add3A_1199 = vector.broadcast %add3A_1198 : i32 to vector<16xi32>
        %add3A_1200 = arith.addi %iota3A, %add3A_1199 : vector<16xi32>
        %broadcast_in_dim3A_1201 = vector.broadcast %add3A_1169 : i32 to vector<16xi32>
        %gather3A_1202 = tpu.vector_load_idx %arg5[%add3A_1200, %broadcast_in_dim3A_1201] : memref<50x512xi32, #tpu.memory_space<vmem>>[vector<16xi32>, vector<16xi32>], vector<16xi32>,
        %shift_right_arithmetic3A_1203 = arith.constant 12 : i32
        %shift_right_arithmetic3A_1204 = vector.broadcast %shift_right_arithmetic3A_1203 : i32 to vector<16xi32>
        %shift_right_arithmetic3A_1205 = arith.shrsi %gather3A_1202, %shift_right_arithmetic3A_1204 : vector<16xi32>
        %and3A_1206 = arith.constant 4095 : i32
        %and3A_1207 = vector.broadcast %and3A_1206 : i32 to vector<16xi32>
        %and3A_1208 = arith.andi %gather3A_1202, %and3A_1207 : vector<16xi32>
        %shift_right_arithmetic3A_1209 = arith.constant 2 : i32
        %shift_right_arithmetic3A_1210 = vector.broadcast %shift_right_arithmetic3A_1209 : i32 to vector<16xi32>
        %shift_right_arithmetic3A_1211 = arith.shrsi %shift_right_arithmetic3A_1205, %shift_right_arithmetic3A_1210 : vector<16xi32>
        %shift_left3A_1212 = arith.constant 14 : i32
        %shift_left3A_1213 = vector.broadcast %shift_left3A_1212 : i32 to vector<16xi32>
        %shift_left3A_1214 = arith.shli %shift_right_arithmetic3A_1211, %shift_left3A_1213 : vector<16xi32>
        %shift_left3A_1215 = arith.constant 2 : i32
        %shift_left3A_1216 = vector.broadcast %shift_left3A_1215 : i32 to vector<16xi32>
        %shift_left3A_1217 = arith.shli %and3A_1208, %shift_left3A_1216 : vector<16xi32>
        %add3A_1218 = arith.addi %shift_left3A_1214, %shift_left3A_1217 : vector<16xi32>
        %and3A_1219 = arith.constant 3 : i32
        %and3A_1220 = vector.broadcast %and3A_1219 : i32 to vector<16xi32>
        %and3A_1221 = arith.andi %shift_right_arithmetic3A_1205, %and3A_1220 : vector<16xi32>
        %add3A_1222 = arith.addi %add3A_1218, %and3A_1221 : vector<16xi32>
        %swap3A_1223 = arith.index_cast %sub3A_751 : i32 to index
        %swap3A_1224 = arith.constant 66 : index
        %swap3A_1225 = tpu.vector_load %arg6[%swap3A_1223, %swap3A_1224] {strides = array<i32>} : memref<256x100xi32, #tpu.memory_space<vmem>>, vector<16xi32>,
        tpu.vector_store %arg6[%swap3A_1223, %swap3A_1224], %add3A_1222 {strides = array<i32>} : memref<256x100xi32, #tpu.memory_space<vmem>>, vector<16xi32>,
        %add3A_1226 = arith.constant 32 : i32
        %add3A_1227 = vector.broadcast %add3A_1226 : i32 to vector<16xi32>
        %add3A_1228 = arith.addi %iota3A, %add3A_1227 : vector<16xi32>
        %broadcast_in_dim3A_1229 = vector.broadcast %add3A_1169 : i32 to vector<16xi32>
        %gather3A_1230 = tpu.vector_load_idx %arg5[%add3A_1228, %broadcast_in_dim3A_1229] : memref<50x512xi32, #tpu.memory_space<vmem>>[vector<16xi32>, vector<16xi32>], vector<16xi32>,
        %shift_right_arithmetic3A_1231 = arith.constant 12 : i32
        %shift_right_arithmetic3A_1232 = vector.broadcast %shift_right_arithmetic3A_1231 : i32 to vector<16xi32>
        %shift_right_arithmetic3A_1233 = arith.shrsi %gather3A_1230, %shift_right_arithmetic3A_1232 : vector<16xi32>
        %and3A_1234 = arith.constant 4095 : i32
        %and3A_1235 = vector.broadcast %and3A_1234 : i32 to vector<16xi32>
        %and3A_1236 = arith.andi %gather3A_1230, %and3A_1235 : vector<16xi32>
        %shift_right_arithmetic3A_1237 = arith.constant 2 : i32
        %shift_right_arithmetic3A_1238 = vector.broadcast %shift_right_arithmetic3A_1237 : i32 to vector<16xi32>
        %shift_right_arithmetic3A_1239 = arith.shrsi %shift_right_arithmetic3A_1233, %shift_right_arithmetic3A_1238 : vector<16xi32>
        %shift_left3A_1240 = arith.constant 14 : i32
        %shift_left3A_1241 = vector.broadcast %shift_left3A_1240 : i32 to vector<16xi32>
        %shift_left3A_1242 = arith.shli %shift_right_arithmetic3A_1239, %shift_left3A_1241 : vector<16xi32>
        %shift_left3A_1243 = arith.constant 2 : i32
        %shift_left3A_1244 = vector.broadcast %shift_left3A_1243 : i32 to vector<16xi32>
        %shift_left3A_1245 = arith.shli %and3A_1236, %shift_left3A_1244 : vector<16xi32>
        %add3A_1246 = arith.addi %shift_left3A_1242, %shift_left3A_1245 : vector<16xi32>
        %and3A_1247 = arith.constant 3 : i32
        %and3A_1248 = vector.broadcast %and3A_1247 : i32 to vector<16xi32>
        %and3A_1249 = arith.andi %shift_right_arithmetic3A_1233, %and3A_1248 : vector<16xi32>
        %add3A_1250 = arith.addi %add3A_1246, %and3A_1249 : vector<16xi32>
        %swap3A_1251 = arith.index_cast %sub3A_751 : i32 to index
        %swap3A_1252 = arith.constant 82 : index
        %swap3A_1253 = tpu.vector_load %arg6[%swap3A_1251, %swap3A_1252] {strides = array<i32>} : memref<256x100xi32, #tpu.memory_space<vmem>>, vector<16xi32>,
        tpu.vector_store %arg6[%swap3A_1251, %swap3A_1252], %add3A_1250 {strides = array<i32>} : memref<256x100xi32, #tpu.memory_space<vmem>>, vector<16xi32>,
        %add3A_1254 = arith.constant 34 : i32
        %add3A_1255 = vector.broadcast %add3A_1254 : i32 to vector<16xi32>
        %add3A_1256 = arith.addi %iota3A, %add3A_1255 : vector<16xi32>
        %broadcast_in_dim3A_1257 = vector.broadcast %add3A_1169 : i32 to vector<16xi32>
        %gather3A_1258 = tpu.vector_load_idx %arg5[%add3A_1256, %broadcast_in_dim3A_1257] : memref<50x512xi32, #tpu.memory_space<vmem>>[vector<16xi32>, vector<16xi32>], vector<16xi32>,
        %shift_right_arithmetic3A_1259 = arith.constant 12 : i32
        %shift_right_arithmetic3A_1260 = vector.broadcast %shift_right_arithmetic3A_1259 : i32 to vector<16xi32>
        %shift_right_arithmetic3A_1261 = arith.shrsi %gather3A_1258, %shift_right_arithmetic3A_1260 : vector<16xi32>
        %and3A_1262 = arith.constant 4095 : i32
        %and3A_1263 = vector.broadcast %and3A_1262 : i32 to vector<16xi32>
        %and3A_1264 = arith.andi %gather3A_1258, %and3A_1263 : vector<16xi32>
        %shift_right_arithmetic3A_1265 = arith.constant 2 : i32
        %shift_right_arithmetic3A_1266 = vector.broadcast %shift_right_arithmetic3A_1265 : i32 to vector<16xi32>
        %shift_right_arithmetic3A_1267 = arith.shrsi %shift_right_arithmetic3A_1261, %shift_right_arithmetic3A_1266 : vector<16xi32>
        %shift_left3A_1268 = arith.constant 14 : i32
        %shift_left3A_1269 = vector.broadcast %shift_left3A_1268 : i32 to vector<16xi32>
        %shift_left3A_1270 = arith.shli %shift_right_arithmetic3A_1267, %shift_left3A_1269 : vector<16xi32>
        %shift_left3A_1271 = arith.constant 2 : i32
        %shift_left3A_1272 = vector.broadcast %shift_left3A_1271 : i32 to vector<16xi32>
        %shift_left3A_1273 = arith.shli %and3A_1264, %shift_left3A_1272 : vector<16xi32>
        %add3A_1274 = arith.addi %shift_left3A_1270, %shift_left3A_1273 : vector<16xi32>
        %and3A_1275 = arith.constant 3 : i32
        %and3A_1276 = vector.broadcast %and3A_1275 : i32 to vector<16xi32>
        %and3A_1277 = arith.andi %shift_right_arithmetic3A_1261, %and3A_1276 : vector<16xi32>
        %add3A_1278 = arith.addi %add3A_1274, %and3A_1277 : vector<16xi32>
        %swap3A_1279 = arith.index_cast %sub3A_751 : i32 to index
        %swap3A_1280 = arith.constant 84 : index
        %swap3A_1281 = tpu.vector_load %arg6[%swap3A_1279, %swap3A_1280] {strides = array<i32>} : memref<256x100xi32, #tpu.memory_space<vmem>>, vector<16xi32>,
        tpu.vector_store %arg6[%swap3A_1279, %swap3A_1280], %add3A_1278 {strides = array<i32>} : memref<256x100xi32, #tpu.memory_space<vmem>>, vector<16xi32>,
        %dma_start3A_1282 = arith.constant 0 : i32
        %dma_start3A_1283 = tpu.memref_slice %arg6[%sub3A_751, %dma_start3A_1282] : memref<256x100xi32, #tpu.memory_space<vmem>> -> memref<1x100xi32, #tpu.memory_space<vmem>>
        %dma_start3A_1284 = tpu.memref_squeeze %dma_start3A_1283 : memref<1x100xi32, #tpu.memory_space<vmem>> -> memref<100xi32, #tpu.memory_space<vmem>>
        %dma_start3A_1285 = arith.constant 0 : i32
        %dma_start3A_1286 = arith.constant 0 : i32
        %dma_start3A_1287 = tpu.memref_slice %arg3[%dma_start3A_1285, %dma_start3A_1286] : memref<1015808x32xi32, #tpu.memory_space<hbm>> -> memref<1015808x32xi32, #tpu.memory_space<hbm>>
        tpu.enqueue_indirect_dma source(%dma_start3A_1287 : memref<1015808x32xi32, #tpu.memory_space<hbm>>) target(%arg10 : memref<100x32xi32, #tpu.memory_space<vmem>>) offsets(%dma_start3A_1284 : memref<100xi32, #tpu.memory_space<vmem>>) semaphore(%arg15 : memref<!tpu.dma_semaphore, #tpu.memory_space<semaphore_mem>>)
      } else {
      }
      %dma_wait3A = arith.constant 0 : i32
      %dma_wait3A_754 = tpu.memref_slice %arg6[%add3A_748, %dma_wait3A] : memref<256x100xi32, #tpu.memory_space<vmem>> -> memref<1x100xi32, #tpu.memory_space<vmem>>
      %dma_wait3A_755 = tpu.memref_squeeze %dma_wait3A_754 : memref<1x100xi32, #tpu.memory_space<vmem>> -> memref<100xi32, #tpu.memory_space<vmem>>
      %dma_wait3A_756 = arith.constant 0 : i32
      %dma_wait3A_757 = arith.constant 0 : i32
      %dma_wait3A_758 = tpu.memref_slice %arg3[%dma_wait3A_756, %dma_wait3A_757] : memref<1015808x32xi32, #tpu.memory_space<hbm>> -> memref<1015808x32xi32, #tpu.memory_space<hbm>>
      tpu.wait_indirect_dma semaphore(%arg12 : memref<!tpu.dma_semaphore, #tpu.memory_space<semaphore_mem>>) src(%dma_wait3A_758 : memref<1015808x32xi32, #tpu.memory_space<hbm>>) dst(%arg7 : memref<100x32xi32, #tpu.memory_space<vmem>>)
      %mul3A_759 = arith.constant 2 : i32
      %mul3A_760 = arith.muli %add3A_748, %mul3A_759 : i32
      %broadcast_in_dim3A_761 = arith.constant 0.000000e+00 : bf16
      %broadcast_in_dim3A_762 = vector.broadcast %broadcast_in_dim3A_761 : bf16 to vector<32xbf16>
      %broadcast_in_dim3A_763 = arith.constant 0.000000e+00 : f32
      %broadcast_in_dim3A_764 = vector.broadcast %broadcast_in_dim3A_763 : f32 to vector<16xf32>
      %scan3A_765 = arith.constant 0 : i32
      %scan3A_766 = arith.constant 10 : i32
      %scan3A_767 = arith.addi %scan3A_765, %scan3A_766 : i32
      %scan3A_768 = arith.constant 1 : i32
      %scan3A_769:4 = scf.for %scan3A_1050 = %scan3A_765 to %scan3A_767 step %scan3A_768 iter_args(%scan3A_1051 = %broadcast_in_dim3A_764, %scan3A_1052 = %broadcast_in_dim3A_764, %scan3A_1053 = %broadcast_in_dim3A_764, %scan3A_1054 = %broadcast_in_dim3A_764) -> (vector<16xf32>, vector<16xf32>, vector<16xf32>, vector<16xf32>)  : i32 {
        %mul3A_1055 = arith.constant 5 : i32
        %mul3A_1056 = arith.muli %scan3A_1050, %mul3A_1055 : i32
        %add3A_1057 = arith.constant 0 : i32
        %add3A_1058 = arith.addi %add3A_1057, %mul3A_1056 : i32
        %add3A_1059 = arith.constant 0 : i32
        %add3A_1060 = arith.addi %add3A_1058, %add3A_1059 : i32
        %get3A = arith.index_cast %add3A_1060 : i32 to index
        %get3A_1061 = arith.constant 0 : index
        %get3A_1062 = tpu.vector_load %arg7[%get3A, %get3A_1061] {strides = array<i32>} : memref<100x32xi32, #tpu.memory_space<vmem>>, vector<16xi32>,
        %bitcast3A = vector.bitcast %get3A_1062 : vector<16xi32> to vector<32xbf16>
        %add3A_1063 = arith.addf %broadcast_in_dim3A_762, %bitcast3A : vector<32xbf16>
        %get3A_1064 = arith.index_cast %add3A_1060 : i32 to index
        %get3A_1065 = arith.constant 16 : index
        %get3A_1066 = tpu.vector_load %arg7[%get3A_1064, %get3A_1065] {strides = array<i32>} : memref<100x32xi32, #tpu.memory_space<vmem>>, vector<16xi32>,
        %bitcast3A_1067 = vector.bitcast %get3A_1066 : vector<16xi32> to vector<32xbf16>
        %add3A_1068 = arith.addf %broadcast_in_dim3A_762, %bitcast3A_1067 : vector<32xbf16>
        %mul3A_1069 = arith.constant 5 : i32
        %mul3A_1070 = arith.muli %scan3A_1050, %mul3A_1069 : i32
        %add3A_1071 = arith.constant 0 : i32
        %add3A_1072 = arith.addi %add3A_1071, %mul3A_1070 : i32
        %add3A_1073 = arith.constant 1 : i32
        %add3A_1074 = arith.addi %add3A_1072, %add3A_1073 : i32
        %get3A_1075 = arith.index_cast %add3A_1074 : i32 to index
        %get3A_1076 = arith.constant 0 : index
        %get3A_1077 = tpu.vector_load %arg7[%get3A_1075, %get3A_1076] {strides = array<i32>} : memref<100x32xi32, #tpu.memory_space<vmem>>, vector<16xi32>,
        %bitcast3A_1078 = vector.bitcast %get3A_1077 : vector<16xi32> to vector<32xbf16>
        %add3A_1079 = arith.addf %add3A_1063, %bitcast3A_1078 : vector<32xbf16>
        %get3A_1080 = arith.index_cast %add3A_1074 : i32 to index
        %get3A_1081 = arith.constant 16 : index
        %get3A_1082 = tpu.vector_load %arg7[%get3A_1080, %get3A_1081] {strides = array<i32>} : memref<100x32xi32, #tpu.memory_space<vmem>>, vector<16xi32>,
        %bitcast3A_1083 = vector.bitcast %get3A_1082 : vector<16xi32> to vector<32xbf16>
        %add3A_1084 = arith.addf %add3A_1068, %bitcast3A_1083 : vector<32xbf16>
        %mul3A_1085 = arith.constant 5 : i32
        %mul3A_1086 = arith.muli %scan3A_1050, %mul3A_1085 : i32
        %add3A_1087 = arith.constant 0 : i32
        %add3A_1088 = arith.addi %add3A_1087, %mul3A_1086 : i32
        %add3A_1089 = arith.constant 2 : i32
        %add3A_1090 = arith.addi %add3A_1088, %add3A_1089 : i32
        %get3A_1091 = arith.index_cast %add3A_1090 : i32 to index
        %get3A_1092 = arith.constant 0 : index
        %get3A_1093 = tpu.vector_load %arg7[%get3A_1091, %get3A_1092] {strides = array<i32>} : memref<100x32xi32, #tpu.memory_space<vmem>>, vector<16xi32>,
        %bitcast3A_1094 = vector.bitcast %get3A_1093 : vector<16xi32> to vector<32xbf16>
        %add3A_1095 = arith.addf %add3A_1079, %bitcast3A_1094 : vector<32xbf16>
        %get3A_1096 = arith.index_cast %add3A_1090 : i32 to index
        %get3A_1097 = arith.constant 16 : index
        %get3A_1098 = tpu.vector_load %arg7[%get3A_1096, %get3A_1097] {strides = array<i32>} : memref<100x32xi32, #tpu.memory_space<vmem>>, vector<16xi32>,
        %bitcast3A_1099 = vector.bitcast %get3A_1098 : vector<16xi32> to vector<32xbf16>
        %add3A_1100 = arith.addf %add3A_1084, %bitcast3A_1099 : vector<32xbf16>
        %mul3A_1101 = arith.constant 5 : i32
        %mul3A_1102 = arith.muli %scan3A_1050, %mul3A_1101 : i32
        %add3A_1103 = arith.constant 0 : i32
        %add3A_1104 = arith.addi %add3A_1103, %mul3A_1102 : i32
        %add3A_1105 = arith.constant 3 : i32
        %add3A_1106 = arith.addi %add3A_1104, %add3A_1105 : i32
        %get3A_1107 = arith.index_cast %add3A_1106 : i32 to index
        %get3A_1108 = arith.constant 0 : index
        %get3A_1109 = tpu.vector_load %arg7[%get3A_1107, %get3A_1108] {strides = array<i32>} : memref<100x32xi32, #tpu.memory_space<vmem>>, vector<16xi32>,
        %bitcast3A_1110 = vector.bitcast %get3A_1109 : vector<16xi32> to vector<32xbf16>
        %add3A_1111 = arith.addf %add3A_1095, %bitcast3A_1110 : vector<32xbf16>
        %get3A_1112 = arith.index_cast %add3A_1106 : i32 to index
        %get3A_1113 = arith.constant 16 : index
        %get3A_1114 = tpu.vector_load %arg7[%get3A_1112, %get3A_1113] {strides = array<i32>} : memref<100x32xi32, #tpu.memory_space<vmem>>, vector<16xi32>,
        %bitcast3A_1115 = vector.bitcast %get3A_1114 : vector<16xi32> to vector<32xbf16>
        %add3A_1116 = arith.addf %add3A_1100, %bitcast3A_1115 : vector<32xbf16>
        %mul3A_1117 = arith.constant 5 : i32
        %mul3A_1118 = arith.muli %scan3A_1050, %mul3A_1117 : i32
        %add3A_1119 = arith.constant 0 : i32
        %add3A_1120 = arith.addi %add3A_1119, %mul3A_1118 : i32
        %add3A_1121 = arith.constant 4 : i32
        %add3A_1122 = arith.addi %add3A_1120, %add3A_1121 : i32
        %get3A_1123 = arith.index_cast %add3A_1122 : i32 to index
        %get3A_1124 = arith.constant 0 : index
        %get3A_1125 = tpu.vector_load %arg7[%get3A_1123, %get3A_1124] {strides = array<i32>} : memref<100x32xi32, #tpu.memory_space<vmem>>, vector<16xi32>,
        %bitcast3A_1126 = vector.bitcast %get3A_1125 : vector<16xi32> to vector<32xbf16>
        %add3A_1127 = arith.addf %add3A_1111, %bitcast3A_1126 : vector<32xbf16>
        %get3A_1128 = arith.index_cast %add3A_1122 : i32 to index
        %get3A_1129 = arith.constant 16 : index
        %get3A_1130 = tpu.vector_load %arg7[%get3A_1128, %get3A_1129] {strides = array<i32>} : memref<100x32xi32, #tpu.memory_space<vmem>>, vector<16xi32>,
        %bitcast3A_1131 = vector.bitcast %get3A_1130 : vector<16xi32> to vector<32xbf16>
        %add3A_1132 = arith.addf %add3A_1116, %bitcast3A_1131 : vector<32xbf16>
        %unpack3A = tpu.unpack_subelements %add3A_1127, 0 {pack_format = #tpu.pack_format<interleaved>} : vector<32xbf16> -> vector<16xf32>
        %unpack3A_1133 = tpu.unpack_subelements %add3A_1127, 1 {pack_format = #tpu.pack_format<interleaved>} : vector<32xbf16> -> vector<16xf32>
        %unpack3A_1134 = tpu.unpack_subelements %add3A_1132, 0 {pack_format = #tpu.pack_format<interleaved>} : vector<32xbf16> -> vector<16xf32>
        %unpack3A_1135 = tpu.unpack_subelements %add3A_1132, 1 {pack_format = #tpu.pack_format<interleaved>} : vector<32xbf16> -> vector<16xf32>
        %add3A_1136 = arith.addf %scan3A_1051, %unpack3A : vector<16xf32>
        %add3A_1137 = arith.addf %scan3A_1052, %unpack3A_1134 : vector<16xf32>
        %add3A_1138 = arith.addf %scan3A_1053, %unpack3A_1133 : vector<16xf32>
        %add3A_1139 = arith.addf %scan3A_1054, %unpack3A_1135 : vector<16xf32>
        scf.yield %add3A_1136, %add3A_1137, %add3A_1138, %add3A_1139 : vector<16xf32>, vector<16xf32>, vector<16xf32>, vector<16xf32>
      }
      %scan3A_770 = arith.constant 10 : i32
      %add3A_771 = arith.constant 0 : i32
      %add3A_772 = arith.addi %mul3A_760, %add3A_771 : i32
      %swap3A_773 = arith.index_cast %add3A_772 : i32 to index
      %swap3A_774 = arith.constant 0 : index
      %swap3A_775 = tpu.vector_load %arg11[%swap3A_773, %swap3A_774] {strides = array<i32>} : memref<512x64xf32, #tpu.memory_space<vmem>>, vector<16xf32>,
      tpu.vector_store %arg11[%swap3A_773, %swap3A_774], %scan3A_769#0 {strides = array<i32>} : memref<512x64xf32, #tpu.memory_space<vmem>>, vector<16xf32>,
      %add3A_776 = arith.constant 0 : i32
      %add3A_777 = arith.addi %mul3A_760, %add3A_776 : i32
      %swap3A_778 = arith.index_cast %add3A_777 : i32 to index
      %swap3A_779 = arith.constant 16 : index
      %swap3A_780 = tpu.vector_load %arg11[%swap3A_778, %swap3A_779] {strides = array<i32>} : memref<512x64xf32, #tpu.memory_space<vmem>>, vector<16xf32>,
      tpu.vector_store %arg11[%swap3A_778, %swap3A_779], %scan3A_769#1 {strides = array<i32>} : memref<512x64xf32, #tpu.memory_space<vmem>>, vector<16xf32>,
      %add3A_781 = arith.constant 0 : i32
      %add3A_782 = arith.addi %mul3A_760, %add3A_781 : i32
      %swap3A_783 = arith.index_cast %add3A_782 : i32 to index
      %swap3A_784 = arith.constant 32 : index
      %swap3A_785 = tpu.vector_load %arg11[%swap3A_783, %swap3A_784] {strides = array<i32>} : memref<512x64xf32, #tpu.memory_space<vmem>>, vector<16xf32>,
      tpu.vector_store %arg11[%swap3A_783, %swap3A_784], %scan3A_769#2 {strides = array<i32>} : memref<512x64xf32, #tpu.memory_space<vmem>>, vector<16xf32>,
      %add3A_786 = arith.constant 0 : i32
      %add3A_787 = arith.addi %mul3A_760, %add3A_786 : i32
      %swap3A_788 = arith.index_cast %add3A_787 : i32 to index
      %swap3A_789 = arith.constant 48 : index
      %swap3A_790 = tpu.vector_load %arg11[%swap3A_788, %swap3A_789] {strides = array<i32>} : memref<512x64xf32, #tpu.memory_space<vmem>>, vector<16xf32>,
      tpu.vector_store %arg11[%swap3A_788, %swap3A_789], %scan3A_769#3 {strides = array<i32>} : memref<512x64xf32, #tpu.memory_space<vmem>>, vector<16xf32>,
      %broadcast_in_dim3A_791 = arith.constant 0.000000e+00 : f32
      %broadcast_in_dim3A_792 = vector.broadcast %broadcast_in_dim3A_791 : f32 to vector<16xf32>
      %scan3A_793 = arith.constant 0 : i32
      %scan3A_794 = arith.constant 10 : i32
      %scan3A_795 = arith.addi %scan3A_793, %scan3A_794 : i32
      %scan3A_796 = arith.constant 1 : i32
      %scan3A_797:4 = scf.for %scan3A_1050 = %scan3A_793 to %scan3A_795 step %scan3A_796 iter_args(%scan3A_1051 = %broadcast_in_dim3A_792, %scan3A_1052 = %broadcast_in_dim3A_792, %scan3A_1053 = %broadcast_in_dim3A_792, %scan3A_1054 = %broadcast_in_dim3A_792) -> (vector<16xf32>, vector<16xf32>, vector<16xf32>, vector<16xf32>)  : i32 {
        %mul3A_1055 = arith.constant 5 : i32
        %mul3A_1056 = arith.muli %scan3A_1050, %mul3A_1055 : i32
        %add3A_1057 = arith.constant 50 : i32
        %add3A_1058 = arith.addi %add3A_1057, %mul3A_1056 : i32
        %add3A_1059 = arith.constant 0 : i32
        %add3A_1060 = arith.addi %add3A_1058, %add3A_1059 : i32
        %get3A = arith.index_cast %add3A_1060 : i32 to index
        %get3A_1061 = arith.constant 0 : index
        %get3A_1062 = tpu.vector_load %arg7[%get3A, %get3A_1061] {strides = array<i32>} : memref<100x32xi32, #tpu.memory_space<vmem>>, vector<16xi32>,
        %bitcast3A = vector.bitcast %get3A_1062 : vector<16xi32> to vector<32xbf16>
        %add3A_1063 = arith.addf %broadcast_in_dim3A_762, %bitcast3A : vector<32xbf16>
        %get3A_1064 = arith.index_cast %add3A_1060 : i32 to index
        %get3A_1065 = arith.constant 16 : index
        %get3A_1066 = tpu.vector_load %arg7[%get3A_1064, %get3A_1065] {strides = array<i32>} : memref<100x32xi32, #tpu.memory_space<vmem>>, vector<16xi32>,
        %bitcast3A_1067 = vector.bitcast %get3A_1066 : vector<16xi32> to vector<32xbf16>
        %add3A_1068 = arith.addf %broadcast_in_dim3A_762, %bitcast3A_1067 : vector<32xbf16>
        %mul3A_1069 = arith.constant 5 : i32
        %mul3A_1070 = arith.muli %scan3A_1050, %mul3A_1069 : i32
        %add3A_1071 = arith.constant 50 : i32
        %add3A_1072 = arith.addi %add3A_1071, %mul3A_1070 : i32
        %add3A_1073 = arith.constant 1 : i32
        %add3A_1074 = arith.addi %add3A_1072, %add3A_1073 : i32
        %get3A_1075 = arith.index_cast %add3A_1074 : i32 to index
        %get3A_1076 = arith.constant 0 : index
        %get3A_1077 = tpu.vector_load %arg7[%get3A_1075, %get3A_1076] {strides = array<i32>} : memref<100x32xi32, #tpu.memory_space<vmem>>, vector<16xi32>,
        %bitcast3A_1078 = vector.bitcast %get3A_1077 : vector<16xi32> to vector<32xbf16>
        %add3A_1079 = arith.addf %add3A_1063, %bitcast3A_1078 : vector<32xbf16>
        %get3A_1080 = arith.index_cast %add3A_1074 : i32 to index
        %get3A_1081 = arith.constant 16 : index
        %get3A_1082 = tpu.vector_load %arg7[%get3A_1080, %get3A_1081] {strides = array<i32>} : memref<100x32xi32, #tpu.memory_space<vmem>>, vector<16xi32>,
        %bitcast3A_1083 = vector.bitcast %get3A_1082 : vector<16xi32> to vector<32xbf16>
        %add3A_1084 = arith.addf %add3A_1068, %bitcast3A_1083 : vector<32xbf16>
        %mul3A_1085 = arith.constant 5 : i32
        %mul3A_1086 = arith.muli %scan3A_1050, %mul3A_1085 : i32
        %add3A_1087 = arith.constant 50 : i32
        %add3A_1088 = arith.addi %add3A_1087, %mul3A_1086 : i32
        %add3A_1089 = arith.constant 2 : i32
        %add3A_1090 = arith.addi %add3A_1088, %add3A_1089 : i32
        %get3A_1091 = arith.index_cast %add3A_1090 : i32 to index
        %get3A_1092 = arith.constant 0 : index
        %get3A_1093 = tpu.vector_load %arg7[%get3A_1091, %get3A_1092] {strides = array<i32>} : memref<100x32xi32, #tpu.memory_space<vmem>>, vector<16xi32>,
        %bitcast3A_1094 = vector.bitcast %get3A_1093 : vector<16xi32> to vector<32xbf16>
        %add3A_1095 = arith.addf %add3A_1079, %bitcast3A_1094 : vector<32xbf16>
        %get3A_1096 = arith.index_cast %add3A_1090 : i32 to index
        %get3A_1097 = arith.constant 16 : index
        %get3A_1098 = tpu.vector_load %arg7[%get3A_1096, %get3A_1097] {strides = array<i32>} : memref<100x32xi32, #tpu.memory_space<vmem>>, vector<16xi32>,
        %bitcast3A_1099 = vector.bitcast %get3A_1098 : vector<16xi32> to vector<32xbf16>
        %add3A_1100 = arith.addf %add3A_1084, %bitcast3A_1099 : vector<32xbf16>
        %mul3A_1101 = arith.constant 5 : i32
        %mul3A_1102 = arith.muli %scan3A_1050, %mul3A_1101 : i32
        %add3A_1103 = arith.constant 50 : i32
        %add3A_1104 = arith.addi %add3A_1103, %mul3A_1102 : i32
        %add3A_1105 = arith.constant 3 : i32
        %add3A_1106 = arith.addi %add3A_1104, %add3A_1105 : i32
        %get3A_1107 = arith.index_cast %add3A_1106 : i32 to index
        %get3A_1108 = arith.constant 0 : index
        %get3A_1109 = tpu.vector_load %arg7[%get3A_1107, %get3A_1108] {strides = array<i32>} : memref<100x32xi32, #tpu.memory_space<vmem>>, vector<16xi32>,
        %bitcast3A_1110 = vector.bitcast %get3A_1109 : vector<16xi32> to vector<32xbf16>
        %add3A_1111 = arith.addf %add3A_1095, %bitcast3A_1110 : vector<32xbf16>
        %get3A_1112 = arith.index_cast %add3A_1106 : i32 to index
        %get3A_1113 = arith.constant 16 : index
        %get3A_1114 = tpu.vector_load %arg7[%get3A_1112, %get3A_1113] {strides = array<i32>} : memref<100x32xi32, #tpu.memory_space<vmem>>, vector<16xi32>,
        %bitcast3A_1115 = vector.bitcast %get3A_1114 : vector<16xi32> to vector<32xbf16>
        %add3A_1116 = arith.addf %add3A_1100, %bitcast3A_1115 : vector<32xbf16>
        %mul3A_1117 = arith.constant 5 : i32
        %mul3A_1118 = arith.muli %scan3A_1050, %mul3A_1117 : i32
        %add3A_1119 = arith.constant 50 : i32
        %add3A_1120 = arith.addi %add3A_1119, %mul3A_1118 : i32
        %add3A_1121 = arith.constant 4 : i32
        %add3A_1122 = arith.addi %add3A_1120, %add3A_1121 : i32
        %get3A_1123 = arith.index_cast %add3A_1122 : i32 to index
        %get3A_1124 = arith.constant 0 : index
        %get3A_1125 = tpu.vector_load %arg7[%get3A_1123, %get3A_1124] {strides = array<i32>} : memref<100x32xi32, #tpu.memory_space<vmem>>, vector<16xi32>,
        %bitcast3A_1126 = vector.bitcast %get3A_1125 : vector<16xi32> to vector<32xbf16>
        %add3A_1127 = arith.addf %add3A_1111, %bitcast3A_1126 : vector<32xbf16>
        %get3A_1128 = arith.index_cast %add3A_1122 : i32 to index
        %get3A_1129 = arith.constant 16 : index
        %get3A_1130 = tpu.vector_load %arg7[%get3A_1128, %get3A_1129] {strides = array<i32>} : memref<100x32xi32, #tpu.memory_space<vmem>>, vector<16xi32>,
        %bitcast3A_1131 = vector.bitcast %get3A_1130 : vector<16xi32> to vector<32xbf16>
        %add3A_1132 = arith.addf %add3A_1116, %bitcast3A_1131 : vector<32xbf16>
        %unpack3A = tpu.unpack_subelements %add3A_1127, 0 {pack_format = #tpu.pack_format<interleaved>} : vector<32xbf16> -> vector<16xf32>
        %unpack3A_1133 = tpu.unpack_subelements %add3A_1127, 1 {pack_format = #tpu.pack_format<interleaved>} : vector<32xbf16> -> vector<16xf32>
        %unpack3A_1134 = tpu.unpack_subelements %add3A_1132, 0 {pack_format = #tpu.pack_format<interleaved>} : vector<32xbf16> -> vector<16xf32>
        %unpack3A_1135 = tpu.unpack_subelements %add3A_1132, 1 {pack_format = #tpu.pack_format<interleaved>} : vector<32xbf16> -> vector<16xf32>
        %add3A_1136 = arith.addf %scan3A_1051, %unpack3A : vector<16xf32>
        %add3A_1137 = arith.addf %scan3A_1052, %unpack3A_1134 : vector<16xf32>
        %add3A_1138 = arith.addf %scan3A_1053, %unpack3A_1133 : vector<16xf32>
        %add3A_1139 = arith.addf %scan3A_1054, %unpack3A_1135 : vector<16xf32>
        scf.yield %add3A_1136, %add3A_1137, %add3A_1138, %add3A_1139 : vector<16xf32>, vector<16xf32>, vector<16xf32>, vector<16xf32>
      }
      %scan3A_798 = arith.constant 10 : i32
      %add3A_799 = arith.constant 1 : i32
      %add3A_800 = arith.addi %mul3A_760, %add3A_799 : i32
      %swap3A_801 = arith.index_cast %add3A_800 : i32 to index
      %swap3A_802 = arith.constant 0 : index
      %swap3A_803 = tpu.vector_load %arg11[%swap3A_801, %swap3A_802] {strides = array<i32>} : memref<512x64xf32, #tpu.memory_space<vmem>>, vector<16xf32>,
      tpu.vector_store %arg11[%swap3A_801, %swap3A_802], %scan3A_797#0 {strides = array<i32>} : memref<512x64xf32, #tpu.memory_space<vmem>>, vector<16xf32>,
      %add3A_804 = arith.constant 1 : i32
      %add3A_805 = arith.addi %mul3A_760, %add3A_804 : i32
      %swap3A_806 = arith.index_cast %add3A_805 : i32 to index
      %swap3A_807 = arith.constant 16 : index
      %swap3A_808 = tpu.vector_load %arg11[%swap3A_806, %swap3A_807] {strides = array<i32>} : memref<512x64xf32, #tpu.memory_space<vmem>>, vector<16xf32>,
      tpu.vector_store %arg11[%swap3A_806, %swap3A_807], %scan3A_797#1 {strides = array<i32>} : memref<512x64xf32, #tpu.memory_space<vmem>>, vector<16xf32>,
      %add3A_809 = arith.constant 1 : i32
      %add3A_810 = arith.addi %mul3A_760, %add3A_809 : i32
      %swap3A_811 = arith.index_cast %add3A_810 : i32 to index
      %swap3A_812 = arith.constant 32 : index
      %swap3A_813 = tpu.vector_load %arg11[%swap3A_811, %swap3A_812] {strides = array<i32>} : memref<512x64xf32, #tpu.memory_space<vmem>>, vector<16xf32>,
      tpu.vector_store %arg11[%swap3A_811, %swap3A_812], %scan3A_797#2 {strides = array<i32>} : memref<512x64xf32, #tpu.memory_space<vmem>>, vector<16xf32>,
      %add3A_814 = arith.constant 1 : i32
      %add3A_815 = arith.addi %mul3A_760, %add3A_814 : i32
      %swap3A_816 = arith.index_cast %add3A_815 : i32 to index
      %swap3A_817 = arith.constant 48 : index
      %swap3A_818 = tpu.vector_load %arg11[%swap3A_816, %swap3A_817] {strides = array<i32>} : memref<512x64xf32, #tpu.memory_space<vmem>>, vector<16xf32>,
      tpu.vector_store %arg11[%swap3A_816, %swap3A_817], %scan3A_797#3 {strides = array<i32>} : memref<512x64xf32, #tpu.memory_space<vmem>>, vector<16xf32>,
      %add3A_819 = arith.constant 1 : i32
      %add3A_820 = arith.addi %mul3A_746, %add3A_819 : i32
      %add3A_821 = arith.constant 4 : i32
      %add3A_822 = arith.addi %add3A_820, %add3A_821 : i32
      %sub3A_823 = arith.constant 1 : i32
      %sub3A_824 = arith.subi %add3A_822, %sub3A_823 : i32
      %lt3A_825 = arith.constant 256 : i32
      %lt3A_826 = arith.cmpi slt, %sub3A_824, %lt3A_825 : i32
      %convert_element_type3A_827 = arith.extui %lt3A_826 : i1 to i32
      %cond3A_828 = arith.constant 0 : i32
      %cond3A_829 = arith.cmpi ne, %convert_element_type3A_827, %cond3A_828 : i32
      scf.if %cond3A_829 {
        %mul3A_1050 = arith.constant 2 : i32
        %mul3A_1051 = arith.muli %mul3A_1050, %sub3A_824 : i32
        %add3A_1052 = arith.constant 0 : i32
        %add3A_1053 = arith.addi %mul3A_1051, %add3A_1052 : i32
        %add3A_1054 = arith.constant 0 : i32
        %add3A_1055 = vector.broadcast %add3A_1054 : i32 to vector<16xi32>
        %add3A_1056 = arith.addi %iota3A, %add3A_1055 : vector<16xi32>
        %broadcast_in_dim3A_1057 = vector.broadcast %add3A_1053 : i32 to vector<16xi32>
        %gather3A_1058 = tpu.vector_load_idx %arg5[%add3A_1056, %broadcast_in_dim3A_1057] : memref<50x512xi32, #tpu.memory_space<vmem>>[vector<16xi32>, vector<16xi32>], vector<16xi32>,
        %shift_right_arithmetic3A_1059 = arith.constant 12 : i32
        %shift_right_arithmetic3A_1060 = vector.broadcast %shift_right_arithmetic3A_1059 : i32 to vector<16xi32>
        %shift_right_arithmetic3A_1061 = arith.shrsi %gather3A_1058, %shift_right_arithmetic3A_1060 : vector<16xi32>
        %and3A_1062 = arith.constant 4095 : i32
        %and3A_1063 = vector.broadcast %and3A_1062 : i32 to vector<16xi32>
        %and3A_1064 = arith.andi %gather3A_1058, %and3A_1063 : vector<16xi32>
        %shift_right_arithmetic3A_1065 = arith.constant 2 : i32
        %shift_right_arithmetic3A_1066 = vector.broadcast %shift_right_arithmetic3A_1065 : i32 to vector<16xi32>
        %shift_right_arithmetic3A_1067 = arith.shrsi %shift_right_arithmetic3A_1061, %shift_right_arithmetic3A_1066 : vector<16xi32>
        %shift_left3A_1068 = arith.constant 14 : i32
        %shift_left3A_1069 = vector.broadcast %shift_left3A_1068 : i32 to vector<16xi32>
        %shift_left3A_1070 = arith.shli %shift_right_arithmetic3A_1067, %shift_left3A_1069 : vector<16xi32>
        %shift_left3A_1071 = arith.constant 2 : i32
        %shift_left3A_1072 = vector.broadcast %shift_left3A_1071 : i32 to vector<16xi32>
        %shift_left3A_1073 = arith.shli %and3A_1064, %shift_left3A_1072 : vector<16xi32>
        %add3A_1074 = arith.addi %shift_left3A_1070, %shift_left3A_1073 : vector<16xi32>
        %and3A_1075 = arith.constant 3 : i32
        %and3A_1076 = vector.broadcast %and3A_1075 : i32 to vector<16xi32>
        %and3A_1077 = arith.andi %shift_right_arithmetic3A_1061, %and3A_1076 : vector<16xi32>
        %add3A_1078 = arith.addi %add3A_1074, %and3A_1077 : vector<16xi32>
        %swap3A_1079 = arith.index_cast %sub3A_824 : i32 to index
        %swap3A_1080 = arith.constant 0 : index
        %swap3A_1081 = tpu.vector_load %arg6[%swap3A_1079, %swap3A_1080] {strides = array<i32>} : memref<256x100xi32, #tpu.memory_space<vmem>>, vector<16xi32>,
        tpu.vector_store %arg6[%swap3A_1079, %swap3A_1080], %add3A_1078 {strides = array<i32>} : memref<256x100xi32, #tpu.memory_space<vmem>>, vector<16xi32>,
        %add3A_1082 = arith.constant 16 : i32
        %add3A_1083 = vector.broadcast %add3A_1082 : i32 to vector<16xi32>
        %add3A_1084 = arith.addi %iota3A, %add3A_1083 : vector<16xi32>
        %broadcast_in_dim3A_1085 = vector.broadcast %add3A_1053 : i32 to vector<16xi32>
        %gather3A_1086 = tpu.vector_load_idx %arg5[%add3A_1084, %broadcast_in_dim3A_1085] : memref<50x512xi32, #tpu.memory_space<vmem>>[vector<16xi32>, vector<16xi32>], vector<16xi32>,
        %shift_right_arithmetic3A_1087 = arith.constant 12 : i32
        %shift_right_arithmetic3A_1088 = vector.broadcast %shift_right_arithmetic3A_1087 : i32 to vector<16xi32>
        %shift_right_arithmetic3A_1089 = arith.shrsi %gather3A_1086, %shift_right_arithmetic3A_1088 : vector<16xi32>
        %and3A_1090 = arith.constant 4095 : i32
        %and3A_1091 = vector.broadcast %and3A_1090 : i32 to vector<16xi32>
        %and3A_1092 = arith.andi %gather3A_1086, %and3A_1091 : vector<16xi32>
        %shift_right_arithmetic3A_1093 = arith.constant 2 : i32
        %shift_right_arithmetic3A_1094 = vector.broadcast %shift_right_arithmetic3A_1093 : i32 to vector<16xi32>
        %shift_right_arithmetic3A_1095 = arith.shrsi %shift_right_arithmetic3A_1089, %shift_right_arithmetic3A_1094 : vector<16xi32>
        %shift_left3A_1096 = arith.constant 14 : i32
        %shift_left3A_1097 = vector.broadcast %shift_left3A_1096 : i32 to vector<16xi32>
        %shift_left3A_1098 = arith.shli %shift_right_arithmetic3A_1095, %shift_left3A_1097 : vector<16xi32>
        %shift_left3A_1099 = arith.constant 2 : i32
        %shift_left3A_1100 = vector.broadcast %shift_left3A_1099 : i32 to vector<16xi32>
        %shift_left3A_1101 = arith.shli %and3A_1092, %shift_left3A_1100 : vector<16xi32>
        %add3A_1102 = arith.addi %shift_left3A_1098, %shift_left3A_1101 : vector<16xi32>
        %and3A_1103 = arith.constant 3 : i32
        %and3A_1104 = vector.broadcast %and3A_1103 : i32 to vector<16xi32>
        %and3A_1105 = arith.andi %shift_right_arithmetic3A_1089, %and3A_1104 : vector<16xi32>
        %add3A_1106 = arith.addi %add3A_1102, %and3A_1105 : vector<16xi32>
        %swap3A_1107 = arith.index_cast %sub3A_824 : i32 to index
        %swap3A_1108 = arith.constant 16 : index
        %swap3A_1109 = tpu.vector_load %arg6[%swap3A_1107, %swap3A_1108] {strides = array<i32>} : memref<256x100xi32, #tpu.memory_space<vmem>>, vector<16xi32>,
        tpu.vector_store %arg6[%swap3A_1107, %swap3A_1108], %add3A_1106 {strides = array<i32>} : memref<256x100xi32, #tpu.memory_space<vmem>>, vector<16xi32>,
        %add3A_1110 = arith.constant 32 : i32
        %add3A_1111 = vector.broadcast %add3A_1110 : i32 to vector<16xi32>
        %add3A_1112 = arith.addi %iota3A, %add3A_1111 : vector<16xi32>
        %broadcast_in_dim3A_1113 = vector.broadcast %add3A_1053 : i32 to vector<16xi32>
        %gather3A_1114 = tpu.vector_load_idx %arg5[%add3A_1112, %broadcast_in_dim3A_1113] : memref<50x512xi32, #tpu.memory_space<vmem>>[vector<16xi32>, vector<16xi32>], vector<16xi32>,
        %shift_right_arithmetic3A_1115 = arith.constant 12 : i32
        %shift_right_arithmetic3A_1116 = vector.broadcast %shift_right_arithmetic3A_1115 : i32 to vector<16xi32>
        %shift_right_arithmetic3A_1117 = arith.shrsi %gather3A_1114, %shift_right_arithmetic3A_1116 : vector<16xi32>
        %and3A_1118 = arith.constant 4095 : i32
        %and3A_1119 = vector.broadcast %and3A_1118 : i32 to vector<16xi32>
        %and3A_1120 = arith.andi %gather3A_1114, %and3A_1119 : vector<16xi32>
        %shift_right_arithmetic3A_1121 = arith.constant 2 : i32
        %shift_right_arithmetic3A_1122 = vector.broadcast %shift_right_arithmetic3A_1121 : i32 to vector<16xi32>
        %shift_right_arithmetic3A_1123 = arith.shrsi %shift_right_arithmetic3A_1117, %shift_right_arithmetic3A_1122 : vector<16xi32>
        %shift_left3A_1124 = arith.constant 14 : i32
        %shift_left3A_1125 = vector.broadcast %shift_left3A_1124 : i32 to vector<16xi32>
        %shift_left3A_1126 = arith.shli %shift_right_arithmetic3A_1123, %shift_left3A_1125 : vector<16xi32>
        %shift_left3A_1127 = arith.constant 2 : i32
        %shift_left3A_1128 = vector.broadcast %shift_left3A_1127 : i32 to vector<16xi32>
        %shift_left3A_1129 = arith.shli %and3A_1120, %shift_left3A_1128 : vector<16xi32>
        %add3A_1130 = arith.addi %shift_left3A_1126, %shift_left3A_1129 : vector<16xi32>
        %and3A_1131 = arith.constant 3 : i32
        %and3A_1132 = vector.broadcast %and3A_1131 : i32 to vector<16xi32>
        %and3A_1133 = arith.andi %shift_right_arithmetic3A_1117, %and3A_1132 : vector<16xi32>
        %add3A_1134 = arith.addi %add3A_1130, %and3A_1133 : vector<16xi32>
        %swap3A_1135 = arith.index_cast %sub3A_824 : i32 to index
        %swap3A_1136 = arith.constant 32 : index
        %swap3A_1137 = tpu.vector_load %arg6[%swap3A_1135, %swap3A_1136] {strides = array<i32>} : memref<256x100xi32, #tpu.memory_space<vmem>>, vector<16xi32>,
        tpu.vector_store %arg6[%swap3A_1135, %swap3A_1136], %add3A_1134 {strides = array<i32>} : memref<256x100xi32, #tpu.memory_space<vmem>>, vector<16xi32>,
        %add3A_1138 = arith.constant 34 : i32
        %add3A_1139 = vector.broadcast %add3A_1138 : i32 to vector<16xi32>
        %add3A_1140 = arith.addi %iota3A, %add3A_1139 : vector<16xi32>
        %broadcast_in_dim3A_1141 = vector.broadcast %add3A_1053 : i32 to vector<16xi32>
        %gather3A_1142 = tpu.vector_load_idx %arg5[%add3A_1140, %broadcast_in_dim3A_1141] : memref<50x512xi32, #tpu.memory_space<vmem>>[vector<16xi32>, vector<16xi32>], vector<16xi32>,
        %shift_right_arithmetic3A_1143 = arith.constant 12 : i32
        %shift_right_arithmetic3A_1144 = vector.broadcast %shift_right_arithmetic3A_1143 : i32 to vector<16xi32>
        %shift_right_arithmetic3A_1145 = arith.shrsi %gather3A_1142, %shift_right_arithmetic3A_1144 : vector<16xi32>
        %and3A_1146 = arith.constant 4095 : i32
        %and3A_1147 = vector.broadcast %and3A_1146 : i32 to vector<16xi32>
        %and3A_1148 = arith.andi %gather3A_1142, %and3A_1147 : vector<16xi32>
        %shift_right_arithmetic3A_1149 = arith.constant 2 : i32
        %shift_right_arithmetic3A_1150 = vector.broadcast %shift_right_arithmetic3A_1149 : i32 to vector<16xi32>
        %shift_right_arithmetic3A_1151 = arith.shrsi %shift_right_arithmetic3A_1145, %shift_right_arithmetic3A_1150 : vector<16xi32>
        %shift_left3A_1152 = arith.constant 14 : i32
        %shift_left3A_1153 = vector.broadcast %shift_left3A_1152 : i32 to vector<16xi32>
        %shift_left3A_1154 = arith.shli %shift_right_arithmetic3A_1151, %shift_left3A_1153 : vector<16xi32>
        %shift_left3A_1155 = arith.constant 2 : i32
        %shift_left3A_1156 = vector.broadcast %shift_left3A_1155 : i32 to vector<16xi32>
        %shift_left3A_1157 = arith.shli %and3A_1148, %shift_left3A_1156 : vector<16xi32>
        %add3A_1158 = arith.addi %shift_left3A_1154, %shift_left3A_1157 : vector<16xi32>
        %and3A_1159 = arith.constant 3 : i32
        %and3A_1160 = vector.broadcast %and3A_1159 : i32 to vector<16xi32>
        %and3A_1161 = arith.andi %shift_right_arithmetic3A_1145, %and3A_1160 : vector<16xi32>
        %add3A_1162 = arith.addi %add3A_1158, %and3A_1161 : vector<16xi32>
        %swap3A_1163 = arith.index_cast %sub3A_824 : i32 to index
        %swap3A_1164 = arith.constant 34 : index
        %swap3A_1165 = tpu.vector_load %arg6[%swap3A_1163, %swap3A_1164] {strides = array<i32>} : memref<256x100xi32, #tpu.memory_space<vmem>>, vector<16xi32>,
        tpu.vector_store %arg6[%swap3A_1163, %swap3A_1164], %add3A_1162 {strides = array<i32>} : memref<256x100xi32, #tpu.memory_space<vmem>>, vector<16xi32>,
        %mul3A_1166 = arith.constant 2 : i32
        %mul3A_1167 = arith.muli %mul3A_1166, %sub3A_824 : i32
        %add3A_1168 = arith.constant 1 : i32
        %add3A_1169 = arith.addi %mul3A_1167, %add3A_1168 : i32
        %add3A_1170 = arith.constant 0 : i32
        %add3A_1171 = vector.broadcast %add3A_1170 : i32 to vector<16xi32>
        %add3A_1172 = arith.addi %iota3A, %add3A_1171 : vector<16xi32>
        %broadcast_in_dim3A_1173 = vector.broadcast %add3A_1169 : i32 to vector<16xi32>
        %gather3A_1174 = tpu.vector_load_idx %arg5[%add3A_1172, %broadcast_in_dim3A_1173] : memref<50x512xi32, #tpu.memory_space<vmem>>[vector<16xi32>, vector<16xi32>], vector<16xi32>,
        %shift_right_arithmetic3A_1175 = arith.constant 12 : i32
        %shift_right_arithmetic3A_1176 = vector.broadcast %shift_right_arithmetic3A_1175 : i32 to vector<16xi32>
        %shift_right_arithmetic3A_1177 = arith.shrsi %gather3A_1174, %shift_right_arithmetic3A_1176 : vector<16xi32>
        %and3A_1178 = arith.constant 4095 : i32
        %and3A_1179 = vector.broadcast %and3A_1178 : i32 to vector<16xi32>
        %and3A_1180 = arith.andi %gather3A_1174, %and3A_1179 : vector<16xi32>
        %shift_right_arithmetic3A_1181 = arith.constant 2 : i32
        %shift_right_arithmetic3A_1182 = vector.broadcast %shift_right_arithmetic3A_1181 : i32 to vector<16xi32>
        %shift_right_arithmetic3A_1183 = arith.shrsi %shift_right_arithmetic3A_1177, %shift_right_arithmetic3A_1182 : vector<16xi32>
        %shift_left3A_1184 = arith.constant 14 : i32
        %shift_left3A_1185 = vector.broadcast %shift_left3A_1184 : i32 to vector<16xi32>
        %shift_left3A_1186 = arith.shli %shift_right_arithmetic3A_1183, %shift_left3A_1185 : vector<16xi32>
        %shift_left3A_1187 = arith.constant 2 : i32
        %shift_left3A_1188 = vector.broadcast %shift_left3A_1187 : i32 to vector<16xi32>
        %shift_left3A_1189 = arith.shli %and3A_1180, %shift_left3A_1188 : vector<16xi32>
        %add3A_1190 = arith.addi %shift_left3A_1186, %shift_left3A_1189 : vector<16xi32>
        %and3A_1191 = arith.constant 3 : i32
        %and3A_1192 = vector.broadcast %and3A_1191 : i32 to vector<16xi32>
        %and3A_1193 = arith.andi %shift_right_arithmetic3A_1177, %and3A_1192 : vector<16xi32>
        %add3A_1194 = arith.addi %add3A_1190, %and3A_1193 : vector<16xi32>
        %swap3A_1195 = arith.index_cast %sub3A_824 : i32 to index
        %swap3A_1196 = arith.constant 50 : index
        %swap3A_1197 = tpu.vector_load %arg6[%swap3A_1195, %swap3A_1196] {strides = array<i32>} : memref<256x100xi32, #tpu.memory_space<vmem>>, vector<16xi32>,
        tpu.vector_store %arg6[%swap3A_1195, %swap3A_1196], %add3A_1194 {strides = array<i32>} : memref<256x100xi32, #tpu.memory_space<vmem>>, vector<16xi32>,
        %add3A_1198 = arith.constant 16 : i32
        %add3A_1199 = vector.broadcast %add3A_1198 : i32 to vector<16xi32>
        %add3A_1200 = arith.addi %iota3A, %add3A_1199 : vector<16xi32>
        %broadcast_in_dim3A_1201 = vector.broadcast %add3A_1169 : i32 to vector<16xi32>
        %gather3A_1202 = tpu.vector_load_idx %arg5[%add3A_1200, %broadcast_in_dim3A_1201] : memref<50x512xi32, #tpu.memory_space<vmem>>[vector<16xi32>, vector<16xi32>], vector<16xi32>,
        %shift_right_arithmetic3A_1203 = arith.constant 12 : i32
        %shift_right_arithmetic3A_1204 = vector.broadcast %shift_right_arithmetic3A_1203 : i32 to vector<16xi32>
        %shift_right_arithmetic3A_1205 = arith.shrsi %gather3A_1202, %shift_right_arithmetic3A_1204 : vector<16xi32>
        %and3A_1206 = arith.constant 4095 : i32
        %and3A_1207 = vector.broadcast %and3A_1206 : i32 to vector<16xi32>
        %and3A_1208 = arith.andi %gather3A_1202, %and3A_1207 : vector<16xi32>
        %shift_right_arithmetic3A_1209 = arith.constant 2 : i32
        %shift_right_arithmetic3A_1210 = vector.broadcast %shift_right_arithmetic3A_1209 : i32 to vector<16xi32>
        %shift_right_arithmetic3A_1211 = arith.shrsi %shift_right_arithmetic3A_1205, %shift_right_arithmetic3A_1210 : vector<16xi32>
        %shift_left3A_1212 = arith.constant 14 : i32
        %shift_left3A_1213 = vector.broadcast %shift_left3A_1212 : i32 to vector<16xi32>
        %shift_left3A_1214 = arith.shli %shift_right_arithmetic3A_1211, %shift_left3A_1213 : vector<16xi32>
        %shift_left3A_1215 = arith.constant 2 : i32
        %shift_left3A_1216 = vector.broadcast %shift_left3A_1215 : i32 to vector<16xi32>
        %shift_left3A_1217 = arith.shli %and3A_1208, %shift_left3A_1216 : vector<16xi32>
        %add3A_1218 = arith.addi %shift_left3A_1214, %shift_left3A_1217 : vector<16xi32>
        %and3A_1219 = arith.constant 3 : i32
        %and3A_1220 = vector.broadcast %and3A_1219 : i32 to vector<16xi32>
        %and3A_1221 = arith.andi %shift_right_arithmetic3A_1205, %and3A_1220 : vector<16xi32>
        %add3A_1222 = arith.addi %add3A_1218, %and3A_1221 : vector<16xi32>
        %swap3A_1223 = arith.index_cast %sub3A_824 : i32 to index
        %swap3A_1224 = arith.constant 66 : index
        %swap3A_1225 = tpu.vector_load %arg6[%swap3A_1223, %swap3A_1224] {strides = array<i32>} : memref<256x100xi32, #tpu.memory_space<vmem>>, vector<16xi32>,
        tpu.vector_store %arg6[%swap3A_1223, %swap3A_1224], %add3A_1222 {strides = array<i32>} : memref<256x100xi32, #tpu.memory_space<vmem>>, vector<16xi32>,
        %add3A_1226 = arith.constant 32 : i32
        %add3A_1227 = vector.broadcast %add3A_1226 : i32 to vector<16xi32>
        %add3A_1228 = arith.addi %iota3A, %add3A_1227 : vector<16xi32>
        %broadcast_in_dim3A_1229 = vector.broadcast %add3A_1169 : i32 to vector<16xi32>
        %gather3A_1230 = tpu.vector_load_idx %arg5[%add3A_1228, %broadcast_in_dim3A_1229] : memref<50x512xi32, #tpu.memory_space<vmem>>[vector<16xi32>, vector<16xi32>], vector<16xi32>,
        %shift_right_arithmetic3A_1231 = arith.constant 12 : i32
        %shift_right_arithmetic3A_1232 = vector.broadcast %shift_right_arithmetic3A_1231 : i32 to vector<16xi32>
        %shift_right_arithmetic3A_1233 = arith.shrsi %gather3A_1230, %shift_right_arithmetic3A_1232 : vector<16xi32>
        %and3A_1234 = arith.constant 4095 : i32
        %and3A_1235 = vector.broadcast %and3A_1234 : i32 to vector<16xi32>
        %and3A_1236 = arith.andi %gather3A_1230, %and3A_1235 : vector<16xi32>
        %shift_right_arithmetic3A_1237 = arith.constant 2 : i32
        %shift_right_arithmetic3A_1238 = vector.broadcast %shift_right_arithmetic3A_1237 : i32 to vector<16xi32>
        %shift_right_arithmetic3A_1239 = arith.shrsi %shift_right_arithmetic3A_1233, %shift_right_arithmetic3A_1238 : vector<16xi32>
        %shift_left3A_1240 = arith.constant 14 : i32
        %shift_left3A_1241 = vector.broadcast %shift_left3A_1240 : i32 to vector<16xi32>
        %shift_left3A_1242 = arith.shli %shift_right_arithmetic3A_1239, %shift_left3A_1241 : vector<16xi32>
        %shift_left3A_1243 = arith.constant 2 : i32
        %shift_left3A_1244 = vector.broadcast %shift_left3A_1243 : i32 to vector<16xi32>
        %shift_left3A_1245 = arith.shli %and3A_1236, %shift_left3A_1244 : vector<16xi32>
        %add3A_1246 = arith.addi %shift_left3A_1242, %shift_left3A_1245 : vector<16xi32>
        %and3A_1247 = arith.constant 3 : i32
        %and3A_1248 = vector.broadcast %and3A_1247 : i32 to vector<16xi32>
        %and3A_1249 = arith.andi %shift_right_arithmetic3A_1233, %and3A_1248 : vector<16xi32>
        %add3A_1250 = arith.addi %add3A_1246, %and3A_1249 : vector<16xi32>
        %swap3A_1251 = arith.index_cast %sub3A_824 : i32 to index
        %swap3A_1252 = arith.constant 82 : index
        %swap3A_1253 = tpu.vector_load %arg6[%swap3A_1251, %swap3A_1252] {strides = array<i32>} : memref<256x100xi32, #tpu.memory_space<vmem>>, vector<16xi32>,
        tpu.vector_store %arg6[%swap3A_1251, %swap3A_1252], %add3A_1250 {strides = array<i32>} : memref<256x100xi32, #tpu.memory_space<vmem>>, vector<16xi32>,
        %add3A_1254 = arith.constant 34 : i32
        %add3A_1255 = vector.broadcast %add3A_1254 : i32 to vector<16xi32>
        %add3A_1256 = arith.addi %iota3A, %add3A_1255 : vector<16xi32>
        %broadcast_in_dim3A_1257 = vector.broadcast %add3A_1169 : i32 to vector<16xi32>
        %gather3A_1258 = tpu.vector_load_idx %arg5[%add3A_1256, %broadcast_in_dim3A_1257] : memref<50x512xi32, #tpu.memory_space<vmem>>[vector<16xi32>, vector<16xi32>], vector<16xi32>,
        %shift_right_arithmetic3A_1259 = arith.constant 12 : i32
        %shift_right_arithmetic3A_1260 = vector.broadcast %shift_right_arithmetic3A_1259 : i32 to vector<16xi32>
        %shift_right_arithmetic3A_1261 = arith.shrsi %gather3A_1258, %shift_right_arithmetic3A_1260 : vector<16xi32>
        %and3A_1262 = arith.constant 4095 : i32
        %and3A_1263 = vector.broadcast %and3A_1262 : i32 to vector<16xi32>
        %and3A_1264 = arith.andi %gather3A_1258, %and3A_1263 : vector<16xi32>
        %shift_right_arithmetic3A_1265 = arith.constant 2 : i32
        %shift_right_arithmetic3A_1266 = vector.broadcast %shift_right_arithmetic3A_1265 : i32 to vector<16xi32>
        %shift_right_arithmetic3A_1267 = arith.shrsi %shift_right_arithmetic3A_1261, %shift_right_arithmetic3A_1266 : vector<16xi32>
        %shift_left3A_1268 = arith.constant 14 : i32
        %shift_left3A_1269 = vector.broadcast %shift_left3A_1268 : i32 to vector<16xi32>
        %shift_left3A_1270 = arith.shli %shift_right_arithmetic3A_1267, %shift_left3A_1269 : vector<16xi32>
        %shift_left3A_1271 = arith.constant 2 : i32
        %shift_left3A_1272 = vector.broadcast %shift_left3A_1271 : i32 to vector<16xi32>
        %shift_left3A_1273 = arith.shli %and3A_1264, %shift_left3A_1272 : vector<16xi32>
        %add3A_1274 = arith.addi %shift_left3A_1270, %shift_left3A_1273 : vector<16xi32>
        %and3A_1275 = arith.constant 3 : i32
        %and3A_1276 = vector.broadcast %and3A_1275 : i32 to vector<16xi32>
        %and3A_1277 = arith.andi %shift_right_arithmetic3A_1261, %and3A_1276 : vector<16xi32>
        %add3A_1278 = arith.addi %add3A_1274, %and3A_1277 : vector<16xi32>
        %swap3A_1279 = arith.index_cast %sub3A_824 : i32 to index
        %swap3A_1280 = arith.constant 84 : index
        %swap3A_1281 = tpu.vector_load %arg6[%swap3A_1279, %swap3A_1280] {strides = array<i32>} : memref<256x100xi32, #tpu.memory_space<vmem>>, vector<16xi32>,
        tpu.vector_store %arg6[%swap3A_1279, %swap3A_1280], %add3A_1278 {strides = array<i32>} : memref<256x100xi32, #tpu.memory_space<vmem>>, vector<16xi32>,
        %dma_start3A_1282 = arith.constant 0 : i32
        %dma_start3A_1283 = tpu.memref_slice %arg6[%sub3A_824, %dma_start3A_1282] : memref<256x100xi32, #tpu.memory_space<vmem>> -> memref<1x100xi32, #tpu.memory_space<vmem>>
        %dma_start3A_1284 = tpu.memref_squeeze %dma_start3A_1283 : memref<1x100xi32, #tpu.memory_space<vmem>> -> memref<100xi32, #tpu.memory_space<vmem>>
        %dma_start3A_1285 = arith.constant 0 : i32
        %dma_start3A_1286 = arith.constant 0 : i32
        %dma_start3A_1287 = tpu.memref_slice %arg3[%dma_start3A_1285, %dma_start3A_1286] : memref<1015808x32xi32, #tpu.memory_space<hbm>> -> memref<1015808x32xi32, #tpu.memory_space<hbm>>
        tpu.enqueue_indirect_dma source(%dma_start3A_1287 : memref<1015808x32xi32, #tpu.memory_space<hbm>>) target(%arg7 : memref<100x32xi32, #tpu.memory_space<vmem>>) offsets(%dma_start3A_1284 : memref<100xi32, #tpu.memory_space<vmem>>) semaphore(%arg12 : memref<!tpu.dma_semaphore, #tpu.memory_space<semaphore_mem>>)
      } else {
      }
      %dma_wait3A_830 = arith.constant 0 : i32
      %dma_wait3A_831 = tpu.memref_slice %arg6[%add3A_820, %dma_wait3A_830] : memref<256x100xi32, #tpu.memory_space<vmem>> -> memref<1x100xi32, #tpu.memory_space<vmem>>
      %dma_wait3A_832 = tpu.memref_squeeze %dma_wait3A_831 : memref<1x100xi32, #tpu.memory_space<vmem>> -> memref<100xi32, #tpu.memory_space<vmem>>
      %dma_wait3A_833 = arith.constant 0 : i32
      %dma_wait3A_834 = arith.constant 0 : i32
      %dma_wait3A_835 = tpu.memref_slice %arg3[%dma_wait3A_833, %dma_wait3A_834] : memref<1015808x32xi32, #tpu.memory_space<hbm>> -> memref<1015808x32xi32, #tpu.memory_space<hbm>>
      tpu.wait_indirect_dma semaphore(%arg13 : memref<!tpu.dma_semaphore, #tpu.memory_space<semaphore_mem>>) src(%dma_wait3A_835 : memref<1015808x32xi32, #tpu.memory_space<hbm>>) dst(%arg8 : memref<100x32xi32, #tpu.memory_space<vmem>>)
      %mul3A_836 = arith.constant 2 : i32
      %mul3A_837 = arith.muli %add3A_820, %mul3A_836 : i32
      %broadcast_in_dim3A_838 = arith.constant 0.000000e+00 : bf16
      %broadcast_in_dim3A_839 = vector.broadcast %broadcast_in_dim3A_838 : bf16 to vector<32xbf16>
      %broadcast_in_dim3A_840 = arith.constant 0.000000e+00 : f32
      %broadcast_in_dim3A_841 = vector.broadcast %broadcast_in_dim3A_840 : f32 to vector<16xf32>
      %scan3A_842 = arith.constant 0 : i32
      %scan3A_843 = arith.constant 10 : i32
      %scan3A_844 = arith.addi %scan3A_842, %scan3A_843 : i32
      %scan3A_845 = arith.constant 1 : i32
      %scan3A_846:4 = scf.for %scan3A_1050 = %scan3A_842 to %scan3A_844 step %scan3A_845 iter_args(%scan3A_1051 = %broadcast_in_dim3A_841, %scan3A_1052 = %broadcast_in_dim3A_841, %scan3A_1053 = %broadcast_in_dim3A_841, %scan3A_1054 = %broadcast_in_dim3A_841) -> (vector<16xf32>, vector<16xf32>, vector<16xf32>, vector<16xf32>)  : i32 {
        %mul3A_1055 = arith.constant 5 : i32
        %mul3A_1056 = arith.muli %scan3A_1050, %mul3A_1055 : i32
        %add3A_1057 = arith.constant 0 : i32
        %add3A_1058 = arith.addi %add3A_1057, %mul3A_1056 : i32
        %add3A_1059 = arith.constant 0 : i32
        %add3A_1060 = arith.addi %add3A_1058, %add3A_1059 : i32
        %get3A = arith.index_cast %add3A_1060 : i32 to index
        %get3A_1061 = arith.constant 0 : index
        %get3A_1062 = tpu.vector_load %arg8[%get3A, %get3A_1061] {strides = array<i32>} : memref<100x32xi32, #tpu.memory_space<vmem>>, vector<16xi32>,
        %bitcast3A = vector.bitcast %get3A_1062 : vector<16xi32> to vector<32xbf16>
        %add3A_1063 = arith.addf %broadcast_in_dim3A_839, %bitcast3A : vector<32xbf16>
        %get3A_1064 = arith.index_cast %add3A_1060 : i32 to index
        %get3A_1065 = arith.constant 16 : index
        %get3A_1066 = tpu.vector_load %arg8[%get3A_1064, %get3A_1065] {strides = array<i32>} : memref<100x32xi32, #tpu.memory_space<vmem>>, vector<16xi32>,
        %bitcast3A_1067 = vector.bitcast %get3A_1066 : vector<16xi32> to vector<32xbf16>
        %add3A_1068 = arith.addf %broadcast_in_dim3A_839, %bitcast3A_1067 : vector<32xbf16>
        %mul3A_1069 = arith.constant 5 : i32
        %mul3A_1070 = arith.muli %scan3A_1050, %mul3A_1069 : i32
        %add3A_1071 = arith.constant 0 : i32
        %add3A_1072 = arith.addi %add3A_1071, %mul3A_1070 : i32
        %add3A_1073 = arith.constant 1 : i32
        %add3A_1074 = arith.addi %add3A_1072, %add3A_1073 : i32
        %get3A_1075 = arith.index_cast %add3A_1074 : i32 to index
        %get3A_1076 = arith.constant 0 : index
        %get3A_1077 = tpu.vector_load %arg8[%get3A_1075, %get3A_1076] {strides = array<i32>} : memref<100x32xi32, #tpu.memory_space<vmem>>, vector<16xi32>,
        %bitcast3A_1078 = vector.bitcast %get3A_1077 : vector<16xi32> to vector<32xbf16>
        %add3A_1079 = arith.addf %add3A_1063, %bitcast3A_1078 : vector<32xbf16>
        %get3A_1080 = arith.index_cast %add3A_1074 : i32 to index
        %get3A_1081 = arith.constant 16 : index
        %get3A_1082 = tpu.vector_load %arg8[%get3A_1080, %get3A_1081] {strides = array<i32>} : memref<100x32xi32, #tpu.memory_space<vmem>>, vector<16xi32>,
        %bitcast3A_1083 = vector.bitcast %get3A_1082 : vector<16xi32> to vector<32xbf16>
        %add3A_1084 = arith.addf %add3A_1068, %bitcast3A_1083 : vector<32xbf16>
        %mul3A_1085 = arith.constant 5 : i32
        %mul3A_1086 = arith.muli %scan3A_1050, %mul3A_1085 : i32
        %add3A_1087 = arith.constant 0 : i32
        %add3A_1088 = arith.addi %add3A_1087, %mul3A_1086 : i32
        %add3A_1089 = arith.constant 2 : i32
        %add3A_1090 = arith.addi %add3A_1088, %add3A_1089 : i32
        %get3A_1091 = arith.index_cast %add3A_1090 : i32 to index
        %get3A_1092 = arith.constant 0 : index
        %get3A_1093 = tpu.vector_load %arg8[%get3A_1091, %get3A_1092] {strides = array<i32>} : memref<100x32xi32, #tpu.memory_space<vmem>>, vector<16xi32>,
        %bitcast3A_1094 = vector.bitcast %get3A_1093 : vector<16xi32> to vector<32xbf16>
        %add3A_1095 = arith.addf %add3A_1079, %bitcast3A_1094 : vector<32xbf16>
        %get3A_1096 = arith.index_cast %add3A_1090 : i32 to index
        %get3A_1097 = arith.constant 16 : index
        %get3A_1098 = tpu.vector_load %arg8[%get3A_1096, %get3A_1097] {strides = array<i32>} : memref<100x32xi32, #tpu.memory_space<vmem>>, vector<16xi32>,
        %bitcast3A_1099 = vector.bitcast %get3A_1098 : vector<16xi32> to vector<32xbf16>
        %add3A_1100 = arith.addf %add3A_1084, %bitcast3A_1099 : vector<32xbf16>
        %mul3A_1101 = arith.constant 5 : i32
        %mul3A_1102 = arith.muli %scan3A_1050, %mul3A_1101 : i32
        %add3A_1103 = arith.constant 0 : i32
        %add3A_1104 = arith.addi %add3A_1103, %mul3A_1102 : i32
        %add3A_1105 = arith.constant 3 : i32
        %add3A_1106 = arith.addi %add3A_1104, %add3A_1105 : i32
        %get3A_1107 = arith.index_cast %add3A_1106 : i32 to index
        %get3A_1108 = arith.constant 0 : index
        %get3A_1109 = tpu.vector_load %arg8[%get3A_1107, %get3A_1108] {strides = array<i32>} : memref<100x32xi32, #tpu.memory_space<vmem>>, vector<16xi32>,
        %bitcast3A_1110 = vector.bitcast %get3A_1109 : vector<16xi32> to vector<32xbf16>
        %add3A_1111 = arith.addf %add3A_1095, %bitcast3A_1110 : vector<32xbf16>
        %get3A_1112 = arith.index_cast %add3A_1106 : i32 to index
        %get3A_1113 = arith.constant 16 : index
        %get3A_1114 = tpu.vector_load %arg8[%get3A_1112, %get3A_1113] {strides = array<i32>} : memref<100x32xi32, #tpu.memory_space<vmem>>, vector<16xi32>,
        %bitcast3A_1115 = vector.bitcast %get3A_1114 : vector<16xi32> to vector<32xbf16>
        %add3A_1116 = arith.addf %add3A_1100, %bitcast3A_1115 : vector<32xbf16>
        %mul3A_1117 = arith.constant 5 : i32
        %mul3A_1118 = arith.muli %scan3A_1050, %mul3A_1117 : i32
        %add3A_1119 = arith.constant 0 : i32
        %add3A_1120 = arith.addi %add3A_1119, %mul3A_1118 : i32
        %add3A_1121 = arith.constant 4 : i32
        %add3A_1122 = arith.addi %add3A_1120, %add3A_1121 : i32
        %get3A_1123 = arith.index_cast %add3A_1122 : i32 to index
        %get3A_1124 = arith.constant 0 : index
        %get3A_1125 = tpu.vector_load %arg8[%get3A_1123, %get3A_1124] {strides = array<i32>} : memref<100x32xi32, #tpu.memory_space<vmem>>, vector<16xi32>,
        %bitcast3A_1126 = vector.bitcast %get3A_1125 : vector<16xi32> to vector<32xbf16>
        %add3A_1127 = arith.addf %add3A_1111, %bitcast3A_1126 : vector<32xbf16>
        %get3A_1128 = arith.index_cast %add3A_1122 : i32 to index
        %get3A_1129 = arith.constant 16 : index
        %get3A_1130 = tpu.vector_load %arg8[%get3A_1128, %get3A_1129] {strides = array<i32>} : memref<100x32xi32, #tpu.memory_space<vmem>>, vector<16xi32>,
        %bitcast3A_1131 = vector.bitcast %get3A_1130 : vector<16xi32> to vector<32xbf16>
        %add3A_1132 = arith.addf %add3A_1116, %bitcast3A_1131 : vector<32xbf16>
        %unpack3A = tpu.unpack_subelements %add3A_1127, 0 {pack_format = #tpu.pack_format<interleaved>} : vector<32xbf16> -> vector<16xf32>
        %unpack3A_1133 = tpu.unpack_subelements %add3A_1127, 1 {pack_format = #tpu.pack_format<interleaved>} : vector<32xbf16> -> vector<16xf32>
        %unpack3A_1134 = tpu.unpack_subelements %add3A_1132, 0 {pack_format = #tpu.pack_format<interleaved>} : vector<32xbf16> -> vector<16xf32>
        %unpack3A_1135 = tpu.unpack_subelements %add3A_1132, 1 {pack_format = #tpu.pack_format<interleaved>} : vector<32xbf16> -> vector<16xf32>
        %add3A_1136 = arith.addf %scan3A_1051, %unpack3A : vector<16xf32>
        %add3A_1137 = arith.addf %scan3A_1052, %unpack3A_1134 : vector<16xf32>
        %add3A_1138 = arith.addf %scan3A_1053, %unpack3A_1133 : vector<16xf32>
        %add3A_1139 = arith.addf %scan3A_1054, %unpack3A_1135 : vector<16xf32>
        scf.yield %add3A_1136, %add3A_1137, %add3A_1138, %add3A_1139 : vector<16xf32>, vector<16xf32>, vector<16xf32>, vector<16xf32>
      }
      %scan3A_847 = arith.constant 10 : i32
      %add3A_848 = arith.constant 0 : i32
      %add3A_849 = arith.addi %mul3A_837, %add3A_848 : i32
      %swap3A_850 = arith.index_cast %add3A_849 : i32 to index
      %swap3A_851 = arith.constant 0 : index
      %swap3A_852 = tpu.vector_load %arg11[%swap3A_850, %swap3A_851] {strides = array<i32>} : memref<512x64xf32, #tpu.memory_space<vmem>>, vector<16xf32>,
      tpu.vector_store %arg11[%swap3A_850, %swap3A_851], %scan3A_846#0 {strides = array<i32>} : memref<512x64xf32, #tpu.memory_space<vmem>>, vector<16xf32>,
      %add3A_853 = arith.constant 0 : i32
      %add3A_854 = arith.addi %mul3A_837, %add3A_853 : i32
      %swap3A_855 = arith.index_cast %add3A_854 : i32 to index
      %swap3A_856 = arith.constant 16 : index
      %swap3A_857 = tpu.vector_load %arg11[%swap3A_855, %swap3A_856] {strides = array<i32>} : memref<512x64xf32, #tpu.memory_space<vmem>>, vector<16xf32>,
      tpu.vector_store %arg11[%swap3A_855, %swap3A_856], %scan3A_846#1 {strides = array<i32>} : memref<512x64xf32, #tpu.memory_space<vmem>>, vector<16xf32>,
      %add3A_858 = arith.constant 0 : i32
      %add3A_859 = arith.addi %mul3A_837, %add3A_858 : i32
      %swap3A_860 = arith.index_cast %add3A_859 : i32 to index
      %swap3A_861 = arith.constant 32 : index
      %swap3A_862 = tpu.vector_load %arg11[%swap3A_860, %swap3A_861] {strides = array<i32>} : memref<512x64xf32, #tpu.memory_space<vmem>>, vector<16xf32>,
      tpu.vector_store %arg11[%swap3A_860, %swap3A_861], %scan3A_846#2 {strides = array<i32>} : memref<512x64xf32, #tpu.memory_space<vmem>>, vector<16xf32>,
      %add3A_863 = arith.constant 0 : i32
      %add3A_864 = arith.addi %mul3A_837, %add3A_863 : i32
      %swap3A_865 = arith.index_cast %add3A_864 : i32 to index
      %swap3A_866 = arith.constant 48 : index
      %swap3A_867 = tpu.vector_load %arg11[%swap3A_865, %swap3A_866] {strides = array<i32>} : memref<512x64xf32, #tpu.memory_space<vmem>>, vector<16xf32>,
      tpu.vector_store %arg11[%swap3A_865, %swap3A_866], %scan3A_846#3 {strides = array<i32>} : memref<512x64xf32, #tpu.memory_space<vmem>>, vector<16xf32>,
      %broadcast_in_dim3A_868 = arith.constant 0.000000e+00 : f32
      %broadcast_in_dim3A_869 = vector.broadcast %broadcast_in_dim3A_868 : f32 to vector<16xf32>
      %scan3A_870 = arith.constant 0 : i32
      %scan3A_871 = arith.constant 10 : i32
      %scan3A_872 = arith.addi %scan3A_870, %scan3A_871 : i32
      %scan3A_873 = arith.constant 1 : i32
      %scan3A_874:4 = scf.for %scan3A_1050 = %scan3A_870 to %scan3A_872 step %scan3A_873 iter_args(%scan3A_1051 = %broadcast_in_dim3A_869, %scan3A_1052 = %broadcast_in_dim3A_869, %scan3A_1053 = %broadcast_in_dim3A_869, %scan3A_1054 = %broadcast_in_dim3A_869) -> (vector<16xf32>, vector<16xf32>, vector<16xf32>, vector<16xf32>)  : i32 {
        %mul3A_1055 = arith.constant 5 : i32
        %mul3A_1056 = arith.muli %scan3A_1050, %mul3A_1055 : i32
        %add3A_1057 = arith.constant 50 : i32
        %add3A_1058 = arith.addi %add3A_1057, %mul3A_1056 : i32
        %add3A_1059 = arith.constant 0 : i32
        %add3A_1060 = arith.addi %add3A_1058, %add3A_1059 : i32
        %get3A = arith.index_cast %add3A_1060 : i32 to index
        %get3A_1061 = arith.constant 0 : index
        %get3A_1062 = tpu.vector_load %arg8[%get3A, %get3A_1061] {strides = array<i32>} : memref<100x32xi32, #tpu.memory_space<vmem>>, vector<16xi32>,
        %bitcast3A = vector.bitcast %get3A_1062 : vector<16xi32> to vector<32xbf16>
        %add3A_1063 = arith.addf %broadcast_in_dim3A_839, %bitcast3A : vector<32xbf16>
        %get3A_1064 = arith.index_cast %add3A_1060 : i32 to index
        %get3A_1065 = arith.constant 16 : index
        %get3A_1066 = tpu.vector_load %arg8[%get3A_1064, %get3A_1065] {strides = array<i32>} : memref<100x32xi32, #tpu.memory_space<vmem>>, vector<16xi32>,
        %bitcast3A_1067 = vector.bitcast %get3A_1066 : vector<16xi32> to vector<32xbf16>
        %add3A_1068 = arith.addf %broadcast_in_dim3A_839, %bitcast3A_1067 : vector<32xbf16>
        %mul3A_1069 = arith.constant 5 : i32
        %mul3A_1070 = arith.muli %scan3A_1050, %mul3A_1069 : i32
        %add3A_1071 = arith.constant 50 : i32
        %add3A_1072 = arith.addi %add3A_1071, %mul3A_1070 : i32
        %add3A_1073 = arith.constant 1 : i32
        %add3A_1074 = arith.addi %add3A_1072, %add3A_1073 : i32
        %get3A_1075 = arith.index_cast %add3A_1074 : i32 to index
        %get3A_1076 = arith.constant 0 : index
        %get3A_1077 = tpu.vector_load %arg8[%get3A_1075, %get3A_1076] {strides = array<i32>} : memref<100x32xi32, #tpu.memory_space<vmem>>, vector<16xi32>,
        %bitcast3A_1078 = vector.bitcast %get3A_1077 : vector<16xi32> to vector<32xbf16>
        %add3A_1079 = arith.addf %add3A_1063, %bitcast3A_1078 : vector<32xbf16>
        %get3A_1080 = arith.index_cast %add3A_1074 : i32 to index
        %get3A_1081 = arith.constant 16 : index
        %get3A_1082 = tpu.vector_load %arg8[%get3A_1080, %get3A_1081] {strides = array<i32>} : memref<100x32xi32, #tpu.memory_space<vmem>>, vector<16xi32>,
        %bitcast3A_1083 = vector.bitcast %get3A_1082 : vector<16xi32> to vector<32xbf16>
        %add3A_1084 = arith.addf %add3A_1068, %bitcast3A_1083 : vector<32xbf16>
        %mul3A_1085 = arith.constant 5 : i32
        %mul3A_1086 = arith.muli %scan3A_1050, %mul3A_1085 : i32
        %add3A_1087 = arith.constant 50 : i32
        %add3A_1088 = arith.addi %add3A_1087, %mul3A_1086 : i32
        %add3A_1089 = arith.constant 2 : i32
        %add3A_1090 = arith.addi %add3A_1088, %add3A_1089 : i32
        %get3A_1091 = arith.index_cast %add3A_1090 : i32 to index
        %get3A_1092 = arith.constant 0 : index
        %get3A_1093 = tpu.vector_load %arg8[%get3A_1091, %get3A_1092] {strides = array<i32>} : memref<100x32xi32, #tpu.memory_space<vmem>>, vector<16xi32>,
        %bitcast3A_1094 = vector.bitcast %get3A_1093 : vector<16xi32> to vector<32xbf16>
        %add3A_1095 = arith.addf %add3A_1079, %bitcast3A_1094 : vector<32xbf16>
        %get3A_1096 = arith.index_cast %add3A_1090 : i32 to index
        %get3A_1097 = arith.constant 16 : index
        %get3A_1098 = tpu.vector_load %arg8[%get3A_1096, %get3A_1097] {strides = array<i32>} : memref<100x32xi32, #tpu.memory_space<vmem>>, vector<16xi32>,
        %bitcast3A_1099 = vector.bitcast %get3A_1098 : vector<16xi32> to vector<32xbf16>
        %add3A_1100 = arith.addf %add3A_1084, %bitcast3A_1099 : vector<32xbf16>
        %mul3A_1101 = arith.constant 5 : i32
        %mul3A_1102 = arith.muli %scan3A_1050, %mul3A_1101 : i32
        %add3A_1103 = arith.constant 50 : i32
        %add3A_1104 = arith.addi %add3A_1103, %mul3A_1102 : i32
        %add3A_1105 = arith.constant 3 : i32
        %add3A_1106 = arith.addi %add3A_1104, %add3A_1105 : i32
        %get3A_1107 = arith.index_cast %add3A_1106 : i32 to index
        %get3A_1108 = arith.constant 0 : index
        %get3A_1109 = tpu.vector_load %arg8[%get3A_1107, %get3A_1108] {strides = array<i32>} : memref<100x32xi32, #tpu.memory_space<vmem>>, vector<16xi32>,
        %bitcast3A_1110 = vector.bitcast %get3A_1109 : vector<16xi32> to vector<32xbf16>
        %add3A_1111 = arith.addf %add3A_1095, %bitcast3A_1110 : vector<32xbf16>
        %get3A_1112 = arith.index_cast %add3A_1106 : i32 to index
        %get3A_1113 = arith.constant 16 : index
        %get3A_1114 = tpu.vector_load %arg8[%get3A_1112, %get3A_1113] {strides = array<i32>} : memref<100x32xi32, #tpu.memory_space<vmem>>, vector<16xi32>,
        %bitcast3A_1115 = vector.bitcast %get3A_1114 : vector<16xi32> to vector<32xbf16>
        %add3A_1116 = arith.addf %add3A_1100, %bitcast3A_1115 : vector<32xbf16>
        %mul3A_1117 = arith.constant 5 : i32
        %mul3A_1118 = arith.muli %scan3A_1050, %mul3A_1117 : i32
        %add3A_1119 = arith.constant 50 : i32
        %add3A_1120 = arith.addi %add3A_1119, %mul3A_1118 : i32
        %add3A_1121 = arith.constant 4 : i32
        %add3A_1122 = arith.addi %add3A_1120, %add3A_1121 : i32
        %get3A_1123 = arith.index_cast %add3A_1122 : i32 to index
        %get3A_1124 = arith.constant 0 : index
        %get3A_1125 = tpu.vector_load %arg8[%get3A_1123, %get3A_1124] {strides = array<i32>} : memref<100x32xi32, #tpu.memory_space<vmem>>, vector<16xi32>,
        %bitcast3A_1126 = vector.bitcast %get3A_1125 : vector<16xi32> to vector<32xbf16>
        %add3A_1127 = arith.addf %add3A_1111, %bitcast3A_1126 : vector<32xbf16>
        %get3A_1128 = arith.index_cast %add3A_1122 : i32 to index
        %get3A_1129 = arith.constant 16 : index
        %get3A_1130 = tpu.vector_load %arg8[%get3A_1128, %get3A_1129] {strides = array<i32>} : memref<100x32xi32, #tpu.memory_space<vmem>>, vector<16xi32>,
        %bitcast3A_1131 = vector.bitcast %get3A_1130 : vector<16xi32> to vector<32xbf16>
        %add3A_1132 = arith.addf %add3A_1116, %bitcast3A_1131 : vector<32xbf16>
        %unpack3A = tpu.unpack_subelements %add3A_1127, 0 {pack_format = #tpu.pack_format<interleaved>} : vector<32xbf16> -> vector<16xf32>
        %unpack3A_1133 = tpu.unpack_subelements %add3A_1127, 1 {pack_format = #tpu.pack_format<interleaved>} : vector<32xbf16> -> vector<16xf32>
        %unpack3A_1134 = tpu.unpack_subelements %add3A_1132, 0 {pack_format = #tpu.pack_format<interleaved>} : vector<32xbf16> -> vector<16xf32>
        %unpack3A_1135 = tpu.unpack_subelements %add3A_1132, 1 {pack_format = #tpu.pack_format<interleaved>} : vector<32xbf16> -> vector<16xf32>
        %add3A_1136 = arith.addf %scan3A_1051, %unpack3A : vector<16xf32>
        %add3A_1137 = arith.addf %scan3A_1052, %unpack3A_1134 : vector<16xf32>
        %add3A_1138 = arith.addf %scan3A_1053, %unpack3A_1133 : vector<16xf32>
        %add3A_1139 = arith.addf %scan3A_1054, %unpack3A_1135 : vector<16xf32>
        scf.yield %add3A_1136, %add3A_1137, %add3A_1138, %add3A_1139 : vector<16xf32>, vector<16xf32>, vector<16xf32>, vector<16xf32>
      }
      %scan3A_875 = arith.constant 10 : i32
      %add3A_876 = arith.constant 1 : i32
      %add3A_877 = arith.addi %mul3A_837, %add3A_876 : i32
      %swap3A_878 = arith.index_cast %add3A_877 : i32 to index
      %swap3A_879 = arith.constant 0 : index
      %swap3A_880 = tpu.vector_load %arg11[%swap3A_878, %swap3A_879] {strides = array<i32>} : memref<512x64xf32, #tpu.memory_space<vmem>>, vector<16xf32>,
      tpu.vector_store %arg11[%swap3A_878, %swap3A_879], %scan3A_874#0 {strides = array<i32>} : memref<512x64xf32, #tpu.memory_space<vmem>>, vector<16xf32>,
      %add3A_881 = arith.constant 1 : i32
      %add3A_882 = arith.addi %mul3A_837, %add3A_881 : i32
      %swap3A_883 = arith.index_cast %add3A_882 : i32 to index
      %swap3A_884 = arith.constant 16 : index
      %swap3A_885 = tpu.vector_load %arg11[%swap3A_883, %swap3A_884] {strides = array<i32>} : memref<512x64xf32, #tpu.memory_space<vmem>>, vector<16xf32>,
      tpu.vector_store %arg11[%swap3A_883, %swap3A_884], %scan3A_874#1 {strides = array<i32>} : memref<512x64xf32, #tpu.memory_space<vmem>>, vector<16xf32>,
      %add3A_886 = arith.constant 1 : i32
      %add3A_887 = arith.addi %mul3A_837, %add3A_886 : i32
      %swap3A_888 = arith.index_cast %add3A_887 : i32 to index
      %swap3A_889 = arith.constant 32 : index
      %swap3A_890 = tpu.vector_load %arg11[%swap3A_888, %swap3A_889] {strides = array<i32>} : memref<512x64xf32, #tpu.memory_space<vmem>>, vector<16xf32>,
      tpu.vector_store %arg11[%swap3A_888, %swap3A_889], %scan3A_874#2 {strides = array<i32>} : memref<512x64xf32, #tpu.memory_space<vmem>>, vector<16xf32>,
      %add3A_891 = arith.constant 1 : i32
      %add3A_892 = arith.addi %mul3A_837, %add3A_891 : i32
      %swap3A_893 = arith.index_cast %add3A_892 : i32 to index
      %swap3A_894 = arith.constant 48 : index
      %swap3A_895 = tpu.vector_load %arg11[%swap3A_893, %swap3A_894] {strides = array<i32>} : memref<512x64xf32, #tpu.memory_space<vmem>>, vector<16xf32>,
      tpu.vector_store %arg11[%swap3A_893, %swap3A_894], %scan3A_874#3 {strides = array<i32>} : memref<512x64xf32, #tpu.memory_space<vmem>>, vector<16xf32>,
      %add3A_896 = arith.constant 2 : i32
      %add3A_897 = arith.addi %mul3A_746, %add3A_896 : i32
      %add3A_898 = arith.constant 4 : i32
      %add3A_899 = arith.addi %add3A_897, %add3A_898 : i32
      %sub3A_900 = arith.constant 1 : i32
      %sub3A_901 = arith.subi %add3A_899, %sub3A_900 : i32
      %lt3A_902 = arith.constant 256 : i32
      %lt3A_903 = arith.cmpi slt, %sub3A_901, %lt3A_902 : i32
      %convert_element_type3A_904 = arith.extui %lt3A_903 : i1 to i32
      %cond3A_905 = arith.constant 0 : i32
      %cond3A_906 = arith.cmpi ne, %convert_element_type3A_904, %cond3A_905 : i32
      scf.if %cond3A_906 {
        %mul3A_1050 = arith.constant 2 : i32
        %mul3A_1051 = arith.muli %mul3A_1050, %sub3A_901 : i32
        %add3A_1052 = arith.constant 0 : i32
        %add3A_1053 = arith.addi %mul3A_1051, %add3A_1052 : i32
        %add3A_1054 = arith.constant 0 : i32
        %add3A_1055 = vector.broadcast %add3A_1054 : i32 to vector<16xi32>
        %add3A_1056 = arith.addi %iota3A, %add3A_1055 : vector<16xi32>
        %broadcast_in_dim3A_1057 = vector.broadcast %add3A_1053 : i32 to vector<16xi32>
        %gather3A_1058 = tpu.vector_load_idx %arg5[%add3A_1056, %broadcast_in_dim3A_1057] : memref<50x512xi32, #tpu.memory_space<vmem>>[vector<16xi32>, vector<16xi32>], vector<16xi32>,
        %shift_right_arithmetic3A_1059 = arith.constant 12 : i32
        %shift_right_arithmetic3A_1060 = vector.broadcast %shift_right_arithmetic3A_1059 : i32 to vector<16xi32>
        %shift_right_arithmetic3A_1061 = arith.shrsi %gather3A_1058, %shift_right_arithmetic3A_1060 : vector<16xi32>
        %and3A_1062 = arith.constant 4095 : i32
        %and3A_1063 = vector.broadcast %and3A_1062 : i32 to vector<16xi32>
        %and3A_1064 = arith.andi %gather3A_1058, %and3A_1063 : vector<16xi32>
        %shift_right_arithmetic3A_1065 = arith.constant 2 : i32
        %shift_right_arithmetic3A_1066 = vector.broadcast %shift_right_arithmetic3A_1065 : i32 to vector<16xi32>
        %shift_right_arithmetic3A_1067 = arith.shrsi %shift_right_arithmetic3A_1061, %shift_right_arithmetic3A_1066 : vector<16xi32>
        %shift_left3A_1068 = arith.constant 14 : i32
        %shift_left3A_1069 = vector.broadcast %shift_left3A_1068 : i32 to vector<16xi32>
        %shift_left3A_1070 = arith.shli %shift_right_arithmetic3A_1067, %shift_left3A_1069 : vector<16xi32>
        %shift_left3A_1071 = arith.constant 2 : i32
        %shift_left3A_1072 = vector.broadcast %shift_left3A_1071 : i32 to vector<16xi32>
        %shift_left3A_1073 = arith.shli %and3A_1064, %shift_left3A_1072 : vector<16xi32>
        %add3A_1074 = arith.addi %shift_left3A_1070, %shift_left3A_1073 : vector<16xi32>
        %and3A_1075 = arith.constant 3 : i32
        %and3A_1076 = vector.broadcast %and3A_1075 : i32 to vector<16xi32>
        %and3A_1077 = arith.andi %shift_right_arithmetic3A_1061, %and3A_1076 : vector<16xi32>
        %add3A_1078 = arith.addi %add3A_1074, %and3A_1077 : vector<16xi32>
        %swap3A_1079 = arith.index_cast %sub3A_901 : i32 to index
        %swap3A_1080 = arith.constant 0 : index
        %swap3A_1081 = tpu.vector_load %arg6[%swap3A_1079, %swap3A_1080] {strides = array<i32>} : memref<256x100xi32, #tpu.memory_space<vmem>>, vector<16xi32>,
        tpu.vector_store %arg6[%swap3A_1079, %swap3A_1080], %add3A_1078 {strides = array<i32>} : memref<256x100xi32, #tpu.memory_space<vmem>>, vector<16xi32>,
        %add3A_1082 = arith.constant 16 : i32
        %add3A_1083 = vector.broadcast %add3A_1082 : i32 to vector<16xi32>
        %add3A_1084 = arith.addi %iota3A, %add3A_1083 : vector<16xi32>
        %broadcast_in_dim3A_1085 = vector.broadcast %add3A_1053 : i32 to vector<16xi32>
        %gather3A_1086 = tpu.vector_load_idx %arg5[%add3A_1084, %broadcast_in_dim3A_1085] : memref<50x512xi32, #tpu.memory_space<vmem>>[vector<16xi32>, vector<16xi32>], vector<16xi32>,
        %shift_right_arithmetic3A_1087 = arith.constant 12 : i32
        %shift_right_arithmetic3A_1088 = vector.broadcast %shift_right_arithmetic3A_1087 : i32 to vector<16xi32>
        %shift_right_arithmetic3A_1089 = arith.shrsi %gather3A_1086, %shift_right_arithmetic3A_1088 : vector<16xi32>
        %and3A_1090 = arith.constant 4095 : i32
        %and3A_1091 = vector.broadcast %and3A_1090 : i32 to vector<16xi32>
        %and3A_1092 = arith.andi %gather3A_1086, %and3A_1091 : vector<16xi32>
        %shift_right_arithmetic3A_1093 = arith.constant 2 : i32
        %shift_right_arithmetic3A_1094 = vector.broadcast %shift_right_arithmetic3A_1093 : i32 to vector<16xi32>
        %shift_right_arithmetic3A_1095 = arith.shrsi %shift_right_arithmetic3A_1089, %shift_right_arithmetic3A_1094 : vector<16xi32>
        %shift_left3A_1096 = arith.constant 14 : i32
        %shift_left3A_1097 = vector.broadcast %shift_left3A_1096 : i32 to vector<16xi32>
        %shift_left3A_1098 = arith.shli %shift_right_arithmetic3A_1095, %shift_left3A_1097 : vector<16xi32>
        %shift_left3A_1099 = arith.constant 2 : i32
        %shift_left3A_1100 = vector.broadcast %shift_left3A_1099 : i32 to vector<16xi32>
        %shift_left3A_1101 = arith.shli %and3A_1092, %shift_left3A_1100 : vector<16xi32>
        %add3A_1102 = arith.addi %shift_left3A_1098, %shift_left3A_1101 : vector<16xi32>
        %and3A_1103 = arith.constant 3 : i32
        %and3A_1104 = vector.broadcast %and3A_1103 : i32 to vector<16xi32>
        %and3A_1105 = arith.andi %shift_right_arithmetic3A_1089, %and3A_1104 : vector<16xi32>
        %add3A_1106 = arith.addi %add3A_1102, %and3A_1105 : vector<16xi32>
        %swap3A_1107 = arith.index_cast %sub3A_901 : i32 to index
        %swap3A_1108 = arith.constant 16 : index
        %swap3A_1109 = tpu.vector_load %arg6[%swap3A_1107, %swap3A_1108] {strides = array<i32>} : memref<256x100xi32, #tpu.memory_space<vmem>>, vector<16xi32>,
        tpu.vector_store %arg6[%swap3A_1107, %swap3A_1108], %add3A_1106 {strides = array<i32>} : memref<256x100xi32, #tpu.memory_space<vmem>>, vector<16xi32>,
        %add3A_1110 = arith.constant 32 : i32
        %add3A_1111 = vector.broadcast %add3A_1110 : i32 to vector<16xi32>
        %add3A_1112 = arith.addi %iota3A, %add3A_1111 : vector<16xi32>
        %broadcast_in_dim3A_1113 = vector.broadcast %add3A_1053 : i32 to vector<16xi32>
        %gather3A_1114 = tpu.vector_load_idx %arg5[%add3A_1112, %broadcast_in_dim3A_1113] : memref<50x512xi32, #tpu.memory_space<vmem>>[vector<16xi32>, vector<16xi32>], vector<16xi32>,
        %shift_right_arithmetic3A_1115 = arith.constant 12 : i32
        %shift_right_arithmetic3A_1116 = vector.broadcast %shift_right_arithmetic3A_1115 : i32 to vector<16xi32>
        %shift_right_arithmetic3A_1117 = arith.shrsi %gather3A_1114, %shift_right_arithmetic3A_1116 : vector<16xi32>
        %and3A_1118 = arith.constant 4095 : i32
        %and3A_1119 = vector.broadcast %and3A_1118 : i32 to vector<16xi32>
        %and3A_1120 = arith.andi %gather3A_1114, %and3A_1119 : vector<16xi32>
        %shift_right_arithmetic3A_1121 = arith.constant 2 : i32
        %shift_right_arithmetic3A_1122 = vector.broadcast %shift_right_arithmetic3A_1121 : i32 to vector<16xi32>
        %shift_right_arithmetic3A_1123 = arith.shrsi %shift_right_arithmetic3A_1117, %shift_right_arithmetic3A_1122 : vector<16xi32>
        %shift_left3A_1124 = arith.constant 14 : i32
        %shift_left3A_1125 = vector.broadcast %shift_left3A_1124 : i32 to vector<16xi32>
        %shift_left3A_1126 = arith.shli %shift_right_arithmetic3A_1123, %shift_left3A_1125 : vector<16xi32>
        %shift_left3A_1127 = arith.constant 2 : i32
        %shift_left3A_1128 = vector.broadcast %shift_left3A_1127 : i32 to vector<16xi32>
        %shift_left3A_1129 = arith.shli %and3A_1120, %shift_left3A_1128 : vector<16xi32>
        %add3A_1130 = arith.addi %shift_left3A_1126, %shift_left3A_1129 : vector<16xi32>
        %and3A_1131 = arith.constant 3 : i32
        %and3A_1132 = vector.broadcast %and3A_1131 : i32 to vector<16xi32>
        %and3A_1133 = arith.andi %shift_right_arithmetic3A_1117, %and3A_1132 : vector<16xi32>
        %add3A_1134 = arith.addi %add3A_1130, %and3A_1133 : vector<16xi32>
        %swap3A_1135 = arith.index_cast %sub3A_901 : i32 to index
        %swap3A_1136 = arith.constant 32 : index
        %swap3A_1137 = tpu.vector_load %arg6[%swap3A_1135, %swap3A_1136] {strides = array<i32>} : memref<256x100xi32, #tpu.memory_space<vmem>>, vector<16xi32>,
        tpu.vector_store %arg6[%swap3A_1135, %swap3A_1136], %add3A_1134 {strides = array<i32>} : memref<256x100xi32, #tpu.memory_space<vmem>>, vector<16xi32>,
        %add3A_1138 = arith.constant 34 : i32
        %add3A_1139 = vector.broadcast %add3A_1138 : i32 to vector<16xi32>
        %add3A_1140 = arith.addi %iota3A, %add3A_1139 : vector<16xi32>
        %broadcast_in_dim3A_1141 = vector.broadcast %add3A_1053 : i32 to vector<16xi32>
        %gather3A_1142 = tpu.vector_load_idx %arg5[%add3A_1140, %broadcast_in_dim3A_1141] : memref<50x512xi32, #tpu.memory_space<vmem>>[vector<16xi32>, vector<16xi32>], vector<16xi32>,
        %shift_right_arithmetic3A_1143 = arith.constant 12 : i32
        %shift_right_arithmetic3A_1144 = vector.broadcast %shift_right_arithmetic3A_1143 : i32 to vector<16xi32>
        %shift_right_arithmetic3A_1145 = arith.shrsi %gather3A_1142, %shift_right_arithmetic3A_1144 : vector<16xi32>
        %and3A_1146 = arith.constant 4095 : i32
        %and3A_1147 = vector.broadcast %and3A_1146 : i32 to vector<16xi32>
        %and3A_1148 = arith.andi %gather3A_1142, %and3A_1147 : vector<16xi32>
        %shift_right_arithmetic3A_1149 = arith.constant 2 : i32
        %shift_right_arithmetic3A_1150 = vector.broadcast %shift_right_arithmetic3A_1149 : i32 to vector<16xi32>
        %shift_right_arithmetic3A_1151 = arith.shrsi %shift_right_arithmetic3A_1145, %shift_right_arithmetic3A_1150 : vector<16xi32>
        %shift_left3A_1152 = arith.constant 14 : i32
        %shift_left3A_1153 = vector.broadcast %shift_left3A_1152 : i32 to vector<16xi32>
        %shift_left3A_1154 = arith.shli %shift_right_arithmetic3A_1151, %shift_left3A_1153 : vector<16xi32>
        %shift_left3A_1155 = arith.constant 2 : i32
        %shift_left3A_1156 = vector.broadcast %shift_left3A_1155 : i32 to vector<16xi32>
        %shift_left3A_1157 = arith.shli %and3A_1148, %shift_left3A_1156 : vector<16xi32>
        %add3A_1158 = arith.addi %shift_left3A_1154, %shift_left3A_1157 : vector<16xi32>
        %and3A_1159 = arith.constant 3 : i32
        %and3A_1160 = vector.broadcast %and3A_1159 : i32 to vector<16xi32>
        %and3A_1161 = arith.andi %shift_right_arithmetic3A_1145, %and3A_1160 : vector<16xi32>
        %add3A_1162 = arith.addi %add3A_1158, %and3A_1161 : vector<16xi32>
        %swap3A_1163 = arith.index_cast %sub3A_901 : i32 to index
        %swap3A_1164 = arith.constant 34 : index
        %swap3A_1165 = tpu.vector_load %arg6[%swap3A_1163, %swap3A_1164] {strides = array<i32>} : memref<256x100xi32, #tpu.memory_space<vmem>>, vector<16xi32>,
        tpu.vector_store %arg6[%swap3A_1163, %swap3A_1164], %add3A_1162 {strides = array<i32>} : memref<256x100xi32, #tpu.memory_space<vmem>>, vector<16xi32>,
        %mul3A_1166 = arith.constant 2 : i32
        %mul3A_1167 = arith.muli %mul3A_1166, %sub3A_901 : i32
        %add3A_1168 = arith.constant 1 : i32
        %add3A_1169 = arith.addi %mul3A_1167, %add3A_1168 : i32
        %add3A_1170 = arith.constant 0 : i32
        %add3A_1171 = vector.broadcast %add3A_1170 : i32 to vector<16xi32>
        %add3A_1172 = arith.addi %iota3A, %add3A_1171 : vector<16xi32>
        %broadcast_in_dim3A_1173 = vector.broadcast %add3A_1169 : i32 to vector<16xi32>
        %gather3A_1174 = tpu.vector_load_idx %arg5[%add3A_1172, %broadcast_in_dim3A_1173] : memref<50x512xi32, #tpu.memory_space<vmem>>[vector<16xi32>, vector<16xi32>], vector<16xi32>,
        %shift_right_arithmetic3A_1175 = arith.constant 12 : i32
        %shift_right_arithmetic3A_1176 = vector.broadcast %shift_right_arithmetic3A_1175 : i32 to vector<16xi32>
        %shift_right_arithmetic3A_1177 = arith.shrsi %gather3A_1174, %shift_right_arithmetic3A_1176 : vector<16xi32>
        %and3A_1178 = arith.constant 4095 : i32
        %and3A_1179 = vector.broadcast %and3A_1178 : i32 to vector<16xi32>
        %and3A_1180 = arith.andi %gather3A_1174, %and3A_1179 : vector<16xi32>
        %shift_right_arithmetic3A_1181 = arith.constant 2 : i32
        %shift_right_arithmetic3A_1182 = vector.broadcast %shift_right_arithmetic3A_1181 : i32 to vector<16xi32>
        %shift_right_arithmetic3A_1183 = arith.shrsi %shift_right_arithmetic3A_1177, %shift_right_arithmetic3A_1182 : vector<16xi32>
        %shift_left3A_1184 = arith.constant 14 : i32
        %shift_left3A_1185 = vector.broadcast %shift_left3A_1184 : i32 to vector<16xi32>
        %shift_left3A_1186 = arith.shli %shift_right_arithmetic3A_1183, %shift_left3A_1185 : vector<16xi32>
        %shift_left3A_1187 = arith.constant 2 : i32
        %shift_left3A_1188 = vector.broadcast %shift_left3A_1187 : i32 to vector<16xi32>
        %shift_left3A_1189 = arith.shli %and3A_1180, %shift_left3A_1188 : vector<16xi32>
        %add3A_1190 = arith.addi %shift_left3A_1186, %shift_left3A_1189 : vector<16xi32>
        %and3A_1191 = arith.constant 3 : i32
        %and3A_1192 = vector.broadcast %and3A_1191 : i32 to vector<16xi32>
        %and3A_1193 = arith.andi %shift_right_arithmetic3A_1177, %and3A_1192 : vector<16xi32>
        %add3A_1194 = arith.addi %add3A_1190, %and3A_1193 : vector<16xi32>
        %swap3A_1195 = arith.index_cast %sub3A_901 : i32 to index
        %swap3A_1196 = arith.constant 50 : index
        %swap3A_1197 = tpu.vector_load %arg6[%swap3A_1195, %swap3A_1196] {strides = array<i32>} : memref<256x100xi32, #tpu.memory_space<vmem>>, vector<16xi32>,
        tpu.vector_store %arg6[%swap3A_1195, %swap3A_1196], %add3A_1194 {strides = array<i32>} : memref<256x100xi32, #tpu.memory_space<vmem>>, vector<16xi32>,
        %add3A_1198 = arith.constant 16 : i32
        %add3A_1199 = vector.broadcast %add3A_1198 : i32 to vector<16xi32>
        %add3A_1200 = arith.addi %iota3A, %add3A_1199 : vector<16xi32>
        %broadcast_in_dim3A_1201 = vector.broadcast %add3A_1169 : i32 to vector<16xi32>
        %gather3A_1202 = tpu.vector_load_idx %arg5[%add3A_1200, %broadcast_in_dim3A_1201] : memref<50x512xi32, #tpu.memory_space<vmem>>[vector<16xi32>, vector<16xi32>], vector<16xi32>,
        %shift_right_arithmetic3A_1203 = arith.constant 12 : i32
        %shift_right_arithmetic3A_1204 = vector.broadcast %shift_right_arithmetic3A_1203 : i32 to vector<16xi32>
        %shift_right_arithmetic3A_1205 = arith.shrsi %gather3A_1202, %shift_right_arithmetic3A_1204 : vector<16xi32>
        %and3A_1206 = arith.constant 4095 : i32
        %and3A_1207 = vector.broadcast %and3A_1206 : i32 to vector<16xi32>
        %and3A_1208 = arith.andi %gather3A_1202, %and3A_1207 : vector<16xi32>
        %shift_right_arithmetic3A_1209 = arith.constant 2 : i32
        %shift_right_arithmetic3A_1210 = vector.broadcast %shift_right_arithmetic3A_1209 : i32 to vector<16xi32>
        %shift_right_arithmetic3A_1211 = arith.shrsi %shift_right_arithmetic3A_1205, %shift_right_arithmetic3A_1210 : vector<16xi32>
        %shift_left3A_1212 = arith.constant 14 : i32
        %shift_left3A_1213 = vector.broadcast %shift_left3A_1212 : i32 to vector<16xi32>
        %shift_left3A_1214 = arith.shli %shift_right_arithmetic3A_1211, %shift_left3A_1213 : vector<16xi32>
        %shift_left3A_1215 = arith.constant 2 : i32
        %shift_left3A_1216 = vector.broadcast %shift_left3A_1215 : i32 to vector<16xi32>
        %shift_left3A_1217 = arith.shli %and3A_1208, %shift_left3A_1216 : vector<16xi32>
        %add3A_1218 = arith.addi %shift_left3A_1214, %shift_left3A_1217 : vector<16xi32>
        %and3A_1219 = arith.constant 3 : i32
        %and3A_1220 = vector.broadcast %and3A_1219 : i32 to vector<16xi32>
        %and3A_1221 = arith.andi %shift_right_arithmetic3A_1205, %and3A_1220 : vector<16xi32>
        %add3A_1222 = arith.addi %add3A_1218, %and3A_1221 : vector<16xi32>
        %swap3A_1223 = arith.index_cast %sub3A_901 : i32 to index
        %swap3A_1224 = arith.constant 66 : index
        %swap3A_1225 = tpu.vector_load %arg6[%swap3A_1223, %swap3A_1224] {strides = array<i32>} : memref<256x100xi32, #tpu.memory_space<vmem>>, vector<16xi32>,
        tpu.vector_store %arg6[%swap3A_1223, %swap3A_1224], %add3A_1222 {strides = array<i32>} : memref<256x100xi32, #tpu.memory_space<vmem>>, vector<16xi32>,
        %add3A_1226 = arith.constant 32 : i32
        %add3A_1227 = vector.broadcast %add3A_1226 : i32 to vector<16xi32>
        %add3A_1228 = arith.addi %iota3A, %add3A_1227 : vector<16xi32>
        %broadcast_in_dim3A_1229 = vector.broadcast %add3A_1169 : i32 to vector<16xi32>
        %gather3A_1230 = tpu.vector_load_idx %arg5[%add3A_1228, %broadcast_in_dim3A_1229] : memref<50x512xi32, #tpu.memory_space<vmem>>[vector<16xi32>, vector<16xi32>], vector<16xi32>,
        %shift_right_arithmetic3A_1231 = arith.constant 12 : i32
        %shift_right_arithmetic3A_1232 = vector.broadcast %shift_right_arithmetic3A_1231 : i32 to vector<16xi32>
        %shift_right_arithmetic3A_1233 = arith.shrsi %gather3A_1230, %shift_right_arithmetic3A_1232 : vector<16xi32>
        %and3A_1234 = arith.constant 4095 : i32
        %and3A_1235 = vector.broadcast %and3A_1234 : i32 to vector<16xi32>
        %and3A_1236 = arith.andi %gather3A_1230, %and3A_1235 : vector<16xi32>
        %shift_right_arithmetic3A_1237 = arith.constant 2 : i32
        %shift_right_arithmetic3A_1238 = vector.broadcast %shift_right_arithmetic3A_1237 : i32 to vector<16xi32>
        %shift_right_arithmetic3A_1239 = arith.shrsi %shift_right_arithmetic3A_1233, %shift_right_arithmetic3A_1238 : vector<16xi32>
        %shift_left3A_1240 = arith.constant 14 : i32
        %shift_left3A_1241 = vector.broadcast %shift_left3A_1240 : i32 to vector<16xi32>
        %shift_left3A_1242 = arith.shli %shift_right_arithmetic3A_1239, %shift_left3A_1241 : vector<16xi32>
        %shift_left3A_1243 = arith.constant 2 : i32
        %shift_left3A_1244 = vector.broadcast %shift_left3A_1243 : i32 to vector<16xi32>
        %shift_left3A_1245 = arith.shli %and3A_1236, %shift_left3A_1244 : vector<16xi32>
        %add3A_1246 = arith.addi %shift_left3A_1242, %shift_left3A_1245 : vector<16xi32>
        %and3A_1247 = arith.constant 3 : i32
        %and3A_1248 = vector.broadcast %and3A_1247 : i32 to vector<16xi32>
        %and3A_1249 = arith.andi %shift_right_arithmetic3A_1233, %and3A_1248 : vector<16xi32>
        %add3A_1250 = arith.addi %add3A_1246, %and3A_1249 : vector<16xi32>
        %swap3A_1251 = arith.index_cast %sub3A_901 : i32 to index
        %swap3A_1252 = arith.constant 82 : index
        %swap3A_1253 = tpu.vector_load %arg6[%swap3A_1251, %swap3A_1252] {strides = array<i32>} : memref<256x100xi32, #tpu.memory_space<vmem>>, vector<16xi32>,
        tpu.vector_store %arg6[%swap3A_1251, %swap3A_1252], %add3A_1250 {strides = array<i32>} : memref<256x100xi32, #tpu.memory_space<vmem>>, vector<16xi32>,
        %add3A_1254 = arith.constant 34 : i32
        %add3A_1255 = vector.broadcast %add3A_1254 : i32 to vector<16xi32>
        %add3A_1256 = arith.addi %iota3A, %add3A_1255 : vector<16xi32>
        %broadcast_in_dim3A_1257 = vector.broadcast %add3A_1169 : i32 to vector<16xi32>
        %gather3A_1258 = tpu.vector_load_idx %arg5[%add3A_1256, %broadcast_in_dim3A_1257] : memref<50x512xi32, #tpu.memory_space<vmem>>[vector<16xi32>, vector<16xi32>], vector<16xi32>,
        %shift_right_arithmetic3A_1259 = arith.constant 12 : i32
        %shift_right_arithmetic3A_1260 = vector.broadcast %shift_right_arithmetic3A_1259 : i32 to vector<16xi32>
        %shift_right_arithmetic3A_1261 = arith.shrsi %gather3A_1258, %shift_right_arithmetic3A_1260 : vector<16xi32>
        %and3A_1262 = arith.constant 4095 : i32
        %and3A_1263 = vector.broadcast %and3A_1262 : i32 to vector<16xi32>
        %and3A_1264 = arith.andi %gather3A_1258, %and3A_1263 : vector<16xi32>
        %shift_right_arithmetic3A_1265 = arith.constant 2 : i32
        %shift_right_arithmetic3A_1266 = vector.broadcast %shift_right_arithmetic3A_1265 : i32 to vector<16xi32>
        %shift_right_arithmetic3A_1267 = arith.shrsi %shift_right_arithmetic3A_1261, %shift_right_arithmetic3A_1266 : vector<16xi32>
        %shift_left3A_1268 = arith.constant 14 : i32
        %shift_left3A_1269 = vector.broadcast %shift_left3A_1268 : i32 to vector<16xi32>
        %shift_left3A_1270 = arith.shli %shift_right_arithmetic3A_1267, %shift_left3A_1269 : vector<16xi32>
        %shift_left3A_1271 = arith.constant 2 : i32
        %shift_left3A_1272 = vector.broadcast %shift_left3A_1271 : i32 to vector<16xi32>
        %shift_left3A_1273 = arith.shli %and3A_1264, %shift_left3A_1272 : vector<16xi32>
        %add3A_1274 = arith.addi %shift_left3A_1270, %shift_left3A_1273 : vector<16xi32>
        %and3A_1275 = arith.constant 3 : i32
        %and3A_1276 = vector.broadcast %and3A_1275 : i32 to vector<16xi32>
        %and3A_1277 = arith.andi %shift_right_arithmetic3A_1261, %and3A_1276 : vector<16xi32>
        %add3A_1278 = arith.addi %add3A_1274, %and3A_1277 : vector<16xi32>
        %swap3A_1279 = arith.index_cast %sub3A_901 : i32 to index
        %swap3A_1280 = arith.constant 84 : index
        %swap3A_1281 = tpu.vector_load %arg6[%swap3A_1279, %swap3A_1280] {strides = array<i32>} : memref<256x100xi32, #tpu.memory_space<vmem>>, vector<16xi32>,
        tpu.vector_store %arg6[%swap3A_1279, %swap3A_1280], %add3A_1278 {strides = array<i32>} : memref<256x100xi32, #tpu.memory_space<vmem>>, vector<16xi32>,
        %dma_start3A_1282 = arith.constant 0 : i32
        %dma_start3A_1283 = tpu.memref_slice %arg6[%sub3A_901, %dma_start3A_1282] : memref<256x100xi32, #tpu.memory_space<vmem>> -> memref<1x100xi32, #tpu.memory_space<vmem>>
        %dma_start3A_1284 = tpu.memref_squeeze %dma_start3A_1283 : memref<1x100xi32, #tpu.memory_space<vmem>> -> memref<100xi32, #tpu.memory_space<vmem>>
        %dma_start3A_1285 = arith.constant 0 : i32
        %dma_start3A_1286 = arith.constant 0 : i32
        %dma_start3A_1287 = tpu.memref_slice %arg3[%dma_start3A_1285, %dma_start3A_1286] : memref<1015808x32xi32, #tpu.memory_space<hbm>> -> memref<1015808x32xi32, #tpu.memory_space<hbm>>
        tpu.enqueue_indirect_dma source(%dma_start3A_1287 : memref<1015808x32xi32, #tpu.memory_space<hbm>>) target(%arg8 : memref<100x32xi32, #tpu.memory_space<vmem>>) offsets(%dma_start3A_1284 : memref<100xi32, #tpu.memory_space<vmem>>) semaphore(%arg13 : memref<!tpu.dma_semaphore, #tpu.memory_space<semaphore_mem>>)
      } else {
      }
      %dma_wait3A_907 = arith.constant 0 : i32
      %dma_wait3A_908 = tpu.memref_slice %arg6[%add3A_897, %dma_wait3A_907] : memref<256x100xi32, #tpu.memory_space<vmem>> -> memref<1x100xi32, #tpu.memory_space<vmem>>
      %dma_wait3A_909 = tpu.memref_squeeze %dma_wait3A_908 : memref<1x100xi32, #tpu.memory_space<vmem>> -> memref<100xi32, #tpu.memory_space<vmem>>
      %dma_wait3A_910 = arith.constant 0 : i32
      %dma_wait3A_911 = arith.constant 0 : i32
      %dma_wait3A_912 = tpu.memref_slice %arg3[%dma_wait3A_910, %dma_wait3A_911] : memref<1015808x32xi32, #tpu.memory_space<hbm>> -> memref<1015808x32xi32, #tpu.memory_space<hbm>>
      tpu.wait_indirect_dma semaphore(%arg14 : memref<!tpu.dma_semaphore, #tpu.memory_space<semaphore_mem>>) src(%dma_wait3A_912 : memref<1015808x32xi32, #tpu.memory_space<hbm>>) dst(%arg9 : memref<100x32xi32, #tpu.memory_space<vmem>>)
      %mul3A_913 = arith.constant 2 : i32
      %mul3A_914 = arith.muli %add3A_897, %mul3A_913 : i32
      %broadcast_in_dim3A_915 = arith.constant 0.000000e+00 : bf16
      %broadcast_in_dim3A_916 = vector.broadcast %broadcast_in_dim3A_915 : bf16 to vector<32xbf16>
      %broadcast_in_dim3A_917 = arith.constant 0.000000e+00 : f32
      %broadcast_in_dim3A_918 = vector.broadcast %broadcast_in_dim3A_917 : f32 to vector<16xf32>
      %scan3A_919 = arith.constant 0 : i32
      %scan3A_920 = arith.constant 10 : i32
      %scan3A_921 = arith.addi %scan3A_919, %scan3A_920 : i32
      %scan3A_922 = arith.constant 1 : i32
      %scan3A_923:4 = scf.for %scan3A_1050 = %scan3A_919 to %scan3A_921 step %scan3A_922 iter_args(%scan3A_1051 = %broadcast_in_dim3A_918, %scan3A_1052 = %broadcast_in_dim3A_918, %scan3A_1053 = %broadcast_in_dim3A_918, %scan3A_1054 = %broadcast_in_dim3A_918) -> (vector<16xf32>, vector<16xf32>, vector<16xf32>, vector<16xf32>)  : i32 {
        %mul3A_1055 = arith.constant 5 : i32
        %mul3A_1056 = arith.muli %scan3A_1050, %mul3A_1055 : i32
        %add3A_1057 = arith.constant 0 : i32
        %add3A_1058 = arith.addi %add3A_1057, %mul3A_1056 : i32
        %add3A_1059 = arith.constant 0 : i32
        %add3A_1060 = arith.addi %add3A_1058, %add3A_1059 : i32
        %get3A = arith.index_cast %add3A_1060 : i32 to index
        %get3A_1061 = arith.constant 0 : index
        %get3A_1062 = tpu.vector_load %arg9[%get3A, %get3A_1061] {strides = array<i32>} : memref<100x32xi32, #tpu.memory_space<vmem>>, vector<16xi32>,
        %bitcast3A = vector.bitcast %get3A_1062 : vector<16xi32> to vector<32xbf16>
        %add3A_1063 = arith.addf %broadcast_in_dim3A_916, %bitcast3A : vector<32xbf16>
        %get3A_1064 = arith.index_cast %add3A_1060 : i32 to index
        %get3A_1065 = arith.constant 16 : index
        %get3A_1066 = tpu.vector_load %arg9[%get3A_1064, %get3A_1065] {strides = array<i32>} : memref<100x32xi32, #tpu.memory_space<vmem>>, vector<16xi32>,
        %bitcast3A_1067 = vector.bitcast %get3A_1066 : vector<16xi32> to vector<32xbf16>
        %add3A_1068 = arith.addf %broadcast_in_dim3A_916, %bitcast3A_1067 : vector<32xbf16>
        %mul3A_1069 = arith.constant 5 : i32
        %mul3A_1070 = arith.muli %scan3A_1050, %mul3A_1069 : i32
        %add3A_1071 = arith.constant 0 : i32
        %add3A_1072 = arith.addi %add3A_1071, %mul3A_1070 : i32
        %add3A_1073 = arith.constant 1 : i32
        %add3A_1074 = arith.addi %add3A_1072, %add3A_1073 : i32
        %get3A_1075 = arith.index_cast %add3A_1074 : i32 to index
        %get3A_1076 = arith.constant 0 : index
        %get3A_1077 = tpu.vector_load %arg9[%get3A_1075, %get3A_1076] {strides = array<i32>} : memref<100x32xi32, #tpu.memory_space<vmem>>, vector<16xi32>,
        %bitcast3A_1078 = vector.bitcast %get3A_1077 : vector<16xi32> to vector<32xbf16>
        %add3A_1079 = arith.addf %add3A_1063, %bitcast3A_1078 : vector<32xbf16>
        %get3A_1080 = arith.index_cast %add3A_1074 : i32 to index
        %get3A_1081 = arith.constant 16 : index
        %get3A_1082 = tpu.vector_load %arg9[%get3A_1080, %get3A_1081] {strides = array<i32>} : memref<100x32xi32, #tpu.memory_space<vmem>>, vector<16xi32>,
        %bitcast3A_1083 = vector.bitcast %get3A_1082 : vector<16xi32> to vector<32xbf16>
        %add3A_1084 = arith.addf %add3A_1068, %bitcast3A_1083 : vector<32xbf16>
        %mul3A_1085 = arith.constant 5 : i32
        %mul3A_1086 = arith.muli %scan3A_1050, %mul3A_1085 : i32
        %add3A_1087 = arith.constant 0 : i32
        %add3A_1088 = arith.addi %add3A_1087, %mul3A_1086 : i32
        %add3A_1089 = arith.constant 2 : i32
        %add3A_1090 = arith.addi %add3A_1088, %add3A_1089 : i32
        %get3A_1091 = arith.index_cast %add3A_1090 : i32 to index
        %get3A_1092 = arith.constant 0 : index
        %get3A_1093 = tpu.vector_load %arg9[%get3A_1091, %get3A_1092] {strides = array<i32>} : memref<100x32xi32, #tpu.memory_space<vmem>>, vector<16xi32>,
        %bitcast3A_1094 = vector.bitcast %get3A_1093 : vector<16xi32> to vector<32xbf16>
        %add3A_1095 = arith.addf %add3A_1079, %bitcast3A_1094 : vector<32xbf16>
        %get3A_1096 = arith.index_cast %add3A_1090 : i32 to index
        %get3A_1097 = arith.constant 16 : index
        %get3A_1098 = tpu.vector_load %arg9[%get3A_1096, %get3A_1097] {strides = array<i32>} : memref<100x32xi32, #tpu.memory_space<vmem>>, vector<16xi32>,
        %bitcast3A_1099 = vector.bitcast %get3A_1098 : vector<16xi32> to vector<32xbf16>
        %add3A_1100 = arith.addf %add3A_1084, %bitcast3A_1099 : vector<32xbf16>
        %mul3A_1101 = arith.constant 5 : i32
        %mul3A_1102 = arith.muli %scan3A_1050, %mul3A_1101 : i32
        %add3A_1103 = arith.constant 0 : i32
        %add3A_1104 = arith.addi %add3A_1103, %mul3A_1102 : i32
        %add3A_1105 = arith.constant 3 : i32
        %add3A_1106 = arith.addi %add3A_1104, %add3A_1105 : i32
        %get3A_1107 = arith.index_cast %add3A_1106 : i32 to index
        %get3A_1108 = arith.constant 0 : index
        %get3A_1109 = tpu.vector_load %arg9[%get3A_1107, %get3A_1108] {strides = array<i32>} : memref<100x32xi32, #tpu.memory_space<vmem>>, vector<16xi32>,
        %bitcast3A_1110 = vector.bitcast %get3A_1109 : vector<16xi32> to vector<32xbf16>
        %add3A_1111 = arith.addf %add3A_1095, %bitcast3A_1110 : vector<32xbf16>
        %get3A_1112 = arith.index_cast %add3A_1106 : i32 to index
        %get3A_1113 = arith.constant 16 : index
        %get3A_1114 = tpu.vector_load %arg9[%get3A_1112, %get3A_1113] {strides = array<i32>} : memref<100x32xi32, #tpu.memory_space<vmem>>, vector<16xi32>,
        %bitcast3A_1115 = vector.bitcast %get3A_1114 : vector<16xi32> to vector<32xbf16>
        %add3A_1116 = arith.addf %add3A_1100, %bitcast3A_1115 : vector<32xbf16>
        %mul3A_1117 = arith.constant 5 : i32
        %mul3A_1118 = arith.muli %scan3A_1050, %mul3A_1117 : i32
        %add3A_1119 = arith.constant 0 : i32
        %add3A_1120 = arith.addi %add3A_1119, %mul3A_1118 : i32
        %add3A_1121 = arith.constant 4 : i32
        %add3A_1122 = arith.addi %add3A_1120, %add3A_1121 : i32
        %get3A_1123 = arith.index_cast %add3A_1122 : i32 to index
        %get3A_1124 = arith.constant 0 : index
        %get3A_1125 = tpu.vector_load %arg9[%get3A_1123, %get3A_1124] {strides = array<i32>} : memref<100x32xi32, #tpu.memory_space<vmem>>, vector<16xi32>,
        %bitcast3A_1126 = vector.bitcast %get3A_1125 : vector<16xi32> to vector<32xbf16>
        %add3A_1127 = arith.addf %add3A_1111, %bitcast3A_1126 : vector<32xbf16>
        %get3A_1128 = arith.index_cast %add3A_1122 : i32 to index
        %get3A_1129 = arith.constant 16 : index
        %get3A_1130 = tpu.vector_load %arg9[%get3A_1128, %get3A_1129] {strides = array<i32>} : memref<100x32xi32, #tpu.memory_space<vmem>>, vector<16xi32>,
        %bitcast3A_1131 = vector.bitcast %get3A_1130 : vector<16xi32> to vector<32xbf16>
        %add3A_1132 = arith.addf %add3A_1116, %bitcast3A_1131 : vector<32xbf16>
        %unpack3A = tpu.unpack_subelements %add3A_1127, 0 {pack_format = #tpu.pack_format<interleaved>} : vector<32xbf16> -> vector<16xf32>
        %unpack3A_1133 = tpu.unpack_subelements %add3A_1127, 1 {pack_format = #tpu.pack_format<interleaved>} : vector<32xbf16> -> vector<16xf32>
        %unpack3A_1134 = tpu.unpack_subelements %add3A_1132, 0 {pack_format = #tpu.pack_format<interleaved>} : vector<32xbf16> -> vector<16xf32>
        %unpack3A_1135 = tpu.unpack_subelements %add3A_1132, 1 {pack_format = #tpu.pack_format<interleaved>} : vector<32xbf16> -> vector<16xf32>
        %add3A_1136 = arith.addf %scan3A_1051, %unpack3A : vector<16xf32>
        %add3A_1137 = arith.addf %scan3A_1052, %unpack3A_1134 : vector<16xf32>
        %add3A_1138 = arith.addf %scan3A_1053, %unpack3A_1133 : vector<16xf32>
        %add3A_1139 = arith.addf %scan3A_1054, %unpack3A_1135 : vector<16xf32>
        scf.yield %add3A_1136, %add3A_1137, %add3A_1138, %add3A_1139 : vector<16xf32>, vector<16xf32>, vector<16xf32>, vector<16xf32>
      }
      %scan3A_924 = arith.constant 10 : i32
      %add3A_925 = arith.constant 0 : i32
      %add3A_926 = arith.addi %mul3A_914, %add3A_925 : i32
      %swap3A_927 = arith.index_cast %add3A_926 : i32 to index
      %swap3A_928 = arith.constant 0 : index
      %swap3A_929 = tpu.vector_load %arg11[%swap3A_927, %swap3A_928] {strides = array<i32>} : memref<512x64xf32, #tpu.memory_space<vmem>>, vector<16xf32>,
      tpu.vector_store %arg11[%swap3A_927, %swap3A_928], %scan3A_923#0 {strides = array<i32>} : memref<512x64xf32, #tpu.memory_space<vmem>>, vector<16xf32>,
      %add3A_930 = arith.constant 0 : i32
      %add3A_931 = arith.addi %mul3A_914, %add3A_930 : i32
      %swap3A_932 = arith.index_cast %add3A_931 : i32 to index
      %swap3A_933 = arith.constant 16 : index
      %swap3A_934 = tpu.vector_load %arg11[%swap3A_932, %swap3A_933] {strides = array<i32>} : memref<512x64xf32, #tpu.memory_space<vmem>>, vector<16xf32>,
      tpu.vector_store %arg11[%swap3A_932, %swap3A_933], %scan3A_923#1 {strides = array<i32>} : memref<512x64xf32, #tpu.memory_space<vmem>>, vector<16xf32>,
      %add3A_935 = arith.constant 0 : i32
      %add3A_936 = arith.addi %mul3A_914, %add3A_935 : i32
      %swap3A_937 = arith.index_cast %add3A_936 : i32 to index
      %swap3A_938 = arith.constant 32 : index
      %swap3A_939 = tpu.vector_load %arg11[%swap3A_937, %swap3A_938] {strides = array<i32>} : memref<512x64xf32, #tpu.memory_space<vmem>>, vector<16xf32>,
      tpu.vector_store %arg11[%swap3A_937, %swap3A_938], %scan3A_923#2 {strides = array<i32>} : memref<512x64xf32, #tpu.memory_space<vmem>>, vector<16xf32>,
      %add3A_940 = arith.constant 0 : i32
      %add3A_941 = arith.addi %mul3A_914, %add3A_940 : i32
      %swap3A_942 = arith.index_cast %add3A_941 : i32 to index
      %swap3A_943 = arith.constant 48 : index
      %swap3A_944 = tpu.vector_load %arg11[%swap3A_942, %swap3A_943] {strides = array<i32>} : memref<512x64xf32, #tpu.memory_space<vmem>>, vector<16xf32>,
      tpu.vector_store %arg11[%swap3A_942, %swap3A_943], %scan3A_923#3 {strides = array<i32>} : memref<512x64xf32, #tpu.memory_space<vmem>>, vector<16xf32>,
      %broadcast_in_dim3A_945 = arith.constant 0.000000e+00 : f32
      %broadcast_in_dim3A_946 = vector.broadcast %broadcast_in_dim3A_945 : f32 to vector<16xf32>
      %scan3A_947 = arith.constant 0 : i32
      %scan3A_948 = arith.constant 10 : i32
      %scan3A_949 = arith.addi %scan3A_947, %scan3A_948 : i32
      %scan3A_950 = arith.constant 1 : i32
      %scan3A_951:4 = scf.for %scan3A_1050 = %scan3A_947 to %scan3A_949 step %scan3A_950 iter_args(%scan3A_1051 = %broadcast_in_dim3A_946, %scan3A_1052 = %broadcast_in_dim3A_946, %scan3A_1053 = %broadcast_in_dim3A_946, %scan3A_1054 = %broadcast_in_dim3A_946) -> (vector<16xf32>, vector<16xf32>, vector<16xf32>, vector<16xf32>)  : i32 {
        %mul3A_1055 = arith.constant 5 : i32
        %mul3A_1056 = arith.muli %scan3A_1050, %mul3A_1055 : i32
        %add3A_1057 = arith.constant 50 : i32
        %add3A_1058 = arith.addi %add3A_1057, %mul3A_1056 : i32
        %add3A_1059 = arith.constant 0 : i32
        %add3A_1060 = arith.addi %add3A_1058, %add3A_1059 : i32
        %get3A = arith.index_cast %add3A_1060 : i32 to index
        %get3A_1061 = arith.constant 0 : index
        %get3A_1062 = tpu.vector_load %arg9[%get3A, %get3A_1061] {strides = array<i32>} : memref<100x32xi32, #tpu.memory_space<vmem>>, vector<16xi32>,
        %bitcast3A = vector.bitcast %get3A_1062 : vector<16xi32> to vector<32xbf16>
        %add3A_1063 = arith.addf %broadcast_in_dim3A_916, %bitcast3A : vector<32xbf16>
        %get3A_1064 = arith.index_cast %add3A_1060 : i32 to index
        %get3A_1065 = arith.constant 16 : index
        %get3A_1066 = tpu.vector_load %arg9[%get3A_1064, %get3A_1065] {strides = array<i32>} : memref<100x32xi32, #tpu.memory_space<vmem>>, vector<16xi32>,
        %bitcast3A_1067 = vector.bitcast %get3A_1066 : vector<16xi32> to vector<32xbf16>
        %add3A_1068 = arith.addf %broadcast_in_dim3A_916, %bitcast3A_1067 : vector<32xbf16>
        %mul3A_1069 = arith.constant 5 : i32
        %mul3A_1070 = arith.muli %scan3A_1050, %mul3A_1069 : i32
        %add3A_1071 = arith.constant 50 : i32
        %add3A_1072 = arith.addi %add3A_1071, %mul3A_1070 : i32
        %add3A_1073 = arith.constant 1 : i32
        %add3A_1074 = arith.addi %add3A_1072, %add3A_1073 : i32
        %get3A_1075 = arith.index_cast %add3A_1074 : i32 to index
        %get3A_1076 = arith.constant 0 : index
        %get3A_1077 = tpu.vector_load %arg9[%get3A_1075, %get3A_1076] {strides = array<i32>} : memref<100x32xi32, #tpu.memory_space<vmem>>, vector<16xi32>,
        %bitcast3A_1078 = vector.bitcast %get3A_1077 : vector<16xi32> to vector<32xbf16>
        %add3A_1079 = arith.addf %add3A_1063, %bitcast3A_1078 : vector<32xbf16>
        %get3A_1080 = arith.index_cast %add3A_1074 : i32 to index
        %get3A_1081 = arith.constant 16 : index
        %get3A_1082 = tpu.vector_load %arg9[%get3A_1080, %get3A_1081] {strides = array<i32>} : memref<100x32xi32, #tpu.memory_space<vmem>>, vector<16xi32>,
        %bitcast3A_1083 = vector.bitcast %get3A_1082 : vector<16xi32> to vector<32xbf16>
        %add3A_1084 = arith.addf %add3A_1068, %bitcast3A_1083 : vector<32xbf16>
        %mul3A_1085 = arith.constant 5 : i32
        %mul3A_1086 = arith.muli %scan3A_1050, %mul3A_1085 : i32
        %add3A_1087 = arith.constant 50 : i32
        %add3A_1088 = arith.addi %add3A_1087, %mul3A_1086 : i32
        %add3A_1089 = arith.constant 2 : i32
        %add3A_1090 = arith.addi %add3A_1088, %add3A_1089 : i32
        %get3A_1091 = arith.index_cast %add3A_1090 : i32 to index
        %get3A_1092 = arith.constant 0 : index
        %get3A_1093 = tpu.vector_load %arg9[%get3A_1091, %get3A_1092] {strides = array<i32>} : memref<100x32xi32, #tpu.memory_space<vmem>>, vector<16xi32>,
        %bitcast3A_1094 = vector.bitcast %get3A_1093 : vector<16xi32> to vector<32xbf16>
        %add3A_1095 = arith.addf %add3A_1079, %bitcast3A_1094 : vector<32xbf16>
        %get3A_1096 = arith.index_cast %add3A_1090 : i32 to index
        %get3A_1097 = arith.constant 16 : index
        %get3A_1098 = tpu.vector_load %arg9[%get3A_1096, %get3A_1097] {strides = array<i32>} : memref<100x32xi32, #tpu.memory_space<vmem>>, vector<16xi32>,
        %bitcast3A_1099 = vector.bitcast %get3A_1098 : vector<16xi32> to vector<32xbf16>
        %add3A_1100 = arith.addf %add3A_1084, %bitcast3A_1099 : vector<32xbf16>
        %mul3A_1101 = arith.constant 5 : i32
        %mul3A_1102 = arith.muli %scan3A_1050, %mul3A_1101 : i32
        %add3A_1103 = arith.constant 50 : i32
        %add3A_1104 = arith.addi %add3A_1103, %mul3A_1102 : i32
        %add3A_1105 = arith.constant 3 : i32
        %add3A_1106 = arith.addi %add3A_1104, %add3A_1105 : i32
        %get3A_1107 = arith.index_cast %add3A_1106 : i32 to index
        %get3A_1108 = arith.constant 0 : index
        %get3A_1109 = tpu.vector_load %arg9[%get3A_1107, %get3A_1108] {strides = array<i32>} : memref<100x32xi32, #tpu.memory_space<vmem>>, vector<16xi32>,
        %bitcast3A_1110 = vector.bitcast %get3A_1109 : vector<16xi32> to vector<32xbf16>
        %add3A_1111 = arith.addf %add3A_1095, %bitcast3A_1110 : vector<32xbf16>
        %get3A_1112 = arith.index_cast %add3A_1106 : i32 to index
        %get3A_1113 = arith.constant 16 : index
        %get3A_1114 = tpu.vector_load %arg9[%get3A_1112, %get3A_1113] {strides = array<i32>} : memref<100x32xi32, #tpu.memory_space<vmem>>, vector<16xi32>,
        %bitcast3A_1115 = vector.bitcast %get3A_1114 : vector<16xi32> to vector<32xbf16>
        %add3A_1116 = arith.addf %add3A_1100, %bitcast3A_1115 : vector<32xbf16>
        %mul3A_1117 = arith.constant 5 : i32
        %mul3A_1118 = arith.muli %scan3A_1050, %mul3A_1117 : i32
        %add3A_1119 = arith.constant 50 : i32
        %add3A_1120 = arith.addi %add3A_1119, %mul3A_1118 : i32
        %add3A_1121 = arith.constant 4 : i32
        %add3A_1122 = arith.addi %add3A_1120, %add3A_1121 : i32
        %get3A_1123 = arith.index_cast %add3A_1122 : i32 to index
        %get3A_1124 = arith.constant 0 : index
        %get3A_1125 = tpu.vector_load %arg9[%get3A_1123, %get3A_1124] {strides = array<i32>} : memref<100x32xi32, #tpu.memory_space<vmem>>, vector<16xi32>,
        %bitcast3A_1126 = vector.bitcast %get3A_1125 : vector<16xi32> to vector<32xbf16>
        %add3A_1127 = arith.addf %add3A_1111, %bitcast3A_1126 : vector<32xbf16>
        %get3A_1128 = arith.index_cast %add3A_1122 : i32 to index
        %get3A_1129 = arith.constant 16 : index
        %get3A_1130 = tpu.vector_load %arg9[%get3A_1128, %get3A_1129] {strides = array<i32>} : memref<100x32xi32, #tpu.memory_space<vmem>>, vector<16xi32>,
        %bitcast3A_1131 = vector.bitcast %get3A_1130 : vector<16xi32> to vector<32xbf16>
        %add3A_1132 = arith.addf %add3A_1116, %bitcast3A_1131 : vector<32xbf16>
        %unpack3A = tpu.unpack_subelements %add3A_1127, 0 {pack_format = #tpu.pack_format<interleaved>} : vector<32xbf16> -> vector<16xf32>
        %unpack3A_1133 = tpu.unpack_subelements %add3A_1127, 1 {pack_format = #tpu.pack_format<interleaved>} : vector<32xbf16> -> vector<16xf32>
        %unpack3A_1134 = tpu.unpack_subelements %add3A_1132, 0 {pack_format = #tpu.pack_format<interleaved>} : vector<32xbf16> -> vector<16xf32>
        %unpack3A_1135 = tpu.unpack_subelements %add3A_1132, 1 {pack_format = #tpu.pack_format<interleaved>} : vector<32xbf16> -> vector<16xf32>
        %add3A_1136 = arith.addf %scan3A_1051, %unpack3A : vector<16xf32>
        %add3A_1137 = arith.addf %scan3A_1052, %unpack3A_1134 : vector<16xf32>
        %add3A_1138 = arith.addf %scan3A_1053, %unpack3A_1133 : vector<16xf32>
        %add3A_1139 = arith.addf %scan3A_1054, %unpack3A_1135 : vector<16xf32>
        scf.yield %add3A_1136, %add3A_1137, %add3A_1138, %add3A_1139 : vector<16xf32>, vector<16xf32>, vector<16xf32>, vector<16xf32>
      }
      %scan3A_952 = arith.constant 10 : i32
      %add3A_953 = arith.constant 1 : i32
      %add3A_954 = arith.addi %mul3A_914, %add3A_953 : i32
      %swap3A_955 = arith.index_cast %add3A_954 : i32 to index
      %swap3A_956 = arith.constant 0 : index
      %swap3A_957 = tpu.vector_load %arg11[%swap3A_955, %swap3A_956] {strides = array<i32>} : memref<512x64xf32, #tpu.memory_space<vmem>>, vector<16xf32>,
      tpu.vector_store %arg11[%swap3A_955, %swap3A_956], %scan3A_951#0 {strides = array<i32>} : memref<512x64xf32, #tpu.memory_space<vmem>>, vector<16xf32>,
      %add3A_958 = arith.constant 1 : i32
      %add3A_959 = arith.addi %mul3A_914, %add3A_958 : i32
      %swap3A_960 = arith.index_cast %add3A_959 : i32 to index
      %swap3A_961 = arith.constant 16 : index
      %swap3A_962 = tpu.vector_load %arg11[%swap3A_960, %swap3A_961] {strides = array<i32>} : memref<512x64xf32, #tpu.memory_space<vmem>>, vector<16xf32>,
      tpu.vector_store %arg11[%swap3A_960, %swap3A_961], %scan3A_951#1 {strides = array<i32>} : memref<512x64xf32, #tpu.memory_space<vmem>>, vector<16xf32>,
      %add3A_963 = arith.constant 1 : i32
      %add3A_964 = arith.addi %mul3A_914, %add3A_963 : i32
      %swap3A_965 = arith.index_cast %add3A_964 : i32 to index
      %swap3A_966 = arith.constant 32 : index
      %swap3A_967 = tpu.vector_load %arg11[%swap3A_965, %swap3A_966] {strides = array<i32>} : memref<512x64xf32, #tpu.memory_space<vmem>>, vector<16xf32>,
      tpu.vector_store %arg11[%swap3A_965, %swap3A_966], %scan3A_951#2 {strides = array<i32>} : memref<512x64xf32, #tpu.memory_space<vmem>>, vector<16xf32>,
      %add3A_968 = arith.constant 1 : i32
      %add3A_969 = arith.addi %mul3A_914, %add3A_968 : i32
      %swap3A_970 = arith.index_cast %add3A_969 : i32 to index
      %swap3A_971 = arith.constant 48 : index
      %swap3A_972 = tpu.vector_load %arg11[%swap3A_970, %swap3A_971] {strides = array<i32>} : memref<512x64xf32, #tpu.memory_space<vmem>>, vector<16xf32>,
      tpu.vector_store %arg11[%swap3A_970, %swap3A_971], %scan3A_951#3 {strides = array<i32>} : memref<512x64xf32, #tpu.memory_space<vmem>>, vector<16xf32>,
      %add3A_973 = arith.constant 3 : i32
      %add3A_974 = arith.addi %mul3A_746, %add3A_973 : i32
      %add3A_975 = arith.constant 4 : i32
      %add3A_976 = arith.addi %add3A_974, %add3A_975 : i32
      %sub3A_977 = arith.constant 1 : i32
      %sub3A_978 = arith.subi %add3A_976, %sub3A_977 : i32
      %lt3A_979 = arith.constant 256 : i32
      %lt3A_980 = arith.cmpi slt, %sub3A_978, %lt3A_979 : i32
      %convert_element_type3A_981 = arith.extui %lt3A_980 : i1 to i32
      %cond3A_982 = arith.constant 0 : i32
      %cond3A_983 = arith.cmpi ne, %convert_element_type3A_981, %cond3A_982 : i32
      scf.if %cond3A_983 {
        %mul3A_1050 = arith.constant 2 : i32
        %mul3A_1051 = arith.muli %mul3A_1050, %sub3A_978 : i32
        %add3A_1052 = arith.constant 0 : i32
        %add3A_1053 = arith.addi %mul3A_1051, %add3A_1052 : i32
        %add3A_1054 = arith.constant 0 : i32
        %add3A_1055 = vector.broadcast %add3A_1054 : i32 to vector<16xi32>
        %add3A_1056 = arith.addi %iota3A, %add3A_1055 : vector<16xi32>
        %broadcast_in_dim3A_1057 = vector.broadcast %add3A_1053 : i32 to vector<16xi32>
        %gather3A_1058 = tpu.vector_load_idx %arg5[%add3A_1056, %broadcast_in_dim3A_1057] : memref<50x512xi32, #tpu.memory_space<vmem>>[vector<16xi32>, vector<16xi32>], vector<16xi32>,
        %shift_right_arithmetic3A_1059 = arith.constant 12 : i32
        %shift_right_arithmetic3A_1060 = vector.broadcast %shift_right_arithmetic3A_1059 : i32 to vector<16xi32>
        %shift_right_arithmetic3A_1061 = arith.shrsi %gather3A_1058, %shift_right_arithmetic3A_1060 : vector<16xi32>
        %and3A_1062 = arith.constant 4095 : i32
        %and3A_1063 = vector.broadcast %and3A_1062 : i32 to vector<16xi32>
        %and3A_1064 = arith.andi %gather3A_1058, %and3A_1063 : vector<16xi32>
        %shift_right_arithmetic3A_1065 = arith.constant 2 : i32
        %shift_right_arithmetic3A_1066 = vector.broadcast %shift_right_arithmetic3A_1065 : i32 to vector<16xi32>
        %shift_right_arithmetic3A_1067 = arith.shrsi %shift_right_arithmetic3A_1061, %shift_right_arithmetic3A_1066 : vector<16xi32>
        %shift_left3A_1068 = arith.constant 14 : i32
        %shift_left3A_1069 = vector.broadcast %shift_left3A_1068 : i32 to vector<16xi32>
        %shift_left3A_1070 = arith.shli %shift_right_arithmetic3A_1067, %shift_left3A_1069 : vector<16xi32>
        %shift_left3A_1071 = arith.constant 2 : i32
        %shift_left3A_1072 = vector.broadcast %shift_left3A_1071 : i32 to vector<16xi32>
        %shift_left3A_1073 = arith.shli %and3A_1064, %shift_left3A_1072 : vector<16xi32>
        %add3A_1074 = arith.addi %shift_left3A_1070, %shift_left3A_1073 : vector<16xi32>
        %and3A_1075 = arith.constant 3 : i32
        %and3A_1076 = vector.broadcast %and3A_1075 : i32 to vector<16xi32>
        %and3A_1077 = arith.andi %shift_right_arithmetic3A_1061, %and3A_1076 : vector<16xi32>
        %add3A_1078 = arith.addi %add3A_1074, %and3A_1077 : vector<16xi32>
        %swap3A_1079 = arith.index_cast %sub3A_978 : i32 to index
        %swap3A_1080 = arith.constant 0 : index
        %swap3A_1081 = tpu.vector_load %arg6[%swap3A_1079, %swap3A_1080] {strides = array<i32>} : memref<256x100xi32, #tpu.memory_space<vmem>>, vector<16xi32>,
        tpu.vector_store %arg6[%swap3A_1079, %swap3A_1080], %add3A_1078 {strides = array<i32>} : memref<256x100xi32, #tpu.memory_space<vmem>>, vector<16xi32>,
        %add3A_1082 = arith.constant 16 : i32
        %add3A_1083 = vector.broadcast %add3A_1082 : i32 to vector<16xi32>
        %add3A_1084 = arith.addi %iota3A, %add3A_1083 : vector<16xi32>
        %broadcast_in_dim3A_1085 = vector.broadcast %add3A_1053 : i32 to vector<16xi32>
        %gather3A_1086 = tpu.vector_load_idx %arg5[%add3A_1084, %broadcast_in_dim3A_1085] : memref<50x512xi32, #tpu.memory_space<vmem>>[vector<16xi32>, vector<16xi32>], vector<16xi32>,
        %shift_right_arithmetic3A_1087 = arith.constant 12 : i32
        %shift_right_arithmetic3A_1088 = vector.broadcast %shift_right_arithmetic3A_1087 : i32 to vector<16xi32>
        %shift_right_arithmetic3A_1089 = arith.shrsi %gather3A_1086, %shift_right_arithmetic3A_1088 : vector<16xi32>
        %and3A_1090 = arith.constant 4095 : i32
        %and3A_1091 = vector.broadcast %and3A_1090 : i32 to vector<16xi32>
        %and3A_1092 = arith.andi %gather3A_1086, %and3A_1091 : vector<16xi32>
        %shift_right_arithmetic3A_1093 = arith.constant 2 : i32
        %shift_right_arithmetic3A_1094 = vector.broadcast %shift_right_arithmetic3A_1093 : i32 to vector<16xi32>
        %shift_right_arithmetic3A_1095 = arith.shrsi %shift_right_arithmetic3A_1089, %shift_right_arithmetic3A_1094 : vector<16xi32>
        %shift_left3A_1096 = arith.constant 14 : i32
        %shift_left3A_1097 = vector.broadcast %shift_left3A_1096 : i32 to vector<16xi32>
        %shift_left3A_1098 = arith.shli %shift_right_arithmetic3A_1095, %shift_left3A_1097 : vector<16xi32>
        %shift_left3A_1099 = arith.constant 2 : i32
        %shift_left3A_1100 = vector.broadcast %shift_left3A_1099 : i32 to vector<16xi32>
        %shift_left3A_1101 = arith.shli %and3A_1092, %shift_left3A_1100 : vector<16xi32>
        %add3A_1102 = arith.addi %shift_left3A_1098, %shift_left3A_1101 : vector<16xi32>
        %and3A_1103 = arith.constant 3 : i32
        %and3A_1104 = vector.broadcast %and3A_1103 : i32 to vector<16xi32>
        %and3A_1105 = arith.andi %shift_right_arithmetic3A_1089, %and3A_1104 : vector<16xi32>
        %add3A_1106 = arith.addi %add3A_1102, %and3A_1105 : vector<16xi32>
        %swap3A_1107 = arith.index_cast %sub3A_978 : i32 to index
        %swap3A_1108 = arith.constant 16 : index
        %swap3A_1109 = tpu.vector_load %arg6[%swap3A_1107, %swap3A_1108] {strides = array<i32>} : memref<256x100xi32, #tpu.memory_space<vmem>>, vector<16xi32>,
        tpu.vector_store %arg6[%swap3A_1107, %swap3A_1108], %add3A_1106 {strides = array<i32>} : memref<256x100xi32, #tpu.memory_space<vmem>>, vector<16xi32>,
        %add3A_1110 = arith.constant 32 : i32
        %add3A_1111 = vector.broadcast %add3A_1110 : i32 to vector<16xi32>
        %add3A_1112 = arith.addi %iota3A, %add3A_1111 : vector<16xi32>
        %broadcast_in_dim3A_1113 = vector.broadcast %add3A_1053 : i32 to vector<16xi32>
        %gather3A_1114 = tpu.vector_load_idx %arg5[%add3A_1112, %broadcast_in_dim3A_1113] : memref<50x512xi32, #tpu.memory_space<vmem>>[vector<16xi32>, vector<16xi32>], vector<16xi32>,
        %shift_right_arithmetic3A_1115 = arith.constant 12 : i32
        %shift_right_arithmetic3A_1116 = vector.broadcast %shift_right_arithmetic3A_1115 : i32 to vector<16xi32>
        %shift_right_arithmetic3A_1117 = arith.shrsi %gather3A_1114, %shift_right_arithmetic3A_1116 : vector<16xi32>
        %and3A_1118 = arith.constant 4095 : i32
        %and3A_1119 = vector.broadcast %and3A_1118 : i32 to vector<16xi32>
        %and3A_1120 = arith.andi %gather3A_1114, %and3A_1119 : vector<16xi32>
        %shift_right_arithmetic3A_1121 = arith.constant 2 : i32
        %shift_right_arithmetic3A_1122 = vector.broadcast %shift_right_arithmetic3A_1121 : i32 to vector<16xi32>
        %shift_right_arithmetic3A_1123 = arith.shrsi %shift_right_arithmetic3A_1117, %shift_right_arithmetic3A_1122 : vector<16xi32>
        %shift_left3A_1124 = arith.constant 14 : i32
        %shift_left3A_1125 = vector.broadcast %shift_left3A_1124 : i32 to vector<16xi32>
        %shift_left3A_1126 = arith.shli %shift_right_arithmetic3A_1123, %shift_left3A_1125 : vector<16xi32>
        %shift_left3A_1127 = arith.constant 2 : i32
        %shift_left3A_1128 = vector.broadcast %shift_left3A_1127 : i32 to vector<16xi32>
        %shift_left3A_1129 = arith.shli %and3A_1120, %shift_left3A_1128 : vector<16xi32>
        %add3A_1130 = arith.addi %shift_left3A_1126, %shift_left3A_1129 : vector<16xi32>
        %and3A_1131 = arith.constant 3 : i32
        %and3A_1132 = vector.broadcast %and3A_1131 : i32 to vector<16xi32>
        %and3A_1133 = arith.andi %shift_right_arithmetic3A_1117, %and3A_1132 : vector<16xi32>
        %add3A_1134 = arith.addi %add3A_1130, %and3A_1133 : vector<16xi32>
        %swap3A_1135 = arith.index_cast %sub3A_978 : i32 to index
        %swap3A_1136 = arith.constant 32 : index
        %swap3A_1137 = tpu.vector_load %arg6[%swap3A_1135, %swap3A_1136] {strides = array<i32>} : memref<256x100xi32, #tpu.memory_space<vmem>>, vector<16xi32>,
        tpu.vector_store %arg6[%swap3A_1135, %swap3A_1136], %add3A_1134 {strides = array<i32>} : memref<256x100xi32, #tpu.memory_space<vmem>>, vector<16xi32>,
        %add3A_1138 = arith.constant 34 : i32
        %add3A_1139 = vector.broadcast %add3A_1138 : i32 to vector<16xi32>
        %add3A_1140 = arith.addi %iota3A, %add3A_1139 : vector<16xi32>
        %broadcast_in_dim3A_1141 = vector.broadcast %add3A_1053 : i32 to vector<16xi32>
        %gather3A_1142 = tpu.vector_load_idx %arg5[%add3A_1140, %broadcast_in_dim3A_1141] : memref<50x512xi32, #tpu.memory_space<vmem>>[vector<16xi32>, vector<16xi32>], vector<16xi32>,
        %shift_right_arithmetic3A_1143 = arith.constant 12 : i32
        %shift_right_arithmetic3A_1144 = vector.broadcast %shift_right_arithmetic3A_1143 : i32 to vector<16xi32>
        %shift_right_arithmetic3A_1145 = arith.shrsi %gather3A_1142, %shift_right_arithmetic3A_1144 : vector<16xi32>
        %and3A_1146 = arith.constant 4095 : i32
        %and3A_1147 = vector.broadcast %and3A_1146 : i32 to vector<16xi32>
        %and3A_1148 = arith.andi %gather3A_1142, %and3A_1147 : vector<16xi32>
        %shift_right_arithmetic3A_1149 = arith.constant 2 : i32
        %shift_right_arithmetic3A_1150 = vector.broadcast %shift_right_arithmetic3A_1149 : i32 to vector<16xi32>
        %shift_right_arithmetic3A_1151 = arith.shrsi %shift_right_arithmetic3A_1145, %shift_right_arithmetic3A_1150 : vector<16xi32>
        %shift_left3A_1152 = arith.constant 14 : i32
        %shift_left3A_1153 = vector.broadcast %shift_left3A_1152 : i32 to vector<16xi32>
        %shift_left3A_1154 = arith.shli %shift_right_arithmetic3A_1151, %shift_left3A_1153 : vector<16xi32>
        %shift_left3A_1155 = arith.constant 2 : i32
        %shift_left3A_1156 = vector.broadcast %shift_left3A_1155 : i32 to vector<16xi32>
        %shift_left3A_1157 = arith.shli %and3A_1148, %shift_left3A_1156 : vector<16xi32>
        %add3A_1158 = arith.addi %shift_left3A_1154, %shift_left3A_1157 : vector<16xi32>
        %and3A_1159 = arith.constant 3 : i32
        %and3A_1160 = vector.broadcast %and3A_1159 : i32 to vector<16xi32>
        %and3A_1161 = arith.andi %shift_right_arithmetic3A_1145, %and3A_1160 : vector<16xi32>
        %add3A_1162 = arith.addi %add3A_1158, %and3A_1161 : vector<16xi32>
        %swap3A_1163 = arith.index_cast %sub3A_978 : i32 to index
        %swap3A_1164 = arith.constant 34 : index
        %swap3A_1165 = tpu.vector_load %arg6[%swap3A_1163, %swap3A_1164] {strides = array<i32>} : memref<256x100xi32, #tpu.memory_space<vmem>>, vector<16xi32>,
        tpu.vector_store %arg6[%swap3A_1163, %swap3A_1164], %add3A_1162 {strides = array<i32>} : memref<256x100xi32, #tpu.memory_space<vmem>>, vector<16xi32>,
        %mul3A_1166 = arith.constant 2 : i32
        %mul3A_1167 = arith.muli %mul3A_1166, %sub3A_978 : i32
        %add3A_1168 = arith.constant 1 : i32
        %add3A_1169 = arith.addi %mul3A_1167, %add3A_1168 : i32
        %add3A_1170 = arith.constant 0 : i32
        %add3A_1171 = vector.broadcast %add3A_1170 : i32 to vector<16xi32>
        %add3A_1172 = arith.addi %iota3A, %add3A_1171 : vector<16xi32>
        %broadcast_in_dim3A_1173 = vector.broadcast %add3A_1169 : i32 to vector<16xi32>
        %gather3A_1174 = tpu.vector_load_idx %arg5[%add3A_1172, %broadcast_in_dim3A_1173] : memref<50x512xi32, #tpu.memory_space<vmem>>[vector<16xi32>, vector<16xi32>], vector<16xi32>,
        %shift_right_arithmetic3A_1175 = arith.constant 12 : i32
        %shift_right_arithmetic3A_1176 = vector.broadcast %shift_right_arithmetic3A_1175 : i32 to vector<16xi32>
        %shift_right_arithmetic3A_1177 = arith.shrsi %gather3A_1174, %shift_right_arithmetic3A_1176 : vector<16xi32>
        %and3A_1178 = arith.constant 4095 : i32
        %and3A_1179 = vector.broadcast %and3A_1178 : i32 to vector<16xi32>
        %and3A_1180 = arith.andi %gather3A_1174, %and3A_1179 : vector<16xi32>
        %shift_right_arithmetic3A_1181 = arith.constant 2 : i32
        %shift_right_arithmetic3A_1182 = vector.broadcast %shift_right_arithmetic3A_1181 : i32 to vector<16xi32>
        %shift_right_arithmetic3A_1183 = arith.shrsi %shift_right_arithmetic3A_1177, %shift_right_arithmetic3A_1182 : vector<16xi32>
        %shift_left3A_1184 = arith.constant 14 : i32
        %shift_left3A_1185 = vector.broadcast %shift_left3A_1184 : i32 to vector<16xi32>
        %shift_left3A_1186 = arith.shli %shift_right_arithmetic3A_1183, %shift_left3A_1185 : vector<16xi32>
        %shift_left3A_1187 = arith.constant 2 : i32
        %shift_left3A_1188 = vector.broadcast %shift_left3A_1187 : i32 to vector<16xi32>
        %shift_left3A_1189 = arith.shli %and3A_1180, %shift_left3A_1188 : vector<16xi32>
        %add3A_1190 = arith.addi %shift_left3A_1186, %shift_left3A_1189 : vector<16xi32>
        %and3A_1191 = arith.constant 3 : i32
        %and3A_1192 = vector.broadcast %and3A_1191 : i32 to vector<16xi32>
        %and3A_1193 = arith.andi %shift_right_arithmetic3A_1177, %and3A_1192 : vector<16xi32>
        %add3A_1194 = arith.addi %add3A_1190, %and3A_1193 : vector<16xi32>
        %swap3A_1195 = arith.index_cast %sub3A_978 : i32 to index
        %swap3A_1196 = arith.constant 50 : index
        %swap3A_1197 = tpu.vector_load %arg6[%swap3A_1195, %swap3A_1196] {strides = array<i32>} : memref<256x100xi32, #tpu.memory_space<vmem>>, vector<16xi32>,
        tpu.vector_store %arg6[%swap3A_1195, %swap3A_1196], %add3A_1194 {strides = array<i32>} : memref<256x100xi32, #tpu.memory_space<vmem>>, vector<16xi32>,
        %add3A_1198 = arith.constant 16 : i32
        %add3A_1199 = vector.broadcast %add3A_1198 : i32 to vector<16xi32>
        %add3A_1200 = arith.addi %iota3A, %add3A_1199 : vector<16xi32>
        %broadcast_in_dim3A_1201 = vector.broadcast %add3A_1169 : i32 to vector<16xi32>
        %gather3A_1202 = tpu.vector_load_idx %arg5[%add3A_1200, %broadcast_in_dim3A_1201] : memref<50x512xi32, #tpu.memory_space<vmem>>[vector<16xi32>, vector<16xi32>], vector<16xi32>,
        %shift_right_arithmetic3A_1203 = arith.constant 12 : i32
        %shift_right_arithmetic3A_1204 = vector.broadcast %shift_right_arithmetic3A_1203 : i32 to vector<16xi32>
        %shift_right_arithmetic3A_1205 = arith.shrsi %gather3A_1202, %shift_right_arithmetic3A_1204 : vector<16xi32>
        %and3A_1206 = arith.constant 4095 : i32
        %and3A_1207 = vector.broadcast %and3A_1206 : i32 to vector<16xi32>
        %and3A_1208 = arith.andi %gather3A_1202, %and3A_1207 : vector<16xi32>
        %shift_right_arithmetic3A_1209 = arith.constant 2 : i32
        %shift_right_arithmetic3A_1210 = vector.broadcast %shift_right_arithmetic3A_1209 : i32 to vector<16xi32>
        %shift_right_arithmetic3A_1211 = arith.shrsi %shift_right_arithmetic3A_1205, %shift_right_arithmetic3A_1210 : vector<16xi32>
        %shift_left3A_1212 = arith.constant 14 : i32
        %shift_left3A_1213 = vector.broadcast %shift_left3A_1212 : i32 to vector<16xi32>
        %shift_left3A_1214 = arith.shli %shift_right_arithmetic3A_1211, %shift_left3A_1213 : vector<16xi32>
        %shift_left3A_1215 = arith.constant 2 : i32
        %shift_left3A_1216 = vector.broadcast %shift_left3A_1215 : i32 to vector<16xi32>
        %shift_left3A_1217 = arith.shli %and3A_1208, %shift_left3A_1216 : vector<16xi32>
        %add3A_1218 = arith.addi %shift_left3A_1214, %shift_left3A_1217 : vector<16xi32>
        %and3A_1219 = arith.constant 3 : i32
        %and3A_1220 = vector.broadcast %and3A_1219 : i32 to vector<16xi32>
        %and3A_1221 = arith.andi %shift_right_arithmetic3A_1205, %and3A_1220 : vector<16xi32>
        %add3A_1222 = arith.addi %add3A_1218, %and3A_1221 : vector<16xi32>
        %swap3A_1223 = arith.index_cast %sub3A_978 : i32 to index
        %swap3A_1224 = arith.constant 66 : index
        %swap3A_1225 = tpu.vector_load %arg6[%swap3A_1223, %swap3A_1224] {strides = array<i32>} : memref<256x100xi32, #tpu.memory_space<vmem>>, vector<16xi32>,
        tpu.vector_store %arg6[%swap3A_1223, %swap3A_1224], %add3A_1222 {strides = array<i32>} : memref<256x100xi32, #tpu.memory_space<vmem>>, vector<16xi32>,
        %add3A_1226 = arith.constant 32 : i32
        %add3A_1227 = vector.broadcast %add3A_1226 : i32 to vector<16xi32>
        %add3A_1228 = arith.addi %iota3A, %add3A_1227 : vector<16xi32>
        %broadcast_in_dim3A_1229 = vector.broadcast %add3A_1169 : i32 to vector<16xi32>
        %gather3A_1230 = tpu.vector_load_idx %arg5[%add3A_1228, %broadcast_in_dim3A_1229] : memref<50x512xi32, #tpu.memory_space<vmem>>[vector<16xi32>, vector<16xi32>], vector<16xi32>,
        %shift_right_arithmetic3A_1231 = arith.constant 12 : i32
        %shift_right_arithmetic3A_1232 = vector.broadcast %shift_right_arithmetic3A_1231 : i32 to vector<16xi32>
        %shift_right_arithmetic3A_1233 = arith.shrsi %gather3A_1230, %shift_right_arithmetic3A_1232 : vector<16xi32>
        %and3A_1234 = arith.constant 4095 : i32
        %and3A_1235 = vector.broadcast %and3A_1234 : i32 to vector<16xi32>
        %and3A_1236 = arith.andi %gather3A_1230, %and3A_1235 : vector<16xi32>
        %shift_right_arithmetic3A_1237 = arith.constant 2 : i32
        %shift_right_arithmetic3A_1238 = vector.broadcast %shift_right_arithmetic3A_1237 : i32 to vector<16xi32>
        %shift_right_arithmetic3A_1239 = arith.shrsi %shift_right_arithmetic3A_1233, %shift_right_arithmetic3A_1238 : vector<16xi32>
        %shift_left3A_1240 = arith.constant 14 : i32
        %shift_left3A_1241 = vector.broadcast %shift_left3A_1240 : i32 to vector<16xi32>
        %shift_left3A_1242 = arith.shli %shift_right_arithmetic3A_1239, %shift_left3A_1241 : vector<16xi32>
        %shift_left3A_1243 = arith.constant 2 : i32
        %shift_left3A_1244 = vector.broadcast %shift_left3A_1243 : i32 to vector<16xi32>
        %shift_left3A_1245 = arith.shli %and3A_1236, %shift_left3A_1244 : vector<16xi32>
        %add3A_1246 = arith.addi %shift_left3A_1242, %shift_left3A_1245 : vector<16xi32>
        %and3A_1247 = arith.constant 3 : i32
        %and3A_1248 = vector.broadcast %and3A_1247 : i32 to vector<16xi32>
        %and3A_1249 = arith.andi %shift_right_arithmetic3A_1233, %and3A_1248 : vector<16xi32>
        %add3A_1250 = arith.addi %add3A_1246, %and3A_1249 : vector<16xi32>
        %swap3A_1251 = arith.index_cast %sub3A_978 : i32 to index
        %swap3A_1252 = arith.constant 82 : index
        %swap3A_1253 = tpu.vector_load %arg6[%swap3A_1251, %swap3A_1252] {strides = array<i32>} : memref<256x100xi32, #tpu.memory_space<vmem>>, vector<16xi32>,
        tpu.vector_store %arg6[%swap3A_1251, %swap3A_1252], %add3A_1250 {strides = array<i32>} : memref<256x100xi32, #tpu.memory_space<vmem>>, vector<16xi32>,
        %add3A_1254 = arith.constant 34 : i32
        %add3A_1255 = vector.broadcast %add3A_1254 : i32 to vector<16xi32>
        %add3A_1256 = arith.addi %iota3A, %add3A_1255 : vector<16xi32>
        %broadcast_in_dim3A_1257 = vector.broadcast %add3A_1169 : i32 to vector<16xi32>
        %gather3A_1258 = tpu.vector_load_idx %arg5[%add3A_1256, %broadcast_in_dim3A_1257] : memref<50x512xi32, #tpu.memory_space<vmem>>[vector<16xi32>, vector<16xi32>], vector<16xi32>,
        %shift_right_arithmetic3A_1259 = arith.constant 12 : i32
        %shift_right_arithmetic3A_1260 = vector.broadcast %shift_right_arithmetic3A_1259 : i32 to vector<16xi32>
        %shift_right_arithmetic3A_1261 = arith.shrsi %gather3A_1258, %shift_right_arithmetic3A_1260 : vector<16xi32>
        %and3A_1262 = arith.constant 4095 : i32
        %and3A_1263 = vector.broadcast %and3A_1262 : i32 to vector<16xi32>
        %and3A_1264 = arith.andi %gather3A_1258, %and3A_1263 : vector<16xi32>
        %shift_right_arithmetic3A_1265 = arith.constant 2 : i32
        %shift_right_arithmetic3A_1266 = vector.broadcast %shift_right_arithmetic3A_1265 : i32 to vector<16xi32>
        %shift_right_arithmetic3A_1267 = arith.shrsi %shift_right_arithmetic3A_1261, %shift_right_arithmetic3A_1266 : vector<16xi32>
        %shift_left3A_1268 = arith.constant 14 : i32
        %shift_left3A_1269 = vector.broadcast %shift_left3A_1268 : i32 to vector<16xi32>
        %shift_left3A_1270 = arith.shli %shift_right_arithmetic3A_1267, %shift_left3A_1269 : vector<16xi32>
        %shift_left3A_1271 = arith.constant 2 : i32
        %shift_left3A_1272 = vector.broadcast %shift_left3A_1271 : i32 to vector<16xi32>
        %shift_left3A_1273 = arith.shli %and3A_1264, %shift_left3A_1272 : vector<16xi32>
        %add3A_1274 = arith.addi %shift_left3A_1270, %shift_left3A_1273 : vector<16xi32>
        %and3A_1275 = arith.constant 3 : i32
        %and3A_1276 = vector.broadcast %and3A_1275 : i32 to vector<16xi32>
        %and3A_1277 = arith.andi %shift_right_arithmetic3A_1261, %and3A_1276 : vector<16xi32>
        %add3A_1278 = arith.addi %add3A_1274, %and3A_1277 : vector<16xi32>
        %swap3A_1279 = arith.index_cast %sub3A_978 : i32 to index
        %swap3A_1280 = arith.constant 84 : index
        %swap3A_1281 = tpu.vector_load %arg6[%swap3A_1279, %swap3A_1280] {strides = array<i32>} : memref<256x100xi32, #tpu.memory_space<vmem>>, vector<16xi32>,
        tpu.vector_store %arg6[%swap3A_1279, %swap3A_1280], %add3A_1278 {strides = array<i32>} : memref<256x100xi32, #tpu.memory_space<vmem>>, vector<16xi32>,
        %dma_start3A_1282 = arith.constant 0 : i32
        %dma_start3A_1283 = tpu.memref_slice %arg6[%sub3A_978, %dma_start3A_1282] : memref<256x100xi32, #tpu.memory_space<vmem>> -> memref<1x100xi32, #tpu.memory_space<vmem>>
        %dma_start3A_1284 = tpu.memref_squeeze %dma_start3A_1283 : memref<1x100xi32, #tpu.memory_space<vmem>> -> memref<100xi32, #tpu.memory_space<vmem>>
        %dma_start3A_1285 = arith.constant 0 : i32
        %dma_start3A_1286 = arith.constant 0 : i32
        %dma_start3A_1287 = tpu.memref_slice %arg3[%dma_start3A_1285, %dma_start3A_1286] : memref<1015808x32xi32, #tpu.memory_space<hbm>> -> memref<1015808x32xi32, #tpu.memory_space<hbm>>
        tpu.enqueue_indirect_dma source(%dma_start3A_1287 : memref<1015808x32xi32, #tpu.memory_space<hbm>>) target(%arg9 : memref<100x32xi32, #tpu.memory_space<vmem>>) offsets(%dma_start3A_1284 : memref<100xi32, #tpu.memory_space<vmem>>) semaphore(%arg14 : memref<!tpu.dma_semaphore, #tpu.memory_space<semaphore_mem>>)
      } else {
      }
      %dma_wait3A_984 = arith.constant 0 : i32
      %dma_wait3A_985 = tpu.memref_slice %arg6[%add3A_974, %dma_wait3A_984] : memref<256x100xi32, #tpu.memory_space<vmem>> -> memref<1x100xi32, #tpu.memory_space<vmem>>
      %dma_wait3A_986 = tpu.memref_squeeze %dma_wait3A_985 : memref<1x100xi32, #tpu.memory_space<vmem>> -> memref<100xi32, #tpu.memory_space<vmem>>
      %dma_wait3A_987 = arith.constant 0 : i32
      %dma_wait3A_988 = arith.constant 0 : i32
      %dma_wait3A_989 = tpu.memref_slice %arg3[%dma_wait3A_987, %dma_wait3A_988] : memref<1015808x32xi32, #tpu.memory_space<hbm>> -> memref<1015808x32xi32, #tpu.memory_space<hbm>>
      tpu.wait_indirect_dma semaphore(%arg15 : memref<!tpu.dma_semaphore, #tpu.memory_space<semaphore_mem>>) src(%dma_wait3A_989 : memref<1015808x32xi32, #tpu.memory_space<hbm>>) dst(%arg10 : memref<100x32xi32, #tpu.memory_space<vmem>>)
      %mul3A_990 = arith.constant 2 : i32
      %mul3A_991 = arith.muli %add3A_974, %mul3A_990 : i32
      %broadcast_in_dim3A_992 = arith.constant 0.000000e+00 : bf16
      %broadcast_in_dim3A_993 = vector.broadcast %broadcast_in_dim3A_992 : bf16 to vector<32xbf16>
      %broadcast_in_dim3A_994 = arith.constant 0.000000e+00 : f32
      %broadcast_in_dim3A_995 = vector.broadcast %broadcast_in_dim3A_994 : f32 to vector<16xf32>
      %scan3A_996 = arith.constant 0 : i32
      %scan3A_997 = arith.constant 10 : i32
      %scan3A_998 = arith.addi %scan3A_996, %scan3A_997 : i32
      %scan3A_999 = arith.constant 1 : i32
      %scan3A_1000:4 = scf.for %scan3A_1050 = %scan3A_996 to %scan3A_998 step %scan3A_999 iter_args(%scan3A_1051 = %broadcast_in_dim3A_995, %scan3A_1052 = %broadcast_in_dim3A_995, %scan3A_1053 = %broadcast_in_dim3A_995, %scan3A_1054 = %broadcast_in_dim3A_995) -> (vector<16xf32>, vector<16xf32>, vector<16xf32>, vector<16xf32>)  : i32 {
        %mul3A_1055 = arith.constant 5 : i32
        %mul3A_1056 = arith.muli %scan3A_1050, %mul3A_1055 : i32
        %add3A_1057 = arith.constant 0 : i32
        %add3A_1058 = arith.addi %add3A_1057, %mul3A_1056 : i32
        %add3A_1059 = arith.constant 0 : i32
        %add3A_1060 = arith.addi %add3A_1058, %add3A_1059 : i32
        %get3A = arith.index_cast %add3A_1060 : i32 to index
        %get3A_1061 = arith.constant 0 : index
        %get3A_1062 = tpu.vector_load %arg10[%get3A, %get3A_1061] {strides = array<i32>} : memref<100x32xi32, #tpu.memory_space<vmem>>, vector<16xi32>,
        %bitcast3A = vector.bitcast %get3A_1062 : vector<16xi32> to vector<32xbf16>
        %add3A_1063 = arith.addf %broadcast_in_dim3A_993, %bitcast3A : vector<32xbf16>
        %get3A_1064 = arith.index_cast %add3A_1060 : i32 to index
        %get3A_1065 = arith.constant 16 : index
        %get3A_1066 = tpu.vector_load %arg10[%get3A_1064, %get3A_1065] {strides = array<i32>} : memref<100x32xi32, #tpu.memory_space<vmem>>, vector<16xi32>,
        %bitcast3A_1067 = vector.bitcast %get3A_1066 : vector<16xi32> to vector<32xbf16>
        %add3A_1068 = arith.addf %broadcast_in_dim3A_993, %bitcast3A_1067 : vector<32xbf16>
        %mul3A_1069 = arith.constant 5 : i32
        %mul3A_1070 = arith.muli %scan3A_1050, %mul3A_1069 : i32
        %add3A_1071 = arith.constant 0 : i32
        %add3A_1072 = arith.addi %add3A_1071, %mul3A_1070 : i32
        %add3A_1073 = arith.constant 1 : i32
        %add3A_1074 = arith.addi %add3A_1072, %add3A_1073 : i32
        %get3A_1075 = arith.index_cast %add3A_1074 : i32 to index
        %get3A_1076 = arith.constant 0 : index
        %get3A_1077 = tpu.vector_load %arg10[%get3A_1075, %get3A_1076] {strides = array<i32>} : memref<100x32xi32, #tpu.memory_space<vmem>>, vector<16xi32>,
        %bitcast3A_1078 = vector.bitcast %get3A_1077 : vector<16xi32> to vector<32xbf16>
        %add3A_1079 = arith.addf %add3A_1063, %bitcast3A_1078 : vector<32xbf16>
        %get3A_1080 = arith.index_cast %add3A_1074 : i32 to index
        %get3A_1081 = arith.constant 16 : index
        %get3A_1082 = tpu.vector_load %arg10[%get3A_1080, %get3A_1081] {strides = array<i32>} : memref<100x32xi32, #tpu.memory_space<vmem>>, vector<16xi32>,
        %bitcast3A_1083 = vector.bitcast %get3A_1082 : vector<16xi32> to vector<32xbf16>
        %add3A_1084 = arith.addf %add3A_1068, %bitcast3A_1083 : vector<32xbf16>
        %mul3A_1085 = arith.constant 5 : i32
        %mul3A_1086 = arith.muli %scan3A_1050, %mul3A_1085 : i32
        %add3A_1087 = arith.constant 0 : i32
        %add3A_1088 = arith.addi %add3A_1087, %mul3A_1086 : i32
        %add3A_1089 = arith.constant 2 : i32
        %add3A_1090 = arith.addi %add3A_1088, %add3A_1089 : i32
        %get3A_1091 = arith.index_cast %add3A_1090 : i32 to index
        %get3A_1092 = arith.constant 0 : index
        %get3A_1093 = tpu.vector_load %arg10[%get3A_1091, %get3A_1092] {strides = array<i32>} : memref<100x32xi32, #tpu.memory_space<vmem>>, vector<16xi32>,
        %bitcast3A_1094 = vector.bitcast %get3A_1093 : vector<16xi32> to vector<32xbf16>
        %add3A_1095 = arith.addf %add3A_1079, %bitcast3A_1094 : vector<32xbf16>
        %get3A_1096 = arith.index_cast %add3A_1090 : i32 to index
        %get3A_1097 = arith.constant 16 : index
        %get3A_1098 = tpu.vector_load %arg10[%get3A_1096, %get3A_1097] {strides = array<i32>} : memref<100x32xi32, #tpu.memory_space<vmem>>, vector<16xi32>,
        %bitcast3A_1099 = vector.bitcast %get3A_1098 : vector<16xi32> to vector<32xbf16>
        %add3A_1100 = arith.addf %add3A_1084, %bitcast3A_1099 : vector<32xbf16>
        %mul3A_1101 = arith.constant 5 : i32
        %mul3A_1102 = arith.muli %scan3A_1050, %mul3A_1101 : i32
        %add3A_1103 = arith.constant 0 : i32
        %add3A_1104 = arith.addi %add3A_1103, %mul3A_1102 : i32
        %add3A_1105 = arith.constant 3 : i32
        %add3A_1106 = arith.addi %add3A_1104, %add3A_1105 : i32
        %get3A_1107 = arith.index_cast %add3A_1106 : i32 to index
        %get3A_1108 = arith.constant 0 : index
        %get3A_1109 = tpu.vector_load %arg10[%get3A_1107, %get3A_1108] {strides = array<i32>} : memref<100x32xi32, #tpu.memory_space<vmem>>, vector<16xi32>,
        %bitcast3A_1110 = vector.bitcast %get3A_1109 : vector<16xi32> to vector<32xbf16>
        %add3A_1111 = arith.addf %add3A_1095, %bitcast3A_1110 : vector<32xbf16>
        %get3A_1112 = arith.index_cast %add3A_1106 : i32 to index
        %get3A_1113 = arith.constant 16 : index
        %get3A_1114 = tpu.vector_load %arg10[%get3A_1112, %get3A_1113] {strides = array<i32>} : memref<100x32xi32, #tpu.memory_space<vmem>>, vector<16xi32>,
        %bitcast3A_1115 = vector.bitcast %get3A_1114 : vector<16xi32> to vector<32xbf16>
        %add3A_1116 = arith.addf %add3A_1100, %bitcast3A_1115 : vector<32xbf16>
        %mul3A_1117 = arith.constant 5 : i32
        %mul3A_1118 = arith.muli %scan3A_1050, %mul3A_1117 : i32
        %add3A_1119 = arith.constant 0 : i32
        %add3A_1120 = arith.addi %add3A_1119, %mul3A_1118 : i32
        %add3A_1121 = arith.constant 4 : i32
        %add3A_1122 = arith.addi %add3A_1120, %add3A_1121 : i32
        %get3A_1123 = arith.index_cast %add3A_1122 : i32 to index
        %get3A_1124 = arith.constant 0 : index
        %get3A_1125 = tpu.vector_load %arg10[%get3A_1123, %get3A_1124] {strides = array<i32>} : memref<100x32xi32, #tpu.memory_space<vmem>>, vector<16xi32>,
        %bitcast3A_1126 = vector.bitcast %get3A_1125 : vector<16xi32> to vector<32xbf16>
        %add3A_1127 = arith.addf %add3A_1111, %bitcast3A_1126 : vector<32xbf16>
        %get3A_1128 = arith.index_cast %add3A_1122 : i32 to index
        %get3A_1129 = arith.constant 16 : index
        %get3A_1130 = tpu.vector_load %arg10[%get3A_1128, %get3A_1129] {strides = array<i32>} : memref<100x32xi32, #tpu.memory_space<vmem>>, vector<16xi32>,
        %bitcast3A_1131 = vector.bitcast %get3A_1130 : vector<16xi32> to vector<32xbf16>
        %add3A_1132 = arith.addf %add3A_1116, %bitcast3A_1131 : vector<32xbf16>
        %unpack3A = tpu.unpack_subelements %add3A_1127, 0 {pack_format = #tpu.pack_format<interleaved>} : vector<32xbf16> -> vector<16xf32>
        %unpack3A_1133 = tpu.unpack_subelements %add3A_1127, 1 {pack_format = #tpu.pack_format<interleaved>} : vector<32xbf16> -> vector<16xf32>
        %unpack3A_1134 = tpu.unpack_subelements %add3A_1132, 0 {pack_format = #tpu.pack_format<interleaved>} : vector<32xbf16> -> vector<16xf32>
        %unpack3A_1135 = tpu.unpack_subelements %add3A_1132, 1 {pack_format = #tpu.pack_format<interleaved>} : vector<32xbf16> -> vector<16xf32>
        %add3A_1136 = arith.addf %scan3A_1051, %unpack3A : vector<16xf32>
        %add3A_1137 = arith.addf %scan3A_1052, %unpack3A_1134 : vector<16xf32>
        %add3A_1138 = arith.addf %scan3A_1053, %unpack3A_1133 : vector<16xf32>
        %add3A_1139 = arith.addf %scan3A_1054, %unpack3A_1135 : vector<16xf32>
        scf.yield %add3A_1136, %add3A_1137, %add3A_1138, %add3A_1139 : vector<16xf32>, vector<16xf32>, vector<16xf32>, vector<16xf32>
      }
      %scan3A_1001 = arith.constant 10 : i32
      %add3A_1002 = arith.constant 0 : i32
      %add3A_1003 = arith.addi %mul3A_991, %add3A_1002 : i32
      %swap3A_1004 = arith.index_cast %add3A_1003 : i32 to index
      %swap3A_1005 = arith.constant 0 : index
      %swap3A_1006 = tpu.vector_load %arg11[%swap3A_1004, %swap3A_1005] {strides = array<i32>} : memref<512x64xf32, #tpu.memory_space<vmem>>, vector<16xf32>,
      tpu.vector_store %arg11[%swap3A_1004, %swap3A_1005], %scan3A_1000#0 {strides = array<i32>} : memref<512x64xf32, #tpu.memory_space<vmem>>, vector<16xf32>,
      %add3A_1007 = arith.constant 0 : i32
      %add3A_1008 = arith.addi %mul3A_991, %add3A_1007 : i32
      %swap3A_1009 = arith.index_cast %add3A_1008 : i32 to index
      %swap3A_1010 = arith.constant 16 : index
      %swap3A_1011 = tpu.vector_load %arg11[%swap3A_1009, %swap3A_1010] {strides = array<i32>} : memref<512x64xf32, #tpu.memory_space<vmem>>, vector<16xf32>,
      tpu.vector_store %arg11[%swap3A_1009, %swap3A_1010], %scan3A_1000#1 {strides = array<i32>} : memref<512x64xf32, #tpu.memory_space<vmem>>, vector<16xf32>,
      %add3A_1012 = arith.constant 0 : i32
      %add3A_1013 = arith.addi %mul3A_991, %add3A_1012 : i32
      %swap3A_1014 = arith.index_cast %add3A_1013 : i32 to index
      %swap3A_1015 = arith.constant 32 : index
      %swap3A_1016 = tpu.vector_load %arg11[%swap3A_1014, %swap3A_1015] {strides = array<i32>} : memref<512x64xf32, #tpu.memory_space<vmem>>, vector<16xf32>,
      tpu.vector_store %arg11[%swap3A_1014, %swap3A_1015], %scan3A_1000#2 {strides = array<i32>} : memref<512x64xf32, #tpu.memory_space<vmem>>, vector<16xf32>,
      %add3A_1017 = arith.constant 0 : i32
      %add3A_1018 = arith.addi %mul3A_991, %add3A_1017 : i32
      %swap3A_1019 = arith.index_cast %add3A_1018 : i32 to index
      %swap3A_1020 = arith.constant 48 : index
      %swap3A_1021 = tpu.vector_load %arg11[%swap3A_1019, %swap3A_1020] {strides = array<i32>} : memref<512x64xf32, #tpu.memory_space<vmem>>, vector<16xf32>,
      tpu.vector_store %arg11[%swap3A_1019, %swap3A_1020], %scan3A_1000#3 {strides = array<i32>} : memref<512x64xf32, #tpu.memory_space<vmem>>, vector<16xf32>,
      %broadcast_in_dim3A_1022 = arith.constant 0.000000e+00 : f32
      %broadcast_in_dim3A_1023 = vector.broadcast %broadcast_in_dim3A_1022 : f32 to vector<16xf32>
      %scan3A_1024 = arith.constant 0 : i32
      %scan3A_1025 = arith.constant 10 : i32
      %scan3A_1026 = arith.addi %scan3A_1024, %scan3A_1025 : i32
      %scan3A_1027 = arith.constant 1 : i32
      %scan3A_1028:4 = scf.for %scan3A_1050 = %scan3A_1024 to %scan3A_1026 step %scan3A_1027 iter_args(%scan3A_1051 = %broadcast_in_dim3A_1023, %scan3A_1052 = %broadcast_in_dim3A_1023, %scan3A_1053 = %broadcast_in_dim3A_1023, %scan3A_1054 = %broadcast_in_dim3A_1023) -> (vector<16xf32>, vector<16xf32>, vector<16xf32>, vector<16xf32>)  : i32 {
        %mul3A_1055 = arith.constant 5 : i32
        %mul3A_1056 = arith.muli %scan3A_1050, %mul3A_1055 : i32
        %add3A_1057 = arith.constant 50 : i32
        %add3A_1058 = arith.addi %add3A_1057, %mul3A_1056 : i32
        %add3A_1059 = arith.constant 0 : i32
        %add3A_1060 = arith.addi %add3A_1058, %add3A_1059 : i32
        %get3A = arith.index_cast %add3A_1060 : i32 to index
        %get3A_1061 = arith.constant 0 : index
        %get3A_1062 = tpu.vector_load %arg10[%get3A, %get3A_1061] {strides = array<i32>} : memref<100x32xi32, #tpu.memory_space<vmem>>, vector<16xi32>,
        %bitcast3A = vector.bitcast %get3A_1062 : vector<16xi32> to vector<32xbf16>
        %add3A_1063 = arith.addf %broadcast_in_dim3A_993, %bitcast3A : vector<32xbf16>
        %get3A_1064 = arith.index_cast %add3A_1060 : i32 to index
        %get3A_1065 = arith.constant 16 : index
        %get3A_1066 = tpu.vector_load %arg10[%get3A_1064, %get3A_1065] {strides = array<i32>} : memref<100x32xi32, #tpu.memory_space<vmem>>, vector<16xi32>,
        %bitcast3A_1067 = vector.bitcast %get3A_1066 : vector<16xi32> to vector<32xbf16>
        %add3A_1068 = arith.addf %broadcast_in_dim3A_993, %bitcast3A_1067 : vector<32xbf16>
        %mul3A_1069 = arith.constant 5 : i32
        %mul3A_1070 = arith.muli %scan3A_1050, %mul3A_1069 : i32
        %add3A_1071 = arith.constant 50 : i32
        %add3A_1072 = arith.addi %add3A_1071, %mul3A_1070 : i32
        %add3A_1073 = arith.constant 1 : i32
        %add3A_1074 = arith.addi %add3A_1072, %add3A_1073 : i32
        %get3A_1075 = arith.index_cast %add3A_1074 : i32 to index
        %get3A_1076 = arith.constant 0 : index
        %get3A_1077 = tpu.vector_load %arg10[%get3A_1075, %get3A_1076] {strides = array<i32>} : memref<100x32xi32, #tpu.memory_space<vmem>>, vector<16xi32>,
        %bitcast3A_1078 = vector.bitcast %get3A_1077 : vector<16xi32> to vector<32xbf16>
        %add3A_1079 = arith.addf %add3A_1063, %bitcast3A_1078 : vector<32xbf16>
        %get3A_1080 = arith.index_cast %add3A_1074 : i32 to index
        %get3A_1081 = arith.constant 16 : index
        %get3A_1082 = tpu.vector_load %arg10[%get3A_1080, %get3A_1081] {strides = array<i32>} : memref<100x32xi32, #tpu.memory_space<vmem>>, vector<16xi32>,
        %bitcast3A_1083 = vector.bitcast %get3A_1082 : vector<16xi32> to vector<32xbf16>
        %add3A_1084 = arith.addf %add3A_1068, %bitcast3A_1083 : vector<32xbf16>
        %mul3A_1085 = arith.constant 5 : i32
        %mul3A_1086 = arith.muli %scan3A_1050, %mul3A_1085 : i32
        %add3A_1087 = arith.constant 50 : i32
        %add3A_1088 = arith.addi %add3A_1087, %mul3A_1086 : i32
        %add3A_1089 = arith.constant 2 : i32
        %add3A_1090 = arith.addi %add3A_1088, %add3A_1089 : i32
        %get3A_1091 = arith.index_cast %add3A_1090 : i32 to index
        %get3A_1092 = arith.constant 0 : index
        %get3A_1093 = tpu.vector_load %arg10[%get3A_1091, %get3A_1092] {strides = array<i32>} : memref<100x32xi32, #tpu.memory_space<vmem>>, vector<16xi32>,
        %bitcast3A_1094 = vector.bitcast %get3A_1093 : vector<16xi32> to vector<32xbf16>
        %add3A_1095 = arith.addf %add3A_1079, %bitcast3A_1094 : vector<32xbf16>
        %get3A_1096 = arith.index_cast %add3A_1090 : i32 to index
        %get3A_1097 = arith.constant 16 : index
        %get3A_1098 = tpu.vector_load %arg10[%get3A_1096, %get3A_1097] {strides = array<i32>} : memref<100x32xi32, #tpu.memory_space<vmem>>, vector<16xi32>,
        %bitcast3A_1099 = vector.bitcast %get3A_1098 : vector<16xi32> to vector<32xbf16>
        %add3A_1100 = arith.addf %add3A_1084, %bitcast3A_1099 : vector<32xbf16>
        %mul3A_1101 = arith.constant 5 : i32
        %mul3A_1102 = arith.muli %scan3A_1050, %mul3A_1101 : i32
        %add3A_1103 = arith.constant 50 : i32
        %add3A_1104 = arith.addi %add3A_1103, %mul3A_1102 : i32
        %add3A_1105 = arith.constant 3 : i32
        %add3A_1106 = arith.addi %add3A_1104, %add3A_1105 : i32
        %get3A_1107 = arith.index_cast %add3A_1106 : i32 to index
        %get3A_1108 = arith.constant 0 : index
        %get3A_1109 = tpu.vector_load %arg10[%get3A_1107, %get3A_1108] {strides = array<i32>} : memref<100x32xi32, #tpu.memory_space<vmem>>, vector<16xi32>,
        %bitcast3A_1110 = vector.bitcast %get3A_1109 : vector<16xi32> to vector<32xbf16>
        %add3A_1111 = arith.addf %add3A_1095, %bitcast3A_1110 : vector<32xbf16>
        %get3A_1112 = arith.index_cast %add3A_1106 : i32 to index
        %get3A_1113 = arith.constant 16 : index
        %get3A_1114 = tpu.vector_load %arg10[%get3A_1112, %get3A_1113] {strides = array<i32>} : memref<100x32xi32, #tpu.memory_space<vmem>>, vector<16xi32>,
        %bitcast3A_1115 = vector.bitcast %get3A_1114 : vector<16xi32> to vector<32xbf16>
        %add3A_1116 = arith.addf %add3A_1100, %bitcast3A_1115 : vector<32xbf16>
        %mul3A_1117 = arith.constant 5 : i32
        %mul3A_1118 = arith.muli %scan3A_1050, %mul3A_1117 : i32
        %add3A_1119 = arith.constant 50 : i32
        %add3A_1120 = arith.addi %add3A_1119, %mul3A_1118 : i32
        %add3A_1121 = arith.constant 4 : i32
        %add3A_1122 = arith.addi %add3A_1120, %add3A_1121 : i32
        %get3A_1123 = arith.index_cast %add3A_1122 : i32 to index
        %get3A_1124 = arith.constant 0 : index
        %get3A_1125 = tpu.vector_load %arg10[%get3A_1123, %get3A_1124] {strides = array<i32>} : memref<100x32xi32, #tpu.memory_space<vmem>>, vector<16xi32>,
        %bitcast3A_1126 = vector.bitcast %get3A_1125 : vector<16xi32> to vector<32xbf16>
        %add3A_1127 = arith.addf %add3A_1111, %bitcast3A_1126 : vector<32xbf16>
        %get3A_1128 = arith.index_cast %add3A_1122 : i32 to index
        %get3A_1129 = arith.constant 16 : index
        %get3A_1130 = tpu.vector_load %arg10[%get3A_1128, %get3A_1129] {strides = array<i32>} : memref<100x32xi32, #tpu.memory_space<vmem>>, vector<16xi32>,
        %bitcast3A_1131 = vector.bitcast %get3A_1130 : vector<16xi32> to vector<32xbf16>
        %add3A_1132 = arith.addf %add3A_1116, %bitcast3A_1131 : vector<32xbf16>
        %unpack3A = tpu.unpack_subelements %add3A_1127, 0 {pack_format = #tpu.pack_format<interleaved>} : vector<32xbf16> -> vector<16xf32>
        %unpack3A_1133 = tpu.unpack_subelements %add3A_1127, 1 {pack_format = #tpu.pack_format<interleaved>} : vector<32xbf16> -> vector<16xf32>
        %unpack3A_1134 = tpu.unpack_subelements %add3A_1132, 0 {pack_format = #tpu.pack_format<interleaved>} : vector<32xbf16> -> vector<16xf32>
        %unpack3A_1135 = tpu.unpack_subelements %add3A_1132, 1 {pack_format = #tpu.pack_format<interleaved>} : vector<32xbf16> -> vector<16xf32>
        %add3A_1136 = arith.addf %scan3A_1051, %unpack3A : vector<16xf32>
        %add3A_1137 = arith.addf %scan3A_1052, %unpack3A_1134 : vector<16xf32>
        %add3A_1138 = arith.addf %scan3A_1053, %unpack3A_1133 : vector<16xf32>
        %add3A_1139 = arith.addf %scan3A_1054, %unpack3A_1135 : vector<16xf32>
        scf.yield %add3A_1136, %add3A_1137, %add3A_1138, %add3A_1139 : vector<16xf32>, vector<16xf32>, vector<16xf32>, vector<16xf32>
      }
      %scan3A_1029 = arith.constant 10 : i32
      %add3A_1030 = arith.constant 1 : i32
      %add3A_1031 = arith.addi %mul3A_991, %add3A_1030 : i32
      %swap3A_1032 = arith.index_cast %add3A_1031 : i32 to index
      %swap3A_1033 = arith.constant 0 : index
      %swap3A_1034 = tpu.vector_load %arg11[%swap3A_1032, %swap3A_1033] {strides = array<i32>} : memref<512x64xf32, #tpu.memory_space<vmem>>, vector<16xf32>,
      tpu.vector_store %arg11[%swap3A_1032, %swap3A_1033], %scan3A_1028#0 {strides = array<i32>} : memref<512x64xf32, #tpu.memory_space<vmem>>, vector<16xf32>,
      %add3A_1035 = arith.constant 1 : i32
      %add3A_1036 = arith.addi %mul3A_991, %add3A_1035 : i32
      %swap3A_1037 = arith.index_cast %add3A_1036 : i32 to index
      %swap3A_1038 = arith.constant 16 : index
      %swap3A_1039 = tpu.vector_load %arg11[%swap3A_1037, %swap3A_1038] {strides = array<i32>} : memref<512x64xf32, #tpu.memory_space<vmem>>, vector<16xf32>,
      tpu.vector_store %arg11[%swap3A_1037, %swap3A_1038], %scan3A_1028#1 {strides = array<i32>} : memref<512x64xf32, #tpu.memory_space<vmem>>, vector<16xf32>,
      %add3A_1040 = arith.constant 1 : i32
      %add3A_1041 = arith.addi %mul3A_991, %add3A_1040 : i32
      %swap3A_1042 = arith.index_cast %add3A_1041 : i32 to index
      %swap3A_1043 = arith.constant 32 : index
      %swap3A_1044 = tpu.vector_load %arg11[%swap3A_1042, %swap3A_1043] {strides = array<i32>} : memref<512x64xf32, #tpu.memory_space<vmem>>, vector<16xf32>,
      tpu.vector_store %arg11[%swap3A_1042, %swap3A_1043], %scan3A_1028#2 {strides = array<i32>} : memref<512x64xf32, #tpu.memory_space<vmem>>, vector<16xf32>,
      %add3A_1045 = arith.constant 1 : i32
      %add3A_1046 = arith.addi %mul3A_991, %add3A_1045 : i32
      %swap3A_1047 = arith.index_cast %add3A_1046 : i32 to index
      %swap3A_1048 = arith.constant 48 : index
      %swap3A_1049 = tpu.vector_load %arg11[%swap3A_1047, %swap3A_1048] {strides = array<i32>} : memref<512x64xf32, #tpu.memory_space<vmem>>, vector<16xf32>,
      tpu.vector_store %arg11[%swap3A_1047, %swap3A_1048], %scan3A_1028#3 {strides = array<i32>} : memref<512x64xf32, #tpu.memory_space<vmem>>, vector<16xf32>,
    }
    %scan3A_741 = arith.constant 64 : i32
    %mul3A_742 = arith.constant 512 : i32
    %mul3A_743 = arith.muli %add3A, %mul3A_742 : i32
    "tpu.region"() ({
      %run_scoped3A = tpu.sem_alloc : memref<!tpu.dma_semaphore, #tpu.memory_space<semaphore_mem>>
      %dma_start3A_744 = arith.constant 0 : i32
      %dma_start3A_745 = tpu.memref_slice %arg4[%mul3A_743, %dma_start3A_744] : memref<16384x64xf32, #tpu.memory_space<hbm>> -> memref<512x64xf32, #tpu.memory_space<hbm>>
      %dma_start3A_746 = arith.constant 0 : i32
      %dma_start3A_747 = tpu.memref_slice %arg4[%mul3A_743, %dma_start3A_746] : memref<16384x64xf32, #tpu.memory_space<hbm>> -> memref<512x64xf32, #tpu.memory_space<hbm>>
      tpu.enqueue_dma source(%arg11 : memref<512x64xf32, #tpu.memory_space<vmem>>) target(%dma_start3A_747 : memref<512x64xf32, #tpu.memory_space<hbm>>) target_semaphore(%run_scoped3A : memref<!tpu.dma_semaphore, #tpu.memory_space<semaphore_mem>>)
      %dma_wait3A = arith.constant 0 : i32
      %dma_wait3A_748 = tpu.memref_slice %arg4[%mul3A_743, %dma_wait3A] : memref<16384x64xf32, #tpu.memory_space<hbm>> -> memref<512x64xf32, #tpu.memory_space<hbm>>
      %dma_wait3A_749 = arith.constant 0 : i32
      %dma_wait3A_750 = tpu.memref_slice %arg4[%mul3A_743, %dma_wait3A_749] : memref<16384x64xf32, #tpu.memory_space<hbm>> -> memref<512x64xf32, #tpu.memory_space<hbm>>
      tpu.wait_dma2 semaphore(%run_scoped3A : memref<!tpu.dma_semaphore, #tpu.memory_space<semaphore_mem>>) src(%arg11 : memref<512x64xf32, #tpu.memory_space<vmem>>) dst(%dma_wait3A_750 : memref<512x64xf32, #tpu.memory_space<hbm>>)
      tpu.yield
    }) : () -> ()
    return
  }
}

module attributes {stable_mosaic.version = 14 : i64} {
  func.func @body(%arg0: i32, %arg1: memref<64x16384xf32, #tpu.memory_space<vmem>>, %arg2: memref<4096x128xi32, #tpu.memory_space<vmem>>) attributes {dimension_semantics = [#tpu.dimension_semantics<arbitrary>], iteration_bounds = array<i64: 62>, scalar_prefetch = 0 : i64, scratch_operands = 0 : i64, tpu.core_type = #tpu.core_type<tc>, window_params = [{transform_indices = @transform_0, window_bounds = array<i64: 64, 16384>}, {transform_indices = @transform_1, window_bounds = array<i64: 4096, 128>}]} {
    %get3A = arith.constant 0 : index
    %get3A_0 = arith.constant 0 : index
    %get3A_1 = vector.load %arg1[%get3A, %get3A_0] : memref<64x16384xf32, #tpu.memory_space<vmem>>, vector<64x16384xf32>
    %slice3A = vector.extract_strided_slice %get3A_1 {offsets = [0, 0], sizes = [32, 16384], strides = [1, 1]} : vector<64x16384xf32> to vector<32x16384xf32>
    %slice3A_2 = vector.extract_strided_slice %get3A_1 {offsets = [32, 0], sizes = [32, 16384], strides = [1, 1]} : vector<64x16384xf32> to vector<32x16384xf32>
    %pack_elementwise3A = tpu.pack_elementwise %slice3A, %slice3A_2 {target_type = bf16} : vector<32x16384xf32>, vector<32x16384xf32> -> vector<32x16384xi32>
    %transpose3A = tpu.transpose %pack_elementwise3A, [1, 0] : vector<32x16384xi32> -> vector<16384x32xi32>
    %slice3A_3 = vector.extract_strided_slice %transpose3A {offsets = [0, 0], sizes = [4096, 32], strides = [1, 1]} : vector<16384x32xi32> to vector<4096x32xi32>
    %swap3A = arith.constant 0 : index
    %swap3A_4 = arith.constant 0 : index
    %swap3A_5 = vector.load %arg2[%swap3A, %swap3A_4] : memref<4096x128xi32, #tpu.memory_space<vmem>>, vector<4096x32xi32>
    tpu.vector_store %arg2[%swap3A, %swap3A_4], %slice3A_3 {strides = array<i32>} : memref<4096x128xi32, #tpu.memory_space<vmem>>, vector<4096x32xi32>,
    %slice3A_6 = vector.extract_strided_slice %transpose3A {offsets = [4096, 0], sizes = [4096, 32], strides = [1, 1]} : vector<16384x32xi32> to vector<4096x32xi32>
    %swap3A_7 = arith.constant 0 : index
    %swap3A_8 = arith.constant 32 : index
    %swap3A_9 = vector.load %arg2[%swap3A_7, %swap3A_8] : memref<4096x128xi32, #tpu.memory_space<vmem>>, vector<4096x32xi32>
    tpu.vector_store %arg2[%swap3A_7, %swap3A_8], %slice3A_6 {strides = array<i32>} : memref<4096x128xi32, #tpu.memory_space<vmem>>, vector<4096x32xi32>,
    %slice3A_10 = vector.extract_strided_slice %transpose3A {offsets = [8192, 0], sizes = [4096, 32], strides = [1, 1]} : vector<16384x32xi32> to vector<4096x32xi32>
    %swap3A_11 = arith.constant 0 : index
    %swap3A_12 = arith.constant 64 : index
    %swap3A_13 = vector.load %arg2[%swap3A_11, %swap3A_12] : memref<4096x128xi32, #tpu.memory_space<vmem>>, vector<4096x32xi32>
    tpu.vector_store %arg2[%swap3A_11, %swap3A_12], %slice3A_10 {strides = array<i32>} : memref<4096x128xi32, #tpu.memory_space<vmem>>, vector<4096x32xi32>,
    %slice3A_14 = vector.extract_strided_slice %transpose3A {offsets = [12288, 0], sizes = [4096, 32], strides = [1, 1]} : vector<16384x32xi32> to vector<4096x32xi32>
    %swap3A_15 = arith.constant 0 : index
    %swap3A_16 = arith.constant 96 : index
    %swap3A_17 = vector.load %arg2[%swap3A_15, %swap3A_16] : memref<4096x128xi32, #tpu.memory_space<vmem>>, vector<4096x32xi32>
    tpu.vector_store %arg2[%swap3A_15, %swap3A_16], %slice3A_14 {strides = array<i32>} : memref<4096x128xi32, #tpu.memory_space<vmem>>, vector<4096x32xi32>,
    return
  }
  func.func @transform_0(%arg0: i32) -> (i32, i32) {
    %c0_i32 = arith.constant 0 : i32
    %c0_i32_0 = arith.constant 0 : i32
    return %c0_i32, %arg0 : i32, i32
  }
  func.func @transform_1(%arg0: i32) -> (i32, i32) {
    %c0_i32 = arith.constant 0 : i32
    %c0_i32_0 = arith.constant 0 : i32
    return %arg0, %c0_i32 : i32, i32
  }
}

module attributes {stable_mosaic.version = 14 : i64} {
  func.func @body(%arg0: i32, %arg1: memref<50x2048xi32, #tpu.memory_space<vmem>>, %arg2: memref<2048x64xf32, #tpu.memory_space<vmem>>, %arg3: memref<64x128xf32, #tpu.memory_space<vmem>>, %arg4: memref<1x128xf32, #tpu.memory_space<vmem>>, %arg5: memref<128x16xf32, #tpu.memory_space<vmem>>, %arg6: memref<1x16xf32, #tpu.memory_space<vmem>>, %arg7: memref<2048x16xf32, #tpu.memory_space<vmem>>) attributes {dimension_semantics = [#tpu.dimension_semantics<arbitrary>], iteration_bounds = array<i64: 8>, scalar_prefetch = 0 : i64, scratch_operands = 0 : i64, tpu.core_type = #tpu.core_type<tc>, window_params = [{transform_indices = @transform_0, window_bounds = array<i64: 50, 2048>}, {transform_indices = @transform_1, window_bounds = array<i64: 2048, 64>}, {pipeline_mode = #tpu.pipeline_mode<synchronous>, transform_indices = @transform_2, window_bounds = array<i64: 64, 128>}, {pipeline_mode = #tpu.pipeline_mode<synchronous>, transform_indices = @transform_3, window_bounds = array<i64: 1, 128>}, {pipeline_mode = #tpu.pipeline_mode<synchronous>, transform_indices = @transform_4, window_bounds = array<i64: 128, 16>}, {pipeline_mode = #tpu.pipeline_mode<synchronous>, transform_indices = @transform_5, window_bounds = array<i64: 1, 16>}, {transform_indices = @transform_6, window_bounds = array<i64: 2048, 16>}]} {
    %get3A = arith.constant 0 : index
    %get3A_0 = arith.constant 0 : index
    %get3A_1 = vector.load %arg1[%get3A, %get3A_0] : memref<50x2048xi32, #tpu.memory_space<vmem>>, vector<50x2048xi32>
    %ne3A = arith.constant 0 : i32
    %ne3A_2 = vector.broadcast %ne3A : i32 to vector<50x2048xi32>
    %ne3A_3 = arith.cmpi ne, %get3A_1, %ne3A_2 : vector<50x2048xi32>
    %convert_element_type3A = arith.extui %ne3A_3 : vector<50x2048xi1> to vector<50x2048xi32>
    %convert_element_type3A_4 = arith.sitofp %convert_element_type3A : vector<50x2048xi32> to vector<50x2048xf32>
    %reduce_sum3A = arith.constant dense<0.000000e+00> : vector<2048xf32>
    %reduce_sum3A_5 = vector.multi_reduction <add>, %convert_element_type3A_4, %reduce_sum3A [0] : vector<50x2048xf32> to vector<2048xf32>
    %broadcast_in_dim3A = vector.shape_cast %reduce_sum3A_5 : vector<2048xf32> to vector<2048x1xf32>
    %get3A_6 = arith.constant 0 : index
    %get3A_7 = arith.constant 0 : index
    %get3A_8 = vector.load %arg2[%get3A_6, %get3A_7] : memref<2048x64xf32, #tpu.memory_space<vmem>>, vector<2048x64xf32>
    %max3A = arith.constant 1.000000e+00 : f32
    %max3A_9 = vector.broadcast %max3A : f32 to vector<2048x1xf32>
    %max3A_10 = arith.maximumf %broadcast_in_dim3A, %max3A_9 : vector<2048x1xf32>
    %div3A = vector.broadcast %max3A_10 : vector<2048x1xf32> to vector<2048x64xf32>
    %div3A_11 = arith.divf %get3A_8, %div3A : vector<2048x64xf32>
    %get3A_12 = arith.constant 0 : index
    %get3A_13 = arith.constant 0 : index
    %get3A_14 = vector.load %arg3[%get3A_12, %get3A_13] : memref<64x128xf32, #tpu.memory_space<vmem>>, vector<64x128xf32>
    %dot_general3A = arith.constant dense<0.000000e+00> : vector<2048x128xf32>
    %dot_general3A_15 = tpu.matmul %div3A_11, %get3A_14, %dot_general3A {dimension_numbers = #tpu.dot_dimension_numbers<[1], [0], [0], [1], [0, 0, 1, 1], [], []>, transpose_lhs_hint = false} : vector<2048x64xf32>, vector<64x128xf32>, vector<2048x128xf32> -> vector<2048x128xf32>
    %get3A_16 = arith.constant 0 : index
    %get3A_17 = arith.constant 0 : index
    %get3A_18 = vector.load %arg4[%get3A_16, %get3A_17] : memref<1x128xf32, #tpu.memory_space<vmem>>, vector<1x128xf32>
    %add3A = vector.broadcast %get3A_18 : vector<1x128xf32> to vector<2048x128xf32>
    %add3A_19 = arith.addf %dot_general3A_15, %add3A : vector<2048x128xf32>
    %gt3A = arith.constant 0.000000e+00 : f32
    %gt3A_20 = vector.broadcast %gt3A : f32 to vector<2048x128xf32>
    %gt3A_21 = arith.cmpf ogt, %add3A_19, %gt3A_20 : vector<2048x128xf32>
    %exp3A = math.exp %add3A_19 : vector<2048x128xf32>
    %sub3A = arith.constant 1.000000e+00 : f32
    %sub3A_22 = vector.broadcast %sub3A : f32 to vector<2048x128xf32>
    %sub3A_23 = arith.subf %exp3A, %sub3A_22 : vector<2048x128xf32>
    %select_n3A = arith.select %gt3A_21, %add3A_19, %sub3A_23 : vector<2048x128xi1>, vector<2048x128xf32>
    %get3A_24 = arith.constant 0 : index
    %get3A_25 = arith.constant 0 : index
    %get3A_26 = vector.load %arg5[%get3A_24, %get3A_25] : memref<128x16xf32, #tpu.memory_space<vmem>>, vector<128x16xf32>
    %dot_general3A_27 = arith.constant dense<0.000000e+00> : vector<2048x16xf32>
    %dot_general3A_28 = tpu.matmul %select_n3A, %get3A_26, %dot_general3A_27 {dimension_numbers = #tpu.dot_dimension_numbers<[1], [0], [0], [1], [0, 0, 1, 1], [], []>, transpose_lhs_hint = false} : vector<2048x128xf32>, vector<128x16xf32>, vector<2048x16xf32> -> vector<2048x16xf32>
    %get3A_29 = arith.constant 0 : index
    %get3A_30 = arith.constant 0 : index
    %get3A_31 = vector.load %arg6[%get3A_29, %get3A_30] : memref<1x16xf32, #tpu.memory_space<vmem>>, vector<1x16xf32>
    %add3A_32 = vector.broadcast %get3A_31 : vector<1x16xf32> to vector<2048x16xf32>
    %add3A_33 = arith.addf %dot_general3A_28, %add3A_32 : vector<2048x16xf32>
    %reduce_max3A = arith.constant dense<0xFF800000> : vector<2048xf32>
    %reduce_max3A_34 = vector.multi_reduction <maximumf>, %add3A_33, %reduce_max3A [1] : vector<2048x16xf32> to vector<2048xf32>
    %broadcast_in_dim3A_35 = vector.shape_cast %reduce_max3A_34 : vector<2048xf32> to vector<2048x1xf32>
    %sub3A_36 = vector.broadcast %broadcast_in_dim3A_35 : vector<2048x1xf32> to vector<2048x16xf32>
    %sub3A_37 = arith.subf %add3A_33, %sub3A_36 : vector<2048x16xf32>
    %exp3A_38 = math.exp %sub3A_37 : vector<2048x16xf32>
    %reduce_sum3A_39 = arith.constant dense<0.000000e+00> : vector<2048xf32>
    %reduce_sum3A_40 = vector.multi_reduction <add>, %exp3A_38, %reduce_sum3A_39 [1] : vector<2048x16xf32> to vector<2048xf32>
    %broadcast_in_dim3A_41 = vector.shape_cast %reduce_sum3A_40 : vector<2048xf32> to vector<2048x1xf32>
    %div3A_42 = vector.broadcast %broadcast_in_dim3A_41 : vector<2048x1xf32> to vector<2048x16xf32>
    %div3A_43 = arith.divf %exp3A_38, %div3A_42 : vector<2048x16xf32>
    %swap3A = arith.constant 0 : index
    %swap3A_44 = arith.constant 0 : index
    %swap3A_45 = vector.load %arg7[%swap3A, %swap3A_44] : memref<2048x16xf32, #tpu.memory_space<vmem>>, vector<2048x16xf32>
    tpu.vector_store %arg7[%swap3A, %swap3A_44], %div3A_43 {strides = array<i32>} : memref<2048x16xf32, #tpu.memory_space<vmem>>, vector<2048x16xf32>,
    return
  }
  func.func @transform_0(%arg0: i32) -> (i32, i32) {
    %c0_i32 = arith.constant 0 : i32
    %c0_i32_0 = arith.constant 0 : i32
    return %c0_i32, %arg0 : i32, i32
  }
  func.func @transform_1(%arg0: i32) -> (i32, i32) {
    %c0_i32 = arith.constant 0 : i32
    %c0_i32_0 = arith.constant 0 : i32
    return %arg0, %c0_i32 : i32, i32
  }
  func.func @transform_2(%arg0: i32) -> (i32, i32) {
    %c0_i32 = arith.constant 0 : i32
    %c0_i32_0 = arith.constant 0 : i32
    %c0_i32_1 = arith.constant 0 : i32
    return %c0_i32, %c0_i32_0 : i32, i32
  }
  func.func @transform_3(%arg0: i32) -> (i32, i32) {
    %c0_i32 = arith.constant 0 : i32
    %c0_i32_0 = arith.constant 0 : i32
    %c0_i32_1 = arith.constant 0 : i32
    return %c0_i32, %c0_i32_0 : i32, i32
  }
  func.func @transform_4(%arg0: i32) -> (i32, i32) {
    %c0_i32 = arith.constant 0 : i32
    %c0_i32_0 = arith.constant 0 : i32
    %c0_i32_1 = arith.constant 0 : i32
    return %c0_i32, %c0_i32_0 : i32, i32
  }
  func.func @transform_5(%arg0: i32) -> (i32, i32) {
    %c0_i32 = arith.constant 0 : i32
    %c0_i32_0 = arith.constant 0 : i32
    %c0_i32_1 = arith.constant 0 : i32
    return %c0_i32, %c0_i32_0 : i32, i32
  }
  func.func @transform_6(%arg0: i32) -> (i32, i32) {
    %c0_i32 = arith.constant 0 : i32
    %c0_i32_0 = arith.constant 0 : i32
    return %arg0, %c0_i32 : i32, i32
  }
}

</mosaic_0001>

<sc_bundles>
// kernel: kernel.5.cloned.1.call-start
scs
__scs_entry_jumppad:
0x0: {  	(pc) =	sbr.rel $0x88, $3  }
0x1: {  	(tag) =	ssettag $0x0;
	lr =	simm.s32 $0x1  }
0x2: {  	[smem:$0x3F9B] =	sst lr;
	_ =	strace $0xD0000000  }
0x3: {  	_ = 	snop  }
0x4: {  	_ = 	snop  }
0x5: {  	_ = 	snop  }
0x6: {  	_ = 	snop  }
0x7: {  	_ = 	snop  }
__scs_overlays_trampoline_lowered:
0x8: {  	[smem:$0x3FAA] =	sst s0  }
0x9: {  	[smem:$0x3FAB] =	sst s1  }
0xa: {  	[smem:$0x3FAC] =	sst s2  }
0xb: {  	[smem:$0x3FAD] =	sst s3  }
0xc: {  	[smem:$0x3FAE] =	sst s4  }
0xd: {  	[smem:$0x3FAF] =	sst s5  }
0xe: {  	[smem:$0x3FB0] =	sst s6  }
0xf: {  	[smem:$0x3FB1] =	sst s7  }
0x10: {  	[smem:$0x3FB2] =	sst s8  }
0x11: {  	[smem:$0x3FB3] =	sst s9;
	s0 =	simm.s32 @!p0 $0x0  }
0x12: {  	s1 =	sld [smem:$0x3F99];
	s0 =	simm.s32 @p0 $0x1  }
0x13: {  	[smem:$0x3FB4] =	sst s0;
	s0 =	simm.s32 @!p1 $0x0  }
0x14: {  	s2 =	sld [smem:$0x3F98];
	s0 =	simm.s32 @p1 $0x1  }
0x15: {  	[smem:$0x3FB5] =	sst s0;
	s0 =	simm.s32 @!p2 $0x0  }
0x16: {  	s3 =	sld [smem:$0x3FDB];
	s0 =	simm.s32 @p2 $0x1  }
0x17: {  	s4 =	simm.s32 $0x1BF5;
	[smem:$0x3FB7] =	sst s0  }
0x18: {  	s0 =	sld [smem:$0x3F9A];
	_ =	swait.ge [sflag:s4], $0x0  }
0x19: {  	s7 =	sld [smem:$0x3F9B]  }
0x1a: {  	s8 =	sadd.s32 $0xFFFFE003, lr  }
0x1b: {  	s9 =	sadd.s32 $0xFFFFFEF7, lr;
	s5 =	simm.s32 $0xFFFFFFFF;
	p2 =	slt.u32 s8, $0xFFFFF086  }
0x1c: {  	p1 =	slt.u32 s9, $0xF7A;
	s5 =	simm.s32 @!p2 $0x0  }
0x1d: {  	s5 =	simm.s32 @p1 $0x1;
	p0 =	seq.s32 s7, s2  }
0x1e: {  	s7 =	smul.u32 @!p0 $0xF7A, s2;
	p2 =	seq.s32 @!p0 s5, $0x0  }
0x1f: {  	s9 =	smul.u32 $0xF7A, s1;
	s8 =	simm.s32 @!p0 $0x1BF5;
	p2 =	por !p2, p0  }
0x20: {  	[sflag:s8] =	ssyncset.s32 @!p0 $0xFFFFF086;
	s6 =	sadd.s32 @!p0 s3, s7;
	s7 =	simm.s32 @!p0 $0x108  }
0x21: {  	s3 =	sadd.s32 s3, s9;
	s6 =	sadd.s32 @!p0 $0x88, s6;
	s7 =	simm.s32 @p2 $0x1082  }
0x22: {  	[simem:s7], [sflag:s8] =	dma.local @!p0 [hbm:s6], $0xF7A  }
0x23: {  	s9 =	sor.u32 $0xD0000000, s2;
	s6 =	simm.s32 $0x108;
	_ =	swait.ge @!p0 [sflag:s8], $0x0  }
0x24: {  	s3 =	sadd.s32 $0x88, s3;
	s6 =	simm.s32 @!p1 $0x1082;
	[sflag:s4] =	ssyncset.s32 $0xFFFFF086  }
0x25: {  	[simem:s6], [sflag:s4] =	dma.local [hbm:s3], $0xF7A  }
0x26: {  	[smem:$0x3F9B] =	sst s1;
	(tag) =	ssettag s2;
	_ =	strace s9  }
0x27: {  	s1 =	sld [smem:$0x3FAB]  }
0x28: {  	s2 =	sld [smem:$0x3FAC]  }
0x29: {  	s4 =	sld [smem:$0x3FAE]  }
0x2a: {  	p0 =	seq.s32 s5, $0x0;
	s5 =	sld [smem:$0x3FAF]  }
0x2b: {  	s6 =	sld [smem:$0x3FB0]  }
0x2c: {  	s7 =	sld [smem:$0x3FB1]  }
0x2d: {  	s3 =	simm.s32 $0x108;
	s8 =	sld [smem:$0x3FB2]  }
0x2e: {  	s3 =	simm.s32 @!p0 $0x1082;
	s9 =	sld [smem:$0x3FB3]  }
0x2f: {  	lr =	sadd.s32 s0, s3;
	s0 =	sld [smem:$0x3FAA]  }
0x30: {  	s3 =	sld [smem:$0x3FAD]  }
0x31: {  	[smem:$0x3FB6] =	sst s10  }
0x32: {  	s10 =	sld [smem:$0x3FB4];
	_ =	sdelay $0x3  }
0x33: {  	p0 =	seq.s32 s10, $0x1;
	s10 =	sld [smem:$0x3FB6];
	_ =	sdelay $0x3  }
0x34: {  	[smem:$0x3FB6] =	sst s10  }
0x35: {  	s10 =	sld [smem:$0x3FB5];
	_ =	sdelay $0x3  }
0x36: {  	p1 =	seq.s32 s10, $0x1;
	s10 =	sld [smem:$0x3FB6];
	_ =	sdelay $0x3  }
0x37: {  	[smem:$0x3FB6] =	sst s10  }
0x38: {  	s10 =	sld [smem:$0x3FB7]  }
0x39: {  	_ = 	snop;
	(pc) =	sbr.ind lr, $3  }
0x3a: {  	_ = 	snop  }
0x3b: {  	_ = 	snop  }
0x3c: {  	p2 =	seq.s32 s10, $0x1;
	s10 =	sld [smem:$0x3FB6]  }
0x3d: {  	_ =	shalt  }
0x3e: {  	_ =	shalt  }
0x3f: {  	_ =	shalt  }
0x40: {  	_ =	shalt  }
0x41: {  	_ =	shalt  }
0x42: {  	_ =	shalt  }
0x43: {  	_ =	shalt  }
0x44: {  	_ =	shalt  }
0x45: {  	_ =	shalt  }
0x46: {  	_ =	shalt  }
0x47: {  	_ =	shalt  }
0x48: {  	_ =	shalt  }
0x49: {  	_ =	shalt  }
0x4a: {  	_ =	shalt  }
0x4b: {  	_ =	shalt  }
0x4c: {  	_ =	shalt  }
0x4d: {  	_ =	shalt  }
0x4e: {  	_ =	shalt  }
0x4f: {  	_ =	shalt  }
0x50: {  	_ =	shalt  }
0x51: {  	_ =	shalt  }
0x52: {  	_ =	shalt  }
0x53: {  	_ =	shalt  }
0x54: {  	_ =	shalt  }
0x55: {  	_ =	shalt  }
0x56: {  	_ =	shalt  }
0x57: {  	_ =	shalt  }
0x58: {  	_ =	shalt  }
0x59: {  	_ =	shalt  }
0x5a: {  	_ =	shalt  }
0x5b: {  	_ =	shalt  }
0x5c: {  	_ =	shalt  }
0x5d: {  	_ =	shalt  }
0x5e: {  	_ =	shalt  }
0x5f: {  	_ =	shalt  }
0x60: {  	_ =	shalt  }
0x61: {  	_ =	shalt  }
0x62: {  	_ =	shalt  }
0x63: {  	_ =	shalt  }
0x64: {  	_ =	shalt  }
0x65: {  	_ =	shalt  }
0x66: {  	_ =	shalt  }
0x67: {  	_ =	shalt  }
0x68: {  	_ =	shalt  }
0x69: {  	_ =	shalt  }
0x6a: {  	_ =	shalt  }
0x6b: {  	_ =	shalt  }
0x6c: {  	_ =	shalt  }
0x6d: {  	_ =	shalt  }
0x6e: {  	_ =	shalt  }
0x6f: {  	_ =	shalt  }
0x70: {  	_ =	shalt  }
0x71: {  	_ =	shalt  }
0x72: {  	_ =	shalt  }
0x73: {  	_ =	shalt  }
0x74: {  	_ =	shalt  }
0x75: {  	_ =	shalt  }
0x76: {  	_ =	shalt  }
0x77: {  	_ =	shalt  }
0x78: {  	_ =	shalt  }
0x79: {  	_ =	shalt  }
0x7a: {  	_ =	shalt  }
0x7b: {  	_ =	shalt  }
0x7c: {  	_ =	shalt  }
0x7d: {  	_ =	shalt  }
0x7e: {  	_ =	shalt  }
0x7f: {  	_ =	shalt  }
0x80: {  	_ =	shalt  }
0x81: {  	_ =	shalt  }
0x82: {  	_ =	shalt  }
0x83: {  	_ =	shalt  }
0x84: {  	_ =	shalt  }
0x85: {  	_ =	shalt  }
0x86: {  	_ =	shalt  }
0x87: {  	_ =	shalt  }
.Lfunc_end0:
.L_simem_size_0:
called_computation_lowered:
.L_overlay_start_0:
0x88: {  	s2 =	sld [smem:$0x3FD9]  }
0x89: {  	s3 =	sld [smem:$0x3FFE];
	_ =	sdelay $0x1  }
0x8a: {  	s1 =	srdreg.scid  }
0x8b: {  	s0 =	sand.u32 $0x1, s1  }
0x8c: {  	s16 =	sshll.u32 s0, $0xA;
	s2 =	sadd.s32 s3, s2  }
0x8d: {  	s2 =	sadd.s32 s2, s16  }
0x8e: {  	[smem:$0x3FC2] =	sst s2  }
0x8f: {  	_ = 	snop  }
0x90: {  	(tm) =	ssettm $0x1  }
0x91: {  	s17 =	sld [smem:$0x3FFB];
	_ =	sdelay $0x3  }
0x92: {  	_ =	strace s17  }
0x93: {  	s2 =	sld [smem:$0x3FFC];
	_ =	sdelay $0x3  }
0x94: {  	_ =	strace s2  }
0x95: {  	s2 =	sld [smem:$0x3FFD];
	_ =	sdelay $0x3  }
0x96: {  	_ =	strace s2  }
0x97: {  	_ =	strace $0x8FFFFFFF  }
0x98: {  	s18 =	sld [smem:$0x3FDB];
	_ =	sdelay $0x1  }
0x99: {  	s19 =	simm.s32 $_scs_section_size  }
0x9a: {  	s4 =	simm.s32 $_size__tile_overlayer_lowered;
	s5 =	simm.s32 $_tile_overlayer_lowered  }
0x9b: {  	s22 =	simm.s32 $0x1BFF;
	s21 =	sshll.u32 s5, $0x1;
	s2 =	sadd.s32 s19, s18  }
0x9c: {  	s6 =	simm.s32 $0x0;
	s20 =	sshll.u32 s4, $0x1;
	s4 =	sadd.s32 s21, s2  }
0x9d: {  	[timem:s6], [sflag:s22] =	dma.local [hbm:s4], s20  }
0x9e: {  	_ =	swait.ge [sflag:s22], s20  }
0x9f: {  	s3 =	ssub.s32 $0x0, s20;
	[sflag:s22] =	ssyncset.done $0x0  }
0xa0: {  	[sflag:s22] =	ssyncadd.s32 s3;
	_ =	sdelay $0x1  }
0xa1: {  	s23 =	simm.s32 $0x1B8B  }
0xa2: {  	_ =	swait.ge [sflag:s23], $0x1  }
0xa3: {  	[sflag:s23] =	ssyncset.done $0x0  }
0xa4: {  	s25 =	simm.s32 $0x1B8E;
	s24 =	sld [smem:$0x3FFE];
	[sflag:s23] =	ssyncadd.s32 $0xFFFFFFFF  }
0xa5: {  	s26 =	simm.s32 $execute0_lowered;
	[smem:$0x3FD2] =	sst s25  }
0xa6: {  	s4 =	sshll.u32 s26, $0x1;
	_ =	strace $0x80000046;
	[dreg:$0x1] =	wrdreg $0xFFFFFFFF  }
0xa7: {  	s28 =	simm.s32 $_size_execute0_lowered;
	s2 =	sadd.s32 s2, s4;
	[dreg:$0x0] =	wrdreg $0x0  }
0xa8: {  	s4 =	sshll.u32 s28, $0x1;
	[dreg:$0x2] =	wrdreg s2  }
0xa9: {  	[dreg:$0x3] =	wrdreg s4  }
0xaa: {  	[dreg:$0x4] =	wrdreg $0xC0  }
0xab: {  	_ =	task [dreg:s6], $0x5FFFF  }
0xac: {  	[dreg:$0x1] =	wrdreg $0xFFFFFFFF  }
0xad: {  	[dreg:$0x0] =	wrdreg $0x60  }
0xae: {  	[dreg:$0x2] =	wrdreg s24  }
0xaf: {  	[dreg:$0x3] =	wrdreg $0x9  }
0xb0: {  	_ =	task.clear_ibuf [dreg:s6], $0x4FFFF;
	_ =	strace $0x90000046  }
0xb1: {  	s29 =	simm.s32 $0x9;
	_ =	strace $0x80000048  }
0xb2: {  	_ =	swait.ge [sflag:s29], $0x1  }
0xb3: {  	[sflag:s29] =	ssyncadd.s32 $0xFFFFFFFF  }
0xb4: {  	_ =	strace $0x90000048  }
0xb5: {  	_ =	sfence  }
0xb6: {  	s30 =	sld [smem:$0x0];
	_ =	sdelay $0x2  }
0xb7: {  	s31 =	sshll.u32 s1, $0xD;
	s1 =	sshrl.u32 s1, $0x2  }
0xb8: {  	s3 =	sand.u32 $0x4000, s31;
	s1 =	sadd.s32 s1, s30  }
0xb9: {  	s0 =	sor.u32 s3, s0;
	s1 =	sshll.u32 s1, $0x11  }
0xba: {  	s0 =	sor.u32 s1, s0  }
0xbb: {  	s0 =	sadd.s32 $0x8F2B, s0  }
0xbc: {  	[sflag:s0] =	ssyncadd.remote.s32 $0x1  }
0xbd: {  	_ =	sfence.sel $0xFFFF  }
0xbe: {  	[dreg:$0x0] =	wrdreg $0xFFFFFFFF;
	(pc) =	sbr.abs _section_cstart, $3  }
0xbf: {  	[dreg:$0x1] =	wrdreg $0xFFFFFFFF  }
0xc0: {  	_ =	task.clear_ibuf [dreg:s6], $0x2FFFF;
	_ =	strace $0x9FFFFFFF  }
0xc1: {  	(tm) =	ssettm $0x7FFFFFFF  }
tec
execute0_lowered:
.L_overlay_start_1:
0x0: {  	(tag) =	ssettag $0x1  }
0x1: {  	s4 =	rddreg [dreg:$0x0];
	v0 =	vlaneseq.u32  }
0x2: {  	s2 =	srdreg.scid;
	s0 =	rddreg [dreg:$0x1];
	v0 =	vmul.u32 $0x200, v0  }
0x3: {  	s1 =	stileid.u32;
	s8 =	simm.s32 $0x4000;
	s9 =	simm.s32 $0x5  }
0x4: {  	s10 =	simm.s32 $0x64;
	s11 =	simm.s32 $0x6400;
	s12 =	simm.s32 $0xCC00;
	v32 =	vimm.bf16 $0.0e+00;
	v1 =	vor.u32 $0x2000, v0  }
0x5: {  	s13 =	simm.s32 $0x6468;
	s14 =	simm.s32 $0xD880;
	s15 =	simm.s32 $0x64D0;
	v2 =	vor.u32 $0x4000, v0;
	v3 =	vadd.s32 $0x4400, v0;
	v4 =	vor.u32 $0x1, v0  }
0x6: {  	s16 =	simm.s32 $0xE500;
	s17 =	simm.s32 $0xF180;
	s18 =	simm.s32 $0x1;
	v5 =	vor.u32 $0x2001, v0;
	v6 =	vor.u32 $0x4001, v0;
	v7 =	vadd.s32 $0x4401, v0  }
0x7: {  	s19 =	simm.s32 $0x2;
	s20 =	simm.s32 $0x3;
	s21 =	simm.s32 $0x4;
	v8 =	vor.u32 $0x2, v0;
	v9 =	vor.u32 $0x2002, v0;
	v10 =	vor.u32 $0x4002, v0  }
0x8: {  	s22 =	simm.s32 $0xFE00;
	s23 =	simm.s32 $0x0;
	s3 =	sand.u32 $0x1, s2;
	v11 =	vadd.s32 $0x4402, v0;
	v12 =	vor.u32 $0x3, v0;
	v13 =	vor.u32 $0x2003, v0  }
0x9: {  	s2 =	simm.s32 $0x0;
	s5 =	sshll.u32 s1, $0xA;
	s6 =	sshll.u32 s3, $0x9;
	v14 =	vor.u32 $0x4003, v0;
	v15 =	vadd.s32 $0x4403, v0;
	v16 =	vor.u32 $0x4, v0  }
0xa: {  	[smem:$0x7FF] =	sst s2;
	s7 =	ssub.s32 $0x2, s3;
	s5 =	sor.u32 s6, s5;
	v17 =	vor.u32 $0x2004, v0;
	v18 =	vor.u32 $0x4004, v0;
	v19 =	vadd.s32 $0x4404, v0  }
0xb: {  	s3 =	sadd.s32 $0x19A00, s4;
	_ =	strace $0x80000047;
	v20 =	vor.u32 $0x5, v0;
	v21 =	vor.u32 $0x2005, v0;
	v22 =	vor.u32 $0x4005, v0;
	s6 =	sshrl.u32 s5, $0x3  }
0xc: {  	s31 =	sshrl.u32 s7, $0x1;
	v23 =	vadd.s32 $0x4405, v0;
	v24 =	vor.u32 $0x6, v0;
	v25 =	vor.u32 $0x2006, v0;
	s5 =	sshll.u32 s5, $0x3;
	s6 =	sadd.s32 s6, s4  }
0xd: {  	v26 =	vor.u32 $0x4006, v0;
	v27 =	vadd.s32 $0x4406, v0;
	v28 =	vor.u32 $0x7, v0;
	s7 =	ssub.s32 s7, s31;
	s5 =	sadd.s32 s5, s4;
	s4 =	sadd.s32 $0xA00, s6  }
0xe: {  	v29 =	vor.u32 $0x2007, v0;
	v30 =	vor.u32 $0x4007, v0;
	v31 =	vadd.s32 $0x4407, v0;
	s5 =	sadd.s32 $0x3F9A00, s5;
	s6 =	smax.u32 s7, $0x1;
	s7 =	simm.s32 $0x200  }
.LBB2_1:
0xf: {  	[tilespmem:s2], [sflag:$0x5] =	stream.strided.gather [hbm4b:s4+s7], $0x6400, s8, s7, $0x38;
	[tilespmem:$0x17E00] =	vst v63  }
0x10: {  	_ =	swait.ge [sflag:s9], $0x6400  }
0x11: {  	[sflag:s9] =	ssyncset.done $0x0  }
0x12: {  	[sflag:s9] =	ssyncadd.s32 $0xFFFF9C00  }
0x13: {  	v33 =	vld.idx.msk [tilespmem:v0+s2+$0x0], $0xffff;
	_ =	sdelay $0x4  }
0x14: {  	v34 =	vshll.u32 v33, $0x2  }
0x15: {  	v35 =	vshrl.u32 v33, $0xC;
	v33 =	vand.u32 $0xFFFFC000, v33;
	v34 =	vand.u32 $0x3FFC, v34  }
0x16: {  	v50 =	vand.u32 $0x3, v35;
	v33 =	vor.u32 v33, v34  }
0x17: {  	v33 =	vor.u32 v50, v33  }
0x18: {  	[tilespmem:$0x6400] =	vst v33  }
0x19: {  	v33 =	vld.idx.msk [tilespmem:v1+s2+$0x0], $0xffff;
	_ =	sdelay $0x4  }
0x1a: {  	v51 =	vshll.u32 v33, $0x2  }
0x1b: {  	v52 =	vshrl.u32 v33, $0xC;
	v33 =	vand.u32 $0xFFFFC000, v33;
	v34 =	vand.u32 $0x3FFC, v51  }
0x1c: {  	v53 =	vand.u32 $0x3, v52;
	v33 =	vor.u32 v33, v34  }
0x1d: {  	v33 =	vor.u32 v53, v33  }
0x1e: {  	[tilespmem:$0x6410] =	vst v33  }
0x1f: {  	v33 =	vld.idx.msk [tilespmem:v2+s2+$0x0], $0xffff;
	_ =	sdelay $0x4  }
0x20: {  	v54 =	vshll.u32 v33, $0x2  }
0x21: {  	v55 =	vshrl.u32 v33, $0xC;
	v33 =	vand.u32 $0xFFFFC000, v33;
	v34 =	vand.u32 $0x3FFC, v54  }
0x22: {  	v56 =	vand.u32 $0x3, v55;
	v33 =	vor.u32 v33, v34  }
0x23: {  	v33 =	vor.u32 v56, v33  }
0x24: {  	[tilespmem:$0x6420] =	vst v33  }
0x25: {  	v33 =	vld.idx.msk [tilespmem:v3+s2+$0x0], $0xffff;
	_ =	sdelay $0x4  }
0x26: {  	v57 =	vshll.u32 v33, $0x2  }
0x27: {  	v58 =	vshrl.u32 v33, $0xC;
	v33 =	vand.u32 $0xFFFFC000, v33;
	v34 =	vand.u32 $0x3FFC, v57  }
0x28: {  	v59 =	vand.u32 $0x3, v58;
	v33 =	vor.u32 v33, v34  }
0x29: {  	v33 =	vor.u32 v59, v33  }
0x2a: {  	[tilespmem:$0x6422] =	vst v33  }
0x2b: {  	v33 =	vld.idx.msk [tilespmem:v4+s2+$0x0], $0xffff;
	_ =	sdelay $0x4  }
0x2c: {  	v60 =	vshll.u32 v33, $0x2  }
0x2d: {  	v61 =	vshrl.u32 v33, $0xC;
	v33 =	vand.u32 $0xFFFFC000, v33;
	v34 =	vand.u32 $0x3FFC, v60  }
0x2e: {  	v62 =	vand.u32 $0x3, v61;
	v33 =	vor.u32 v33, v34  }
0x2f: {  	v33 =	vor.u32 v62, v33  }
0x30: {  	[tilespmem:$0x6432] =	vst v33  }
0x31: {  	v33 =	vld.idx.msk [tilespmem:v5+s2+$0x0], $0xffff;
	_ =	sdelay $0x4  }
0x32: {  	v63 =	vshll.u32 v33, $0x2  }
0x33: {  	v36 =	vshrl.u32 v33, $0xC;
	v33 =	vand.u32 $0xFFFFC000, v33;
	v34 =	vand.u32 $0x3FFC, v63  }
0x34: {  	v37 =	vand.u32 $0x3, v36;
	v33 =	vor.u32 v33, v34  }
0x35: {  	v33 =	vor.u32 v37, v33  }
0x36: {  	[tilespmem:$0x6442] =	vst v33  }
0x37: {  	v33 =	vld.idx.msk [tilespmem:v6+s2+$0x0], $0xffff;
	_ =	sdelay $0x4  }
0x38: {  	v38 =	vshll.u32 v33, $0x2  }
0x39: {  	v39 =	vshrl.u32 v33, $0xC;
	v33 =	vand.u32 $0xFFFFC000, v33;
	v34 =	vand.u32 $0x3FFC, v38  }
0x3a: {  	v40 =	vand.u32 $0x3, v39;
	v33 =	vor.u32 v33, v34  }
0x3b: {  	v33 =	vor.u32 v40, v33  }
0x3c: {  	[tilespmem:$0x6452] =	vst v33  }
0x3d: {  	v33 =	vld.idx.msk [tilespmem:v7+s2+$0x0], $0xffff;
	_ =	sdelay $0x4  }
0x3e: {  	v41 =	vshll.u32 v33, $0x2  }
0x3f: {  	v42 =	vshrl.u32 v33, $0xC;
	v33 =	vand.u32 $0xFFFFC000, v33;
	v34 =	vand.u32 $0x3FFC, v41  }
0x40: {  	v43 =	vand.u32 $0x3, v42;
	v33 =	vor.u32 v33, v34  }
0x41: {  	v33 =	vor.u32 v43, v33  }
0x42: {  	[tilespmem:$0x6454] =	vst v33  }
0x43: {  	[tilespmem:s12], [sflag:$0x1] =	stream.indirect.gather [hbm4b:s3+s10], $0x20, s11, s10, $0xb8;
	[tilespmem:$0x17E00] =	vst v63  }
0x44: {  	v33 =	vld.idx.msk [tilespmem:v8+s2+$0x0], $0xffff;
	_ =	sdelay $0x4  }
0x45: {  	v44 =	vshll.u32 v33, $0x2  }
0x46: {  	v45 =	vshrl.u32 v33, $0xC;
	v33 =	vand.u32 $0xFFFFC000, v33;
	v34 =	vand.u32 $0x3FFC, v44  }
0x47: {  	v46 =	vand.u32 $0x3, v45;
	v33 =	vor.u32 v33, v34  }
0x48: {  	v33 =	vor.u32 v46, v33  }
0x49: {  	[tilespmem:$0x6468] =	vst v33  }
0x4a: {  	v33 =	vld.idx.msk [tilespmem:v9+s2+$0x0], $0xffff;
	_ =	sdelay $0x4  }
0x4b: {  	v47 =	vshll.u32 v33, $0x2  }
0x4c: {  	v48 =	vshrl.u32 v33, $0xC;
	v33 =	vand.u32 $0xFFFFC000, v33;
	v34 =	vand.u32 $0x3FFC, v47  }
0x4d: {  	v49 =	vand.u32 $0x3, v48;
	v33 =	vor.u32 v33, v34  }
0x4e: {  	v33 =	vor.u32 v49, v33  }
0x4f: {  	[tilespmem:$0x6478] =	vst v33  }
0x50: {  	v33 =	vld.idx.msk [tilespmem:v10+s2+$0x0], $0xffff;
	_ =	sdelay $0x4  }
0x51: {  	v50 =	vshll.u32 v33, $0x2  }
0x52: {  	v51 =	vshrl.u32 v33, $0xC;
	v33 =	vand.u32 $0xFFFFC000, v33;
	v34 =	vand.u32 $0x3FFC, v50  }
0x53: {  	v52 =	vand.u32 $0x3, v51;
	v33 =	vor.u32 v33, v34  }
0x54: {  	v33 =	vor.u32 v52, v33  }
0x55: {  	[tilespmem:$0x6488] =	vst v33  }
0x56: {  	v33 =	vld.idx.msk [tilespmem:v11+s2+$0x0], $0xffff;
	_ =	sdelay $0x4  }
0x57: {  	v53 =	vshll.u32 v33, $0x2  }
0x58: {  	v54 =	vshrl.u32 v33, $0xC;
	v33 =	vand.u32 $0xFFFFC000, v33;
	v34 =	vand.u32 $0x3FFC, v53  }
0x59: {  	v55 =	vand.u32 $0x3, v54;
	v33 =	vor.u32 v33, v34  }
0x5a: {  	v33 =	vor.u32 v55, v33  }
0x5b: {  	[tilespmem:$0x648A] =	vst v33  }
0x5c: {  	v33 =	vld.idx.msk [tilespmem:v12+s2+$0x0], $0xffff;
	_ =	sdelay $0x4  }
0x5d: {  	v56 =	vshll.u32 v33, $0x2  }
0x5e: {  	v57 =	vshrl.u32 v33, $0xC;
	v33 =	vand.u32 $0xFFFFC000, v33;
	v34 =	vand.u32 $0x3FFC, v56  }
0x5f: {  	v58 =	vand.u32 $0x3, v57;
	v33 =	vor.u32 v33, v34  }
0x60: {  	v33 =	vor.u32 v58, v33  }
0x61: {  	[tilespmem:$0x649A] =	vst v33  }
0x62: {  	v33 =	vld.idx.msk [tilespmem:v13+s2+$0x0], $0xffff;
	_ =	sdelay $0x4  }
0x63: {  	v59 =	vshll.u32 v33, $0x2  }
0x64: {  	v60 =	vshrl.u32 v33, $0xC;
	v33 =	vand.u32 $0xFFFFC000, v33;
	v34 =	vand.u32 $0x3FFC, v59  }
0x65: {  	v61 =	vand.u32 $0x3, v60;
	v33 =	vor.u32 v33, v34  }
0x66: {  	v33 =	vor.u32 v61, v33  }
0x67: {  	[tilespmem:$0x64AA] =	vst v33  }
0x68: {  	v33 =	vld.idx.msk [tilespmem:v14+s2+$0x0], $0xffff;
	_ =	sdelay $0x4  }
0x69: {  	v62 =	vshll.u32 v33, $0x2  }
0x6a: {  	v63 =	vshrl.u32 v33, $0xC;
	v33 =	vand.u32 $0xFFFFC000, v33;
	v34 =	vand.u32 $0x3FFC, v62  }
0x6b: {  	v36 =	vand.u32 $0x3, v63;
	v33 =	vor.u32 v33, v34  }
0x6c: {  	v33 =	vor.u32 v36, v33  }
0x6d: {  	[tilespmem:$0x64BA] =	vst v33  }
0x6e: {  	v33 =	vld.idx.msk [tilespmem:v15+s2+$0x0], $0xffff;
	_ =	sdelay $0x4  }
0x6f: {  	v37 =	vshll.u32 v33, $0x2  }
0x70: {  	v38 =	vshrl.u32 v33, $0xC;
	v33 =	vand.u32 $0xFFFFC000, v33;
	v34 =	vand.u32 $0x3FFC, v37  }
0x71: {  	v39 =	vand.u32 $0x3, v38;
	v33 =	vor.u32 v33, v34  }
0x72: {  	v33 =	vor.u32 v39, v33  }
0x73: {  	[tilespmem:$0x64BC] =	vst v33  }
0x74: {  	[tilespmem:s14], [sflag:$0x2] =	stream.indirect.gather [hbm4b:s3+s10], $0x20, s13, s10, $0xb8;
	[tilespmem:$0x17E00] =	vst v63  }
0x75: {  	v33 =	vld.idx.msk [tilespmem:v16+s2+$0x0], $0xffff;
	_ =	sdelay $0x4  }
0x76: {  	v40 =	vshll.u32 v33, $0x2  }
0x77: {  	v41 =	vshrl.u32 v33, $0xC;
	v33 =	vand.u32 $0xFFFFC000, v33;
	v34 =	vand.u32 $0x3FFC, v40  }
0x78: {  	v42 =	vand.u32 $0x3, v41;
	v33 =	vor.u32 v33, v34  }
0x79: {  	v33 =	vor.u32 v42, v33  }
0x7a: {  	[tilespmem:$0x64D0] =	vst v33  }
0x7b: {  	v33 =	vld.idx.msk [tilespmem:v17+s2+$0x0], $0xffff;
	_ =	sdelay $0x4  }
0x7c: {  	v43 =	vshll.u32 v33, $0x2  }
0x7d: {  	v44 =	vshrl.u32 v33, $0xC;
	v33 =	vand.u32 $0xFFFFC000, v33;
	v34 =	vand.u32 $0x3FFC, v43  }
0x7e: {  	v45 =	vand.u32 $0x3, v44;
	v33 =	vor.u32 v33, v34  }
0x7f: {  	v33 =	vor.u32 v45, v33  }
0x80: {  	[tilespmem:$0x64E0] =	vst v33  }
0x81: {  	v33 =	vld.idx.msk [tilespmem:v18+s2+$0x0], $0xffff;
	_ =	sdelay $0x4  }
0x82: {  	v46 =	vshll.u32 v33, $0x2  }
0x83: {  	v47 =	vshrl.u32 v33, $0xC;
	v33 =	vand.u32 $0xFFFFC000, v33;
	v34 =	vand.u32 $0x3FFC, v46  }
0x84: {  	v48 =	vand.u32 $0x3, v47;
	v33 =	vor.u32 v33, v34  }
0x85: {  	v33 =	vor.u32 v48, v33  }
0x86: {  	[tilespmem:$0x64F0] =	vst v33  }
0x87: {  	v33 =	vld.idx.msk [tilespmem:v19+s2+$0x0], $0xffff;
	_ =	sdelay $0x4  }
0x88: {  	v49 =	vshll.u32 v33, $0x2  }
0x89: {  	v50 =	vshrl.u32 v33, $0xC;
	v33 =	vand.u32 $0xFFFFC000, v33;
	v34 =	vand.u32 $0x3FFC, v49  }
0x8a: {  	v51 =	vand.u32 $0x3, v50;
	v33 =	vor.u32 v33, v34  }
0x8b: {  	v33 =	vor.u32 v51, v33  }
0x8c: {  	[tilespmem:$0x64F2] =	vst v33  }
0x8d: {  	v33 =	vld.idx.msk [tilespmem:v20+s2+$0x0], $0xffff;
	_ =	sdelay $0x4  }
0x8e: {  	v52 =	vshll.u32 v33, $0x2  }
0x8f: {  	v53 =	vshrl.u32 v33, $0xC;
	v33 =	vand.u32 $0xFFFFC000, v33;
	v34 =	vand.u32 $0x3FFC, v52  }
0x90: {  	v54 =	vand.u32 $0x3, v53;
	v33 =	vor.u32 v33, v34  }
0x91: {  	v33 =	vor.u32 v54, v33  }
0x92: {  	[tilespmem:$0x6502] =	vst v33  }
0x93: {  	v33 =	vld.idx.msk [tilespmem:v21+s2+$0x0], $0xffff;
	_ =	sdelay $0x4  }
0x94: {  	v55 =	vshll.u32 v33, $0x2  }
0x95: {  	v56 =	vshrl.u32 v33, $0xC;
	v33 =	vand.u32 $0xFFFFC000, v33;
	v34 =	vand.u32 $0x3FFC, v55  }
0x96: {  	v57 =	vand.u32 $0x3, v56;
	v33 =	vor.u32 v33, v34  }
0x97: {  	v33 =	vor.u32 v57, v33  }
0x98: {  	[tilespmem:$0x6512] =	vst v33  }
0x99: {  	v33 =	vld.idx.msk [tilespmem:v22+s2+$0x0], $0xffff;
	_ =	sdelay $0x4  }
0x9a: {  	v58 =	vshll.u32 v33, $0x2  }
0x9b: {  	v59 =	vshrl.u32 v33, $0xC;
	v33 =	vand.u32 $0xFFFFC000, v33;
	v34 =	vand.u32 $0x3FFC, v58  }
0x9c: {  	v60 =	vand.u32 $0x3, v59;
	v33 =	vor.u32 v33, v34  }
0x9d: {  	v33 =	vor.u32 v60, v33  }
0x9e: {  	[tilespmem:$0x6522] =	vst v33  }
0x9f: {  	v33 =	vld.idx.msk [tilespmem:v23+s2+$0x0], $0xffff;
	_ =	sdelay $0x4  }
0xa0: {  	v61 =	vshll.u32 v33, $0x2  }
0xa1: {  	v62 =	vshrl.u32 v33, $0xC;
	v33 =	vand.u32 $0xFFFFC000, v33;
	v34 =	vand.u32 $0x3FFC, v61  }
0xa2: {  	v63 =	vand.u32 $0x3, v62;
	v33 =	vor.u32 v33, v34  }
0xa3: {  	v33 =	vor.u32 v63, v33  }
0xa4: {  	s24 =	simm.s32 $0x0;
	[tilespmem:$0x6524] =	vst v33  }
0xa5: {  	[tilespmem:s16], [sflag:$0x3] =	stream.indirect.gather [hbm4b:s3+s10], $0x20, s15, s10, $0xb8;
	[tilespmem:$0x17E00] =	vst v63  }
.LBB2_2:
0xa6: {  	s25 =	sshll.u32 s24, $0x3  }
0xa7: {  	v33 =	vmov s25  }
0xa8: {  	v33 =	vshrl.u32 v33, $0x3  }
0xa9: {  	v33 =	vshll.u32 v33, $0x3  }
0xaa: {  	v33 =	vbroadcast v33, $0x0;
	_ =	sdelay $0x1  }
0xab: {  	v34 =	vadd.s32 v24, v33;
	_ =	sdelay $0x3  }
0xac: {  	s26 =	simm.s32 $0x0  }
0xad: {  	v34 =	vld.idx.msk [tilespmem:v34+s26+$0x0], $0xffff;
	_ =	sdelay $0x4  }
0xae: {  	s25 =	sshllo.u32 s24, $0x2;
	v36 =	vadd.s32 v25, v33;
	v35 =	vshll.u32 v34, $0x2  }
0xaf: {  	s28 =	smul.u32 $0x1A0, s25;
	v37 =	vshrl.u32 v34, $0xC;
	v34 =	vand.u32 $0xFFFFC000, v34;
	v35 =	vand.u32 $0x3FFC, v35  }
0xb0: {  	v58 =	vand.u32 $0x3, v37;
	v34 =	vor.u32 v34, v35  }
0xb1: {  	s28 =	sshra.s32 s28, $0x2;
	v34 =	vor.u32 v58, v34  }
0xb2: {  	[tilespmem:s28+$0x6400] =	vst v34  }
0xb3: {  	v34 =	vld.idx.msk [tilespmem:v36+s26+$0x0], $0xffff;
	_ =	sdelay $0x4  }
0xb4: {  	v60 =	vadd.s32 v26, v33;
	v59 =	vshll.u32 v34, $0x2  }
0xb5: {  	v61 =	vshrl.u32 v34, $0xC;
	v34 =	vand.u32 $0xFFFFC000, v34;
	v35 =	vand.u32 $0x3FFC, v59  }
0xb6: {  	v62 =	vand.u32 $0x3, v61;
	v34 =	vor.u32 v34, v35  }
0xb7: {  	v34 =	vor.u32 v62, v34  }
0xb8: {  	[tilespmem:s28+$0x6410] =	vst v34  }
0xb9: {  	v34 =	vld.idx.msk [tilespmem:v60+s26+$0x0], $0xffff;
	_ =	sdelay $0x4  }
0xba: {  	v40 =	vadd.s32 v27, v33;
	v63 =	vshll.u32 v34, $0x2  }
0xbb: {  	v41 =	vshrl.u32 v34, $0xC;
	v34 =	vand.u32 $0xFFFFC000, v34;
	v35 =	vand.u32 $0x3FFC, v63  }
0xbc: {  	v42 =	vand.u32 $0x3, v41;
	v34 =	vor.u32 v34, v35  }
0xbd: {  	v34 =	vor.u32 v42, v34  }
0xbe: {  	[tilespmem:s28+$0x6420] =	vst v34  }
0xbf: {  	v34 =	vld.idx.msk [tilespmem:v40+s26+$0x0], $0xffff;
	_ =	sdelay $0x4  }
0xc0: {  	v44 =	vadd.s32 v28, v33;
	v43 =	vshll.u32 v34, $0x2  }
0xc1: {  	v45 =	vshrl.u32 v34, $0xC;
	v34 =	vand.u32 $0xFFFFC000, v34;
	v35 =	vand.u32 $0x3FFC, v43  }
0xc2: {  	v46 =	vand.u32 $0x3, v45;
	v34 =	vor.u32 v34, v35  }
0xc3: {  	v34 =	vor.u32 v46, v34  }
0xc4: {  	[tilespmem:s28+$0x6422] =	vst v34  }
0xc5: {  	v34 =	vld.idx.msk [tilespmem:v44+s26+$0x0], $0xffff;
	_ =	sdelay $0x4  }
0xc6: {  	v48 =	vadd.s32 v29, v33;
	v47 =	vshll.u32 v34, $0x2  }
0xc7: {  	v49 =	vshrl.u32 v34, $0xC;
	v34 =	vand.u32 $0xFFFFC000, v34;
	v35 =	vand.u32 $0x3FFC, v47  }
0xc8: {  	v50 =	vand.u32 $0x3, v49;
	v34 =	vor.u32 v34, v35  }
0xc9: {  	v34 =	vor.u32 v50, v34  }
0xca: {  	[tilespmem:s28+$0x6432] =	vst v34  }
0xcb: {  	v34 =	vld.idx.msk [tilespmem:v48+s26+$0x0], $0xffff;
	_ =	sdelay $0x4  }
0xcc: {  	v52 =	vadd.s32 v30, v33;
	v51 =	vshll.u32 v34, $0x2  }
0xcd: {  	v53 =	vshrl.u32 v34, $0xC;
	v34 =	vand.u32 $0xFFFFC000, v34;
	v35 =	vand.u32 $0x3FFC, v51  }
0xce: {  	v54 =	vand.u32 $0x3, v53;
	v34 =	vor.u32 v34, v35  }
0xcf: {  	v34 =	vor.u32 v54, v34  }
0xd0: {  	[tilespmem:s28+$0x6442] =	vst v34  }
0xd1: {  	v34 =	vld.idx.msk [tilespmem:v52+s26+$0x0], $0xffff;
	_ =	sdelay $0x4  }
0xd2: {  	v33 =	vadd.s32 v31, v33;
	v55 =	vshll.u32 v34, $0x2  }
0xd3: {  	v36 =	vshrl.u32 v34, $0xC;
	v34 =	vand.u32 $0xFFFFC000, v34;
	v35 =	vand.u32 $0x3FFC, v55  }
0xd4: {  	v56 =	vand.u32 $0x3, v36;
	v34 =	vor.u32 v34, v35  }
0xd5: {  	v34 =	vor.u32 v56, v34  }
0xd6: {  	[tilespmem:s28+$0x6452] =	vst v34  }
0xd7: {  	v33 =	vld.idx.msk [tilespmem:v33+s26+$0x0], $0xffff;
	_ =	sdelay $0x4  }
0xd8: {  	v57 =	vshll.u32 v33, $0x2  }
0xd9: {  	v58 =	vshrl.u32 v33, $0xC;
	v33 =	vand.u32 $0xFFFFC000, v33;
	v34 =	vand.u32 $0x3FFC, v57  }
0xda: {  	v59 =	vand.u32 $0x3, v58;
	v33 =	vor.u32 v33, v34  }
0xdb: {  	v33 =	vor.u32 v59, v33  }
0xdc: {  	s31 =	sadd.s32 $0x6400, s28;
	[tilespmem:s28+$0x6454] =	vst v33  }
0xdd: {  	[tilespmem:s17], [sflag:$0x4] =	stream.indirect.gather [hbm4b:s3+s10], $0x20, s31, s10, $0xb8;
	[tilespmem:$0x17E00] =	vst v63  }
0xde: {  	_ =	swait.ge [sflag:s18], $0xC80  }
0xdf: {  	[sflag:s18] =	ssyncset.done $0x0  }
0xe0: {  	s30 =	simm.s32 $0x0;
	[sflag:s18] =	ssyncadd.s32 $0xFFFFF380  }
0xe1: {  	v60 =	vld [tilespmem:s30+$0xCC10]  }
0xe2: {  	v61 =	vld [tilespmem:s30+$0xCC00]  }
0xe3: {  	v62 =	vld [tilespmem:s30+$0xCC30]  }
0xe4: {  	v63 =	vld [tilespmem:s30+$0xCC20]  }
0xe5: {  	v41 =	vld [tilespmem:s30+$0xCC50]  }
0xe6: {  	v37 =	vld [tilespmem:s30+$0xCC40];
	v33 =	vadd.bf16 v32, v60  }
0xe7: {  	v38 =	vld [tilespmem:s30+$0xCC70];
	v34 =	vadd.bf16 v32, v61  }
0xe8: {  	v39 =	vld [tilespmem:s30+$0xCC60];
	v35 =	vadd.bf16 v62, v33  }
0xe9: {  	v36 =	vimm.f32 $0.0e+00;
	v40 =	vld [tilespmem:s30+$0xCC90];
	v33 =	vimm.f32 $0.0e+00;
	v42 =	vadd.bf16 v63, v34  }
0xea: {  	s29 =	simm.s32 $0x500;
	s26 =	sshll.u32 s24, $0x2;
	s28 =	simm.s32 $0xA0;
	v34 =	vimm.f32 $0.0e+00;
	v43 =	vadd.bf16 v41, v35;
	v41 =	vld [tilespmem:s30+$0xCC80];
	v35 =	vimm.f32 $0.0e+00  }
.LBB2_3:
0xeb: {  	p0 =	sne.s32 s29, $0x1680;
	v44 =	vld [tilespmem:s28+$0xCC10];
	v37 =	vadd.bf16 v37, v42  }
0xec: {  	v42 =	vld [tilespmem:s28+$0xCC00];
	v38 =	vadd.bf16 v38, v43  }
0xed: {  	v43 =	vld [tilespmem:s28+$0xCC30];
	v37 =	vadd.bf16 v39, v37  }
0xee: {  	v45 =	vld [tilespmem:s28+$0xCC20];
	v38 =	vadd.bf16 v40, v38  }
0xef: {  	v46 =	vld [tilespmem:s28+$0xCC50];
	v40 =	vadd.bf16 v41, v37  }
.Ltmp0:
0xf0: {  	v39 =	vadd.bf16 v32, v44;
	v37 =	vld [tilespmem:s28+$0xCC40];
	v41 =	vunpack.i.u.bf16.f32 v38;
	v44 =	vunpack.i.l.bf16.f32 v38;
	(pc) =	sbr.rel @p0 .LBB2_3-.Ltmp0, $4  }
0xf1: {  	v42 =	vadd.bf16 v32, v42;
	v38 =	vld [tilespmem:s28+$0xCC70];
	v47 =	vunpack.i.u.bf16.f32 v40;
	v33 =	vadd.f32 v41, v33  }
0xf2: {  	v34 =	vadd.f32 v44, v34;
	v41 =	vadd.bf16 v43, v39;
	v39 =	vld [tilespmem:s28+$0xCC60];
	v43 =	vunpack.i.l.bf16.f32 v40  }
0xf3: {  	v42 =	vadd.bf16 v45, v42;
	v40 =	vld [tilespmem:s28+$0xCC90];
	v36 =	vadd.f32 v43, v36  }
0xf4: {  	v35 =	vadd.f32 v47, v35;
	v43 =	vadd.bf16 v46, v41;
	v41 =	vld [tilespmem:s28+$0xCC80];
	s28 =	sshra.s32 s29, $0x2;
	s29 =	sadd.s32 $0x280, s29  }
0xf5: {  	v44 =	vld [tilespmem:s28+$0xCC00]  }
0xf6: {  	v45 =	vld [tilespmem:s28+$0xCC10]  }
0xf7: {  	v46 =	vld [tilespmem:s28+$0xCC20]  }
0xf8: {  	v47 =	vld [tilespmem:s28+$0xCC30]  }
0xf9: {  	v48 =	vld [tilespmem:s28+$0xCC40]  }
0xfa: {  	v49 =	vld [tilespmem:s28+$0xCC50];
	v44 =	vadd.bf16 v32, v44  }
0xfb: {  	v50 =	vld [tilespmem:s28+$0xCC60];
	v45 =	vadd.bf16 v32, v45  }
0xfc: {  	v37 =	vadd.bf16 v37, v42;
	v51 =	vld [tilespmem:s28+$0xCC70];
	v63 =	vadd.bf16 v46, v44  }
0xfd: {  	v53 =	vld [tilespmem:s28+$0xCC80];
	v38 =	vadd.bf16 v38, v43;
	v52 =	vadd.bf16 v47, v45  }
0xfe: {  	v55 =	vld [tilespmem:s28+$0xCC90];
	v37 =	vadd.bf16 v39, v37;
	v54 =	vadd.bf16 v48, v63  }
0xff: {  	v38 =	vadd.bf16 v40, v38;
	v56 =	vadd.bf16 v49, v52  }
0x100: {  	v37 =	vadd.bf16 v41, v37;
	v39 =	vadd.bf16 v50, v54  }
0x101: {  	v40 =	vadd.bf16 v51, v56  }
0x102: {  	v57 =	vunpack.i.u.bf16.f32 v38;
	v58 =	vunpack.i.l.bf16.f32 v37;
	v39 =	vadd.bf16 v53, v39  }
0x103: {  	v38 =	vunpack.i.l.bf16.f32 v38;
	v36 =	vadd.f32 v58, v36;
	v40 =	vadd.bf16 v55, v40  }
0x104: {  	v37 =	vunpack.i.u.bf16.f32 v37;
	v34 =	vadd.f32 v38, v34;
	v59 =	vunpack.i.l.bf16.f32 v39  }
0x105: {  	s28 =	sshll.u32 s24, $0xB;
	v35 =	vadd.f32 v37, v35;
	v60 =	vunpack.i.l.bf16.f32 v40;
	v36 =	vadd.f32 v59, v36  }
0x106: {  	s28 =	sshra.s32 s28, $0x2;
	v33 =	vadd.f32 v57, v33;
	v61 =	vunpack.i.u.bf16.f32 v39;
	v34 =	vadd.f32 v60, v34  }
0x107: {  	v62 =	vunpack.i.u.bf16.f32 v40;
	v35 =	vadd.f32 v61, v35;
	[tilespmem:s28+$0xFE00] =	vst v36  }
0x108: {  	v33 =	vadd.f32 v62, v33;
	[tilespmem:s28+$0xFE10] =	vst v34  }
0x109: {  	[tilespmem:s28+$0xFE20] =	vst v35  }
0x10a: {  	s31 =	simm.s32 $0x0;
	[tilespmem:s28+$0xFE30] =	vst v33  }
0x10b: {  	v33 =	vld [tilespmem:s31+$0xD250]  }
0x10c: {  	v34 =	vld [tilespmem:s31+$0xD240]  }
0x10d: {  	v35 =	vld [tilespmem:s31+$0xD270]  }
0x10e: {  	v36 =	vld [tilespmem:s31+$0xD260]  }
0x10f: {  	v63 =	vld [tilespmem:s31+$0xD290]  }
0x110: {  	v37 =	vld [tilespmem:s31+$0xD280];
	v33 =	vadd.bf16 v32, v33  }
0x111: {  	v38 =	vld [tilespmem:s31+$0xD2B0];
	v34 =	vadd.bf16 v32, v34  }
0x112: {  	v39 =	vld [tilespmem:s31+$0xD2A0];
	v35 =	vadd.bf16 v35, v33  }
0x113: {  	v40 =	vld [tilespmem:s31+$0xD2D0];
	v33 =	vimm.f32 $0.0e+00;
	v42 =	vadd.bf16 v36, v34;
	v34 =	vimm.f32 $0.0e+00  }
0x114: {  	s29 =	simm.s32 $0xA0;
	s30 =	simm.s32 $0x500;
	v41 =	vld [tilespmem:s31+$0xD2C0];
	v36 =	vimm.f32 $0.0e+00;
	v43 =	vadd.bf16 v63, v35;
	v35 =	vimm.f32 $0.0e+00  }
.LBB2_5:
0x115: {  	p0 =	sne.s32 s30, $0x1680;
	v44 =	vld [tilespmem:s29+$0xD250];
	v37 =	vadd.bf16 v37, v42  }
0x116: {  	v42 =	vld [tilespmem:s29+$0xD240];
	v38 =	vadd.bf16 v38, v43  }
0x117: {  	v43 =	vld [tilespmem:s29+$0xD270];
	v37 =	vadd.bf16 v39, v37  }
0x118: {  	v45 =	vld [tilespmem:s29+$0xD260];
	v38 =	vadd.bf16 v40, v38  }
0x119: {  	v46 =	vld [tilespmem:s29+$0xD290];
	v40 =	vadd.bf16 v41, v37  }
.Ltmp1:
0x11a: {  	v39 =	vadd.bf16 v32, v44;
	v37 =	vld [tilespmem:s29+$0xD280];
	v41 =	vunpack.i.u.bf16.f32 v38;
	v44 =	vunpack.i.l.bf16.f32 v38;
	(pc) =	sbr.rel @p0 .LBB2_5-.Ltmp1, $4  }
0x11b: {  	v42 =	vadd.bf16 v32, v42;
	v38 =	vld [tilespmem:s29+$0xD2B0];
	v47 =	vunpack.i.u.bf16.f32 v40;
	v33 =	vadd.f32 v41, v33  }
0x11c: {  	v34 =	vadd.f32 v44, v34;
	v41 =	vadd.bf16 v43, v39;
	v39 =	vld [tilespmem:s29+$0xD2A0];
	v43 =	vunpack.i.l.bf16.f32 v40  }
0x11d: {  	v42 =	vadd.bf16 v45, v42;
	v40 =	vld [tilespmem:s29+$0xD2D0];
	v36 =	vadd.f32 v43, v36  }
0x11e: {  	v35 =	vadd.f32 v47, v35;
	v43 =	vadd.bf16 v46, v41;
	v41 =	vld [tilespmem:s29+$0xD2C0];
	s29 =	sshra.s32 s30, $0x2;
	s30 =	sadd.s32 $0x280, s30  }
0x11f: {  	v44 =	vld [tilespmem:s29+$0xD240]  }
0x120: {  	v45 =	vld [tilespmem:s29+$0xD250]  }
0x121: {  	v46 =	vld [tilespmem:s29+$0xD260]  }
0x122: {  	v47 =	vld [tilespmem:s29+$0xD270]  }
0x123: {  	v48 =	vld [tilespmem:s29+$0xD280]  }
0x124: {  	v49 =	vld [tilespmem:s29+$0xD290];
	v44 =	vadd.bf16 v32, v44  }
0x125: {  	v50 =	vld [tilespmem:s29+$0xD2A0];
	v45 =	vadd.bf16 v32, v45  }
0x126: {  	v37 =	vadd.bf16 v37, v42;
	v52 =	vld [tilespmem:s29+$0xD2B0];
	v51 =	vadd.bf16 v46, v44  }
0x127: {  	v54 =	vld [tilespmem:s29+$0xD2C0];
	v38 =	vadd.bf16 v38, v43;
	v53 =	vadd.bf16 v47, v45  }
0x128: {  	v56 =	vld [tilespmem:s29+$0xD2D0];
	v37 =	vadd.bf16 v39, v37;
	v55 =	vadd.bf16 v48, v51  }
0x129: {  	v38 =	vadd.bf16 v40, v38;
	v57 =	vadd.bf16 v49, v53  }
0x12a: {  	v37 =	vadd.bf16 v41, v37;
	v39 =	vadd.bf16 v50, v55  }
0x12b: {  	v40 =	vadd.bf16 v52, v57  }
0x12c: {  	v58 =	vunpack.i.u.bf16.f32 v38;
	v59 =	vunpack.i.l.bf16.f32 v37;
	v39 =	vadd.bf16 v54, v39  }
0x12d: {  	v38 =	vunpack.i.l.bf16.f32 v38;
	v36 =	vadd.f32 v59, v36;
	v40 =	vadd.bf16 v56, v40  }
0x12e: {  	v37 =	vunpack.i.u.bf16.f32 v37;
	v34 =	vadd.f32 v38, v34;
	v60 =	vunpack.i.l.bf16.f32 v39  }
0x12f: {  	p0 =	seq.s32 s24, $0x3F;
	v35 =	vadd.f32 v37, v35;
	v61 =	vunpack.i.l.bf16.f32 v40;
	v36 =	vadd.f32 v60, v36  }
.Ltmp2:
0x130: {  	v33 =	vadd.f32 v58, v33;
	v62 =	vunpack.i.u.bf16.f32 v39;
	v34 =	vadd.f32 v61, v34;
	(pc) =	sbr.rel @p0 .LBB2_8-.Ltmp2, $4  }
0x131: {  	v63 =	vunpack.i.u.bf16.f32 v40;
	v35 =	vadd.f32 v62, v35;
	[tilespmem:s28+$0xFE40] =	vst v36  }
0x132: {  	v33 =	vadd.f32 v63, v33;
	[tilespmem:s28+$0xFE50] =	vst v34  }
0x133: {  	[tilespmem:s28+$0xFE60] =	vst v35  }
0x134: {  	[tilespmem:s28+$0xFE70] =	vst v33  }
0x135: {  	s29 =	sadd.s32 $0x4, s26  }
0x136: {  	s30 =	sshll.u32 s29, $0x1  }
0x137: {  	v33 =	vmov s30  }
0x138: {  	v33 =	vshrl.u32 v33, $0x3  }
0x139: {  	v33 =	vshll.u32 v33, $0x3  }
0x13a: {  	v33 =	vbroadcast v33, $0x0;
	_ =	sdelay $0x1  }
0x13b: {  	v34 =	vadd.s32 v0, v33;
	_ =	sdelay $0x4  }
0x13c: {  	v34 =	vld.idx.msk [tilespmem:v34+s2+$0x0], $0xffff;
	_ =	sdelay $0x4  }
0x13d: {  	v36 =	vadd.s32 v1, v33;
	v35 =	vshll.u32 v34, $0x2  }
0x13e: {  	s29 =	smul.u32 $0x1A0, s29;
	v37 =	vshrl.u32 v34, $0xC;
	v34 =	vand.u32 $0xFFFFC000, v34;
	v35 =	vand.u32 $0x3FFC, v35  }
0x13f: {  	v62 =	vand.u32 $0x3, v37;
	v34 =	vor.u32 v34, v35  }
0x140: {  	s29 =	sshra.s32 s29, $0x2;
	v34 =	vor.u32 v62, v34  }
0x141: {  	[tilespmem:s29+$0x6400] =	vst v34  }
0x142: {  	v34 =	vld.idx.msk [tilespmem:v36+s2+$0x0], $0xffff;
	_ =	sdelay $0x4  }
0x143: {  	v40 =	vadd.s32 v2, v33;
	v63 =	vshll.u32 v34, $0x2  }
0x144: {  	v41 =	vshrl.u32 v34, $0xC;
	v34 =	vand.u32 $0xFFFFC000, v34;
	v35 =	vand.u32 $0x3FFC, v63  }
0x145: {  	v42 =	vand.u32 $0x3, v41;
	v34 =	vor.u32 v34, v35  }
0x146: {  	v34 =	vor.u32 v42, v34  }
0x147: {  	[tilespmem:s29+$0x6410] =	vst v34  }
0x148: {  	v34 =	vld.idx.msk [tilespmem:v40+s2+$0x0], $0xffff;
	_ =	sdelay $0x4  }
0x149: {  	v44 =	vadd.s32 v3, v33;
	v43 =	vshll.u32 v34, $0x2  }
0x14a: {  	v45 =	vshrl.u32 v34, $0xC;
	v34 =	vand.u32 $0xFFFFC000, v34;
	v35 =	vand.u32 $0x3FFC, v43  }
0x14b: {  	v46 =	vand.u32 $0x3, v45;
	v34 =	vor.u32 v34, v35  }
0x14c: {  	v34 =	vor.u32 v46, v34  }
0x14d: {  	[tilespmem:s29+$0x6420] =	vst v34  }
0x14e: {  	v34 =	vld.idx.msk [tilespmem:v44+s2+$0x0], $0xffff;
	_ =	sdelay $0x4  }
0x14f: {  	v48 =	vadd.s32 v4, v33;
	v47 =	vshll.u32 v34, $0x2  }
0x150: {  	v49 =	vshrl.u32 v34, $0xC;
	v34 =	vand.u32 $0xFFFFC000, v34;
	v35 =	vand.u32 $0x3FFC, v47  }
0x151: {  	v50 =	vand.u32 $0x3, v49;
	v34 =	vor.u32 v34, v35  }
0x152: {  	v34 =	vor.u32 v50, v34  }
0x153: {  	[tilespmem:s29+$0x6422] =	vst v34  }
0x154: {  	v34 =	vld.idx.msk [tilespmem:v48+s2+$0x0], $0xffff;
	_ =	sdelay $0x4  }
0x155: {  	v52 =	vadd.s32 v5, v33;
	v51 =	vshll.u32 v34, $0x2  }
0x156: {  	v53 =	vshrl.u32 v34, $0xC;
	v34 =	vand.u32 $0xFFFFC000, v34;
	v35 =	vand.u32 $0x3FFC, v51  }
0x157: {  	v54 =	vand.u32 $0x3, v53;
	v34 =	vor.u32 v34, v35  }
0x158: {  	v34 =	vor.u32 v54, v34  }
0x159: {  	[tilespmem:s29+$0x6432] =	vst v34  }
0x15a: {  	v34 =	vld.idx.msk [tilespmem:v52+s2+$0x0], $0xffff;
	_ =	sdelay $0x4  }
0x15b: {  	v56 =	vadd.s32 v6, v33;
	v55 =	vshll.u32 v34, $0x2  }
0x15c: {  	v57 =	vshrl.u32 v34, $0xC;
	v34 =	vand.u32 $0xFFFFC000, v34;
	v35 =	vand.u32 $0x3FFC, v55  }
0x15d: {  	v58 =	vand.u32 $0x3, v57;
	v34 =	vor.u32 v34, v35  }
0x15e: {  	v34 =	vor.u32 v58, v34  }
0x15f: {  	[tilespmem:s29+$0x6442] =	vst v34  }
0x160: {  	v34 =	vld.idx.msk [tilespmem:v56+s2+$0x0], $0xffff;
	_ =	sdelay $0x4  }
0x161: {  	v33 =	vadd.s32 v7, v33;
	v59 =	vshll.u32 v34, $0x2  }
0x162: {  	v36 =	vshrl.u32 v34, $0xC;
	v34 =	vand.u32 $0xFFFFC000, v34;
	v35 =	vand.u32 $0x3FFC, v59  }
0x163: {  	v60 =	vand.u32 $0x3, v36;
	v34 =	vor.u32 v34, v35  }
0x164: {  	v34 =	vor.u32 v60, v34  }
0x165: {  	[tilespmem:s29+$0x6452] =	vst v34  }
0x166: {  	v33 =	vld.idx.msk [tilespmem:v33+s2+$0x0], $0xffff;
	_ =	sdelay $0x4  }
0x167: {  	v61 =	vshll.u32 v33, $0x2  }
0x168: {  	v62 =	vshrl.u32 v33, $0xC;
	v33 =	vand.u32 $0xFFFFC000, v33;
	v34 =	vand.u32 $0x3FFC, v61  }
0x169: {  	v63 =	vand.u32 $0x3, v62;
	v33 =	vor.u32 v33, v34  }
0x16a: {  	v33 =	vor.u32 v63, v33  }
0x16b: {  	s31 =	sadd.s32 $0x6400, s29;
	[tilespmem:s29+$0x6454] =	vst v33  }
0x16c: {  	[tilespmem:s12], [sflag:$0x1] =	stream.indirect.gather [hbm4b:s3+s10], $0x20, s31, s10, $0xb8;
	[tilespmem:$0x17E00] =	vst v63  }
.LBB2_8:
0x16d: {  	_ =	swait.ge [sflag:s19], $0xC80  }
0x16e: {  	[sflag:s19] =	ssyncset.done $0x0  }
0x16f: {  	s31 =	simm.s32 $0x0;
	[sflag:s19] =	ssyncadd.s32 $0xFFFFF380  }
0x170: {  	v33 =	vld [tilespmem:s31+$0xD890]  }
0x171: {  	v34 =	vld [tilespmem:s31+$0xD880]  }
0x172: {  	v35 =	vld [tilespmem:s31+$0xD8B0]  }
0x173: {  	v36 =	vld [tilespmem:s31+$0xD8A0]  }
0x174: {  	v41 =	vld [tilespmem:s31+$0xD8D0]  }
0x175: {  	v37 =	vld [tilespmem:s31+$0xD8C0];
	v33 =	vadd.bf16 v32, v33  }
0x176: {  	v38 =	vld [tilespmem:s31+$0xD8F0];
	v34 =	vadd.bf16 v32, v34  }
0x177: {  	v39 =	vld [tilespmem:s31+$0xD8E0];
	v35 =	vadd.bf16 v35, v33  }
0x178: {  	v40 =	vld [tilespmem:s31+$0xD910];
	v33 =	vimm.f32 $0.0e+00;
	v42 =	vadd.bf16 v36, v34;
	v34 =	vimm.f32 $0.0e+00  }
0x179: {  	s29 =	simm.s32 $0xA0;
	s30 =	simm.s32 $0x500;
	v36 =	vimm.f32 $0.0e+00;
	v43 =	vadd.bf16 v41, v35;
	v41 =	vld [tilespmem:s31+$0xD900];
	v35 =	vimm.f32 $0.0e+00  }
.LBB2_9:
0x17a: {  	p1 =	sne.s32 s30, $0x1680;
	v44 =	vld [tilespmem:s29+$0xD890];
	v37 =	vadd.bf16 v37, v42  }
0x17b: {  	v42 =	vld [tilespmem:s29+$0xD880];
	v38 =	vadd.bf16 v38, v43  }
0x17c: {  	v43 =	vld [tilespmem:s29+$0xD8B0];
	v37 =	vadd.bf16 v39, v37  }
0x17d: {  	v45 =	vld [tilespmem:s29+$0xD8A0];
	v38 =	vadd.bf16 v40, v38  }
0x17e: {  	v46 =	vld [tilespmem:s29+$0xD8D0];
	v40 =	vadd.bf16 v41, v37  }
.Ltmp3:
0x17f: {  	v39 =	vadd.bf16 v32, v44;
	v37 =	vld [tilespmem:s29+$0xD8C0];
	v41 =	vunpack.i.u.bf16.f32 v38;
	v44 =	vunpack.i.l.bf16.f32 v38;
	(pc) =	sbr.rel @p1 .LBB2_9-.Ltmp3, $4  }
0x180: {  	v42 =	vadd.bf16 v32, v42;
	v38 =	vld [tilespmem:s29+$0xD8F0];
	v47 =	vunpack.i.u.bf16.f32 v40;
	v33 =	vadd.f32 v41, v33  }
0x181: {  	v34 =	vadd.f32 v44, v34;
	v41 =	vadd.bf16 v43, v39;
	v39 =	vld [tilespmem:s29+$0xD8E0];
	v43 =	vunpack.i.l.bf16.f32 v40  }
0x182: {  	v42 =	vadd.bf16 v45, v42;
	v40 =	vld [tilespmem:s29+$0xD910];
	v36 =	vadd.f32 v43, v36  }
0x183: {  	v35 =	vadd.f32 v47, v35;
	v43 =	vadd.bf16 v46, v41;
	v41 =	vld [tilespmem:s29+$0xD900];
	s29 =	sshra.s32 s30, $0x2;
	s30 =	sadd.s32 $0x280, s30  }
0x184: {  	v44 =	vld [tilespmem:s29+$0xD880]  }
0x185: {  	v45 =	vld [tilespmem:s29+$0xD890]  }
0x186: {  	v46 =	vld [tilespmem:s29+$0xD8A0]  }
0x187: {  	v47 =	vld [tilespmem:s29+$0xD8B0]  }
0x188: {  	v48 =	vld [tilespmem:s29+$0xD8C0]  }
0x189: {  	v49 =	vld [tilespmem:s29+$0xD8D0];
	v44 =	vadd.bf16 v32, v44  }
0x18a: {  	v50 =	vld [tilespmem:s29+$0xD8E0];
	v45 =	vadd.bf16 v32, v45  }
0x18b: {  	v37 =	vadd.bf16 v37, v42;
	v51 =	vld [tilespmem:s29+$0xD8F0];
	v63 =	vadd.bf16 v46, v44  }
0x18c: {  	v53 =	vld [tilespmem:s29+$0xD900];
	v38 =	vadd.bf16 v38, v43;
	v52 =	vadd.bf16 v47, v45  }
0x18d: {  	v55 =	vld [tilespmem:s29+$0xD910];
	v37 =	vadd.bf16 v39, v37;
	v54 =	vadd.bf16 v48, v63  }
0x18e: {  	v38 =	vadd.bf16 v40, v38;
	v56 =	vadd.bf16 v49, v52  }
0x18f: {  	v37 =	vadd.bf16 v41, v37;
	v39 =	vadd.bf16 v50, v54  }
0x190: {  	v40 =	vadd.bf16 v51, v56  }
0x191: {  	v57 =	vunpack.i.u.bf16.f32 v38;
	v58 =	vunpack.i.l.bf16.f32 v37;
	v39 =	vadd.bf16 v53, v39  }
0x192: {  	v38 =	vunpack.i.l.bf16.f32 v38;
	v36 =	vadd.f32 v58, v36;
	v40 =	vadd.bf16 v55, v40  }
0x193: {  	v37 =	vunpack.i.u.bf16.f32 v37;
	v34 =	vadd.f32 v38, v34;
	v59 =	vunpack.i.l.bf16.f32 v39  }
0x194: {  	v35 =	vadd.f32 v37, v35;
	v60 =	vunpack.i.l.bf16.f32 v40;
	v36 =	vadd.f32 v59, v36  }
0x195: {  	v33 =	vadd.f32 v57, v33;
	v61 =	vunpack.i.u.bf16.f32 v39;
	v34 =	vadd.f32 v60, v34  }
0x196: {  	v62 =	vunpack.i.u.bf16.f32 v40;
	v35 =	vadd.f32 v61, v35;
	[tilespmem:s28+$0xFE80] =	vst v36  }
0x197: {  	v33 =	vadd.f32 v62, v33;
	[tilespmem:s28+$0xFE90] =	vst v34  }
0x198: {  	[tilespmem:s28+$0xFEA0] =	vst v35  }
0x199: {  	s31 =	simm.s32 $0x0;
	[tilespmem:s28+$0xFEB0] =	vst v33  }
0x19a: {  	v33 =	vld [tilespmem:s31+$0xDED0]  }
0x19b: {  	v34 =	vld [tilespmem:s31+$0xDEC0]  }
0x19c: {  	v35 =	vld [tilespmem:s31+$0xDEF0]  }
0x19d: {  	v36 =	vld [tilespmem:s31+$0xDEE0]  }
0x19e: {  	v63 =	vld [tilespmem:s31+$0xDF10]  }
0x19f: {  	v37 =	vld [tilespmem:s31+$0xDF00];
	v33 =	vadd.bf16 v32, v33  }
0x1a0: {  	v38 =	vld [tilespmem:s31+$0xDF30];
	v34 =	vadd.bf16 v32, v34  }
0x1a1: {  	v39 =	vld [tilespmem:s31+$0xDF20];
	v35 =	vadd.bf16 v35, v33  }
0x1a2: {  	v40 =	vld [tilespmem:s31+$0xDF50];
	v33 =	vimm.f32 $0.0e+00;
	v42 =	vadd.bf16 v36, v34;
	v34 =	vimm.f32 $0.0e+00  }
0x1a3: {  	s29 =	simm.s32 $0xA0;
	s30 =	simm.s32 $0x500;
	v41 =	vld [tilespmem:s31+$0xDF40];
	v36 =	vimm.f32 $0.0e+00;
	v43 =	vadd.bf16 v63, v35;
	v35 =	vimm.f32 $0.0e+00  }
.LBB2_11:
0x1a4: {  	p1 =	sne.s32 s30, $0x1680;
	v44 =	vld [tilespmem:s29+$0xDED0];
	v37 =	vadd.bf16 v37, v42  }
0x1a5: {  	v42 =	vld [tilespmem:s29+$0xDEC0];
	v38 =	vadd.bf16 v38, v43  }
0x1a6: {  	v43 =	vld [tilespmem:s29+$0xDEF0];
	v37 =	vadd.bf16 v39, v37  }
0x1a7: {  	v45 =	vld [tilespmem:s29+$0xDEE0];
	v38 =	vadd.bf16 v40, v38  }
0x1a8: {  	v46 =	vld [tilespmem:s29+$0xDF10];
	v40 =	vadd.bf16 v41, v37  }
.Ltmp4:
0x1a9: {  	v39 =	vadd.bf16 v32, v44;
	v37 =	vld [tilespmem:s29+$0xDF00];
	v41 =	vunpack.i.u.bf16.f32 v38;
	v44 =	vunpack.i.l.bf16.f32 v38;
	(pc) =	sbr.rel @p1 .LBB2_11-.Ltmp4, $4  }
0x1aa: {  	v42 =	vadd.bf16 v32, v42;
	v38 =	vld [tilespmem:s29+$0xDF30];
	v47 =	vunpack.i.u.bf16.f32 v40;
	v33 =	vadd.f32 v41, v33  }
0x1ab: {  	v34 =	vadd.f32 v44, v34;
	v41 =	vadd.bf16 v43, v39;
	v39 =	vld [tilespmem:s29+$0xDF20];
	v43 =	vunpack.i.l.bf16.f32 v40  }
0x1ac: {  	v42 =	vadd.bf16 v45, v42;
	v40 =	vld [tilespmem:s29+$0xDF50];
	v36 =	vadd.f32 v43, v36  }
0x1ad: {  	v35 =	vadd.f32 v47, v35;
	v43 =	vadd.bf16 v46, v41;
	v41 =	vld [tilespmem:s29+$0xDF40];
	s29 =	sshra.s32 s30, $0x2;
	s30 =	sadd.s32 $0x280, s30  }
0x1ae: {  	v44 =	vld [tilespmem:s29+$0xDEC0]  }
0x1af: {  	v45 =	vld [tilespmem:s29+$0xDED0]  }
0x1b0: {  	v46 =	vld [tilespmem:s29+$0xDEE0]  }
0x1b1: {  	v47 =	vld [tilespmem:s29+$0xDEF0]  }
0x1b2: {  	v48 =	vld [tilespmem:s29+$0xDF00]  }
0x1b3: {  	v49 =	vld [tilespmem:s29+$0xDF10];
	v44 =	vadd.bf16 v32, v44  }
0x1b4: {  	v50 =	vld [tilespmem:s29+$0xDF20];
	v45 =	vadd.bf16 v32, v45  }
0x1b5: {  	v37 =	vadd.bf16 v37, v42;
	v52 =	vld [tilespmem:s29+$0xDF30];
	v51 =	vadd.bf16 v46, v44  }
0x1b6: {  	v54 =	vld [tilespmem:s29+$0xDF40];
	v38 =	vadd.bf16 v38, v43;
	v53 =	vadd.bf16 v47, v45  }
0x1b7: {  	v56 =	vld [tilespmem:s29+$0xDF50];
	v37 =	vadd.bf16 v39, v37;
	v55 =	vadd.bf16 v48, v51  }
0x1b8: {  	v38 =	vadd.bf16 v40, v38;
	v57 =	vadd.bf16 v49, v53  }
0x1b9: {  	v37 =	vadd.bf16 v41, v37;
	v39 =	vadd.bf16 v50, v55  }
0x1ba: {  	v40 =	vadd.bf16 v52, v57  }
0x1bb: {  	v58 =	vunpack.i.u.bf16.f32 v38;
	v59 =	vunpack.i.l.bf16.f32 v37;
	v39 =	vadd.bf16 v54, v39  }
0x1bc: {  	v38 =	vunpack.i.l.bf16.f32 v38;
	v36 =	vadd.f32 v59, v36;
	v40 =	vadd.bf16 v56, v40  }
0x1bd: {  	v37 =	vunpack.i.u.bf16.f32 v37;
	v34 =	vadd.f32 v38, v34;
	v60 =	vunpack.i.l.bf16.f32 v39  }
0x1be: {  	v35 =	vadd.f32 v37, v35;
	v61 =	vunpack.i.l.bf16.f32 v40;
	v36 =	vadd.f32 v60, v36  }
.Ltmp5:
0x1bf: {  	v33 =	vadd.f32 v58, v33;
	v62 =	vunpack.i.u.bf16.f32 v39;
	v34 =	vadd.f32 v61, v34;
	(pc) =	sbr.rel @p0 .LBB2_14-.Ltmp5, $4  }
0x1c0: {  	v63 =	vunpack.i.u.bf16.f32 v40;
	v35 =	vadd.f32 v62, v35;
	[tilespmem:s28+$0xFEC0] =	vst v36  }
0x1c1: {  	v33 =	vadd.f32 v63, v33;
	[tilespmem:s28+$0xFED0] =	vst v34  }
0x1c2: {  	[tilespmem:s28+$0xFEE0] =	vst v35  }
0x1c3: {  	[tilespmem:s28+$0xFEF0] =	vst v33  }
0x1c4: {  	s29 =	sadd.s32 $0x5, s26  }
0x1c5: {  	s30 =	sshll.u32 s29, $0x1  }
0x1c6: {  	v33 =	vmov s30  }
0x1c7: {  	v33 =	vshrl.u32 v33, $0x3  }
0x1c8: {  	v33 =	vshll.u32 v33, $0x3  }
0x1c9: {  	v33 =	vbroadcast v33, $0x0;
	_ =	sdelay $0x1  }
0x1ca: {  	v34 =	vadd.s32 v8, v33;
	_ =	sdelay $0x4  }
0x1cb: {  	v34 =	vld.idx.msk [tilespmem:v34+s2+$0x0], $0xffff;
	_ =	sdelay $0x4  }
0x1cc: {  	v36 =	vadd.s32 v9, v33;
	v35 =	vshll.u32 v34, $0x2  }
0x1cd: {  	s29 =	smul.u32 $0x1A0, s29;
	v37 =	vshrl.u32 v34, $0xC;
	v34 =	vand.u32 $0xFFFFC000, v34;
	v35 =	vand.u32 $0x3FFC, v35  }
0x1ce: {  	v62 =	vand.u32 $0x3, v37;
	v34 =	vor.u32 v34, v35  }
0x1cf: {  	s29 =	sshra.s32 s29, $0x2;
	v34 =	vor.u32 v62, v34  }
0x1d0: {  	[tilespmem:s29+$0x6400] =	vst v34  }
0x1d1: {  	v34 =	vld.idx.msk [tilespmem:v36+s2+$0x0], $0xffff;
	_ =	sdelay $0x4  }
0x1d2: {  	v40 =	vadd.s32 v10, v33;
	v63 =	vshll.u32 v34, $0x2  }
0x1d3: {  	v41 =	vshrl.u32 v34, $0xC;
	v34 =	vand.u32 $0xFFFFC000, v34;
	v35 =	vand.u32 $0x3FFC, v63  }
0x1d4: {  	v42 =	vand.u32 $0x3, v41;
	v34 =	vor.u32 v34, v35  }
0x1d5: {  	v34 =	vor.u32 v42, v34  }
0x1d6: {  	[tilespmem:s29+$0x6410] =	vst v34  }
0x1d7: {  	v34 =	vld.idx.msk [tilespmem:v40+s2+$0x0], $0xffff;
	_ =	sdelay $0x4  }
0x1d8: {  	v44 =	vadd.s32 v11, v33;
	v43 =	vshll.u32 v34, $0x2  }
0x1d9: {  	v45 =	vshrl.u32 v34, $0xC;
	v34 =	vand.u32 $0xFFFFC000, v34;
	v35 =	vand.u32 $0x3FFC, v43  }
0x1da: {  	v46 =	vand.u32 $0x3, v45;
	v34 =	vor.u32 v34, v35  }
0x1db: {  	v34 =	vor.u32 v46, v34  }
0x1dc: {  	[tilespmem:s29+$0x6420] =	vst v34  }
0x1dd: {  	v34 =	vld.idx.msk [tilespmem:v44+s2+$0x0], $0xffff;
	_ =	sdelay $0x4  }
0x1de: {  	v48 =	vadd.s32 v12, v33;
	v47 =	vshll.u32 v34, $0x2  }
0x1df: {  	v49 =	vshrl.u32 v34, $0xC;
	v34 =	vand.u32 $0xFFFFC000, v34;
	v35 =	vand.u32 $0x3FFC, v47  }
0x1e0: {  	v50 =	vand.u32 $0x3, v49;
	v34 =	vor.u32 v34, v35  }
0x1e1: {  	v34 =	vor.u32 v50, v34  }
0x1e2: {  	[tilespmem:s29+$0x6422] =	vst v34  }
0x1e3: {  	v34 =	vld.idx.msk [tilespmem:v48+s2+$0x0], $0xffff;
	_ =	sdelay $0x4  }
0x1e4: {  	v52 =	vadd.s32 v13, v33;
	v51 =	vshll.u32 v34, $0x2  }
0x1e5: {  	v53 =	vshrl.u32 v34, $0xC;
	v34 =	vand.u32 $0xFFFFC000, v34;
	v35 =	vand.u32 $0x3FFC, v51  }
0x1e6: {  	v54 =	vand.u32 $0x3, v53;
	v34 =	vor.u32 v34, v35  }
0x1e7: {  	v34 =	vor.u32 v54, v34  }
0x1e8: {  	[tilespmem:s29+$0x6432] =	vst v34  }
0x1e9: {  	v34 =	vld.idx.msk [tilespmem:v52+s2+$0x0], $0xffff;
	_ =	sdelay $0x4  }
0x1ea: {  	v56 =	vadd.s32 v14, v33;
	v55 =	vshll.u32 v34, $0x2  }
0x1eb: {  	v57 =	vshrl.u32 v34, $0xC;
	v34 =	vand.u32 $0xFFFFC000, v34;
	v35 =	vand.u32 $0x3FFC, v55  }
0x1ec: {  	v58 =	vand.u32 $0x3, v57;
	v34 =	vor.u32 v34, v35  }
0x1ed: {  	v34 =	vor.u32 v58, v34  }
0x1ee: {  	[tilespmem:s29+$0x6442] =	vst v34  }
0x1ef: {  	v34 =	vld.idx.msk [tilespmem:v56+s2+$0x0], $0xffff;
	_ =	sdelay $0x4  }
0x1f0: {  	v33 =	vadd.s32 v15, v33;
	v59 =	vshll.u32 v34, $0x2  }
0x1f1: {  	v36 =	vshrl.u32 v34, $0xC;
	v34 =	vand.u32 $0xFFFFC000, v34;
	v35 =	vand.u32 $0x3FFC, v59  }
0x1f2: {  	v60 =	vand.u32 $0x3, v36;
	v34 =	vor.u32 v34, v35  }
0x1f3: {  	v34 =	vor.u32 v60, v34  }
0x1f4: {  	[tilespmem:s29+$0x6452] =	vst v34  }
0x1f5: {  	v33 =	vld.idx.msk [tilespmem:v33+s2+$0x0], $0xffff;
	_ =	sdelay $0x4  }
0x1f6: {  	v61 =	vshll.u32 v33, $0x2  }
0x1f7: {  	v62 =	vshrl.u32 v33, $0xC;
	v33 =	vand.u32 $0xFFFFC000, v33;
	v34 =	vand.u32 $0x3FFC, v61  }
0x1f8: {  	v63 =	vand.u32 $0x3, v62;
	v33 =	vor.u32 v33, v34  }
0x1f9: {  	v33 =	vor.u32 v63, v33  }
0x1fa: {  	s31 =	sadd.s32 $0x6400, s29;
	[tilespmem:s29+$0x6454] =	vst v33  }
0x1fb: {  	[tilespmem:s14], [sflag:$0x2] =	stream.indirect.gather [hbm4b:s3+s10], $0x20, s31, s10, $0xb8;
	[tilespmem:$0x17E00] =	vst v63  }
.LBB2_14:
0x1fc: {  	_ =	swait.ge [sflag:s20], $0xC80  }
0x1fd: {  	[sflag:s20] =	ssyncset.done $0x0  }
0x1fe: {  	s31 =	simm.s32 $0x0;
	[sflag:s20] =	ssyncadd.s32 $0xFFFFF380  }
0x1ff: {  	v33 =	vld [tilespmem:s31+$0xE510]  }
0x200: {  	v34 =	vld [tilespmem:s31+$0xE500]  }
0x201: {  	v35 =	vld [tilespmem:s31+$0xE530]  }
0x202: {  	v36 =	vld [tilespmem:s31+$0xE520]  }
0x203: {  	v41 =	vld [tilespmem:s31+$0xE550]  }
0x204: {  	v37 =	vld [tilespmem:s31+$0xE540];
	v33 =	vadd.bf16 v32, v33  }
0x205: {  	v38 =	vld [tilespmem:s31+$0xE570];
	v34 =	vadd.bf16 v32, v34  }
0x206: {  	v39 =	vld [tilespmem:s31+$0xE560];
	v35 =	vadd.bf16 v35, v33  }
0x207: {  	v40 =	vld [tilespmem:s31+$0xE590];
	v33 =	vimm.f32 $0.0e+00;
	v42 =	vadd.bf16 v36, v34;
	v34 =	vimm.f32 $0.0e+00  }
0x208: {  	s29 =	simm.s32 $0xA0;
	s30 =	simm.s32 $0x500;
	v36 =	vimm.f32 $0.0e+00;
	v43 =	vadd.bf16 v41, v35;
	v41 =	vld [tilespmem:s31+$0xE580];
	v35 =	vimm.f32 $0.0e+00  }
.LBB2_15:
0x209: {  	p1 =	sne.s32 s30, $0x1680;
	v44 =	vld [tilespmem:s29+$0xE510];
	v37 =	vadd.bf16 v37, v42  }
0x20a: {  	v42 =	vld [tilespmem:s29+$0xE500];
	v38 =	vadd.bf16 v38, v43  }
0x20b: {  	v43 =	vld [tilespmem:s29+$0xE530];
	v37 =	vadd.bf16 v39, v37  }
0x20c: {  	v45 =	vld [tilespmem:s29+$0xE520];
	v38 =	vadd.bf16 v40, v38  }
0x20d: {  	v46 =	vld [tilespmem:s29+$0xE550];
	v40 =	vadd.bf16 v41, v37  }
.Ltmp6:
0x20e: {  	v39 =	vadd.bf16 v32, v44;
	v37 =	vld [tilespmem:s29+$0xE540];
	v41 =	vunpack.i.u.bf16.f32 v38;
	v44 =	vunpack.i.l.bf16.f32 v38;
	(pc) =	sbr.rel @p1 .LBB2_15-.Ltmp6, $4  }
0x20f: {  	v42 =	vadd.bf16 v32, v42;
	v38 =	vld [tilespmem:s29+$0xE570];
	v47 =	vunpack.i.u.bf16.f32 v40;
	v33 =	vadd.f32 v41, v33  }
0x210: {  	v34 =	vadd.f32 v44, v34;
	v41 =	vadd.bf16 v43, v39;
	v39 =	vld [tilespmem:s29+$0xE560];
	v43 =	vunpack.i.l.bf16.f32 v40  }
0x211: {  	v42 =	vadd.bf16 v45, v42;
	v40 =	vld [tilespmem:s29+$0xE590];
	v36 =	vadd.f32 v43, v36  }
0x212: {  	v35 =	vadd.f32 v47, v35;
	v43 =	vadd.bf16 v46, v41;
	v41 =	vld [tilespmem:s29+$0xE580];
	s29 =	sshra.s32 s30, $0x2;
	s30 =	sadd.s32 $0x280, s30  }
0x213: {  	v44 =	vld [tilespmem:s29+$0xE500]  }
0x214: {  	v45 =	vld [tilespmem:s29+$0xE510]  }
0x215: {  	v46 =	vld [tilespmem:s29+$0xE520]  }
0x216: {  	v47 =	vld [tilespmem:s29+$0xE530]  }
0x217: {  	v48 =	vld [tilespmem:s29+$0xE540]  }
0x218: {  	v49 =	vld [tilespmem:s29+$0xE550];
	v44 =	vadd.bf16 v32, v44  }
0x219: {  	v50 =	vld [tilespmem:s29+$0xE560];
	v45 =	vadd.bf16 v32, v45  }
0x21a: {  	v37 =	vadd.bf16 v37, v42;
	v51 =	vld [tilespmem:s29+$0xE570];
	v63 =	vadd.bf16 v46, v44  }
0x21b: {  	v53 =	vld [tilespmem:s29+$0xE580];
	v38 =	vadd.bf16 v38, v43;
	v52 =	vadd.bf16 v47, v45  }
0x21c: {  	v55 =	vld [tilespmem:s29+$0xE590];
	v37 =	vadd.bf16 v39, v37;
	v54 =	vadd.bf16 v48, v63  }
0x21d: {  	v38 =	vadd.bf16 v40, v38;
	v56 =	vadd.bf16 v49, v52  }
0x21e: {  	v37 =	vadd.bf16 v41, v37;
	v39 =	vadd.bf16 v50, v54  }
0x21f: {  	v40 =	vadd.bf16 v51, v56  }
0x220: {  	v57 =	vunpack.i.u.bf16.f32 v38;
	v58 =	vunpack.i.l.bf16.f32 v37;
	v39 =	vadd.bf16 v53, v39  }
0x221: {  	v38 =	vunpack.i.l.bf16.f32 v38;
	v36 =	vadd.f32 v58, v36;
	v40 =	vadd.bf16 v55, v40  }
0x222: {  	v37 =	vunpack.i.u.bf16.f32 v37;
	v34 =	vadd.f32 v38, v34;
	v59 =	vunpack.i.l.bf16.f32 v39  }
0x223: {  	v35 =	vadd.f32 v37, v35;
	v60 =	vunpack.i.l.bf16.f32 v40;
	v36 =	vadd.f32 v59, v36  }
0x224: {  	v33 =	vadd.f32 v57, v33;
	v61 =	vunpack.i.u.bf16.f32 v39;
	v34 =	vadd.f32 v60, v34  }
0x225: {  	v62 =	vunpack.i.u.bf16.f32 v40;
	v35 =	vadd.f32 v61, v35;
	[tilespmem:s28+$0xFF00] =	vst v36  }
0x226: {  	v33 =	vadd.f32 v62, v33;
	[tilespmem:s28+$0xFF10] =	vst v34  }
0x227: {  	[tilespmem:s28+$0xFF20] =	vst v35  }
0x228: {  	s31 =	simm.s32 $0x0;
	[tilespmem:s28+$0xFF30] =	vst v33  }
0x229: {  	v33 =	vld [tilespmem:s31+$0xEB50]  }
0x22a: {  	v34 =	vld [tilespmem:s31+$0xEB40]  }
0x22b: {  	v35 =	vld [tilespmem:s31+$0xEB70]  }
0x22c: {  	v36 =	vld [tilespmem:s31+$0xEB60]  }
0x22d: {  	v63 =	vld [tilespmem:s31+$0xEB90]  }
0x22e: {  	v37 =	vld [tilespmem:s31+$0xEB80];
	v33 =	vadd.bf16 v32, v33  }
0x22f: {  	v38 =	vld [tilespmem:s31+$0xEBB0];
	v34 =	vadd.bf16 v32, v34  }
0x230: {  	v39 =	vld [tilespmem:s31+$0xEBA0];
	v35 =	vadd.bf16 v35, v33  }
0x231: {  	v40 =	vld [tilespmem:s31+$0xEBD0];
	v33 =	vimm.f32 $0.0e+00;
	v42 =	vadd.bf16 v36, v34;
	v34 =	vimm.f32 $0.0e+00  }
0x232: {  	s29 =	simm.s32 $0xA0;
	s30 =	simm.s32 $0x500;
	v41 =	vld [tilespmem:s31+$0xEBC0];
	v36 =	vimm.f32 $0.0e+00;
	v43 =	vadd.bf16 v63, v35;
	v35 =	vimm.f32 $0.0e+00  }
.LBB2_17:
0x233: {  	p1 =	sne.s32 s30, $0x1680;
	v44 =	vld [tilespmem:s29+$0xEB50];
	v37 =	vadd.bf16 v37, v42  }
0x234: {  	v42 =	vld [tilespmem:s29+$0xEB40];
	v38 =	vadd.bf16 v38, v43  }
0x235: {  	v43 =	vld [tilespmem:s29+$0xEB70];
	v37 =	vadd.bf16 v39, v37  }
0x236: {  	v45 =	vld [tilespmem:s29+$0xEB60];
	v38 =	vadd.bf16 v40, v38  }
0x237: {  	v46 =	vld [tilespmem:s29+$0xEB90];
	v40 =	vadd.bf16 v41, v37  }
.Ltmp7:
0x238: {  	v39 =	vadd.bf16 v32, v44;
	v37 =	vld [tilespmem:s29+$0xEB80];
	v41 =	vunpack.i.u.bf16.f32 v38;
	v44 =	vunpack.i.l.bf16.f32 v38;
	(pc) =	sbr.rel @p1 .LBB2_17-.Ltmp7, $4  }
0x239: {  	v42 =	vadd.bf16 v32, v42;
	v38 =	vld [tilespmem:s29+$0xEBB0];
	v47 =	vunpack.i.u.bf16.f32 v40;
	v33 =	vadd.f32 v41, v33  }
0x23a: {  	v34 =	vadd.f32 v44, v34;
	v41 =	vadd.bf16 v43, v39;
	v39 =	vld [tilespmem:s29+$0xEBA0];
	v43 =	vunpack.i.l.bf16.f32 v40  }
0x23b: {  	v42 =	vadd.bf16 v45, v42;
	v40 =	vld [tilespmem:s29+$0xEBD0];
	v36 =	vadd.f32 v43, v36  }
0x23c: {  	v35 =	vadd.f32 v47, v35;
	v43 =	vadd.bf16 v46, v41;
	v41 =	vld [tilespmem:s29+$0xEBC0];
	s29 =	sshra.s32 s30, $0x2;
	s30 =	sadd.s32 $0x280, s30  }
0x23d: {  	v44 =	vld [tilespmem:s29+$0xEB40]  }
0x23e: {  	v45 =	vld [tilespmem:s29+$0xEB50]  }
0x23f: {  	v46 =	vld [tilespmem:s29+$0xEB60]  }
0x240: {  	v47 =	vld [tilespmem:s29+$0xEB70]  }
0x241: {  	v48 =	vld [tilespmem:s29+$0xEB80]  }
0x242: {  	v49 =	vld [tilespmem:s29+$0xEB90];
	v44 =	vadd.bf16 v32, v44  }
0x243: {  	v50 =	vld [tilespmem:s29+$0xEBA0];
	v45 =	vadd.bf16 v32, v45  }
0x244: {  	v37 =	vadd.bf16 v37, v42;
	v52 =	vld [tilespmem:s29+$0xEBB0];
	v51 =	vadd.bf16 v46, v44  }
0x245: {  	v54 =	vld [tilespmem:s29+$0xEBC0];
	v38 =	vadd.bf16 v38, v43;
	v53 =	vadd.bf16 v47, v45  }
0x246: {  	v56 =	vld [tilespmem:s29+$0xEBD0];
	v37 =	vadd.bf16 v39, v37;
	v55 =	vadd.bf16 v48, v51  }
0x247: {  	v38 =	vadd.bf16 v40, v38;
	v57 =	vadd.bf16 v49, v53  }
0x248: {  	v37 =	vadd.bf16 v41, v37;
	v39 =	vadd.bf16 v50, v55  }
0x249: {  	v40 =	vadd.bf16 v52, v57  }
0x24a: {  	v58 =	vunpack.i.u.bf16.f32 v38;
	v59 =	vunpack.i.l.bf16.f32 v37;
	v39 =	vadd.bf16 v54, v39  }
0x24b: {  	v38 =	vunpack.i.l.bf16.f32 v38;
	v36 =	vadd.f32 v59, v36;
	v40 =	vadd.bf16 v56, v40  }
0x24c: {  	v37 =	vunpack.i.u.bf16.f32 v37;
	v34 =	vadd.f32 v38, v34;
	v60 =	vunpack.i.l.bf16.f32 v39  }
0x24d: {  	v35 =	vadd.f32 v37, v35;
	v61 =	vunpack.i.l.bf16.f32 v40;
	v36 =	vadd.f32 v60, v36  }
.Ltmp8:
0x24e: {  	v33 =	vadd.f32 v58, v33;
	v62 =	vunpack.i.u.bf16.f32 v39;
	v34 =	vadd.f32 v61, v34;
	(pc) =	sbr.rel @p0 .LBB2_20-.Ltmp8, $4  }
0x24f: {  	v63 =	vunpack.i.u.bf16.f32 v40;
	v35 =	vadd.f32 v62, v35;
	[tilespmem:s28+$0xFF40] =	vst v36  }
0x250: {  	v33 =	vadd.f32 v63, v33;
	[tilespmem:s28+$0xFF50] =	vst v34  }
0x251: {  	[tilespmem:s28+$0xFF60] =	vst v35  }
0x252: {  	[tilespmem:s28+$0xFF70] =	vst v33  }
0x253: {  	s26 =	sadd.s32 $0x6, s26  }
0x254: {  	s28 =	sshll.u32 s26, $0x1  }
0x255: {  	v33 =	vmov s28  }
0x256: {  	v33 =	vshrl.u32 v33, $0x3  }
0x257: {  	v33 =	vshll.u32 v33, $0x3  }
0x258: {  	v33 =	vbroadcast v33, $0x0;
	_ =	sdelay $0x1  }
0x259: {  	v34 =	vadd.s32 v16, v33;
	_ =	sdelay $0x4  }
0x25a: {  	v34 =	vld.idx.msk [tilespmem:v34+s2+$0x0], $0xffff;
	_ =	sdelay $0x4  }
0x25b: {  	v36 =	vadd.s32 v17, v33;
	v35 =	vshll.u32 v34, $0x2  }
0x25c: {  	s26 =	smul.u32 $0x1A0, s26;
	v37 =	vshrl.u32 v34, $0xC;
	v34 =	vand.u32 $0xFFFFC000, v34;
	v35 =	vand.u32 $0x3FFC, v35  }
0x25d: {  	v62 =	vand.u32 $0x3, v37;
	v34 =	vor.u32 v34, v35  }
0x25e: {  	s26 =	sshra.s32 s26, $0x2;
	v34 =	vor.u32 v62, v34  }
0x25f: {  	[tilespmem:s26+$0x6400] =	vst v34  }
0x260: {  	v34 =	vld.idx.msk [tilespmem:v36+s2+$0x0], $0xffff;
	_ =	sdelay $0x4  }
0x261: {  	v40 =	vadd.s32 v18, v33;
	v63 =	vshll.u32 v34, $0x2  }
0x262: {  	v41 =	vshrl.u32 v34, $0xC;
	v34 =	vand.u32 $0xFFFFC000, v34;
	v35 =	vand.u32 $0x3FFC, v63  }
0x263: {  	v42 =	vand.u32 $0x3, v41;
	v34 =	vor.u32 v34, v35  }
0x264: {  	v34 =	vor.u32 v42, v34  }
0x265: {  	[tilespmem:s26+$0x6410] =	vst v34  }
0x266: {  	v34 =	vld.idx.msk [tilespmem:v40+s2+$0x0], $0xffff;
	_ =	sdelay $0x4  }
0x267: {  	v44 =	vadd.s32 v19, v33;
	v43 =	vshll.u32 v34, $0x2  }
0x268: {  	v45 =	vshrl.u32 v34, $0xC;
	v34 =	vand.u32 $0xFFFFC000, v34;
	v35 =	vand.u32 $0x3FFC, v43  }
0x269: {  	v46 =	vand.u32 $0x3, v45;
	v34 =	vor.u32 v34, v35  }
0x26a: {  	v34 =	vor.u32 v46, v34  }
0x26b: {  	[tilespmem:s26+$0x6420] =	vst v34  }
0x26c: {  	v34 =	vld.idx.msk [tilespmem:v44+s2+$0x0], $0xffff;
	_ =	sdelay $0x4  }
0x26d: {  	v48 =	vadd.s32 v20, v33;
	v47 =	vshll.u32 v34, $0x2  }
0x26e: {  	v49 =	vshrl.u32 v34, $0xC;
	v34 =	vand.u32 $0xFFFFC000, v34;
	v35 =	vand.u32 $0x3FFC, v47  }
0x26f: {  	v50 =	vand.u32 $0x3, v49;
	v34 =	vor.u32 v34, v35  }
0x270: {  	v34 =	vor.u32 v50, v34  }
0x271: {  	[tilespmem:s26+$0x6422] =	vst v34  }
0x272: {  	v34 =	vld.idx.msk [tilespmem:v48+s2+$0x0], $0xffff;
	_ =	sdelay $0x4  }
0x273: {  	v52 =	vadd.s32 v21, v33;
	v51 =	vshll.u32 v34, $0x2  }
0x274: {  	v53 =	vshrl.u32 v34, $0xC;
	v34 =	vand.u32 $0xFFFFC000, v34;
	v35 =	vand.u32 $0x3FFC, v51  }
0x275: {  	v54 =	vand.u32 $0x3, v53;
	v34 =	vor.u32 v34, v35  }
0x276: {  	v34 =	vor.u32 v54, v34  }
0x277: {  	[tilespmem:s26+$0x6432] =	vst v34  }
0x278: {  	v34 =	vld.idx.msk [tilespmem:v52+s2+$0x0], $0xffff;
	_ =	sdelay $0x4  }
0x279: {  	v56 =	vadd.s32 v22, v33;
	v55 =	vshll.u32 v34, $0x2  }
0x27a: {  	v57 =	vshrl.u32 v34, $0xC;
	v34 =	vand.u32 $0xFFFFC000, v34;
	v35 =	vand.u32 $0x3FFC, v55  }
0x27b: {  	v58 =	vand.u32 $0x3, v57;
	v34 =	vor.u32 v34, v35  }
0x27c: {  	v34 =	vor.u32 v58, v34  }
0x27d: {  	[tilespmem:s26+$0x6442] =	vst v34  }
0x27e: {  	v34 =	vld.idx.msk [tilespmem:v56+s2+$0x0], $0xffff;
	_ =	sdelay $0x4  }
0x27f: {  	v33 =	vadd.s32 v23, v33;
	v59 =	vshll.u32 v34, $0x2  }
0x280: {  	v36 =	vshrl.u32 v34, $0xC;
	v34 =	vand.u32 $0xFFFFC000, v34;
	v35 =	vand.u32 $0x3FFC, v59  }
0x281: {  	v60 =	vand.u32 $0x3, v36;
	v34 =	vor.u32 v34, v35  }
0x282: {  	v34 =	vor.u32 v60, v34  }
0x283: {  	[tilespmem:s26+$0x6452] =	vst v34  }
0x284: {  	v33 =	vld.idx.msk [tilespmem:v33+s2+$0x0], $0xffff;
	_ =	sdelay $0x4  }
0x285: {  	v61 =	vshll.u32 v33, $0x2  }
0x286: {  	v62 =	vshrl.u32 v33, $0xC;
	v33 =	vand.u32 $0xFFFFC000, v33;
	v34 =	vand.u32 $0x3FFC, v61  }
0x287: {  	v63 =	vand.u32 $0x3, v62;
	v33 =	vor.u32 v33, v34  }
0x288: {  	v33 =	vor.u32 v63, v33  }
0x289: {  	s31 =	sadd.s32 $0x6400, s26;
	[tilespmem:s26+$0x6454] =	vst v33  }
0x28a: {  	[tilespmem:s16], [sflag:$0x3] =	stream.indirect.gather [hbm4b:s3+s10], $0x20, s31, s10, $0xb8;
	[tilespmem:$0x17E00] =	vst v63  }
.LBB2_20:
0x28b: {  	_ =	swait.ge [sflag:s21], $0xC80  }
0x28c: {  	[sflag:s21] =	ssyncset.done $0x0  }
0x28d: {  	s29 =	simm.s32 $0x0;
	[sflag:s21] =	ssyncadd.s32 $0xFFFFF380  }
0x28e: {  	v33 =	vld [tilespmem:s29+$0xF190]  }
0x28f: {  	v34 =	vld [tilespmem:s29+$0xF180]  }
0x290: {  	v35 =	vld [tilespmem:s29+$0xF1B0]  }
0x291: {  	v36 =	vld [tilespmem:s29+$0xF1A0]  }
0x292: {  	v41 =	vld [tilespmem:s29+$0xF1D0]  }
0x293: {  	v37 =	vld [tilespmem:s29+$0xF1C0];
	v33 =	vadd.bf16 v32, v33  }
0x294: {  	v38 =	vld [tilespmem:s29+$0xF1F0];
	v34 =	vadd.bf16 v32, v34  }
0x295: {  	v39 =	vld [tilespmem:s29+$0xF1E0];
	v35 =	vadd.bf16 v35, v33  }
0x296: {  	v40 =	vld [tilespmem:s29+$0xF210];
	v33 =	vimm.f32 $0.0e+00;
	v42 =	vadd.bf16 v36, v34;
	v34 =	vimm.f32 $0.0e+00  }
0x297: {  	s26 =	simm.s32 $0xA0;
	s28 =	simm.s32 $0x500;
	v36 =	vimm.f32 $0.0e+00;
	v43 =	vadd.bf16 v41, v35;
	v41 =	vld [tilespmem:s29+$0xF200];
	v35 =	vimm.f32 $0.0e+00  }
.LBB2_21:
0x298: {  	p0 =	sne.s32 s28, $0x1680;
	v44 =	vld [tilespmem:s26+$0xF190];
	v37 =	vadd.bf16 v37, v42  }
0x299: {  	v42 =	vld [tilespmem:s26+$0xF180];
	v38 =	vadd.bf16 v38, v43  }
0x29a: {  	v43 =	vld [tilespmem:s26+$0xF1B0];
	v37 =	vadd.bf16 v39, v37  }
0x29b: {  	v45 =	vld [tilespmem:s26+$0xF1A0];
	v38 =	vadd.bf16 v40, v38  }
0x29c: {  	v46 =	vld [tilespmem:s26+$0xF1D0];
	v40 =	vadd.bf16 v41, v37  }
.Ltmp9:
0x29d: {  	v39 =	vadd.bf16 v32, v44;
	v37 =	vld [tilespmem:s26+$0xF1C0];
	v41 =	vunpack.i.u.bf16.f32 v38;
	v44 =	vunpack.i.l.bf16.f32 v38;
	(pc) =	sbr.rel @p0 .LBB2_21-.Ltmp9, $4  }
0x29e: {  	v42 =	vadd.bf16 v32, v42;
	v38 =	vld [tilespmem:s26+$0xF1F0];
	v47 =	vunpack.i.u.bf16.f32 v40;
	v33 =	vadd.f32 v41, v33  }
0x29f: {  	v34 =	vadd.f32 v44, v34;
	v41 =	vadd.bf16 v43, v39;
	v39 =	vld [tilespmem:s26+$0xF1E0];
	v43 =	vunpack.i.l.bf16.f32 v40  }
0x2a0: {  	v42 =	vadd.bf16 v45, v42;
	v40 =	vld [tilespmem:s26+$0xF210];
	v36 =	vadd.f32 v43, v36  }
0x2a1: {  	v35 =	vadd.f32 v47, v35;
	v43 =	vadd.bf16 v46, v41;
	v41 =	vld [tilespmem:s26+$0xF200];
	s26 =	sshra.s32 s28, $0x2;
	s28 =	sadd.s32 $0x280, s28  }
0x2a2: {  	v44 =	vld [tilespmem:s26+$0xF180]  }
0x2a3: {  	v45 =	vld [tilespmem:s26+$0xF190]  }
0x2a4: {  	v46 =	vld [tilespmem:s26+$0xF1A0]  }
0x2a5: {  	v47 =	vld [tilespmem:s26+$0xF1B0]  }
0x2a6: {  	v48 =	vld [tilespmem:s26+$0xF1C0]  }
0x2a7: {  	v49 =	vld [tilespmem:s26+$0xF1D0];
	v44 =	vadd.bf16 v32, v44  }
0x2a8: {  	v50 =	vld [tilespmem:s26+$0xF1E0];
	v45 =	vadd.bf16 v32, v45  }
0x2a9: {  	v37 =	vadd.bf16 v37, v42;
	v51 =	vld [tilespmem:s26+$0xF1F0];
	v63 =	vadd.bf16 v46, v44  }
0x2aa: {  	v53 =	vld [tilespmem:s26+$0xF200];
	v38 =	vadd.bf16 v38, v43;
	v52 =	vadd.bf16 v47, v45  }
0x2ab: {  	v55 =	vld [tilespmem:s26+$0xF210];
	v37 =	vadd.bf16 v39, v37;
	v54 =	vadd.bf16 v48, v63  }
0x2ac: {  	v38 =	vadd.bf16 v40, v38;
	v56 =	vadd.bf16 v49, v52  }
0x2ad: {  	v37 =	vadd.bf16 v41, v37;
	v39 =	vadd.bf16 v50, v54  }
0x2ae: {  	v40 =	vadd.bf16 v51, v56  }
0x2af: {  	v57 =	vunpack.i.u.bf16.f32 v38;
	v58 =	vunpack.i.l.bf16.f32 v37;
	v39 =	vadd.bf16 v53, v39  }
0x2b0: {  	v38 =	vunpack.i.l.bf16.f32 v38;
	v36 =	vadd.f32 v58, v36;
	v40 =	vadd.bf16 v55, v40  }
0x2b1: {  	v37 =	vunpack.i.u.bf16.f32 v37;
	v34 =	vadd.f32 v38, v34;
	v59 =	vunpack.i.l.bf16.f32 v39  }
0x2b2: {  	s25 =	sshll.u32 s25, $0x7;
	v35 =	vadd.f32 v37, v35;
	v60 =	vunpack.i.l.bf16.f32 v40;
	v36 =	vadd.f32 v59, v36  }
0x2b3: {  	s25 =	sand.u32 $0x3FFFFF80, s25;
	v33 =	vadd.f32 v57, v33;
	v61 =	vunpack.i.u.bf16.f32 v39;
	v34 =	vadd.f32 v60, v34  }
0x2b4: {  	v62 =	vunpack.i.u.bf16.f32 v40;
	v35 =	vadd.f32 v61, v35;
	[tilespmem:s25+$0xFE00] =	vst v36  }
0x2b5: {  	v33 =	vadd.f32 v62, v33;
	[tilespmem:s25+$0xFE10] =	vst v34  }
0x2b6: {  	[tilespmem:s25+$0xFE20] =	vst v35  }
0x2b7: {  	s29 =	simm.s32 $0x0;
	[tilespmem:s25+$0xFE30] =	vst v33  }
0x2b8: {  	v33 =	vld [tilespmem:s29+$0xF7D0]  }
0x2b9: {  	v34 =	vld [tilespmem:s29+$0xF7C0]  }
0x2ba: {  	v35 =	vld [tilespmem:s29+$0xF7F0]  }
0x2bb: {  	v36 =	vld [tilespmem:s29+$0xF7E0]  }
0x2bc: {  	v63 =	vld [tilespmem:s29+$0xF810]  }
0x2bd: {  	v37 =	vld [tilespmem:s29+$0xF800];
	v33 =	vadd.bf16 v32, v33  }
0x2be: {  	v38 =	vld [tilespmem:s29+$0xF830];
	v34 =	vadd.bf16 v32, v34  }
0x2bf: {  	v39 =	vld [tilespmem:s29+$0xF820];
	v35 =	vadd.bf16 v35, v33  }
0x2c0: {  	v40 =	vld [tilespmem:s29+$0xF850];
	v33 =	vimm.f32 $0.0e+00;
	v42 =	vadd.bf16 v36, v34;
	v34 =	vimm.f32 $0.0e+00  }
0x2c1: {  	s26 =	simm.s32 $0xA0;
	s28 =	simm.s32 $0x500;
	v41 =	vld [tilespmem:s29+$0xF840];
	v36 =	vimm.f32 $0.0e+00;
	v43 =	vadd.bf16 v63, v35;
	v35 =	vimm.f32 $0.0e+00  }
.LBB2_23:
0x2c2: {  	p0 =	sne.s32 s28, $0x1680;
	v44 =	vld [tilespmem:s26+$0xF7D0];
	v37 =	vadd.bf16 v37, v42  }
0x2c3: {  	v42 =	vld [tilespmem:s26+$0xF7C0];
	v38 =	vadd.bf16 v38, v43  }
0x2c4: {  	v43 =	vld [tilespmem:s26+$0xF7F0];
	v37 =	vadd.bf16 v39, v37  }
0x2c5: {  	v45 =	vld [tilespmem:s26+$0xF7E0];
	v38 =	vadd.bf16 v40, v38  }
0x2c6: {  	v46 =	vld [tilespmem:s26+$0xF810];
	v40 =	vadd.bf16 v41, v37  }
.Ltmp10:
0x2c7: {  	v39 =	vadd.bf16 v32, v44;
	v37 =	vld [tilespmem:s26+$0xF800];
	v41 =	vunpack.i.u.bf16.f32 v38;
	v44 =	vunpack.i.l.bf16.f32 v38;
	(pc) =	sbr.rel @p0 .LBB2_23-.Ltmp10, $4  }
0x2c8: {  	v42 =	vadd.bf16 v32, v42;
	v38 =	vld [tilespmem:s26+$0xF830];
	v47 =	vunpack.i.u.bf16.f32 v40;
	v33 =	vadd.f32 v41, v33  }
0x2c9: {  	v34 =	vadd.f32 v44, v34;
	v41 =	vadd.bf16 v43, v39;
	v39 =	vld [tilespmem:s26+$0xF820];
	v43 =	vunpack.i.l.bf16.f32 v40  }
0x2ca: {  	v42 =	vadd.bf16 v45, v42;
	v40 =	vld [tilespmem:s26+$0xF850];
	v36 =	vadd.f32 v43, v36  }
0x2cb: {  	v35 =	vadd.f32 v47, v35;
	v43 =	vadd.bf16 v46, v41;
	v41 =	vld [tilespmem:s26+$0xF840];
	s26 =	sshra.s32 s28, $0x2;
	s28 =	sadd.s32 $0x280, s28  }
0x2cc: {  	v44 =	vld [tilespmem:s26+$0xF7C0]  }
0x2cd: {  	v45 =	vld [tilespmem:s26+$0xF7D0]  }
0x2ce: {  	v46 =	vld [tilespmem:s26+$0xF7E0]  }
0x2cf: {  	v47 =	vld [tilespmem:s26+$0xF7F0]  }
0x2d0: {  	v48 =	vld [tilespmem:s26+$0xF800]  }
0x2d1: {  	v49 =	vld [tilespmem:s26+$0xF810];
	v44 =	vadd.bf16 v32, v44  }
0x2d2: {  	v50 =	vld [tilespmem:s26+$0xF820];
	v45 =	vadd.bf16 v32, v45  }
0x2d3: {  	v37 =	vadd.bf16 v37, v42;
	v52 =	vld [tilespmem:s26+$0xF830];
	v51 =	vadd.bf16 v46, v44  }
0x2d4: {  	v54 =	vld [tilespmem:s26+$0xF840];
	v38 =	vadd.bf16 v38, v43;
	v53 =	vadd.bf16 v47, v45  }
0x2d5: {  	v56 =	vld [tilespmem:s26+$0xF850];
	v37 =	vadd.bf16 v39, v37;
	v55 =	vadd.bf16 v48, v51  }
0x2d6: {  	v38 =	vadd.bf16 v40, v38;
	v57 =	vadd.bf16 v49, v53  }
0x2d7: {  	v37 =	vadd.bf16 v41, v37;
	v39 =	vadd.bf16 v50, v55  }
0x2d8: {  	v40 =	vadd.bf16 v52, v57  }
0x2d9: {  	v58 =	vunpack.i.u.bf16.f32 v38;
	v59 =	vunpack.i.l.bf16.f32 v37;
	v39 =	vadd.bf16 v54, v39  }
0x2da: {  	v38 =	vunpack.i.l.bf16.f32 v38;
	v36 =	vadd.f32 v59, v36;
	v40 =	vadd.bf16 v56, v40  }
0x2db: {  	s24 =	sadd.s32 $0x1, s24;
	v37 =	vunpack.i.u.bf16.f32 v37;
	v34 =	vadd.f32 v38, v34;
	v60 =	vunpack.i.l.bf16.f32 v39  }
0x2dc: {  	p0 =	sne.s32 s24, $0x40;
	v35 =	vadd.f32 v37, v35;
	v61 =	vunpack.i.l.bf16.f32 v40;
	v36 =	vadd.f32 v60, v36  }
.Ltmp11:
0x2dd: {  	v33 =	vadd.f32 v58, v33;
	v62 =	vunpack.i.u.bf16.f32 v39;
	v34 =	vadd.f32 v61, v34;
	(pc) =	sbr.rel @p0 .LBB2_2-.Ltmp11, $4  }
0x2de: {  	v63 =	vunpack.i.u.bf16.f32 v40;
	v35 =	vadd.f32 v62, v35;
	[tilespmem:s25+$0xFE40] =	vst v36  }
0x2df: {  	v33 =	vadd.f32 v63, v33;
	[tilespmem:s25+$0xFE50] =	vst v34  }
0x2e0: {  	[tilespmem:s25+$0xFE60] =	vst v35  }
0x2e1: {  	[tilespmem:s25+$0xFE70] =	vst v33  }
0x2e2: {  	s23 =	sadd.s32 $0x1, s23  }
0x2e3: {  	p0 =	sne.s32 s23, s6  }
.Ltmp12:
0x2e4: {  	_ = 	snop;
	(pc) =	sbr.rel @p0 .LBB2_1-.Ltmp12, $4  }
0x2e5: {  	[hbm4b:s5+s2] =	stream.linear.scatter [tilespmem:s22], [sflag:$0x5], $0x8000, $0x38;
	[tilespmem:$0x17E00] =	vst v63  }
0x2e6: {  	_ =	swait.ge [sflag:s9], $0x8000  }
0x2e7: {  	[sflag:s9] =	ssyncset.done $0x0  }
0x2e8: {  	[sflag:s9] =	ssyncadd.s32 $0xFFFF8000  }
0x2e9: {  	_ =	sfence.sel $0x180000  }
0x2ea: {  	[bflag:$0x0] =	sbarrier.arrive $0xFFFF  }
0x2eb: {  	p0 =	sne.s32 s1, $0x0;
	_ =	strace $0x90000047  }
0x2ec: {  	s0 =	sadd.s32 @!p0 $0x100000, s0;
	[bflag:$0x2] =	sbarrier.arrive $0xFFFF  }
0x2ed: {  	[sflag:s0] =	ssyncadd.tile.s32 @!p0 $0x1;
	_ =	shalt  }
.Lfunc_end2:
_tile_overlayer_lowered:
.L_overlay_start_2:
0x2ee: {  	(tag) =	ssettag $0x2  }
0x2ef: {  	s0 =	rddreg [dreg:$0x0];
	s2 =	stileid.u32  }
0x2f0: {  	s1 =	rddreg [dreg:$0x1];
	p0 =	sne.s32 s2, $0x0  }
0x2f1: {  	s3 =	rddreg [dreg:$0x2];
	[bflag:$0x3] =	sbarrier.arrive $0xFFFF;
	s2 =	simm.s32 @!p0 $0x1C05  }
0x2f2: {  	[timem:s3], [sflag:s2] =	dma.local @!p0 [hbm:s0], s1  }
0x2f3: {  	s0 =	simm.s32 @!p0 $0x5  }
0x2f4: {  	_ =	swait.ge @!p0 [sflag:s0], s1  }
0x2f5: {  	s1 =	ssub.s32 @!p0 $0x0, s1;
	[sflag:s0] =	ssyncset.done @!p0 $0x0  }
0x2f6: {  	[sflag:s0] =	ssyncadd.s32 @!p0 s1  }
0x2f7: {  	[bflag:$0x3] =	sbarrier.arrive $0xFFFF  }
0x2f8: {  	_ =	shalt  }

</sc_bundles>
